<compile_context>
chip_gen: v7x
topology: tpu7x:2x2x1
jax: 0.10.2.dev20260603
libtpu: 0.0.44.dev20260713+nightly
codegen_flags: <defaults>
</compile_context>

<pallas_src>
import functools

import jax
import jax.numpy as jnp
from jax import lax
from jax.experimental import pallas as pl
from jax.experimental.pallas import tpu as pltpu
from jax.experimental.pallas import tpu_sc as plsc

N_FIELDS = 26
VOCAB = 100000
DIM = 32
B = 1024
T = 50

BLK_B = 128
NBLK_B = B // BLK_B
NW = 32
BLK_W = DIM * BLK_B
N_GROUPS = 1
F_G = N_FIELDS // N_GROUPS

_mesh = plsc.VectorSubcoreMesh(core_axis_name="c", subcore_axis_name="s")


def _make_gather(n_fields):
    n_blocks = n_fields * T * NBLK_B
    per_w = (n_blocks + NW - 1) // NW
    n_pair = (per_w + 2) // 2

    @functools.partial(
        pl.kernel,
        mesh=_mesh,
        out_type=jax.ShapeDtypeStruct((n_fields * T * DIM * B,), jnp.float32),
        scratch_types=[
            pltpu.VMEM((BLK_B,), jnp.int32),
            pltpu.VMEM((BLK_B,), jnp.int32),
            pltpu.VMEM((BLK_B, DIM), jnp.float32),
            pltpu.VMEM((BLK_B, DIM), jnp.float32),
            pltpu.VMEM((BLK_W,), jnp.float32),
            pltpu.VMEM((BLK_W,), jnp.float32),
            pltpu.SemaphoreType.DMA,
            pltpu.SemaphoreType.DMA,
            pltpu.SemaphoreType.DMA,
            pltpu.SemaphoreType.DMA,
            pltpu.SemaphoreType.DMA,
            pltpu.SemaphoreType.DMA,
        ],
        compiler_params=pltpu.CompilerParams(
            use_tc_tiling_on_sc=False, needs_layout_passes=False
        ),
    )
    def sc_gather(
        idx_hbm, tab_hbm, out_hbm,
        idx_a, idx_b, gath_a, gath_b, tr_a, tr_b,
        isem_a, isem_b, gsem_a, gsem_b, osem_a, osem_b,
    ):
        cid = lax.axis_index("c")
        sid = lax.axis_index("s")
        wid = sid * 2 + cid
        base = wid * per_w
        last = jnp.minimum(base + per_w - 1, n_blocks - 1)
        base = jnp.minimum(base, last)

        idx_v = [idx_a, idx_b]
        gath_v = [gath_a, gath_b]
        tr_v = [tr_a, tr_b]
        isem = [isem_a, isem_b]
        gsem = [gsem_a, gsem_b]
        osem = [osem_a, osem_b]

        scat = [lax.iota(jnp.int32, 16) * BLK_B + h * 16 * BLK_B
                for h in range(2)]

        def do_slot(m, s, j):
            u = jnp.minimum(base + s, last)
            un = jnp.minimum(base + s + 1, last)
            up = jnp.minimum(base + s + 2, last)
            pltpu.make_async_copy(idx_hbm.at[pl.ds(0, BLK_B)], idx_v[j ^ 1],
                                  isem[j ^ 1]).wait()
            fn = un // (T * NBLK_B)
            pltpu.async_copy(tab_hbm.at[fn].at[idx_v[j ^ 1]], gath_v[j ^ 1],
                             gsem[j ^ 1])
            pltpu.make_async_copy(tab_hbm.at[0].at[pl.ds(0, BLK_B), :],
                                  gath_v[j], gsem[j]).wait()
            pltpu.async_copy(idx_hbm.at[pl.ds(up * BLK_B, BLK_B)], idx_v[j],
                             isem[j])
            @pl.when(m > 0)
            def _():
                pltpu.make_async_copy(out_hbm.at[pl.ds(0, BLK_W)], tr_v[j],
                                      osem[j]).wait()
            prev = None
            for row in range(BLK_B):
                cur = [gath_v[j][row, pl.ds(h * 16, 16)] for h in range(2)]
                if prev is not None:
                    for h in range(2):
                        plsc.store_scatter(tr_v[j], [scat[h] + (row - 1)],
                                           prev[h])
                prev = cur
            for h in range(2):
                plsc.store_scatter(tr_v[j], [scat[h] + (BLK_B - 1)], prev[h])
            ft = u // NBLK_B
            bc = u % NBLK_B
            out_base = ft * (DIM * B) + bc * (8 * BLK_B)
            for dt in range(4):
                pltpu.async_copy(
                    tr_v[j].at[pl.ds(dt * 8 * BLK_B, 8 * BLK_B)],
                    out_hbm.at[pl.ds(out_base + dt * (8 * B), 8 * BLK_B)],
                    osem[j],
                )

        def pair_body(m, carry):
            do_slot(m, 2 * m, 0)
            do_slot(m, 2 * m + 1, 1)
            return carry

        pltpu.sync_copy(idx_hbm.at[pl.ds(base * BLK_B, BLK_B)], idx_v[0])
        f0 = base // (T * NBLK_B)
        pltpu.async_copy(tab_hbm.at[f0].at[idx_v[0]], gath_v[0], gsem[0])
        pltpu.async_copy(idx_hbm.at[pl.ds(jnp.minimum(base + 1, last) * BLK_B,
                                          BLK_B)], idx_v[1], isem[1])
        lax.fori_loop(0, n_pair, pair_body, 0)
        pltpu.make_async_copy(tab_hbm.at[0].at[pl.ds(0, BLK_B), :], gath_v[0],
                              gsem[0]).wait()
        pltpu.make_async_copy(idx_hbm.at[pl.ds(0, BLK_B)], idx_v[1],
                              isem[1]).wait()
        pltpu.make_async_copy(out_hbm.at[pl.ds(0, BLK_W)], tr_v[0],
                              osem[0]).wait()
        pltpu.make_async_copy(out_hbm.at[pl.ds(0, BLK_W)], tr_v[1],
                              osem[1]).wait()

    return sc_gather


_gather_g = _make_gather(F_G)


def kernel(x, tables):
    flat_idx = x.transpose(2, 1, 0).reshape(N_FIELDS * T * B)
    tabw = jax.lax.optimization_barrier(
        tables.reshape(N_FIELDS * VOCAB * DIM // 128, 128)
    )
    out = _gather_g(flat_idx, tabw.reshape(N_FIELDS, VOCAB, DIM))
    out = out.reshape(N_FIELDS, T, DIM // 8, B // BLK_B, 8, BLK_B)
    out = out.transpose(0, 3, 5, 1, 2, 4).reshape(N_FIELDS, B, T, DIM)
    return out

# --- scband reference (transcript-rebuilt; emitter-appended) ---
"""Pipeline reference for scband-multi-embedding-70377334112879 (READ-ONLY COPY).

The authoritative reference and input builder live on the scoring server;
editing this copy changes nothing except your own understanding.
"""

import jax, jax.numpy as jnp
import numpy as np

N_FIELDS = 26
VOCAB = 100000
DIM = 32
B = 1024
T = 50


def setup_inputs(seed: int = 0) -> dict:
    key = jax.random.key(seed)
    k_idx, k_tab = jax.random.split(key)
    # categorical indices: batch x time x categoricals (int indices < VOCAB)
    x = jax.random.randint(k_idx, (B, T, N_FIELDS), 0, VOCAB, dtype=jnp.int32)
    # stacked embedding tables, one per categorical variable (nn.Embedding weights)
    tables = jax.random.normal(k_tab, (N_FIELDS, VOCAB, DIM), dtype=jnp.float32) * 0.02
    return {"x": x, "tables": tables}


def reference(x, tables):
    # Faithful translation of _MultiEmbedding.forward:
    #   {name: self.embeddings[name](x[..., i]) for i, name in enumerate(variable_names)}
    # Each per-variable embedding is a gather: tables[i][x[..., i]].
    # Returned as a stacked array [N_FIELDS, B, T, DIM] (ordered per variable_names).
    outs = [jnp.take(tables[i], x[..., i], axis=0) for i in range(N_FIELDS)]
    return jnp.stack(outs, axis=0)

if __name__ == "__main__":
    import jax
    _d = setup_inputs()
    print(jax.jit(kernel)(*tuple(_d.values())))

</pallas_src>

<mosaic_0001>
#map = affine_map<(d0, d1) -> (0)>
#map1 = affine_map<(d0, d1) -> (0, 0, 0)>
module attributes {stable_mosaic.version = 14 : i64} {
  func.func @sc_gather(%arg0: i32, %arg1: i32, %arg2: memref<1331200xi32, #tpu.memory_space<hbm>>, %arg3: memref<26x100000x32xf32, #tpu.memory_space<hbm>>, %arg4: memref<42598400xf32, #tpu.memory_space<hbm>>, %arg5: memref<128xi32, #tpu.memory_space<vmem>>, %arg6: memref<128xi32, #tpu.memory_space<vmem>>, %arg7: memref<128x32xf32, #tpu.memory_space<vmem>>, %arg8: memref<128x32xf32, #tpu.memory_space<vmem>>, %arg9: memref<4096xf32, #tpu.memory_space<vmem>>, %arg10: memref<4096xf32, #tpu.memory_space<vmem>>, %arg11: memref<!tpu.dma_semaphore, #tpu.memory_space<semaphore_mem>>, %arg12: memref<!tpu.dma_semaphore, #tpu.memory_space<semaphore_mem>>, %arg13: memref<!tpu.dma_semaphore, #tpu.memory_space<semaphore_mem>>, %arg14: memref<!tpu.dma_semaphore, #tpu.memory_space<semaphore_mem>>, %arg15: memref<!tpu.dma_semaphore, #tpu.memory_space<semaphore_mem>>, %arg16: memref<!tpu.dma_semaphore, #tpu.memory_space<semaphore_mem>>) attributes {dimension_semantics = [#tpu.dimension_semantics<core_parallel>, #tpu.dimension_semantics<subcore_parallel>], iteration_bounds = array<i64: 2, 16>, scalar_prefetch = 0 : i64, scratch_operands = 12 : i64, tpu.core_type = #tpu.core_type<sc_vector_subcore>, window_params = [{transform_indices = #map}, {transform_indices = #map1}, {transform_indices = #map}]} {
    %mul3A = arith.constant 2 : i32
    %mul3A_0 = arith.muli %arg1, %mul3A : i32
    %add3A = arith.addi %mul3A_0, %arg0 : i32
    %mul3A_1 = arith.constant 325 : i32
    %mul3A_2 = arith.muli %add3A, %mul3A_1 : i32
    %add3A_3 = arith.constant 325 : i32
    %add3A_4 = arith.addi %mul3A_2, %add3A_3 : i32
    %sub3A = arith.constant 1 : i32
    %sub3A_5 = arith.subi %add3A_4, %sub3A : i32
    %min3A = arith.constant 10399 : i32
    %min3A_6 = arith.minsi %sub3A_5, %min3A : i32
    %min3A_7 = arith.minsi %mul3A_2, %min3A_6 : i32
    %iota3A = tpu.iota {dimensions = array<i32: 0>} : vector<16xi32>
    %mul3A_8 = arith.constant 128 : i32
    %mul3A_9 = vector.broadcast %mul3A_8 : i32 to vector<16xi32>
    %mul3A_10 = arith.muli %iota3A, %mul3A_9 : vector<16xi32>
    %add3A_11 = arith.constant 0 : i32
    %add3A_12 = vector.broadcast %add3A_11 : i32 to vector<16xi32>
    %add3A_13 = arith.addi %mul3A_10, %add3A_12 : vector<16xi32>
    %iota3A_14 = tpu.iota {dimensions = array<i32: 0>} : vector<16xi32>
    %mul3A_15 = arith.constant 128 : i32
    %mul3A_16 = vector.broadcast %mul3A_15 : i32 to vector<16xi32>
    %mul3A_17 = arith.muli %iota3A_14, %mul3A_16 : vector<16xi32>
    %add3A_18 = arith.constant 2048 : i32
    %add3A_19 = vector.broadcast %add3A_18 : i32 to vector<16xi32>
    %add3A_20 = arith.addi %mul3A_17, %add3A_19 : vector<16xi32>
    %mul3A_21 = arith.constant 128 : i32
    %mul3A_22 = arith.muli %min3A_7, %mul3A_21 : i32
    "tpu.region"() ({
      %run_scoped3A = tpu.sem_alloc : memref<!tpu.dma_semaphore, #tpu.memory_space<semaphore_mem>>
      %dma_start3A_84 = tpu.memref_slice %arg2[%mul3A_22] : memref<1331200xi32, #tpu.memory_space<hbm>> -> memref<128xi32, #tpu.memory_space<hbm>>
      %dma_start3A_85 = tpu.memref_slice %arg2[%mul3A_22] : memref<1331200xi32, #tpu.memory_space<hbm>> -> memref<128xi32, #tpu.memory_space<hbm>>
      tpu.enqueue_dma source(%dma_start3A_85 : memref<128xi32, #tpu.memory_space<hbm>>) target(%arg5 : memref<128xi32, #tpu.memory_space<vmem>>) target_semaphore(%run_scoped3A : memref<!tpu.dma_semaphore, #tpu.memory_space<semaphore_mem>>)
      %dma_wait3A_86 = tpu.memref_slice %arg2[%mul3A_22] : memref<1331200xi32, #tpu.memory_space<hbm>> -> memref<128xi32, #tpu.memory_space<hbm>>
      %dma_wait3A_87 = tpu.memref_slice %arg2[%mul3A_22] : memref<1331200xi32, #tpu.memory_space<hbm>> -> memref<128xi32, #tpu.memory_space<hbm>>
      tpu.wait_dma2 semaphore(%run_scoped3A : memref<!tpu.dma_semaphore, #tpu.memory_space<semaphore_mem>>) src(%dma_wait3A_87 : memref<128xi32, #tpu.memory_space<hbm>>) dst(%arg5 : memref<128xi32, #tpu.memory_space<vmem>>)
      tpu.yield
    }) : () -> ()
    %jit3A = arith.constant 400 : i32
    %div3A = arith.divsi %min3A_7, %jit3A : i32
    %sign3A = arith.constant 0 : i32
    %sign3A_23 = arith.cmpi sgt, %min3A_7, %sign3A : i32
    %sign3A_24 = arith.extui %sign3A_23 : i1 to i32
    %sign3A_25 = arith.constant 0 : i32
    %sign3A_26 = arith.cmpi slt, %min3A_7, %sign3A_25 : i32
    %sign3A_27 = arith.extui %sign3A_26 : i1 to i32
    %sign3A_28 = arith.subi %sign3A_24, %sign3A_27 : i32
    %sign3A_29 = arith.constant 0 : i32
    %sign3A_30 = arith.cmpi sgt, %jit3A, %sign3A_29 : i32
    %sign3A_31 = arith.extui %sign3A_30 : i1 to i32
    %sign3A_32 = arith.constant 0 : i32
    %sign3A_33 = arith.cmpi slt, %jit3A, %sign3A_32 : i32
    %sign3A_34 = arith.extui %sign3A_33 : i1 to i32
    %sign3A_35 = arith.subi %sign3A_31, %sign3A_34 : i32
    %ne3A = arith.cmpi ne, %sign3A_28, %sign3A_35 : i32
    %rem3A = arith.remsi %min3A_7, %jit3A : i32
    %ne3A_36 = arith.constant 0 : i32
    %ne3A_37 = arith.cmpi ne, %rem3A, %ne3A_36 : i32
    %and3A = arith.andi %ne3A, %ne3A_37 : i1
    %sub3A_38 = arith.constant 1 : i32
    %sub3A_39 = arith.subi %div3A, %sub3A_38 : i32
    %select_n3A = arith.select %and3A, %sub3A_39, %div3A : i32
    %dma_start3A = arith.constant 0 : i32
    %dma_start3A_40 = arith.constant 0 : i32
    %dma_start3A_41 = tpu.memref_slice %arg3[%select_n3A, %dma_start3A, %dma_start3A_40] : memref<26x100000x32xf32, #tpu.memory_space<hbm>> -> memref<1x100000x32xf32, #tpu.memory_space<hbm>>
    %dma_start3A_42 = tpu.memref_squeeze %dma_start3A_41 : memref<1x100000x32xf32, #tpu.memory_space<hbm>> -> memref<100000x32xf32, #tpu.memory_space<hbm>>
    %dma_start3A_43 = arith.constant 0 : i32
    %dma_start3A_44 = arith.constant 0 : i32
    %dma_start3A_45 = tpu.memref_slice %dma_start3A_42[%dma_start3A_43, %dma_start3A_44] : memref<100000x32xf32, #tpu.memory_space<hbm>> -> memref<100000x32xf32, #tpu.memory_space<hbm>>
    tpu.enqueue_indirect_dma source(%dma_start3A_45 : memref<100000x32xf32, #tpu.memory_space<hbm>>) target(%arg7 : memref<128x32xf32, #tpu.memory_space<vmem>>) offsets(%arg5 : memref<128xi32, #tpu.memory_space<vmem>>) semaphore(%arg13 : memref<!tpu.dma_semaphore, #tpu.memory_space<semaphore_mem>>)
    %add3A_46 = arith.constant 1 : i32
    %add3A_47 = arith.addi %min3A_7, %add3A_46 : i32
    %min3A_48 = arith.minsi %add3A_47, %min3A_6 : i32
    %mul3A_49 = arith.constant 128 : i32
    %mul3A_50 = arith.muli %min3A_48, %mul3A_49 : i32
    %dma_start3A_51 = tpu.memref_slice %arg2[%mul3A_50] : memref<1331200xi32, #tpu.memory_space<hbm>> -> memref<128xi32, #tpu.memory_space<hbm>>
    %dma_start3A_52 = tpu.memref_slice %arg2[%mul3A_50] : memref<1331200xi32, #tpu.memory_space<hbm>> -> memref<128xi32, #tpu.memory_space<hbm>>
    tpu.enqueue_dma source(%dma_start3A_52 : memref<128xi32, #tpu.memory_space<hbm>>) target(%arg6 : memref<128xi32, #tpu.memory_space<vmem>>) target_semaphore(%arg12 : memref<!tpu.dma_semaphore, #tpu.memory_space<semaphore_mem>>)
    %scan3A = arith.constant 0 : i32
    %scan3A_53 = arith.constant 0 : i32
    %scan3A_54 = arith.constant 163 : i32
    %scan3A_55 = arith.addi %scan3A_53, %scan3A_54 : i32
    %scan3A_56 = arith.constant 1 : i32
    scf.for %scan3A_84 = %scan3A_53 to %scan3A_55 step %scan3A_56  : i32 {
      %mul3A_85 = arith.constant 2 : i32
      %mul3A_86 = arith.muli %mul3A_85, %scan3A_84 : i32
      %add3A_87 = arith.addi %min3A_7, %mul3A_86 : i32
      %min3A_88 = arith.minsi %add3A_87, %min3A_6 : i32
      %add3A_89 = arith.addi %min3A_7, %mul3A_86 : i32
      %add3A_90 = arith.constant 1 : i32
      %add3A_91 = arith.addi %add3A_89, %add3A_90 : i32
      %min3A_92 = arith.minsi %add3A_91, %min3A_6 : i32
      %add3A_93 = arith.addi %min3A_7, %mul3A_86 : i32
      %add3A_94 = arith.constant 2 : i32
      %add3A_95 = arith.addi %add3A_93, %add3A_94 : i32
      %min3A_96 = arith.minsi %add3A_95, %min3A_6 : i32
      %dma_wait3A_97 = arith.constant 0 : i32
      %dma_wait3A_98 = tpu.memref_slice %arg2[%dma_wait3A_97] : memref<1331200xi32, #tpu.memory_space<hbm>> -> memref<128xi32, #tpu.memory_space<hbm>>
      %dma_wait3A_99 = arith.constant 0 : i32
      %dma_wait3A_100 = tpu.memref_slice %arg2[%dma_wait3A_99] : memref<1331200xi32, #tpu.memory_space<hbm>> -> memref<128xi32, #tpu.memory_space<hbm>>
      tpu.wait_dma2 semaphore(%arg12 : memref<!tpu.dma_semaphore, #tpu.memory_space<semaphore_mem>>) src(%dma_wait3A_100 : memref<128xi32, #tpu.memory_space<hbm>>) dst(%arg6 : memref<128xi32, #tpu.memory_space<vmem>>)
      %jit3A_101 = arith.constant 400 : i32
      %div3A_102 = arith.divsi %min3A_92, %jit3A_101 : i32
      %sign3A_103 = arith.constant 0 : i32
      %sign3A_104 = arith.cmpi sgt, %min3A_92, %sign3A_103 : i32
      %sign3A_105 = arith.extui %sign3A_104 : i1 to i32
      %sign3A_106 = arith.constant 0 : i32
      %sign3A_107 = arith.cmpi slt, %min3A_92, %sign3A_106 : i32
      %sign3A_108 = arith.extui %sign3A_107 : i1 to i32
      %sign3A_109 = arith.subi %sign3A_105, %sign3A_108 : i32
      %sign3A_110 = arith.constant 0 : i32
      %sign3A_111 = arith.cmpi sgt, %jit3A_101, %sign3A_110 : i32
      %sign3A_112 = arith.extui %sign3A_111 : i1 to i32
      %sign3A_113 = arith.constant 0 : i32
      %sign3A_114 = arith.cmpi slt, %jit3A_101, %sign3A_113 : i32
      %sign3A_115 = arith.extui %sign3A_114 : i1 to i32
      %sign3A_116 = arith.subi %sign3A_112, %sign3A_115 : i32
      %ne3A_117 = arith.cmpi ne, %sign3A_109, %sign3A_116 : i32
      %rem3A_118 = arith.remsi %min3A_92, %jit3A_101 : i32
      %ne3A_119 = arith.constant 0 : i32
      %ne3A_120 = arith.cmpi ne, %rem3A_118, %ne3A_119 : i32
      %and3A_121 = arith.andi %ne3A_117, %ne3A_120 : i1
      %sub3A_122 = arith.constant 1 : i32
      %sub3A_123 = arith.subi %div3A_102, %sub3A_122 : i32
      %select_n3A_124 = arith.select %and3A_121, %sub3A_123, %div3A_102 : i32
      %dma_start3A_125 = arith.constant 0 : i32
      %dma_start3A_126 = arith.constant 0 : i32
      %dma_start3A_127 = tpu.memref_slice %arg3[%select_n3A_124, %dma_start3A_125, %dma_start3A_126] : memref<26x100000x32xf32, #tpu.memory_space<hbm>> -> memref<1x100000x32xf32, #tpu.memory_space<hbm>>
      %dma_start3A_128 = tpu.memref_squeeze %dma_start3A_127 : memref<1x100000x32xf32, #tpu.memory_space<hbm>> -> memref<100000x32xf32, #tpu.memory_space<hbm>>
      %dma_start3A_129 = arith.constant 0 : i32
      %dma_start3A_130 = arith.constant 0 : i32
      %dma_start3A_131 = tpu.memref_slice %dma_start3A_128[%dma_start3A_129, %dma_start3A_130] : memref<100000x32xf32, #tpu.memory_space<hbm>> -> memref<100000x32xf32, #tpu.memory_space<hbm>>
      tpu.enqueue_indirect_dma source(%dma_start3A_131 : memref<100000x32xf32, #tpu.memory_space<hbm>>) target(%arg8 : memref<128x32xf32, #tpu.memory_space<vmem>>) offsets(%arg6 : memref<128xi32, #tpu.memory_space<vmem>>) semaphore(%arg14 : memref<!tpu.dma_semaphore, #tpu.memory_space<semaphore_mem>>)
      %dma_wait3A_132 = arith.constant 0 : i32
      %dma_wait3A_133 = arith.constant 0 : i32
      %dma_wait3A_134 = arith.constant 0 : i32
      %dma_wait3A_135 = tpu.memref_slice %arg3[%dma_wait3A_132, %dma_wait3A_133, %dma_wait3A_134] : memref<26x100000x32xf32, #tpu.memory_space<hbm>> -> memref<1x100000x32xf32, #tpu.memory_space<hbm>>
      %dma_wait3A_136 = tpu.memref_squeeze %dma_wait3A_135 : memref<1x100000x32xf32, #tpu.memory_space<hbm>> -> memref<100000x32xf32, #tpu.memory_space<hbm>>
      %dma_wait3A_137 = arith.constant 0 : i32
      %dma_wait3A_138 = arith.constant 0 : i32
      %dma_wait3A_139 = tpu.memref_slice %dma_wait3A_136[%dma_wait3A_137, %dma_wait3A_138] : memref<100000x32xf32, #tpu.memory_space<hbm>> -> memref<128x32xf32, #tpu.memory_space<hbm>>
      %dma_wait3A_140 = arith.constant 0 : i32
      %dma_wait3A_141 = arith.constant 0 : i32
      %dma_wait3A_142 = tpu.memref_slice %arg3[%dma_wait3A_132, %dma_wait3A_140, %dma_wait3A_141] : memref<26x100000x32xf32, #tpu.memory_space<hbm>> -> memref<1x100000x32xf32, #tpu.memory_space<hbm>>
      %dma_wait3A_143 = tpu.memref_squeeze %dma_wait3A_142 : memref<1x100000x32xf32, #tpu.memory_space<hbm>> -> memref<100000x32xf32, #tpu.memory_space<hbm>>
      %dma_wait3A_144 = arith.constant 0 : i32
      %dma_wait3A_145 = arith.constant 0 : i32
      %dma_wait3A_146 = tpu.memref_slice %dma_wait3A_143[%dma_wait3A_144, %dma_wait3A_145] : memref<100000x32xf32, #tpu.memory_space<hbm>> -> memref<128x32xf32, #tpu.memory_space<hbm>>
      tpu.wait_dma2 semaphore(%arg13 : memref<!tpu.dma_semaphore, #tpu.memory_space<semaphore_mem>>) src(%dma_wait3A_146 : memref<128x32xf32, #tpu.memory_space<hbm>>) dst(%arg7 : memref<128x32xf32, #tpu.memory_space<vmem>>)
      %mul3A_147 = arith.constant 128 : i32
      %mul3A_148 = arith.muli %min3A_96, %mul3A_147 : i32
      %dma_start3A_149 = tpu.memref_slice %arg2[%mul3A_148] : memref<1331200xi32, #tpu.memory_space<hbm>> -> memref<128xi32, #tpu.memory_space<hbm>>
      %dma_start3A_150 = tpu.memref_slice %arg2[%mul3A_148] : memref<1331200xi32, #tpu.memory_space<hbm>> -> memref<128xi32, #tpu.memory_space<hbm>>
      tpu.enqueue_dma source(%dma_start3A_150 : memref<128xi32, #tpu.memory_space<hbm>>) target(%arg5 : memref<128xi32, #tpu.memory_space<vmem>>) target_semaphore(%arg11 : memref<!tpu.dma_semaphore, #tpu.memory_space<semaphore_mem>>)
      %gt3A = arith.constant 0 : i32
      %gt3A_151 = arith.cmpi sgt, %scan3A_84, %gt3A : i32
      %convert_element_type3A = arith.extui %gt3A_151 : i1 to i32
      %cond3A = arith.constant 0 : i32
      %cond3A_152 = arith.cmpi ne, %convert_element_type3A, %cond3A : i32
      scf.if %cond3A_152 {
        %dma_wait3A_3961 = arith.constant 0 : i32
        %dma_wait3A_3962 = tpu.memref_slice %arg4[%dma_wait3A_3961] : memref<42598400xf32, #tpu.memory_space<hbm>> -> memref<4096xf32, #tpu.memory_space<hbm>>
        %dma_wait3A_3963 = arith.constant 0 : i32
        %dma_wait3A_3964 = tpu.memref_slice %arg4[%dma_wait3A_3963] : memref<42598400xf32, #tpu.memory_space<hbm>> -> memref<4096xf32, #tpu.memory_space<hbm>>
        tpu.wait_dma2 semaphore(%arg15 : memref<!tpu.dma_semaphore, #tpu.memory_space<semaphore_mem>>) src(%dma_wait3A_3964 : memref<4096xf32, #tpu.memory_space<hbm>>) dst(%arg9 : memref<4096xf32, #tpu.memory_space<vmem>>)
      } else {
      }
      %get3A = arith.constant 0 : i32
      %get3A_153 = arith.index_cast %get3A : i32 to index
      %get3A_154 = arith.constant 0 : index
      %get3A_155 = tpu.vector_load %arg7[%get3A_153, %get3A_154] {strides = array<i32>} : memref<128x32xf32, #tpu.memory_space<vmem>>, vector<16xf32>,
      %get3A_156 = arith.constant 0 : i32
      %get3A_157 = arith.index_cast %get3A_156 : i32 to index
      %get3A_158 = arith.constant 16 : index
      %get3A_159 = tpu.vector_load %arg7[%get3A_157, %get3A_158] {strides = array<i32>} : memref<128x32xf32, #tpu.memory_space<vmem>>, vector<16xf32>,
      %get3A_160 = arith.constant 1 : i32
      %get3A_161 = arith.index_cast %get3A_160 : i32 to index
      %get3A_162 = arith.constant 0 : index
      %get3A_163 = tpu.vector_load %arg7[%get3A_161, %get3A_162] {strides = array<i32>} : memref<128x32xf32, #tpu.memory_space<vmem>>, vector<16xf32>,
      %get3A_164 = arith.constant 1 : i32
      %get3A_165 = arith.index_cast %get3A_164 : i32 to index
      %get3A_166 = arith.constant 16 : index
      %get3A_167 = tpu.vector_load %arg7[%get3A_165, %get3A_166] {strides = array<i32>} : memref<128x32xf32, #tpu.memory_space<vmem>>, vector<16xf32>,
      %add3A_168 = arith.constant 0 : i32
      %add3A_169 = vector.broadcast %add3A_168 : i32 to vector<16xi32>
      %add3A_170 = arith.addi %add3A_13, %add3A_169 : vector<16xi32>
      tpu.vector_store_idx %arg9[%add3A_170], %get3A_155 : memref<4096xf32, #tpu.memory_space<vmem>>[vector<16xi32>], vector<16xf32>,
      %add3A_171 = arith.constant 0 : i32
      %add3A_172 = vector.broadcast %add3A_171 : i32 to vector<16xi32>
      %add3A_173 = arith.addi %add3A_20, %add3A_172 : vector<16xi32>
      tpu.vector_store_idx %arg9[%add3A_173], %get3A_159 : memref<4096xf32, #tpu.memory_space<vmem>>[vector<16xi32>], vector<16xf32>,
      %get3A_174 = arith.constant 2 : i32
      %get3A_175 = arith.index_cast %get3A_174 : i32 to index
      %get3A_176 = arith.constant 0 : index
      %get3A_177 = tpu.vector_load %arg7[%get3A_175, %get3A_176] {strides = array<i32>} : memref<128x32xf32, #tpu.memory_space<vmem>>, vector<16xf32>,
      %get3A_178 = arith.constant 2 : i32
      %get3A_179 = arith.index_cast %get3A_178 : i32 to index
      %get3A_180 = arith.constant 16 : index
      %get3A_181 = tpu.vector_load %arg7[%get3A_179, %get3A_180] {strides = array<i32>} : memref<128x32xf32, #tpu.memory_space<vmem>>, vector<16xf32>,
      %add3A_182 = arith.constant 1 : i32
      %add3A_183 = vector.broadcast %add3A_182 : i32 to vector<16xi32>
      %add3A_184 = arith.addi %add3A_13, %add3A_183 : vector<16xi32>
      tpu.vector_store_idx %arg9[%add3A_184], %get3A_163 : memref<4096xf32, #tpu.memory_space<vmem>>[vector<16xi32>], vector<16xf32>,
      %add3A_185 = arith.constant 1 : i32
      %add3A_186 = vector.broadcast %add3A_185 : i32 to vector<16xi32>
      %add3A_187 = arith.addi %add3A_20, %add3A_186 : vector<16xi32>
      tpu.vector_store_idx %arg9[%add3A_187], %get3A_167 : memref<4096xf32, #tpu.memory_space<vmem>>[vector<16xi32>], vector<16xf32>,
      %get3A_188 = arith.constant 3 : i32
      %get3A_189 = arith.index_cast %get3A_188 : i32 to index
      %get3A_190 = arith.constant 0 : index
      %get3A_191 = tpu.vector_load %arg7[%get3A_189, %get3A_190] {strides = array<i32>} : memref<128x32xf32, #tpu.memory_space<vmem>>, vector<16xf32>,
      %get3A_192 = arith.constant 3 : i32
      %get3A_193 = arith.index_cast %get3A_192 : i32 to index
      %get3A_194 = arith.constant 16 : index
      %get3A_195 = tpu.vector_load %arg7[%get3A_193, %get3A_194] {strides = array<i32>} : memref<128x32xf32, #tpu.memory_space<vmem>>, vector<16xf32>,
      %add3A_196 = arith.constant 2 : i32
      %add3A_197 = vector.broadcast %add3A_196 : i32 to vector<16xi32>
      %add3A_198 = arith.addi %add3A_13, %add3A_197 : vector<16xi32>
      tpu.vector_store_idx %arg9[%add3A_198], %get3A_177 : memref<4096xf32, #tpu.memory_space<vmem>>[vector<16xi32>], vector<16xf32>,
      %add3A_199 = arith.constant 2 : i32
      %add3A_200 = vector.broadcast %add3A_199 : i32 to vector<16xi32>
      %add3A_201 = arith.addi %add3A_20, %add3A_200 : vector<16xi32>
      tpu.vector_store_idx %arg9[%add3A_201], %get3A_181 : memref<4096xf32, #tpu.memory_space<vmem>>[vector<16xi32>], vector<16xf32>,
      %get3A_202 = arith.constant 4 : i32
      %get3A_203 = arith.index_cast %get3A_202 : i32 to index
      %get3A_204 = arith.constant 0 : index
      %get3A_205 = tpu.vector_load %arg7[%get3A_203, %get3A_204] {strides = array<i32>} : memref<128x32xf32, #tpu.memory_space<vmem>>, vector<16xf32>,
      %get3A_206 = arith.constant 4 : i32
      %get3A_207 = arith.index_cast %get3A_206 : i32 to index
      %get3A_208 = arith.constant 16 : index
      %get3A_209 = tpu.vector_load %arg7[%get3A_207, %get3A_208] {strides = array<i32>} : memref<128x32xf32, #tpu.memory_space<vmem>>, vector<16xf32>,
      %add3A_210 = arith.constant 3 : i32
      %add3A_211 = vector.broadcast %add3A_210 : i32 to vector<16xi32>
      %add3A_212 = arith.addi %add3A_13, %add3A_211 : vector<16xi32>
      tpu.vector_store_idx %arg9[%add3A_212], %get3A_191 : memref<4096xf32, #tpu.memory_space<vmem>>[vector<16xi32>], vector<16xf32>,
      %add3A_213 = arith.constant 3 : i32
      %add3A_214 = vector.broadcast %add3A_213 : i32 to vector<16xi32>
      %add3A_215 = arith.addi %add3A_20, %add3A_214 : vector<16xi32>
      tpu.vector_store_idx %arg9[%add3A_215], %get3A_195 : memref<4096xf32, #tpu.memory_space<vmem>>[vector<16xi32>], vector<16xf32>,
      %get3A_216 = arith.constant 5 : i32
      %get3A_217 = arith.index_cast %get3A_216 : i32 to index
      %get3A_218 = arith.constant 0 : index
      %get3A_219 = tpu.vector_load %arg7[%get3A_217, %get3A_218] {strides = array<i32>} : memref<128x32xf32, #tpu.memory_space<vmem>>, vector<16xf32>,
      %get3A_220 = arith.constant 5 : i32
      %get3A_221 = arith.index_cast %get3A_220 : i32 to index
      %get3A_222 = arith.constant 16 : index
      %get3A_223 = tpu.vector_load %arg7[%get3A_221, %get3A_222] {strides = array<i32>} : memref<128x32xf32, #tpu.memory_space<vmem>>, vector<16xf32>,
      %add3A_224 = arith.constant 4 : i32
      %add3A_225 = vector.broadcast %add3A_224 : i32 to vector<16xi32>
      %add3A_226 = arith.addi %add3A_13, %add3A_225 : vector<16xi32>
      tpu.vector_store_idx %arg9[%add3A_226], %get3A_205 : memref<4096xf32, #tpu.memory_space<vmem>>[vector<16xi32>], vector<16xf32>,
      %add3A_227 = arith.constant 4 : i32
      %add3A_228 = vector.broadcast %add3A_227 : i32 to vector<16xi32>
      %add3A_229 = arith.addi %add3A_20, %add3A_228 : vector<16xi32>
      tpu.vector_store_idx %arg9[%add3A_229], %get3A_209 : memref<4096xf32, #tpu.memory_space<vmem>>[vector<16xi32>], vector<16xf32>,
      %get3A_230 = arith.constant 6 : i32
      %get3A_231 = arith.index_cast %get3A_230 : i32 to index
      %get3A_232 = arith.constant 0 : index
      %get3A_233 = tpu.vector_load %arg7[%get3A_231, %get3A_232] {strides = array<i32>} : memref<128x32xf32, #tpu.memory_space<vmem>>, vector<16xf32>,
      %get3A_234 = arith.constant 6 : i32
      %get3A_235 = arith.index_cast %get3A_234 : i32 to index
      %get3A_236 = arith.constant 16 : index
      %get3A_237 = tpu.vector_load %arg7[%get3A_235, %get3A_236] {strides = array<i32>} : memref<128x32xf32, #tpu.memory_space<vmem>>, vector<16xf32>,
      %add3A_238 = arith.constant 5 : i32
      %add3A_239 = vector.broadcast %add3A_238 : i32 to vector<16xi32>
      %add3A_240 = arith.addi %add3A_13, %add3A_239 : vector<16xi32>
      tpu.vector_store_idx %arg9[%add3A_240], %get3A_219 : memref<4096xf32, #tpu.memory_space<vmem>>[vector<16xi32>], vector<16xf32>,
      %add3A_241 = arith.constant 5 : i32
      %add3A_242 = vector.broadcast %add3A_241 : i32 to vector<16xi32>
      %add3A_243 = arith.addi %add3A_20, %add3A_242 : vector<16xi32>
      tpu.vector_store_idx %arg9[%add3A_243], %get3A_223 : memref<4096xf32, #tpu.memory_space<vmem>>[vector<16xi32>], vector<16xf32>,
      %get3A_244 = arith.constant 7 : i32
      %get3A_245 = arith.index_cast %get3A_244 : i32 to index
      %get3A_246 = arith.constant 0 : index
      %get3A_247 = tpu.vector_load %arg7[%get3A_245, %get3A_246] {strides = array<i32>} : memref<128x32xf32, #tpu.memory_space<vmem>>, vector<16xf32>,
      %get3A_248 = arith.constant 7 : i32
      %get3A_249 = arith.index_cast %get3A_248 : i32 to index
      %get3A_250 = arith.constant 16 : index
      %get3A_251 = tpu.vector_load %arg7[%get3A_249, %get3A_250] {strides = array<i32>} : memref<128x32xf32, #tpu.memory_space<vmem>>, vector<16xf32>,
      %add3A_252 = arith.constant 6 : i32
      %add3A_253 = vector.broadcast %add3A_252 : i32 to vector<16xi32>
      %add3A_254 = arith.addi %add3A_13, %add3A_253 : vector<16xi32>
      tpu.vector_store_idx %arg9[%add3A_254], %get3A_233 : memref<4096xf32, #tpu.memory_space<vmem>>[vector<16xi32>], vector<16xf32>,
      %add3A_255 = arith.constant 6 : i32
      %add3A_256 = vector.broadcast %add3A_255 : i32 to vector<16xi32>
      %add3A_257 = arith.addi %add3A_20, %add3A_256 : vector<16xi32>
      tpu.vector_store_idx %arg9[%add3A_257], %get3A_237 : memref<4096xf32, #tpu.memory_space<vmem>>[vector<16xi32>], vector<16xf32>,
      %get3A_258 = arith.constant 8 : i32
      %get3A_259 = arith.index_cast %get3A_258 : i32 to index
      %get3A_260 = arith.constant 0 : index
      %get3A_261 = tpu.vector_load %arg7[%get3A_259, %get3A_260] {strides = array<i32>} : memref<128x32xf32, #tpu.memory_space<vmem>>, vector<16xf32>,
      %get3A_262 = arith.constant 8 : i32
      %get3A_263 = arith.index_cast %get3A_262 : i32 to index
      %get3A_264 = arith.constant 16 : index
      %get3A_265 = tpu.vector_load %arg7[%get3A_263, %get3A_264] {strides = array<i32>} : memref<128x32xf32, #tpu.memory_space<vmem>>, vector<16xf32>,
      %add3A_266 = arith.constant 7 : i32
      %add3A_267 = vector.broadcast %add3A_266 : i32 to vector<16xi32>
      %add3A_268 = arith.addi %add3A_13, %add3A_267 : vector<16xi32>
      tpu.vector_store_idx %arg9[%add3A_268], %get3A_247 : memref<4096xf32, #tpu.memory_space<vmem>>[vector<16xi32>], vector<16xf32>,
      %add3A_269 = arith.constant 7 : i32
      %add3A_270 = vector.broadcast %add3A_269 : i32 to vector<16xi32>
      %add3A_271 = arith.addi %add3A_20, %add3A_270 : vector<16xi32>
      tpu.vector_store_idx %arg9[%add3A_271], %get3A_251 : memref<4096xf32, #tpu.memory_space<vmem>>[vector<16xi32>], vector<16xf32>,
      %get3A_272 = arith.constant 9 : i32
      %get3A_273 = arith.index_cast %get3A_272 : i32 to index
      %get3A_274 = arith.constant 0 : index
      %get3A_275 = tpu.vector_load %arg7[%get3A_273, %get3A_274] {strides = array<i32>} : memref<128x32xf32, #tpu.memory_space<vmem>>, vector<16xf32>,
      %get3A_276 = arith.constant 9 : i32
      %get3A_277 = arith.index_cast %get3A_276 : i32 to index
      %get3A_278 = arith.constant 16 : index
      %get3A_279 = tpu.vector_load %arg7[%get3A_277, %get3A_278] {strides = array<i32>} : memref<128x32xf32, #tpu.memory_space<vmem>>, vector<16xf32>,
      %add3A_280 = arith.constant 8 : i32
      %add3A_281 = vector.broadcast %add3A_280 : i32 to vector<16xi32>
      %add3A_282 = arith.addi %add3A_13, %add3A_281 : vector<16xi32>
      tpu.vector_store_idx %arg9[%add3A_282], %get3A_261 : memref<4096xf32, #tpu.memory_space<vmem>>[vector<16xi32>], vector<16xf32>,
      %add3A_283 = arith.constant 8 : i32
      %add3A_284 = vector.broadcast %add3A_283 : i32 to vector<16xi32>
      %add3A_285 = arith.addi %add3A_20, %add3A_284 : vector<16xi32>
      tpu.vector_store_idx %arg9[%add3A_285], %get3A_265 : memref<4096xf32, #tpu.memory_space<vmem>>[vector<16xi32>], vector<16xf32>,
      %get3A_286 = arith.constant 10 : i32
      %get3A_287 = arith.index_cast %get3A_286 : i32 to index
      %get3A_288 = arith.constant 0 : index
      %get3A_289 = tpu.vector_load %arg7[%get3A_287, %get3A_288] {strides = array<i32>} : memref<128x32xf32, #tpu.memory_space<vmem>>, vector<16xf32>,
      %get3A_290 = arith.constant 10 : i32
      %get3A_291 = arith.index_cast %get3A_290 : i32 to index
      %get3A_292 = arith.constant 16 : index
      %get3A_293 = tpu.vector_load %arg7[%get3A_291, %get3A_292] {strides = array<i32>} : memref<128x32xf32, #tpu.memory_space<vmem>>, vector<16xf32>,
      %add3A_294 = arith.constant 9 : i32
      %add3A_295 = vector.broadcast %add3A_294 : i32 to vector<16xi32>
      %add3A_296 = arith.addi %add3A_13, %add3A_295 : vector<16xi32>
      tpu.vector_store_idx %arg9[%add3A_296], %get3A_275 : memref<4096xf32, #tpu.memory_space<vmem>>[vector<16xi32>], vector<16xf32>,
      %add3A_297 = arith.constant 9 : i32
      %add3A_298 = vector.broadcast %add3A_297 : i32 to vector<16xi32>
      %add3A_299 = arith.addi %add3A_20, %add3A_298 : vector<16xi32>
      tpu.vector_store_idx %arg9[%add3A_299], %get3A_279 : memref<4096xf32, #tpu.memory_space<vmem>>[vector<16xi32>], vector<16xf32>,
      %get3A_300 = arith.constant 11 : i32
      %get3A_301 = arith.index_cast %get3A_300 : i32 to index
      %get3A_302 = arith.constant 0 : index
      %get3A_303 = tpu.vector_load %arg7[%get3A_301, %get3A_302] {strides = array<i32>} : memref<128x32xf32, #tpu.memory_space<vmem>>, vector<16xf32>,
      %get3A_304 = arith.constant 11 : i32
      %get3A_305 = arith.index_cast %get3A_304 : i32 to index
      %get3A_306 = arith.constant 16 : index
      %get3A_307 = tpu.vector_load %arg7[%get3A_305, %get3A_306] {strides = array<i32>} : memref<128x32xf32, #tpu.memory_space<vmem>>, vector<16xf32>,
      %add3A_308 = arith.constant 10 : i32
      %add3A_309 = vector.broadcast %add3A_308 : i32 to vector<16xi32>
      %add3A_310 = arith.addi %add3A_13, %add3A_309 : vector<16xi32>
      tpu.vector_store_idx %arg9[%add3A_310], %get3A_289 : memref<4096xf32, #tpu.memory_space<vmem>>[vector<16xi32>], vector<16xf32>,
      %add3A_311 = arith.constant 10 : i32
      %add3A_312 = vector.broadcast %add3A_311 : i32 to vector<16xi32>
      %add3A_313 = arith.addi %add3A_20, %add3A_312 : vector<16xi32>
      tpu.vector_store_idx %arg9[%add3A_313], %get3A_293 : memref<4096xf32, #tpu.memory_space<vmem>>[vector<16xi32>], vector<16xf32>,
      %get3A_314 = arith.constant 12 : i32
      %get3A_315 = arith.index_cast %get3A_314 : i32 to index
      %get3A_316 = arith.constant 0 : index
      %get3A_317 = tpu.vector_load %arg7[%get3A_315, %get3A_316] {strides = array<i32>} : memref<128x32xf32, #tpu.memory_space<vmem>>, vector<16xf32>,
      %get3A_318 = arith.constant 12 : i32
      %get3A_319 = arith.index_cast %get3A_318 : i32 to index
      %get3A_320 = arith.constant 16 : index
      %get3A_321 = tpu.vector_load %arg7[%get3A_319, %get3A_320] {strides = array<i32>} : memref<128x32xf32, #tpu.memory_space<vmem>>, vector<16xf32>,
      %add3A_322 = arith.constant 11 : i32
      %add3A_323 = vector.broadcast %add3A_322 : i32 to vector<16xi32>
      %add3A_324 = arith.addi %add3A_13, %add3A_323 : vector<16xi32>
      tpu.vector_store_idx %arg9[%add3A_324], %get3A_303 : memref<4096xf32, #tpu.memory_space<vmem>>[vector<16xi32>], vector<16xf32>,
      %add3A_325 = arith.constant 11 : i32
      %add3A_326 = vector.broadcast %add3A_325 : i32 to vector<16xi32>
      %add3A_327 = arith.addi %add3A_20, %add3A_326 : vector<16xi32>
      tpu.vector_store_idx %arg9[%add3A_327], %get3A_307 : memref<4096xf32, #tpu.memory_space<vmem>>[vector<16xi32>], vector<16xf32>,
      %get3A_328 = arith.constant 13 : i32
      %get3A_329 = arith.index_cast %get3A_328 : i32 to index
      %get3A_330 = arith.constant 0 : index
      %get3A_331 = tpu.vector_load %arg7[%get3A_329, %get3A_330] {strides = array<i32>} : memref<128x32xf32, #tpu.memory_space<vmem>>, vector<16xf32>,
      %get3A_332 = arith.constant 13 : i32
      %get3A_333 = arith.index_cast %get3A_332 : i32 to index
      %get3A_334 = arith.constant 16 : index
      %get3A_335 = tpu.vector_load %arg7[%get3A_333, %get3A_334] {strides = array<i32>} : memref<128x32xf32, #tpu.memory_space<vmem>>, vector<16xf32>,
      %add3A_336 = arith.constant 12 : i32
      %add3A_337 = vector.broadcast %add3A_336 : i32 to vector<16xi32>
      %add3A_338 = arith.addi %add3A_13, %add3A_337 : vector<16xi32>
      tpu.vector_store_idx %arg9[%add3A_338], %get3A_317 : memref<4096xf32, #tpu.memory_space<vmem>>[vector<16xi32>], vector<16xf32>,
      %add3A_339 = arith.constant 12 : i32
      %add3A_340 = vector.broadcast %add3A_339 : i32 to vector<16xi32>
      %add3A_341 = arith.addi %add3A_20, %add3A_340 : vector<16xi32>
      tpu.vector_store_idx %arg9[%add3A_341], %get3A_321 : memref<4096xf32, #tpu.memory_space<vmem>>[vector<16xi32>], vector<16xf32>,
      %get3A_342 = arith.constant 14 : i32
      %get3A_343 = arith.index_cast %get3A_342 : i32 to index
      %get3A_344 = arith.constant 0 : index
      %get3A_345 = tpu.vector_load %arg7[%get3A_343, %get3A_344] {strides = array<i32>} : memref<128x32xf32, #tpu.memory_space<vmem>>, vector<16xf32>,
      %get3A_346 = arith.constant 14 : i32
      %get3A_347 = arith.index_cast %get3A_346 : i32 to index
      %get3A_348 = arith.constant 16 : index
      %get3A_349 = tpu.vector_load %arg7[%get3A_347, %get3A_348] {strides = array<i32>} : memref<128x32xf32, #tpu.memory_space<vmem>>, vector<16xf32>,
      %add3A_350 = arith.constant 13 : i32
      %add3A_351 = vector.broadcast %add3A_350 : i32 to vector<16xi32>
      %add3A_352 = arith.addi %add3A_13, %add3A_351 : vector<16xi32>
      tpu.vector_store_idx %arg9[%add3A_352], %get3A_331 : memref<4096xf32, #tpu.memory_space<vmem>>[vector<16xi32>], vector<16xf32>,
      %add3A_353 = arith.constant 13 : i32
      %add3A_354 = vector.broadcast %add3A_353 : i32 to vector<16xi32>
      %add3A_355 = arith.addi %add3A_20, %add3A_354 : vector<16xi32>
      tpu.vector_store_idx %arg9[%add3A_355], %get3A_335 : memref<4096xf32, #tpu.memory_space<vmem>>[vector<16xi32>], vector<16xf32>,
      %get3A_356 = arith.constant 15 : i32
      %get3A_357 = arith.index_cast %get3A_356 : i32 to index
      %get3A_358 = arith.constant 0 : index
      %get3A_359 = tpu.vector_load %arg7[%get3A_357, %get3A_358] {strides = array<i32>} : memref<128x32xf32, #tpu.memory_space<vmem>>, vector<16xf32>,
      %get3A_360 = arith.constant 15 : i32
      %get3A_361 = arith.index_cast %get3A_360 : i32 to index
      %get3A_362 = arith.constant 16 : index
      %get3A_363 = tpu.vector_load %arg7[%get3A_361, %get3A_362] {strides = array<i32>} : memref<128x32xf32, #tpu.memory_space<vmem>>, vector<16xf32>,
      %add3A_364 = arith.constant 14 : i32
      %add3A_365 = vector.broadcast %add3A_364 : i32 to vector<16xi32>
      %add3A_366 = arith.addi %add3A_13, %add3A_365 : vector<16xi32>
      tpu.vector_store_idx %arg9[%add3A_366], %get3A_345 : memref<4096xf32, #tpu.memory_space<vmem>>[vector<16xi32>], vector<16xf32>,
      %add3A_367 = arith.constant 14 : i32
      %add3A_368 = vector.broadcast %add3A_367 : i32 to vector<16xi32>
      %add3A_369 = arith.addi %add3A_20, %add3A_368 : vector<16xi32>
      tpu.vector_store_idx %arg9[%add3A_369], %get3A_349 : memref<4096xf32, #tpu.memory_space<vmem>>[vector<16xi32>], vector<16xf32>,
      %get3A_370 = arith.constant 16 : i32
      %get3A_371 = arith.index_cast %get3A_370 : i32 to index
      %get3A_372 = arith.constant 0 : index
      %get3A_373 = tpu.vector_load %arg7[%get3A_371, %get3A_372] {strides = array<i32>} : memref<128x32xf32, #tpu.memory_space<vmem>>, vector<16xf32>,
      %get3A_374 = arith.constant 16 : i32
      %get3A_375 = arith.index_cast %get3A_374 : i32 to index
      %get3A_376 = arith.constant 16 : index
      %get3A_377 = tpu.vector_load %arg7[%get3A_375, %get3A_376] {strides = array<i32>} : memref<128x32xf32, #tpu.memory_space<vmem>>, vector<16xf32>,
      %add3A_378 = arith.constant 15 : i32
      %add3A_379 = vector.broadcast %add3A_378 : i32 to vector<16xi32>
      %add3A_380 = arith.addi %add3A_13, %add3A_379 : vector<16xi32>
      tpu.vector_store_idx %arg9[%add3A_380], %get3A_359 : memref<4096xf32, #tpu.memory_space<vmem>>[vector<16xi32>], vector<16xf32>,
      %add3A_381 = arith.constant 15 : i32
      %add3A_382 = vector.broadcast %add3A_381 : i32 to vector<16xi32>
      %add3A_383 = arith.addi %add3A_20, %add3A_382 : vector<16xi32>
      tpu.vector_store_idx %arg9[%add3A_383], %get3A_363 : memref<4096xf32, #tpu.memory_space<vmem>>[vector<16xi32>], vector<16xf32>,
      %get3A_384 = arith.constant 17 : i32
      %get3A_385 = arith.index_cast %get3A_384 : i32 to index
      %get3A_386 = arith.constant 0 : index
      %get3A_387 = tpu.vector_load %arg7[%get3A_385, %get3A_386] {strides = array<i32>} : memref<128x32xf32, #tpu.memory_space<vmem>>, vector<16xf32>,
      %get3A_388 = arith.constant 17 : i32
      %get3A_389 = arith.index_cast %get3A_388 : i32 to index
      %get3A_390 = arith.constant 16 : index
      %get3A_391 = tpu.vector_load %arg7[%get3A_389, %get3A_390] {strides = array<i32>} : memref<128x32xf32, #tpu.memory_space<vmem>>, vector<16xf32>,
      %add3A_392 = arith.constant 16 : i32
      %add3A_393 = vector.broadcast %add3A_392 : i32 to vector<16xi32>
      %add3A_394 = arith.addi %add3A_13, %add3A_393 : vector<16xi32>
      tpu.vector_store_idx %arg9[%add3A_394], %get3A_373 : memref<4096xf32, #tpu.memory_space<vmem>>[vector<16xi32>], vector<16xf32>,
      %add3A_395 = arith.constant 16 : i32
      %add3A_396 = vector.broadcast %add3A_395 : i32 to vector<16xi32>
      %add3A_397 = arith.addi %add3A_20, %add3A_396 : vector<16xi32>
      tpu.vector_store_idx %arg9[%add3A_397], %get3A_377 : memref<4096xf32, #tpu.memory_space<vmem>>[vector<16xi32>], vector<16xf32>,
      %get3A_398 = arith.constant 18 : i32
      %get3A_399 = arith.index_cast %get3A_398 : i32 to index
      %get3A_400 = arith.constant 0 : index
      %get3A_401 = tpu.vector_load %arg7[%get3A_399, %get3A_400] {strides = array<i32>} : memref<128x32xf32, #tpu.memory_space<vmem>>, vector<16xf32>,
      %get3A_402 = arith.constant 18 : i32
      %get3A_403 = arith.index_cast %get3A_402 : i32 to index
      %get3A_404 = arith.constant 16 : index
      %get3A_405 = tpu.vector_load %arg7[%get3A_403, %get3A_404] {strides = array<i32>} : memref<128x32xf32, #tpu.memory_space<vmem>>, vector<16xf32>,
      %add3A_406 = arith.constant 17 : i32
      %add3A_407 = vector.broadcast %add3A_406 : i32 to vector<16xi32>
      %add3A_408 = arith.addi %add3A_13, %add3A_407 : vector<16xi32>
      tpu.vector_store_idx %arg9[%add3A_408], %get3A_387 : memref<4096xf32, #tpu.memory_space<vmem>>[vector<16xi32>], vector<16xf32>,
      %add3A_409 = arith.constant 17 : i32
      %add3A_410 = vector.broadcast %add3A_409 : i32 to vector<16xi32>
      %add3A_411 = arith.addi %add3A_20, %add3A_410 : vector<16xi32>
      tpu.vector_store_idx %arg9[%add3A_411], %get3A_391 : memref<4096xf32, #tpu.memory_space<vmem>>[vector<16xi32>], vector<16xf32>,
      %get3A_412 = arith.constant 19 : i32
      %get3A_413 = arith.index_cast %get3A_412 : i32 to index
      %get3A_414 = arith.constant 0 : index
      %get3A_415 = tpu.vector_load %arg7[%get3A_413, %get3A_414] {strides = array<i32>} : memref<128x32xf32, #tpu.memory_space<vmem>>, vector<16xf32>,
      %get3A_416 = arith.constant 19 : i32
      %get3A_417 = arith.index_cast %get3A_416 : i32 to index
      %get3A_418 = arith.constant 16 : index
      %get3A_419 = tpu.vector_load %arg7[%get3A_417, %get3A_418] {strides = array<i32>} : memref<128x32xf32, #tpu.memory_space<vmem>>, vector<16xf32>,
      %add3A_420 = arith.constant 18 : i32
      %add3A_421 = vector.broadcast %add3A_420 : i32 to vector<16xi32>
      %add3A_422 = arith.addi %add3A_13, %add3A_421 : vector<16xi32>
      tpu.vector_store_idx %arg9[%add3A_422], %get3A_401 : memref<4096xf32, #tpu.memory_space<vmem>>[vector<16xi32>], vector<16xf32>,
      %add3A_423 = arith.constant 18 : i32
      %add3A_424 = vector.broadcast %add3A_423 : i32 to vector<16xi32>
      %add3A_425 = arith.addi %add3A_20, %add3A_424 : vector<16xi32>
      tpu.vector_store_idx %arg9[%add3A_425], %get3A_405 : memref<4096xf32, #tpu.memory_space<vmem>>[vector<16xi32>], vector<16xf32>,
      %get3A_426 = arith.constant 20 : i32
      %get3A_427 = arith.index_cast %get3A_426 : i32 to index
      %get3A_428 = arith.constant 0 : index
      %get3A_429 = tpu.vector_load %arg7[%get3A_427, %get3A_428] {strides = array<i32>} : memref<128x32xf32, #tpu.memory_space<vmem>>, vector<16xf32>,
      %get3A_430 = arith.constant 20 : i32
      %get3A_431 = arith.index_cast %get3A_430 : i32 to index
      %get3A_432 = arith.constant 16 : index
      %get3A_433 = tpu.vector_load %arg7[%get3A_431, %get3A_432] {strides = array<i32>} : memref<128x32xf32, #tpu.memory_space<vmem>>, vector<16xf32>,
      %add3A_434 = arith.constant 19 : i32
      %add3A_435 = vector.broadcast %add3A_434 : i32 to vector<16xi32>
      %add3A_436 = arith.addi %add3A_13, %add3A_435 : vector<16xi32>
      tpu.vector_store_idx %arg9[%add3A_436], %get3A_415 : memref<4096xf32, #tpu.memory_space<vmem>>[vector<16xi32>], vector<16xf32>,
      %add3A_437 = arith.constant 19 : i32
      %add3A_438 = vector.broadcast %add3A_437 : i32 to vector<16xi32>
      %add3A_439 = arith.addi %add3A_20, %add3A_438 : vector<16xi32>
      tpu.vector_store_idx %arg9[%add3A_439], %get3A_419 : memref<4096xf32, #tpu.memory_space<vmem>>[vector<16xi32>], vector<16xf32>,
      %get3A_440 = arith.constant 21 : i32
      %get3A_441 = arith.index_cast %get3A_440 : i32 to index
      %get3A_442 = arith.constant 0 : index
      %get3A_443 = tpu.vector_load %arg7[%get3A_441, %get3A_442] {strides = array<i32>} : memref<128x32xf32, #tpu.memory_space<vmem>>, vector<16xf32>,
      %get3A_444 = arith.constant 21 : i32
      %get3A_445 = arith.index_cast %get3A_444 : i32 to index
      %get3A_446 = arith.constant 16 : index
      %get3A_447 = tpu.vector_load %arg7[%get3A_445, %get3A_446] {strides = array<i32>} : memref<128x32xf32, #tpu.memory_space<vmem>>, vector<16xf32>,
      %add3A_448 = arith.constant 20 : i32
      %add3A_449 = vector.broadcast %add3A_448 : i32 to vector<16xi32>
      %add3A_450 = arith.addi %add3A_13, %add3A_449 : vector<16xi32>
      tpu.vector_store_idx %arg9[%add3A_450], %get3A_429 : memref<4096xf32, #tpu.memory_space<vmem>>[vector<16xi32>], vector<16xf32>,
      %add3A_451 = arith.constant 20 : i32
      %add3A_452 = vector.broadcast %add3A_451 : i32 to vector<16xi32>
      %add3A_453 = arith.addi %add3A_20, %add3A_452 : vector<16xi32>
      tpu.vector_store_idx %arg9[%add3A_453], %get3A_433 : memref<4096xf32, #tpu.memory_space<vmem>>[vector<16xi32>], vector<16xf32>,
      %get3A_454 = arith.constant 22 : i32
      %get3A_455 = arith.index_cast %get3A_454 : i32 to index
      %get3A_456 = arith.constant 0 : index
      %get3A_457 = tpu.vector_load %arg7[%get3A_455, %get3A_456] {strides = array<i32>} : memref<128x32xf32, #tpu.memory_space<vmem>>, vector<16xf32>,
      %get3A_458 = arith.constant 22 : i32
      %get3A_459 = arith.index_cast %get3A_458 : i32 to index
      %get3A_460 = arith.constant 16 : index
      %get3A_461 = tpu.vector_load %arg7[%get3A_459, %get3A_460] {strides = array<i32>} : memref<128x32xf32, #tpu.memory_space<vmem>>, vector<16xf32>,
      %add3A_462 = arith.constant 21 : i32
      %add3A_463 = vector.broadcast %add3A_462 : i32 to vector<16xi32>
      %add3A_464 = arith.addi %add3A_13, %add3A_463 : vector<16xi32>
      tpu.vector_store_idx %arg9[%add3A_464], %get3A_443 : memref<4096xf32, #tpu.memory_space<vmem>>[vector<16xi32>], vector<16xf32>,
      %add3A_465 = arith.constant 21 : i32
      %add3A_466 = vector.broadcast %add3A_465 : i32 to vector<16xi32>
      %add3A_467 = arith.addi %add3A_20, %add3A_466 : vector<16xi32>
      tpu.vector_store_idx %arg9[%add3A_467], %get3A_447 : memref<4096xf32, #tpu.memory_space<vmem>>[vector<16xi32>], vector<16xf32>,
      %get3A_468 = arith.constant 23 : i32
      %get3A_469 = arith.index_cast %get3A_468 : i32 to index
      %get3A_470 = arith.constant 0 : index
      %get3A_471 = tpu.vector_load %arg7[%get3A_469, %get3A_470] {strides = array<i32>} : memref<128x32xf32, #tpu.memory_space<vmem>>, vector<16xf32>,
      %get3A_472 = arith.constant 23 : i32
      %get3A_473 = arith.index_cast %get3A_472 : i32 to index
      %get3A_474 = arith.constant 16 : index
      %get3A_475 = tpu.vector_load %arg7[%get3A_473, %get3A_474] {strides = array<i32>} : memref<128x32xf32, #tpu.memory_space<vmem>>, vector<16xf32>,
      %add3A_476 = arith.constant 22 : i32
      %add3A_477 = vector.broadcast %add3A_476 : i32 to vector<16xi32>
      %add3A_478 = arith.addi %add3A_13, %add3A_477 : vector<16xi32>
      tpu.vector_store_idx %arg9[%add3A_478], %get3A_457 : memref<4096xf32, #tpu.memory_space<vmem>>[vector<16xi32>], vector<16xf32>,
      %add3A_479 = arith.constant 22 : i32
      %add3A_480 = vector.broadcast %add3A_479 : i32 to vector<16xi32>
      %add3A_481 = arith.addi %add3A_20, %add3A_480 : vector<16xi32>
      tpu.vector_store_idx %arg9[%add3A_481], %get3A_461 : memref<4096xf32, #tpu.memory_space<vmem>>[vector<16xi32>], vector<16xf32>,
      %get3A_482 = arith.constant 24 : i32
      %get3A_483 = arith.index_cast %get3A_482 : i32 to index
      %get3A_484 = arith.constant 0 : index
      %get3A_485 = tpu.vector_load %arg7[%get3A_483, %get3A_484] {strides = array<i32>} : memref<128x32xf32, #tpu.memory_space<vmem>>, vector<16xf32>,
      %get3A_486 = arith.constant 24 : i32
      %get3A_487 = arith.index_cast %get3A_486 : i32 to index
      %get3A_488 = arith.constant 16 : index
      %get3A_489 = tpu.vector_load %arg7[%get3A_487, %get3A_488] {strides = array<i32>} : memref<128x32xf32, #tpu.memory_space<vmem>>, vector<16xf32>,
      %add3A_490 = arith.constant 23 : i32
      %add3A_491 = vector.broadcast %add3A_490 : i32 to vector<16xi32>
      %add3A_492 = arith.addi %add3A_13, %add3A_491 : vector<16xi32>
      tpu.vector_store_idx %arg9[%add3A_492], %get3A_471 : memref<4096xf32, #tpu.memory_space<vmem>>[vector<16xi32>], vector<16xf32>,
      %add3A_493 = arith.constant 23 : i32
      %add3A_494 = vector.broadcast %add3A_493 : i32 to vector<16xi32>
      %add3A_495 = arith.addi %add3A_20, %add3A_494 : vector<16xi32>
      tpu.vector_store_idx %arg9[%add3A_495], %get3A_475 : memref<4096xf32, #tpu.memory_space<vmem>>[vector<16xi32>], vector<16xf32>,
      %get3A_496 = arith.constant 25 : i32
      %get3A_497 = arith.index_cast %get3A_496 : i32 to index
      %get3A_498 = arith.constant 0 : index
      %get3A_499 = tpu.vector_load %arg7[%get3A_497, %get3A_498] {strides = array<i32>} : memref<128x32xf32, #tpu.memory_space<vmem>>, vector<16xf32>,
      %get3A_500 = arith.constant 25 : i32
      %get3A_501 = arith.index_cast %get3A_500 : i32 to index
      %get3A_502 = arith.constant 16 : index
      %get3A_503 = tpu.vector_load %arg7[%get3A_501, %get3A_502] {strides = array<i32>} : memref<128x32xf32, #tpu.memory_space<vmem>>, vector<16xf32>,
      %add3A_504 = arith.constant 24 : i32
      %add3A_505 = vector.broadcast %add3A_504 : i32 to vector<16xi32>
      %add3A_506 = arith.addi %add3A_13, %add3A_505 : vector<16xi32>
      tpu.vector_store_idx %arg9[%add3A_506], %get3A_485 : memref<4096xf32, #tpu.memory_space<vmem>>[vector<16xi32>], vector<16xf32>,
      %add3A_507 = arith.constant 24 : i32
      %add3A_508 = vector.broadcast %add3A_507 : i32 to vector<16xi32>
      %add3A_509 = arith.addi %add3A_20, %add3A_508 : vector<16xi32>
      tpu.vector_store_idx %arg9[%add3A_509], %get3A_489 : memref<4096xf32, #tpu.memory_space<vmem>>[vector<16xi32>], vector<16xf32>,
      %get3A_510 = arith.constant 26 : i32
      %get3A_511 = arith.index_cast %get3A_510 : i32 to index
      %get3A_512 = arith.constant 0 : index
      %get3A_513 = tpu.vector_load %arg7[%get3A_511, %get3A_512] {strides = array<i32>} : memref<128x32xf32, #tpu.memory_space<vmem>>, vector<16xf32>,
      %get3A_514 = arith.constant 26 : i32
      %get3A_515 = arith.index_cast %get3A_514 : i32 to index
      %get3A_516 = arith.constant 16 : index
      %get3A_517 = tpu.vector_load %arg7[%get3A_515, %get3A_516] {strides = array<i32>} : memref<128x32xf32, #tpu.memory_space<vmem>>, vector<16xf32>,
      %add3A_518 = arith.constant 25 : i32
      %add3A_519 = vector.broadcast %add3A_518 : i32 to vector<16xi32>
      %add3A_520 = arith.addi %add3A_13, %add3A_519 : vector<16xi32>
      tpu.vector_store_idx %arg9[%add3A_520], %get3A_499 : memref<4096xf32, #tpu.memory_space<vmem>>[vector<16xi32>], vector<16xf32>,
      %add3A_521 = arith.constant 25 : i32
      %add3A_522 = vector.broadcast %add3A_521 : i32 to vector<16xi32>
      %add3A_523 = arith.addi %add3A_20, %add3A_522 : vector<16xi32>
      tpu.vector_store_idx %arg9[%add3A_523], %get3A_503 : memref<4096xf32, #tpu.memory_space<vmem>>[vector<16xi32>], vector<16xf32>,
      %get3A_524 = arith.constant 27 : i32
      %get3A_525 = arith.index_cast %get3A_524 : i32 to index
      %get3A_526 = arith.constant 0 : index
      %get3A_527 = tpu.vector_load %arg7[%get3A_525, %get3A_526] {strides = array<i32>} : memref<128x32xf32, #tpu.memory_space<vmem>>, vector<16xf32>,
      %get3A_528 = arith.constant 27 : i32
      %get3A_529 = arith.index_cast %get3A_528 : i32 to index
      %get3A_530 = arith.constant 16 : index
      %get3A_531 = tpu.vector_load %arg7[%get3A_529, %get3A_530] {strides = array<i32>} : memref<128x32xf32, #tpu.memory_space<vmem>>, vector<16xf32>,
      %add3A_532 = arith.constant 26 : i32
      %add3A_533 = vector.broadcast %add3A_532 : i32 to vector<16xi32>
      %add3A_534 = arith.addi %add3A_13, %add3A_533 : vector<16xi32>
      tpu.vector_store_idx %arg9[%add3A_534], %get3A_513 : memref<4096xf32, #tpu.memory_space<vmem>>[vector<16xi32>], vector<16xf32>,
      %add3A_535 = arith.constant 26 : i32
      %add3A_536 = vector.broadcast %add3A_535 : i32 to vector<16xi32>
      %add3A_537 = arith.addi %add3A_20, %add3A_536 : vector<16xi32>
      tpu.vector_store_idx %arg9[%add3A_537], %get3A_517 : memref<4096xf32, #tpu.memory_space<vmem>>[vector<16xi32>], vector<16xf32>,
      %get3A_538 = arith.constant 28 : i32
      %get3A_539 = arith.index_cast %get3A_538 : i32 to index
      %get3A_540 = arith.constant 0 : index
      %get3A_541 = tpu.vector_load %arg7[%get3A_539, %get3A_540] {strides = array<i32>} : memref<128x32xf32, #tpu.memory_space<vmem>>, vector<16xf32>,
      %get3A_542 = arith.constant 28 : i32
      %get3A_543 = arith.index_cast %get3A_542 : i32 to index
      %get3A_544 = arith.constant 16 : index
      %get3A_545 = tpu.vector_load %arg7[%get3A_543, %get3A_544] {strides = array<i32>} : memref<128x32xf32, #tpu.memory_space<vmem>>, vector<16xf32>,
      %add3A_546 = arith.constant 27 : i32
      %add3A_547 = vector.broadcast %add3A_546 : i32 to vector<16xi32>
      %add3A_548 = arith.addi %add3A_13, %add3A_547 : vector<16xi32>
      tpu.vector_store_idx %arg9[%add3A_548], %get3A_527 : memref<4096xf32, #tpu.memory_space<vmem>>[vector<16xi32>], vector<16xf32>,
      %add3A_549 = arith.constant 27 : i32
      %add3A_550 = vector.broadcast %add3A_549 : i32 to vector<16xi32>
      %add3A_551 = arith.addi %add3A_20, %add3A_550 : vector<16xi32>
      tpu.vector_store_idx %arg9[%add3A_551], %get3A_531 : memref<4096xf32, #tpu.memory_space<vmem>>[vector<16xi32>], vector<16xf32>,
      %get3A_552 = arith.constant 29 : i32
      %get3A_553 = arith.index_cast %get3A_552 : i32 to index
      %get3A_554 = arith.constant 0 : index
      %get3A_555 = tpu.vector_load %arg7[%get3A_553, %get3A_554] {strides = array<i32>} : memref<128x32xf32, #tpu.memory_space<vmem>>, vector<16xf32>,
      %get3A_556 = arith.constant 29 : i32
      %get3A_557 = arith.index_cast %get3A_556 : i32 to index
      %get3A_558 = arith.constant 16 : index
      %get3A_559 = tpu.vector_load %arg7[%get3A_557, %get3A_558] {strides = array<i32>} : memref<128x32xf32, #tpu.memory_space<vmem>>, vector<16xf32>,
      %add3A_560 = arith.constant 28 : i32
      %add3A_561 = vector.broadcast %add3A_560 : i32 to vector<16xi32>
      %add3A_562 = arith.addi %add3A_13, %add3A_561 : vector<16xi32>
      tpu.vector_store_idx %arg9[%add3A_562], %get3A_541 : memref<4096xf32, #tpu.memory_space<vmem>>[vector<16xi32>], vector<16xf32>,
      %add3A_563 = arith.constant 28 : i32
      %add3A_564 = vector.broadcast %add3A_563 : i32 to vector<16xi32>
      %add3A_565 = arith.addi %add3A_20, %add3A_564 : vector<16xi32>
      tpu.vector_store_idx %arg9[%add3A_565], %get3A_545 : memref<4096xf32, #tpu.memory_space<vmem>>[vector<16xi32>], vector<16xf32>,
      %get3A_566 = arith.constant 30 : i32
      %get3A_567 = arith.index_cast %get3A_566 : i32 to index
      %get3A_568 = arith.constant 0 : index
      %get3A_569 = tpu.vector_load %arg7[%get3A_567, %get3A_568] {strides = array<i32>} : memref<128x32xf32, #tpu.memory_space<vmem>>, vector<16xf32>,
      %get3A_570 = arith.constant 30 : i32
      %get3A_571 = arith.index_cast %get3A_570 : i32 to index
      %get3A_572 = arith.constant 16 : index
      %get3A_573 = tpu.vector_load %arg7[%get3A_571, %get3A_572] {strides = array<i32>} : memref<128x32xf32, #tpu.memory_space<vmem>>, vector<16xf32>,
      %add3A_574 = arith.constant 29 : i32
      %add3A_575 = vector.broadcast %add3A_574 : i32 to vector<16xi32>
      %add3A_576 = arith.addi %add3A_13, %add3A_575 : vector<16xi32>
      tpu.vector_store_idx %arg9[%add3A_576], %get3A_555 : memref<4096xf32, #tpu.memory_space<vmem>>[vector<16xi32>], vector<16xf32>,
      %add3A_577 = arith.constant 29 : i32
      %add3A_578 = vector.broadcast %add3A_577 : i32 to vector<16xi32>
      %add3A_579 = arith.addi %add3A_20, %add3A_578 : vector<16xi32>
      tpu.vector_store_idx %arg9[%add3A_579], %get3A_559 : memref<4096xf32, #tpu.memory_space<vmem>>[vector<16xi32>], vector<16xf32>,
      %get3A_580 = arith.constant 31 : i32
      %get3A_581 = arith.index_cast %get3A_580 : i32 to index
      %get3A_582 = arith.constant 0 : index
      %get3A_583 = tpu.vector_load %arg7[%get3A_581, %get3A_582] {strides = array<i32>} : memref<128x32xf32, #tpu.memory_space<vmem>>, vector<16xf32>,
      %get3A_584 = arith.constant 31 : i32
      %get3A_585 = arith.index_cast %get3A_584 : i32 to index
      %get3A_586 = arith.constant 16 : index
      %get3A_587 = tpu.vector_load %arg7[%get3A_585, %get3A_586] {strides = array<i32>} : memref<128x32xf32, #tpu.memory_space<vmem>>, vector<16xf32>,
      %add3A_588 = arith.constant 30 : i32
      %add3A_589 = vector.broadcast %add3A_588 : i32 to vector<16xi32>
      %add3A_590 = arith.addi %add3A_13, %add3A_589 : vector<16xi32>
      tpu.vector_store_idx %arg9[%add3A_590], %get3A_569 : memref<4096xf32, #tpu.memory_space<vmem>>[vector<16xi32>], vector<16xf32>,
      %add3A_591 = arith.constant 30 : i32
      %add3A_592 = vector.broadcast %add3A_591 : i32 to vector<16xi32>
      %add3A_593 = arith.addi %add3A_20, %add3A_592 : vector<16xi32>
      tpu.vector_store_idx %arg9[%add3A_593], %get3A_573 : memref<4096xf32, #tpu.memory_space<vmem>>[vector<16xi32>], vector<16xf32>,
      %get3A_594 = arith.constant 32 : i32
      %get3A_595 = arith.index_cast %get3A_594 : i32 to index
      %get3A_596 = arith.constant 0 : index
      %get3A_597 = tpu.vector_load %arg7[%get3A_595, %get3A_596] {strides = array<i32>} : memref<128x32xf32, #tpu.memory_space<vmem>>, vector<16xf32>,
      %get3A_598 = arith.constant 32 : i32
      %get3A_599 = arith.index_cast %get3A_598 : i32 to index
      %get3A_600 = arith.constant 16 : index
      %get3A_601 = tpu.vector_load %arg7[%get3A_599, %get3A_600] {strides = array<i32>} : memref<128x32xf32, #tpu.memory_space<vmem>>, vector<16xf32>,
      %add3A_602 = arith.constant 31 : i32
      %add3A_603 = vector.broadcast %add3A_602 : i32 to vector<16xi32>
      %add3A_604 = arith.addi %add3A_13, %add3A_603 : vector<16xi32>
      tpu.vector_store_idx %arg9[%add3A_604], %get3A_583 : memref<4096xf32, #tpu.memory_space<vmem>>[vector<16xi32>], vector<16xf32>,
      %add3A_605 = arith.constant 31 : i32
      %add3A_606 = vector.broadcast %add3A_605 : i32 to vector<16xi32>
      %add3A_607 = arith.addi %add3A_20, %add3A_606 : vector<16xi32>
      tpu.vector_store_idx %arg9[%add3A_607], %get3A_587 : memref<4096xf32, #tpu.memory_space<vmem>>[vector<16xi32>], vector<16xf32>,
      %get3A_608 = arith.constant 33 : i32
      %get3A_609 = arith.index_cast %get3A_608 : i32 to index
      %get3A_610 = arith.constant 0 : index
      %get3A_611 = tpu.vector_load %arg7[%get3A_609, %get3A_610] {strides = array<i32>} : memref<128x32xf32, #tpu.memory_space<vmem>>, vector<16xf32>,
      %get3A_612 = arith.constant 33 : i32
      %get3A_613 = arith.index_cast %get3A_612 : i32 to index
      %get3A_614 = arith.constant 16 : index
      %get3A_615 = tpu.vector_load %arg7[%get3A_613, %get3A_614] {strides = array<i32>} : memref<128x32xf32, #tpu.memory_space<vmem>>, vector<16xf32>,
      %add3A_616 = arith.constant 32 : i32
      %add3A_617 = vector.broadcast %add3A_616 : i32 to vector<16xi32>
      %add3A_618 = arith.addi %add3A_13, %add3A_617 : vector<16xi32>
      tpu.vector_store_idx %arg9[%add3A_618], %get3A_597 : memref<4096xf32, #tpu.memory_space<vmem>>[vector<16xi32>], vector<16xf32>,
      %add3A_619 = arith.constant 32 : i32
      %add3A_620 = vector.broadcast %add3A_619 : i32 to vector<16xi32>
      %add3A_621 = arith.addi %add3A_20, %add3A_620 : vector<16xi32>
      tpu.vector_store_idx %arg9[%add3A_621], %get3A_601 : memref<4096xf32, #tpu.memory_space<vmem>>[vector<16xi32>], vector<16xf32>,
      %get3A_622 = arith.constant 34 : i32
      %get3A_623 = arith.index_cast %get3A_622 : i32 to index
      %get3A_624 = arith.constant 0 : index
      %get3A_625 = tpu.vector_load %arg7[%get3A_623, %get3A_624] {strides = array<i32>} : memref<128x32xf32, #tpu.memory_space<vmem>>, vector<16xf32>,
      %get3A_626 = arith.constant 34 : i32
      %get3A_627 = arith.index_cast %get3A_626 : i32 to index
      %get3A_628 = arith.constant 16 : index
      %get3A_629 = tpu.vector_load %arg7[%get3A_627, %get3A_628] {strides = array<i32>} : memref<128x32xf32, #tpu.memory_space<vmem>>, vector<16xf32>,
      %add3A_630 = arith.constant 33 : i32
      %add3A_631 = vector.broadcast %add3A_630 : i32 to vector<16xi32>
      %add3A_632 = arith.addi %add3A_13, %add3A_631 : vector<16xi32>
      tpu.vector_store_idx %arg9[%add3A_632], %get3A_611 : memref<4096xf32, #tpu.memory_space<vmem>>[vector<16xi32>], vector<16xf32>,
      %add3A_633 = arith.constant 33 : i32
      %add3A_634 = vector.broadcast %add3A_633 : i32 to vector<16xi32>
      %add3A_635 = arith.addi %add3A_20, %add3A_634 : vector<16xi32>
      tpu.vector_store_idx %arg9[%add3A_635], %get3A_615 : memref<4096xf32, #tpu.memory_space<vmem>>[vector<16xi32>], vector<16xf32>,
      %get3A_636 = arith.constant 35 : i32
      %get3A_637 = arith.index_cast %get3A_636 : i32 to index
      %get3A_638 = arith.constant 0 : index
      %get3A_639 = tpu.vector_load %arg7[%get3A_637, %get3A_638] {strides = array<i32>} : memref<128x32xf32, #tpu.memory_space<vmem>>, vector<16xf32>,
      %get3A_640 = arith.constant 35 : i32
      %get3A_641 = arith.index_cast %get3A_640 : i32 to index
      %get3A_642 = arith.constant 16 : index
      %get3A_643 = tpu.vector_load %arg7[%get3A_641, %get3A_642] {strides = array<i32>} : memref<128x32xf32, #tpu.memory_space<vmem>>, vector<16xf32>,
      %add3A_644 = arith.constant 34 : i32
      %add3A_645 = vector.broadcast %add3A_644 : i32 to vector<16xi32>
      %add3A_646 = arith.addi %add3A_13, %add3A_645 : vector<16xi32>
      tpu.vector_store_idx %arg9[%add3A_646], %get3A_625 : memref<4096xf32, #tpu.memory_space<vmem>>[vector<16xi32>], vector<16xf32>,
      %add3A_647 = arith.constant 34 : i32
      %add3A_648 = vector.broadcast %add3A_647 : i32 to vector<16xi32>
      %add3A_649 = arith.addi %add3A_20, %add3A_648 : vector<16xi32>
      tpu.vector_store_idx %arg9[%add3A_649], %get3A_629 : memref<4096xf32, #tpu.memory_space<vmem>>[vector<16xi32>], vector<16xf32>,
      %get3A_650 = arith.constant 36 : i32
      %get3A_651 = arith.index_cast %get3A_650 : i32 to index
      %get3A_652 = arith.constant 0 : index
      %get3A_653 = tpu.vector_load %arg7[%get3A_651, %get3A_652] {strides = array<i32>} : memref<128x32xf32, #tpu.memory_space<vmem>>, vector<16xf32>,
      %get3A_654 = arith.constant 36 : i32
      %get3A_655 = arith.index_cast %get3A_654 : i32 to index
      %get3A_656 = arith.constant 16 : index
      %get3A_657 = tpu.vector_load %arg7[%get3A_655, %get3A_656] {strides = array<i32>} : memref<128x32xf32, #tpu.memory_space<vmem>>, vector<16xf32>,
      %add3A_658 = arith.constant 35 : i32
      %add3A_659 = vector.broadcast %add3A_658 : i32 to vector<16xi32>
      %add3A_660 = arith.addi %add3A_13, %add3A_659 : vector<16xi32>
      tpu.vector_store_idx %arg9[%add3A_660], %get3A_639 : memref<4096xf32, #tpu.memory_space<vmem>>[vector<16xi32>], vector<16xf32>,
      %add3A_661 = arith.constant 35 : i32
      %add3A_662 = vector.broadcast %add3A_661 : i32 to vector<16xi32>
      %add3A_663 = arith.addi %add3A_20, %add3A_662 : vector<16xi32>
      tpu.vector_store_idx %arg9[%add3A_663], %get3A_643 : memref<4096xf32, #tpu.memory_space<vmem>>[vector<16xi32>], vector<16xf32>,
      %get3A_664 = arith.constant 37 : i32
      %get3A_665 = arith.index_cast %get3A_664 : i32 to index
      %get3A_666 = arith.constant 0 : index
      %get3A_667 = tpu.vector_load %arg7[%get3A_665, %get3A_666] {strides = array<i32>} : memref<128x32xf32, #tpu.memory_space<vmem>>, vector<16xf32>,
      %get3A_668 = arith.constant 37 : i32
      %get3A_669 = arith.index_cast %get3A_668 : i32 to index
      %get3A_670 = arith.constant 16 : index
      %get3A_671 = tpu.vector_load %arg7[%get3A_669, %get3A_670] {strides = array<i32>} : memref<128x32xf32, #tpu.memory_space<vmem>>, vector<16xf32>,
      %add3A_672 = arith.constant 36 : i32
      %add3A_673 = vector.broadcast %add3A_672 : i32 to vector<16xi32>
      %add3A_674 = arith.addi %add3A_13, %add3A_673 : vector<16xi32>
      tpu.vector_store_idx %arg9[%add3A_674], %get3A_653 : memref<4096xf32, #tpu.memory_space<vmem>>[vector<16xi32>], vector<16xf32>,
      %add3A_675 = arith.constant 36 : i32
      %add3A_676 = vector.broadcast %add3A_675 : i32 to vector<16xi32>
      %add3A_677 = arith.addi %add3A_20, %add3A_676 : vector<16xi32>
      tpu.vector_store_idx %arg9[%add3A_677], %get3A_657 : memref<4096xf32, #tpu.memory_space<vmem>>[vector<16xi32>], vector<16xf32>,
      %get3A_678 = arith.constant 38 : i32
      %get3A_679 = arith.index_cast %get3A_678 : i32 to index
      %get3A_680 = arith.constant 0 : index
      %get3A_681 = tpu.vector_load %arg7[%get3A_679, %get3A_680] {strides = array<i32>} : memref<128x32xf32, #tpu.memory_space<vmem>>, vector<16xf32>,
      %get3A_682 = arith.constant 38 : i32
      %get3A_683 = arith.index_cast %get3A_682 : i32 to index
      %get3A_684 = arith.constant 16 : index
      %get3A_685 = tpu.vector_load %arg7[%get3A_683, %get3A_684] {strides = array<i32>} : memref<128x32xf32, #tpu.memory_space<vmem>>, vector<16xf32>,
      %add3A_686 = arith.constant 37 : i32
      %add3A_687 = vector.broadcast %add3A_686 : i32 to vector<16xi32>
      %add3A_688 = arith.addi %add3A_13, %add3A_687 : vector<16xi32>
      tpu.vector_store_idx %arg9[%add3A_688], %get3A_667 : memref<4096xf32, #tpu.memory_space<vmem>>[vector<16xi32>], vector<16xf32>,
      %add3A_689 = arith.constant 37 : i32
      %add3A_690 = vector.broadcast %add3A_689 : i32 to vector<16xi32>
      %add3A_691 = arith.addi %add3A_20, %add3A_690 : vector<16xi32>
      tpu.vector_store_idx %arg9[%add3A_691], %get3A_671 : memref<4096xf32, #tpu.memory_space<vmem>>[vector<16xi32>], vector<16xf32>,
      %get3A_692 = arith.constant 39 : i32
      %get3A_693 = arith.index_cast %get3A_692 : i32 to index
      %get3A_694 = arith.constant 0 : index
      %get3A_695 = tpu.vector_load %arg7[%get3A_693, %get3A_694] {strides = array<i32>} : memref<128x32xf32, #tpu.memory_space<vmem>>, vector<16xf32>,
      %get3A_696 = arith.constant 39 : i32
      %get3A_697 = arith.index_cast %get3A_696 : i32 to index
      %get3A_698 = arith.constant 16 : index
      %get3A_699 = tpu.vector_load %arg7[%get3A_697, %get3A_698] {strides = array<i32>} : memref<128x32xf32, #tpu.memory_space<vmem>>, vector<16xf32>,
      %add3A_700 = arith.constant 38 : i32
      %add3A_701 = vector.broadcast %add3A_700 : i32 to vector<16xi32>
      %add3A_702 = arith.addi %add3A_13, %add3A_701 : vector<16xi32>
      tpu.vector_store_idx %arg9[%add3A_702], %get3A_681 : memref<4096xf32, #tpu.memory_space<vmem>>[vector<16xi32>], vector<16xf32>,
      %add3A_703 = arith.constant 38 : i32
      %add3A_704 = vector.broadcast %add3A_703 : i32 to vector<16xi32>
      %add3A_705 = arith.addi %add3A_20, %add3A_704 : vector<16xi32>
      tpu.vector_store_idx %arg9[%add3A_705], %get3A_685 : memref<4096xf32, #tpu.memory_space<vmem>>[vector<16xi32>], vector<16xf32>,
      %get3A_706 = arith.constant 40 : i32
      %get3A_707 = arith.index_cast %get3A_706 : i32 to index
      %get3A_708 = arith.constant 0 : index
      %get3A_709 = tpu.vector_load %arg7[%get3A_707, %get3A_708] {strides = array<i32>} : memref<128x32xf32, #tpu.memory_space<vmem>>, vector<16xf32>,
      %get3A_710 = arith.constant 40 : i32
      %get3A_711 = arith.index_cast %get3A_710 : i32 to index
      %get3A_712 = arith.constant 16 : index
      %get3A_713 = tpu.vector_load %arg7[%get3A_711, %get3A_712] {strides = array<i32>} : memref<128x32xf32, #tpu.memory_space<vmem>>, vector<16xf32>,
      %add3A_714 = arith.constant 39 : i32
      %add3A_715 = vector.broadcast %add3A_714 : i32 to vector<16xi32>
      %add3A_716 = arith.addi %add3A_13, %add3A_715 : vector<16xi32>
      tpu.vector_store_idx %arg9[%add3A_716], %get3A_695 : memref<4096xf32, #tpu.memory_space<vmem>>[vector<16xi32>], vector<16xf32>,
      %add3A_717 = arith.constant 39 : i32
      %add3A_718 = vector.broadcast %add3A_717 : i32 to vector<16xi32>
      %add3A_719 = arith.addi %add3A_20, %add3A_718 : vector<16xi32>
      tpu.vector_store_idx %arg9[%add3A_719], %get3A_699 : memref<4096xf32, #tpu.memory_space<vmem>>[vector<16xi32>], vector<16xf32>,
      %get3A_720 = arith.constant 41 : i32
      %get3A_721 = arith.index_cast %get3A_720 : i32 to index
      %get3A_722 = arith.constant 0 : index
      %get3A_723 = tpu.vector_load %arg7[%get3A_721, %get3A_722] {strides = array<i32>} : memref<128x32xf32, #tpu.memory_space<vmem>>, vector<16xf32>,
      %get3A_724 = arith.constant 41 : i32
      %get3A_725 = arith.index_cast %get3A_724 : i32 to index
      %get3A_726 = arith.constant 16 : index
      %get3A_727 = tpu.vector_load %arg7[%get3A_725, %get3A_726] {strides = array<i32>} : memref<128x32xf32, #tpu.memory_space<vmem>>, vector<16xf32>,
      %add3A_728 = arith.constant 40 : i32
      %add3A_729 = vector.broadcast %add3A_728 : i32 to vector<16xi32>
      %add3A_730 = arith.addi %add3A_13, %add3A_729 : vector<16xi32>
      tpu.vector_store_idx %arg9[%add3A_730], %get3A_709 : memref<4096xf32, #tpu.memory_space<vmem>>[vector<16xi32>], vector<16xf32>,
      %add3A_731 = arith.constant 40 : i32
      %add3A_732 = vector.broadcast %add3A_731 : i32 to vector<16xi32>
      %add3A_733 = arith.addi %add3A_20, %add3A_732 : vector<16xi32>
      tpu.vector_store_idx %arg9[%add3A_733], %get3A_713 : memref<4096xf32, #tpu.memory_space<vmem>>[vector<16xi32>], vector<16xf32>,
      %get3A_734 = arith.constant 42 : i32
      %get3A_735 = arith.index_cast %get3A_734 : i32 to index
      %get3A_736 = arith.constant 0 : index
      %get3A_737 = tpu.vector_load %arg7[%get3A_735, %get3A_736] {strides = array<i32>} : memref<128x32xf32, #tpu.memory_space<vmem>>, vector<16xf32>,
      %get3A_738 = arith.constant 42 : i32
      %get3A_739 = arith.index_cast %get3A_738 : i32 to index
      %get3A_740 = arith.constant 16 : index
      %get3A_741 = tpu.vector_load %arg7[%get3A_739, %get3A_740] {strides = array<i32>} : memref<128x32xf32, #tpu.memory_space<vmem>>, vector<16xf32>,
      %add3A_742 = arith.constant 41 : i32
      %add3A_743 = vector.broadcast %add3A_742 : i32 to vector<16xi32>
      %add3A_744 = arith.addi %add3A_13, %add3A_743 : vector<16xi32>
      tpu.vector_store_idx %arg9[%add3A_744], %get3A_723 : memref<4096xf32, #tpu.memory_space<vmem>>[vector<16xi32>], vector<16xf32>,
      %add3A_745 = arith.constant 41 : i32
      %add3A_746 = vector.broadcast %add3A_745 : i32 to vector<16xi32>
      %add3A_747 = arith.addi %add3A_20, %add3A_746 : vector<16xi32>
      tpu.vector_store_idx %arg9[%add3A_747], %get3A_727 : memref<4096xf32, #tpu.memory_space<vmem>>[vector<16xi32>], vector<16xf32>,
      %get3A_748 = arith.constant 43 : i32
      %get3A_749 = arith.index_cast %get3A_748 : i32 to index
      %get3A_750 = arith.constant 0 : index
      %get3A_751 = tpu.vector_load %arg7[%get3A_749, %get3A_750] {strides = array<i32>} : memref<128x32xf32, #tpu.memory_space<vmem>>, vector<16xf32>,
      %get3A_752 = arith.constant 43 : i32
      %get3A_753 = arith.index_cast %get3A_752 : i32 to index
      %get3A_754 = arith.constant 16 : index
      %get3A_755 = tpu.vector_load %arg7[%get3A_753, %get3A_754] {strides = array<i32>} : memref<128x32xf32, #tpu.memory_space<vmem>>, vector<16xf32>,
      %add3A_756 = arith.constant 42 : i32
      %add3A_757 = vector.broadcast %add3A_756 : i32 to vector<16xi32>
      %add3A_758 = arith.addi %add3A_13, %add3A_757 : vector<16xi32>
      tpu.vector_store_idx %arg9[%add3A_758], %get3A_737 : memref<4096xf32, #tpu.memory_space<vmem>>[vector<16xi32>], vector<16xf32>,
      %add3A_759 = arith.constant 42 : i32
      %add3A_760 = vector.broadcast %add3A_759 : i32 to vector<16xi32>
      %add3A_761 = arith.addi %add3A_20, %add3A_760 : vector<16xi32>
      tpu.vector_store_idx %arg9[%add3A_761], %get3A_741 : memref<4096xf32, #tpu.memory_space<vmem>>[vector<16xi32>], vector<16xf32>,
      %get3A_762 = arith.constant 44 : i32
      %get3A_763 = arith.index_cast %get3A_762 : i32 to index
      %get3A_764 = arith.constant 0 : index
      %get3A_765 = tpu.vector_load %arg7[%get3A_763, %get3A_764] {strides = array<i32>} : memref<128x32xf32, #tpu.memory_space<vmem>>, vector<16xf32>,
      %get3A_766 = arith.constant 44 : i32
      %get3A_767 = arith.index_cast %get3A_766 : i32 to index
      %get3A_768 = arith.constant 16 : index
      %get3A_769 = tpu.vector_load %arg7[%get3A_767, %get3A_768] {strides = array<i32>} : memref<128x32xf32, #tpu.memory_space<vmem>>, vector<16xf32>,
      %add3A_770 = arith.constant 43 : i32
      %add3A_771 = vector.broadcast %add3A_770 : i32 to vector<16xi32>
      %add3A_772 = arith.addi %add3A_13, %add3A_771 : vector<16xi32>
      tpu.vector_store_idx %arg9[%add3A_772], %get3A_751 : memref<4096xf32, #tpu.memory_space<vmem>>[vector<16xi32>], vector<16xf32>,
      %add3A_773 = arith.constant 43 : i32
      %add3A_774 = vector.broadcast %add3A_773 : i32 to vector<16xi32>
      %add3A_775 = arith.addi %add3A_20, %add3A_774 : vector<16xi32>
      tpu.vector_store_idx %arg9[%add3A_775], %get3A_755 : memref<4096xf32, #tpu.memory_space<vmem>>[vector<16xi32>], vector<16xf32>,
      %get3A_776 = arith.constant 45 : i32
      %get3A_777 = arith.index_cast %get3A_776 : i32 to index
      %get3A_778 = arith.constant 0 : index
      %get3A_779 = tpu.vector_load %arg7[%get3A_777, %get3A_778] {strides = array<i32>} : memref<128x32xf32, #tpu.memory_space<vmem>>, vector<16xf32>,
      %get3A_780 = arith.constant 45 : i32
      %get3A_781 = arith.index_cast %get3A_780 : i32 to index
      %get3A_782 = arith.constant 16 : index
      %get3A_783 = tpu.vector_load %arg7[%get3A_781, %get3A_782] {strides = array<i32>} : memref<128x32xf32, #tpu.memory_space<vmem>>, vector<16xf32>,
      %add3A_784 = arith.constant 44 : i32
      %add3A_785 = vector.broadcast %add3A_784 : i32 to vector<16xi32>
      %add3A_786 = arith.addi %add3A_13, %add3A_785 : vector<16xi32>
      tpu.vector_store_idx %arg9[%add3A_786], %get3A_765 : memref<4096xf32, #tpu.memory_space<vmem>>[vector<16xi32>], vector<16xf32>,
      %add3A_787 = arith.constant 44 : i32
      %add3A_788 = vector.broadcast %add3A_787 : i32 to vector<16xi32>
      %add3A_789 = arith.addi %add3A_20, %add3A_788 : vector<16xi32>
      tpu.vector_store_idx %arg9[%add3A_789], %get3A_769 : memref<4096xf32, #tpu.memory_space<vmem>>[vector<16xi32>], vector<16xf32>,
      %get3A_790 = arith.constant 46 : i32
      %get3A_791 = arith.index_cast %get3A_790 : i32 to index
      %get3A_792 = arith.constant 0 : index
      %get3A_793 = tpu.vector_load %arg7[%get3A_791, %get3A_792] {strides = array<i32>} : memref<128x32xf32, #tpu.memory_space<vmem>>, vector<16xf32>,
      %get3A_794 = arith.constant 46 : i32
      %get3A_795 = arith.index_cast %get3A_794 : i32 to index
      %get3A_796 = arith.constant 16 : index
      %get3A_797 = tpu.vector_load %arg7[%get3A_795, %get3A_796] {strides = array<i32>} : memref<128x32xf32, #tpu.memory_space<vmem>>, vector<16xf32>,
      %add3A_798 = arith.constant 45 : i32
      %add3A_799 = vector.broadcast %add3A_798 : i32 to vector<16xi32>
      %add3A_800 = arith.addi %add3A_13, %add3A_799 : vector<16xi32>
      tpu.vector_store_idx %arg9[%add3A_800], %get3A_779 : memref<4096xf32, #tpu.memory_space<vmem>>[vector<16xi32>], vector<16xf32>,
      %add3A_801 = arith.constant 45 : i32
      %add3A_802 = vector.broadcast %add3A_801 : i32 to vector<16xi32>
      %add3A_803 = arith.addi %add3A_20, %add3A_802 : vector<16xi32>
      tpu.vector_store_idx %arg9[%add3A_803], %get3A_783 : memref<4096xf32, #tpu.memory_space<vmem>>[vector<16xi32>], vector<16xf32>,
      %get3A_804 = arith.constant 47 : i32
      %get3A_805 = arith.index_cast %get3A_804 : i32 to index
      %get3A_806 = arith.constant 0 : index
      %get3A_807 = tpu.vector_load %arg7[%get3A_805, %get3A_806] {strides = array<i32>} : memref<128x32xf32, #tpu.memory_space<vmem>>, vector<16xf32>,
      %get3A_808 = arith.constant 47 : i32
      %get3A_809 = arith.index_cast %get3A_808 : i32 to index
      %get3A_810 = arith.constant 16 : index
      %get3A_811 = tpu.vector_load %arg7[%get3A_809, %get3A_810] {strides = array<i32>} : memref<128x32xf32, #tpu.memory_space<vmem>>, vector<16xf32>,
      %add3A_812 = arith.constant 46 : i32
      %add3A_813 = vector.broadcast %add3A_812 : i32 to vector<16xi32>
      %add3A_814 = arith.addi %add3A_13, %add3A_813 : vector<16xi32>
      tpu.vector_store_idx %arg9[%add3A_814], %get3A_793 : memref<4096xf32, #tpu.memory_space<vmem>>[vector<16xi32>], vector<16xf32>,
      %add3A_815 = arith.constant 46 : i32
      %add3A_816 = vector.broadcast %add3A_815 : i32 to vector<16xi32>
      %add3A_817 = arith.addi %add3A_20, %add3A_816 : vector<16xi32>
      tpu.vector_store_idx %arg9[%add3A_817], %get3A_797 : memref<4096xf32, #tpu.memory_space<vmem>>[vector<16xi32>], vector<16xf32>,
      %get3A_818 = arith.constant 48 : i32
      %get3A_819 = arith.index_cast %get3A_818 : i32 to index
      %get3A_820 = arith.constant 0 : index
      %get3A_821 = tpu.vector_load %arg7[%get3A_819, %get3A_820] {strides = array<i32>} : memref<128x32xf32, #tpu.memory_space<vmem>>, vector<16xf32>,
      %get3A_822 = arith.constant 48 : i32
      %get3A_823 = arith.index_cast %get3A_822 : i32 to index
      %get3A_824 = arith.constant 16 : index
      %get3A_825 = tpu.vector_load %arg7[%get3A_823, %get3A_824] {strides = array<i32>} : memref<128x32xf32, #tpu.memory_space<vmem>>, vector<16xf32>,
      %add3A_826 = arith.constant 47 : i32
      %add3A_827 = vector.broadcast %add3A_826 : i32 to vector<16xi32>
      %add3A_828 = arith.addi %add3A_13, %add3A_827 : vector<16xi32>
      tpu.vector_store_idx %arg9[%add3A_828], %get3A_807 : memref<4096xf32, #tpu.memory_space<vmem>>[vector<16xi32>], vector<16xf32>,
      %add3A_829 = arith.constant 47 : i32
      %add3A_830 = vector.broadcast %add3A_829 : i32 to vector<16xi32>
      %add3A_831 = arith.addi %add3A_20, %add3A_830 : vector<16xi32>
      tpu.vector_store_idx %arg9[%add3A_831], %get3A_811 : memref<4096xf32, #tpu.memory_space<vmem>>[vector<16xi32>], vector<16xf32>,
      %get3A_832 = arith.constant 49 : i32
      %get3A_833 = arith.index_cast %get3A_832 : i32 to index
      %get3A_834 = arith.constant 0 : index
      %get3A_835 = tpu.vector_load %arg7[%get3A_833, %get3A_834] {strides = array<i32>} : memref<128x32xf32, #tpu.memory_space<vmem>>, vector<16xf32>,
      %get3A_836 = arith.constant 49 : i32
      %get3A_837 = arith.index_cast %get3A_836 : i32 to index
      %get3A_838 = arith.constant 16 : index
      %get3A_839 = tpu.vector_load %arg7[%get3A_837, %get3A_838] {strides = array<i32>} : memref<128x32xf32, #tpu.memory_space<vmem>>, vector<16xf32>,
      %add3A_840 = arith.constant 48 : i32
      %add3A_841 = vector.broadcast %add3A_840 : i32 to vector<16xi32>
      %add3A_842 = arith.addi %add3A_13, %add3A_841 : vector<16xi32>
      tpu.vector_store_idx %arg9[%add3A_842], %get3A_821 : memref<4096xf32, #tpu.memory_space<vmem>>[vector<16xi32>], vector<16xf32>,
      %add3A_843 = arith.constant 48 : i32
      %add3A_844 = vector.broadcast %add3A_843 : i32 to vector<16xi32>
      %add3A_845 = arith.addi %add3A_20, %add3A_844 : vector<16xi32>
      tpu.vector_store_idx %arg9[%add3A_845], %get3A_825 : memref<4096xf32, #tpu.memory_space<vmem>>[vector<16xi32>], vector<16xf32>,
      %get3A_846 = arith.constant 50 : i32
      %get3A_847 = arith.index_cast %get3A_846 : i32 to index
      %get3A_848 = arith.constant 0 : index
      %get3A_849 = tpu.vector_load %arg7[%get3A_847, %get3A_848] {strides = array<i32>} : memref<128x32xf32, #tpu.memory_space<vmem>>, vector<16xf32>,
      %get3A_850 = arith.constant 50 : i32
      %get3A_851 = arith.index_cast %get3A_850 : i32 to index
      %get3A_852 = arith.constant 16 : index
      %get3A_853 = tpu.vector_load %arg7[%get3A_851, %get3A_852] {strides = array<i32>} : memref<128x32xf32, #tpu.memory_space<vmem>>, vector<16xf32>,
      %add3A_854 = arith.constant 49 : i32
      %add3A_855 = vector.broadcast %add3A_854 : i32 to vector<16xi32>
      %add3A_856 = arith.addi %add3A_13, %add3A_855 : vector<16xi32>
      tpu.vector_store_idx %arg9[%add3A_856], %get3A_835 : memref<4096xf32, #tpu.memory_space<vmem>>[vector<16xi32>], vector<16xf32>,
      %add3A_857 = arith.constant 49 : i32
      %add3A_858 = vector.broadcast %add3A_857 : i32 to vector<16xi32>
      %add3A_859 = arith.addi %add3A_20, %add3A_858 : vector<16xi32>
      tpu.vector_store_idx %arg9[%add3A_859], %get3A_839 : memref<4096xf32, #tpu.memory_space<vmem>>[vector<16xi32>], vector<16xf32>,
      %get3A_860 = arith.constant 51 : i32
      %get3A_861 = arith.index_cast %get3A_860 : i32 to index
      %get3A_862 = arith.constant 0 : index
      %get3A_863 = tpu.vector_load %arg7[%get3A_861, %get3A_862] {strides = array<i32>} : memref<128x32xf32, #tpu.memory_space<vmem>>, vector<16xf32>,
      %get3A_864 = arith.constant 51 : i32
      %get3A_865 = arith.index_cast %get3A_864 : i32 to index
      %get3A_866 = arith.constant 16 : index
      %get3A_867 = tpu.vector_load %arg7[%get3A_865, %get3A_866] {strides = array<i32>} : memref<128x32xf32, #tpu.memory_space<vmem>>, vector<16xf32>,
      %add3A_868 = arith.constant 50 : i32
      %add3A_869 = vector.broadcast %add3A_868 : i32 to vector<16xi32>
      %add3A_870 = arith.addi %add3A_13, %add3A_869 : vector<16xi32>
      tpu.vector_store_idx %arg9[%add3A_870], %get3A_849 : memref<4096xf32, #tpu.memory_space<vmem>>[vector<16xi32>], vector<16xf32>,
      %add3A_871 = arith.constant 50 : i32
      %add3A_872 = vector.broadcast %add3A_871 : i32 to vector<16xi32>
      %add3A_873 = arith.addi %add3A_20, %add3A_872 : vector<16xi32>
      tpu.vector_store_idx %arg9[%add3A_873], %get3A_853 : memref<4096xf32, #tpu.memory_space<vmem>>[vector<16xi32>], vector<16xf32>,
      %get3A_874 = arith.constant 52 : i32
      %get3A_875 = arith.index_cast %get3A_874 : i32 to index
      %get3A_876 = arith.constant 0 : index
      %get3A_877 = tpu.vector_load %arg7[%get3A_875, %get3A_876] {strides = array<i32>} : memref<128x32xf32, #tpu.memory_space<vmem>>, vector<16xf32>,
      %get3A_878 = arith.constant 52 : i32
      %get3A_879 = arith.index_cast %get3A_878 : i32 to index
      %get3A_880 = arith.constant 16 : index
      %get3A_881 = tpu.vector_load %arg7[%get3A_879, %get3A_880] {strides = array<i32>} : memref<128x32xf32, #tpu.memory_space<vmem>>, vector<16xf32>,
      %add3A_882 = arith.constant 51 : i32
      %add3A_883 = vector.broadcast %add3A_882 : i32 to vector<16xi32>
      %add3A_884 = arith.addi %add3A_13, %add3A_883 : vector<16xi32>
      tpu.vector_store_idx %arg9[%add3A_884], %get3A_863 : memref<4096xf32, #tpu.memory_space<vmem>>[vector<16xi32>], vector<16xf32>,
      %add3A_885 = arith.constant 51 : i32
      %add3A_886 = vector.broadcast %add3A_885 : i32 to vector<16xi32>
      %add3A_887 = arith.addi %add3A_20, %add3A_886 : vector<16xi32>
      tpu.vector_store_idx %arg9[%add3A_887], %get3A_867 : memref<4096xf32, #tpu.memory_space<vmem>>[vector<16xi32>], vector<16xf32>,
      %get3A_888 = arith.constant 53 : i32
      %get3A_889 = arith.index_cast %get3A_888 : i32 to index
      %get3A_890 = arith.constant 0 : index
      %get3A_891 = tpu.vector_load %arg7[%get3A_889, %get3A_890] {strides = array<i32>} : memref<128x32xf32, #tpu.memory_space<vmem>>, vector<16xf32>,
      %get3A_892 = arith.constant 53 : i32
      %get3A_893 = arith.index_cast %get3A_892 : i32 to index
      %get3A_894 = arith.constant 16 : index
      %get3A_895 = tpu.vector_load %arg7[%get3A_893, %get3A_894] {strides = array<i32>} : memref<128x32xf32, #tpu.memory_space<vmem>>, vector<16xf32>,
      %add3A_896 = arith.constant 52 : i32
      %add3A_897 = vector.broadcast %add3A_896 : i32 to vector<16xi32>
      %add3A_898 = arith.addi %add3A_13, %add3A_897 : vector<16xi32>
      tpu.vector_store_idx %arg9[%add3A_898], %get3A_877 : memref<4096xf32, #tpu.memory_space<vmem>>[vector<16xi32>], vector<16xf32>,
      %add3A_899 = arith.constant 52 : i32
      %add3A_900 = vector.broadcast %add3A_899 : i32 to vector<16xi32>
      %add3A_901 = arith.addi %add3A_20, %add3A_900 : vector<16xi32>
      tpu.vector_store_idx %arg9[%add3A_901], %get3A_881 : memref<4096xf32, #tpu.memory_space<vmem>>[vector<16xi32>], vector<16xf32>,
      %get3A_902 = arith.constant 54 : i32
      %get3A_903 = arith.index_cast %get3A_902 : i32 to index
      %get3A_904 = arith.constant 0 : index
      %get3A_905 = tpu.vector_load %arg7[%get3A_903, %get3A_904] {strides = array<i32>} : memref<128x32xf32, #tpu.memory_space<vmem>>, vector<16xf32>,
      %get3A_906 = arith.constant 54 : i32
      %get3A_907 = arith.index_cast %get3A_906 : i32 to index
      %get3A_908 = arith.constant 16 : index
      %get3A_909 = tpu.vector_load %arg7[%get3A_907, %get3A_908] {strides = array<i32>} : memref<128x32xf32, #tpu.memory_space<vmem>>, vector<16xf32>,
      %add3A_910 = arith.constant 53 : i32
      %add3A_911 = vector.broadcast %add3A_910 : i32 to vector<16xi32>
      %add3A_912 = arith.addi %add3A_13, %add3A_911 : vector<16xi32>
      tpu.vector_store_idx %arg9[%add3A_912], %get3A_891 : memref<4096xf32, #tpu.memory_space<vmem>>[vector<16xi32>], vector<16xf32>,
      %add3A_913 = arith.constant 53 : i32
      %add3A_914 = vector.broadcast %add3A_913 : i32 to vector<16xi32>
      %add3A_915 = arith.addi %add3A_20, %add3A_914 : vector<16xi32>
      tpu.vector_store_idx %arg9[%add3A_915], %get3A_895 : memref<4096xf32, #tpu.memory_space<vmem>>[vector<16xi32>], vector<16xf32>,
      %get3A_916 = arith.constant 55 : i32
      %get3A_917 = arith.index_cast %get3A_916 : i32 to index
      %get3A_918 = arith.constant 0 : index
      %get3A_919 = tpu.vector_load %arg7[%get3A_917, %get3A_918] {strides = array<i32>} : memref<128x32xf32, #tpu.memory_space<vmem>>, vector<16xf32>,
      %get3A_920 = arith.constant 55 : i32
      %get3A_921 = arith.index_cast %get3A_920 : i32 to index
      %get3A_922 = arith.constant 16 : index
      %get3A_923 = tpu.vector_load %arg7[%get3A_921, %get3A_922] {strides = array<i32>} : memref<128x32xf32, #tpu.memory_space<vmem>>, vector<16xf32>,
      %add3A_924 = arith.constant 54 : i32
      %add3A_925 = vector.broadcast %add3A_924 : i32 to vector<16xi32>
      %add3A_926 = arith.addi %add3A_13, %add3A_925 : vector<16xi32>
      tpu.vector_store_idx %arg9[%add3A_926], %get3A_905 : memref<4096xf32, #tpu.memory_space<vmem>>[vector<16xi32>], vector<16xf32>,
      %add3A_927 = arith.constant 54 : i32
      %add3A_928 = vector.broadcast %add3A_927 : i32 to vector<16xi32>
      %add3A_929 = arith.addi %add3A_20, %add3A_928 : vector<16xi32>
      tpu.vector_store_idx %arg9[%add3A_929], %get3A_909 : memref<4096xf32, #tpu.memory_space<vmem>>[vector<16xi32>], vector<16xf32>,
      %get3A_930 = arith.constant 56 : i32
      %get3A_931 = arith.index_cast %get3A_930 : i32 to index
      %get3A_932 = arith.constant 0 : index
      %get3A_933 = tpu.vector_load %arg7[%get3A_931, %get3A_932] {strides = array<i32>} : memref<128x32xf32, #tpu.memory_space<vmem>>, vector<16xf32>,
      %get3A_934 = arith.constant 56 : i32
      %get3A_935 = arith.index_cast %get3A_934 : i32 to index
      %get3A_936 = arith.constant 16 : index
      %get3A_937 = tpu.vector_load %arg7[%get3A_935, %get3A_936] {strides = array<i32>} : memref<128x32xf32, #tpu.memory_space<vmem>>, vector<16xf32>,
      %add3A_938 = arith.constant 55 : i32
      %add3A_939 = vector.broadcast %add3A_938 : i32 to vector<16xi32>
      %add3A_940 = arith.addi %add3A_13, %add3A_939 : vector<16xi32>
      tpu.vector_store_idx %arg9[%add3A_940], %get3A_919 : memref<4096xf32, #tpu.memory_space<vmem>>[vector<16xi32>], vector<16xf32>,
      %add3A_941 = arith.constant 55 : i32
      %add3A_942 = vector.broadcast %add3A_941 : i32 to vector<16xi32>
      %add3A_943 = arith.addi %add3A_20, %add3A_942 : vector<16xi32>
      tpu.vector_store_idx %arg9[%add3A_943], %get3A_923 : memref<4096xf32, #tpu.memory_space<vmem>>[vector<16xi32>], vector<16xf32>,
      %get3A_944 = arith.constant 57 : i32
      %get3A_945 = arith.index_cast %get3A_944 : i32 to index
      %get3A_946 = arith.constant 0 : index
      %get3A_947 = tpu.vector_load %arg7[%get3A_945, %get3A_946] {strides = array<i32>} : memref<128x32xf32, #tpu.memory_space<vmem>>, vector<16xf32>,
      %get3A_948 = arith.constant 57 : i32
      %get3A_949 = arith.index_cast %get3A_948 : i32 to index
      %get3A_950 = arith.constant 16 : index
      %get3A_951 = tpu.vector_load %arg7[%get3A_949, %get3A_950] {strides = array<i32>} : memref<128x32xf32, #tpu.memory_space<vmem>>, vector<16xf32>,
      %add3A_952 = arith.constant 56 : i32
      %add3A_953 = vector.broadcast %add3A_952 : i32 to vector<16xi32>
      %add3A_954 = arith.addi %add3A_13, %add3A_953 : vector<16xi32>
      tpu.vector_store_idx %arg9[%add3A_954], %get3A_933 : memref<4096xf32, #tpu.memory_space<vmem>>[vector<16xi32>], vector<16xf32>,
      %add3A_955 = arith.constant 56 : i32
      %add3A_956 = vector.broadcast %add3A_955 : i32 to vector<16xi32>
      %add3A_957 = arith.addi %add3A_20, %add3A_956 : vector<16xi32>
      tpu.vector_store_idx %arg9[%add3A_957], %get3A_937 : memref<4096xf32, #tpu.memory_space<vmem>>[vector<16xi32>], vector<16xf32>,
      %get3A_958 = arith.constant 58 : i32
      %get3A_959 = arith.index_cast %get3A_958 : i32 to index
      %get3A_960 = arith.constant 0 : index
      %get3A_961 = tpu.vector_load %arg7[%get3A_959, %get3A_960] {strides = array<i32>} : memref<128x32xf32, #tpu.memory_space<vmem>>, vector<16xf32>,
      %get3A_962 = arith.constant 58 : i32
      %get3A_963 = arith.index_cast %get3A_962 : i32 to index
      %get3A_964 = arith.constant 16 : index
      %get3A_965 = tpu.vector_load %arg7[%get3A_963, %get3A_964] {strides = array<i32>} : memref<128x32xf32, #tpu.memory_space<vmem>>, vector<16xf32>,
      %add3A_966 = arith.constant 57 : i32
      %add3A_967 = vector.broadcast %add3A_966 : i32 to vector<16xi32>
      %add3A_968 = arith.addi %add3A_13, %add3A_967 : vector<16xi32>
      tpu.vector_store_idx %arg9[%add3A_968], %get3A_947 : memref<4096xf32, #tpu.memory_space<vmem>>[vector<16xi32>], vector<16xf32>,
      %add3A_969 = arith.constant 57 : i32
      %add3A_970 = vector.broadcast %add3A_969 : i32 to vector<16xi32>
      %add3A_971 = arith.addi %add3A_20, %add3A_970 : vector<16xi32>
      tpu.vector_store_idx %arg9[%add3A_971], %get3A_951 : memref<4096xf32, #tpu.memory_space<vmem>>[vector<16xi32>], vector<16xf32>,
      %get3A_972 = arith.constant 59 : i32
      %get3A_973 = arith.index_cast %get3A_972 : i32 to index
      %get3A_974 = arith.constant 0 : index
      %get3A_975 = tpu.vector_load %arg7[%get3A_973, %get3A_974] {strides = array<i32>} : memref<128x32xf32, #tpu.memory_space<vmem>>, vector<16xf32>,
      %get3A_976 = arith.constant 59 : i32
      %get3A_977 = arith.index_cast %get3A_976 : i32 to index
      %get3A_978 = arith.constant 16 : index
      %get3A_979 = tpu.vector_load %arg7[%get3A_977, %get3A_978] {strides = array<i32>} : memref<128x32xf32, #tpu.memory_space<vmem>>, vector<16xf32>,
      %add3A_980 = arith.constant 58 : i32
      %add3A_981 = vector.broadcast %add3A_980 : i32 to vector<16xi32>
      %add3A_982 = arith.addi %add3A_13, %add3A_981 : vector<16xi32>
      tpu.vector_store_idx %arg9[%add3A_982], %get3A_961 : memref<4096xf32, #tpu.memory_space<vmem>>[vector<16xi32>], vector<16xf32>,
      %add3A_983 = arith.constant 58 : i32
      %add3A_984 = vector.broadcast %add3A_983 : i32 to vector<16xi32>
      %add3A_985 = arith.addi %add3A_20, %add3A_984 : vector<16xi32>
      tpu.vector_store_idx %arg9[%add3A_985], %get3A_965 : memref<4096xf32, #tpu.memory_space<vmem>>[vector<16xi32>], vector<16xf32>,
      %get3A_986 = arith.constant 60 : i32
      %get3A_987 = arith.index_cast %get3A_986 : i32 to index
      %get3A_988 = arith.constant 0 : index
      %get3A_989 = tpu.vector_load %arg7[%get3A_987, %get3A_988] {strides = array<i32>} : memref<128x32xf32, #tpu.memory_space<vmem>>, vector<16xf32>,
      %get3A_990 = arith.constant 60 : i32
      %get3A_991 = arith.index_cast %get3A_990 : i32 to index
      %get3A_992 = arith.constant 16 : index
      %get3A_993 = tpu.vector_load %arg7[%get3A_991, %get3A_992] {strides = array<i32>} : memref<128x32xf32, #tpu.memory_space<vmem>>, vector<16xf32>,
      %add3A_994 = arith.constant 59 : i32
      %add3A_995 = vector.broadcast %add3A_994 : i32 to vector<16xi32>
      %add3A_996 = arith.addi %add3A_13, %add3A_995 : vector<16xi32>
      tpu.vector_store_idx %arg9[%add3A_996], %get3A_975 : memref<4096xf32, #tpu.memory_space<vmem>>[vector<16xi32>], vector<16xf32>,
      %add3A_997 = arith.constant 59 : i32
      %add3A_998 = vector.broadcast %add3A_997 : i32 to vector<16xi32>
      %add3A_999 = arith.addi %add3A_20, %add3A_998 : vector<16xi32>
      tpu.vector_store_idx %arg9[%add3A_999], %get3A_979 : memref<4096xf32, #tpu.memory_space<vmem>>[vector<16xi32>], vector<16xf32>,
      %get3A_1000 = arith.constant 61 : i32
      %get3A_1001 = arith.index_cast %get3A_1000 : i32 to index
      %get3A_1002 = arith.constant 0 : index
      %get3A_1003 = tpu.vector_load %arg7[%get3A_1001, %get3A_1002] {strides = array<i32>} : memref<128x32xf32, #tpu.memory_space<vmem>>, vector<16xf32>,
      %get3A_1004 = arith.constant 61 : i32
      %get3A_1005 = arith.index_cast %get3A_1004 : i32 to index
      %get3A_1006 = arith.constant 16 : index
      %get3A_1007 = tpu.vector_load %arg7[%get3A_1005, %get3A_1006] {strides = array<i32>} : memref<128x32xf32, #tpu.memory_space<vmem>>, vector<16xf32>,
      %add3A_1008 = arith.constant 60 : i32
      %add3A_1009 = vector.broadcast %add3A_1008 : i32 to vector<16xi32>
      %add3A_1010 = arith.addi %add3A_13, %add3A_1009 : vector<16xi32>
      tpu.vector_store_idx %arg9[%add3A_1010], %get3A_989 : memref<4096xf32, #tpu.memory_space<vmem>>[vector<16xi32>], vector<16xf32>,
      %add3A_1011 = arith.constant 60 : i32
      %add3A_1012 = vector.broadcast %add3A_1011 : i32 to vector<16xi32>
      %add3A_1013 = arith.addi %add3A_20, %add3A_1012 : vector<16xi32>
      tpu.vector_store_idx %arg9[%add3A_1013], %get3A_993 : memref<4096xf32, #tpu.memory_space<vmem>>[vector<16xi32>], vector<16xf32>,
      %get3A_1014 = arith.constant 62 : i32
      %get3A_1015 = arith.index_cast %get3A_1014 : i32 to index
      %get3A_1016 = arith.constant 0 : index
      %get3A_1017 = tpu.vector_load %arg7[%get3A_1015, %get3A_1016] {strides = array<i32>} : memref<128x32xf32, #tpu.memory_space<vmem>>, vector<16xf32>,
      %get3A_1018 = arith.constant 62 : i32
      %get3A_1019 = arith.index_cast %get3A_1018 : i32 to index
      %get3A_1020 = arith.constant 16 : index
      %get3A_1021 = tpu.vector_load %arg7[%get3A_1019, %get3A_1020] {strides = array<i32>} : memref<128x32xf32, #tpu.memory_space<vmem>>, vector<16xf32>,
      %add3A_1022 = arith.constant 61 : i32
      %add3A_1023 = vector.broadcast %add3A_1022 : i32 to vector<16xi32>
      %add3A_1024 = arith.addi %add3A_13, %add3A_1023 : vector<16xi32>
      tpu.vector_store_idx %arg9[%add3A_1024], %get3A_1003 : memref<4096xf32, #tpu.memory_space<vmem>>[vector<16xi32>], vector<16xf32>,
      %add3A_1025 = arith.constant 61 : i32
      %add3A_1026 = vector.broadcast %add3A_1025 : i32 to vector<16xi32>
      %add3A_1027 = arith.addi %add3A_20, %add3A_1026 : vector<16xi32>
      tpu.vector_store_idx %arg9[%add3A_1027], %get3A_1007 : memref<4096xf32, #tpu.memory_space<vmem>>[vector<16xi32>], vector<16xf32>,
      %get3A_1028 = arith.constant 63 : i32
      %get3A_1029 = arith.index_cast %get3A_1028 : i32 to index
      %get3A_1030 = arith.constant 0 : index
      %get3A_1031 = tpu.vector_load %arg7[%get3A_1029, %get3A_1030] {strides = array<i32>} : memref<128x32xf32, #tpu.memory_space<vmem>>, vector<16xf32>,
      %get3A_1032 = arith.constant 63 : i32
      %get3A_1033 = arith.index_cast %get3A_1032 : i32 to index
      %get3A_1034 = arith.constant 16 : index
      %get3A_1035 = tpu.vector_load %arg7[%get3A_1033, %get3A_1034] {strides = array<i32>} : memref<128x32xf32, #tpu.memory_space<vmem>>, vector<16xf32>,
      %add3A_1036 = arith.constant 62 : i32
      %add3A_1037 = vector.broadcast %add3A_1036 : i32 to vector<16xi32>
      %add3A_1038 = arith.addi %add3A_13, %add3A_1037 : vector<16xi32>
      tpu.vector_store_idx %arg9[%add3A_1038], %get3A_1017 : memref<4096xf32, #tpu.memory_space<vmem>>[vector<16xi32>], vector<16xf32>,
      %add3A_1039 = arith.constant 62 : i32
      %add3A_1040 = vector.broadcast %add3A_1039 : i32 to vector<16xi32>
      %add3A_1041 = arith.addi %add3A_20, %add3A_1040 : vector<16xi32>
      tpu.vector_store_idx %arg9[%add3A_1041], %get3A_1021 : memref<4096xf32, #tpu.memory_space<vmem>>[vector<16xi32>], vector<16xf32>,
      %get3A_1042 = arith.constant 64 : i32
      %get3A_1043 = arith.index_cast %get3A_1042 : i32 to index
      %get3A_1044 = arith.constant 0 : index
      %get3A_1045 = tpu.vector_load %arg7[%get3A_1043, %get3A_1044] {strides = array<i32>} : memref<128x32xf32, #tpu.memory_space<vmem>>, vector<16xf32>,
      %get3A_1046 = arith.constant 64 : i32
      %get3A_1047 = arith.index_cast %get3A_1046 : i32 to index
      %get3A_1048 = arith.constant 16 : index
      %get3A_1049 = tpu.vector_load %arg7[%get3A_1047, %get3A_1048] {strides = array<i32>} : memref<128x32xf32, #tpu.memory_space<vmem>>, vector<16xf32>,
      %add3A_1050 = arith.constant 63 : i32
      %add3A_1051 = vector.broadcast %add3A_1050 : i32 to vector<16xi32>
      %add3A_1052 = arith.addi %add3A_13, %add3A_1051 : vector<16xi32>
      tpu.vector_store_idx %arg9[%add3A_1052], %get3A_1031 : memref<4096xf32, #tpu.memory_space<vmem>>[vector<16xi32>], vector<16xf32>,
      %add3A_1053 = arith.constant 63 : i32
      %add3A_1054 = vector.broadcast %add3A_1053 : i32 to vector<16xi32>
      %add3A_1055 = arith.addi %add3A_20, %add3A_1054 : vector<16xi32>
      tpu.vector_store_idx %arg9[%add3A_1055], %get3A_1035 : memref<4096xf32, #tpu.memory_space<vmem>>[vector<16xi32>], vector<16xf32>,
      %get3A_1056 = arith.constant 65 : i32
      %get3A_1057 = arith.index_cast %get3A_1056 : i32 to index
      %get3A_1058 = arith.constant 0 : index
      %get3A_1059 = tpu.vector_load %arg7[%get3A_1057, %get3A_1058] {strides = array<i32>} : memref<128x32xf32, #tpu.memory_space<vmem>>, vector<16xf32>,
      %get3A_1060 = arith.constant 65 : i32
      %get3A_1061 = arith.index_cast %get3A_1060 : i32 to index
      %get3A_1062 = arith.constant 16 : index
      %get3A_1063 = tpu.vector_load %arg7[%get3A_1061, %get3A_1062] {strides = array<i32>} : memref<128x32xf32, #tpu.memory_space<vmem>>, vector<16xf32>,
      %add3A_1064 = arith.constant 64 : i32
      %add3A_1065 = vector.broadcast %add3A_1064 : i32 to vector<16xi32>
      %add3A_1066 = arith.addi %add3A_13, %add3A_1065 : vector<16xi32>
      tpu.vector_store_idx %arg9[%add3A_1066], %get3A_1045 : memref<4096xf32, #tpu.memory_space<vmem>>[vector<16xi32>], vector<16xf32>,
      %add3A_1067 = arith.constant 64 : i32
      %add3A_1068 = vector.broadcast %add3A_1067 : i32 to vector<16xi32>
      %add3A_1069 = arith.addi %add3A_20, %add3A_1068 : vector<16xi32>
      tpu.vector_store_idx %arg9[%add3A_1069], %get3A_1049 : memref<4096xf32, #tpu.memory_space<vmem>>[vector<16xi32>], vector<16xf32>,
      %get3A_1070 = arith.constant 66 : i32
      %get3A_1071 = arith.index_cast %get3A_1070 : i32 to index
      %get3A_1072 = arith.constant 0 : index
      %get3A_1073 = tpu.vector_load %arg7[%get3A_1071, %get3A_1072] {strides = array<i32>} : memref<128x32xf32, #tpu.memory_space<vmem>>, vector<16xf32>,
      %get3A_1074 = arith.constant 66 : i32
      %get3A_1075 = arith.index_cast %get3A_1074 : i32 to index
      %get3A_1076 = arith.constant 16 : index
      %get3A_1077 = tpu.vector_load %arg7[%get3A_1075, %get3A_1076] {strides = array<i32>} : memref<128x32xf32, #tpu.memory_space<vmem>>, vector<16xf32>,
      %add3A_1078 = arith.constant 65 : i32
      %add3A_1079 = vector.broadcast %add3A_1078 : i32 to vector<16xi32>
      %add3A_1080 = arith.addi %add3A_13, %add3A_1079 : vector<16xi32>
      tpu.vector_store_idx %arg9[%add3A_1080], %get3A_1059 : memref<4096xf32, #tpu.memory_space<vmem>>[vector<16xi32>], vector<16xf32>,
      %add3A_1081 = arith.constant 65 : i32
      %add3A_1082 = vector.broadcast %add3A_1081 : i32 to vector<16xi32>
      %add3A_1083 = arith.addi %add3A_20, %add3A_1082 : vector<16xi32>
      tpu.vector_store_idx %arg9[%add3A_1083], %get3A_1063 : memref<4096xf32, #tpu.memory_space<vmem>>[vector<16xi32>], vector<16xf32>,
      %get3A_1084 = arith.constant 67 : i32
      %get3A_1085 = arith.index_cast %get3A_1084 : i32 to index
      %get3A_1086 = arith.constant 0 : index
      %get3A_1087 = tpu.vector_load %arg7[%get3A_1085, %get3A_1086] {strides = array<i32>} : memref<128x32xf32, #tpu.memory_space<vmem>>, vector<16xf32>,
      %get3A_1088 = arith.constant 67 : i32
      %get3A_1089 = arith.index_cast %get3A_1088 : i32 to index
      %get3A_1090 = arith.constant 16 : index
      %get3A_1091 = tpu.vector_load %arg7[%get3A_1089, %get3A_1090] {strides = array<i32>} : memref<128x32xf32, #tpu.memory_space<vmem>>, vector<16xf32>,
      %add3A_1092 = arith.constant 66 : i32
      %add3A_1093 = vector.broadcast %add3A_1092 : i32 to vector<16xi32>
      %add3A_1094 = arith.addi %add3A_13, %add3A_1093 : vector<16xi32>
      tpu.vector_store_idx %arg9[%add3A_1094], %get3A_1073 : memref<4096xf32, #tpu.memory_space<vmem>>[vector<16xi32>], vector<16xf32>,
      %add3A_1095 = arith.constant 66 : i32
      %add3A_1096 = vector.broadcast %add3A_1095 : i32 to vector<16xi32>
      %add3A_1097 = arith.addi %add3A_20, %add3A_1096 : vector<16xi32>
      tpu.vector_store_idx %arg9[%add3A_1097], %get3A_1077 : memref<4096xf32, #tpu.memory_space<vmem>>[vector<16xi32>], vector<16xf32>,
      %get3A_1098 = arith.constant 68 : i32
      %get3A_1099 = arith.index_cast %get3A_1098 : i32 to index
      %get3A_1100 = arith.constant 0 : index
      %get3A_1101 = tpu.vector_load %arg7[%get3A_1099, %get3A_1100] {strides = array<i32>} : memref<128x32xf32, #tpu.memory_space<vmem>>, vector<16xf32>,
      %get3A_1102 = arith.constant 68 : i32
      %get3A_1103 = arith.index_cast %get3A_1102 : i32 to index
      %get3A_1104 = arith.constant 16 : index
      %get3A_1105 = tpu.vector_load %arg7[%get3A_1103, %get3A_1104] {strides = array<i32>} : memref<128x32xf32, #tpu.memory_space<vmem>>, vector<16xf32>,
      %add3A_1106 = arith.constant 67 : i32
      %add3A_1107 = vector.broadcast %add3A_1106 : i32 to vector<16xi32>
      %add3A_1108 = arith.addi %add3A_13, %add3A_1107 : vector<16xi32>
      tpu.vector_store_idx %arg9[%add3A_1108], %get3A_1087 : memref<4096xf32, #tpu.memory_space<vmem>>[vector<16xi32>], vector<16xf32>,
      %add3A_1109 = arith.constant 67 : i32
      %add3A_1110 = vector.broadcast %add3A_1109 : i32 to vector<16xi32>
      %add3A_1111 = arith.addi %add3A_20, %add3A_1110 : vector<16xi32>
      tpu.vector_store_idx %arg9[%add3A_1111], %get3A_1091 : memref<4096xf32, #tpu.memory_space<vmem>>[vector<16xi32>], vector<16xf32>,
      %get3A_1112 = arith.constant 69 : i32
      %get3A_1113 = arith.index_cast %get3A_1112 : i32 to index
      %get3A_1114 = arith.constant 0 : index
      %get3A_1115 = tpu.vector_load %arg7[%get3A_1113, %get3A_1114] {strides = array<i32>} : memref<128x32xf32, #tpu.memory_space<vmem>>, vector<16xf32>,
      %get3A_1116 = arith.constant 69 : i32
      %get3A_1117 = arith.index_cast %get3A_1116 : i32 to index
      %get3A_1118 = arith.constant 16 : index
      %get3A_1119 = tpu.vector_load %arg7[%get3A_1117, %get3A_1118] {strides = array<i32>} : memref<128x32xf32, #tpu.memory_space<vmem>>, vector<16xf32>,
      %add3A_1120 = arith.constant 68 : i32
      %add3A_1121 = vector.broadcast %add3A_1120 : i32 to vector<16xi32>
      %add3A_1122 = arith.addi %add3A_13, %add3A_1121 : vector<16xi32>
      tpu.vector_store_idx %arg9[%add3A_1122], %get3A_1101 : memref<4096xf32, #tpu.memory_space<vmem>>[vector<16xi32>], vector<16xf32>,
      %add3A_1123 = arith.constant 68 : i32
      %add3A_1124 = vector.broadcast %add3A_1123 : i32 to vector<16xi32>
      %add3A_1125 = arith.addi %add3A_20, %add3A_1124 : vector<16xi32>
      tpu.vector_store_idx %arg9[%add3A_1125], %get3A_1105 : memref<4096xf32, #tpu.memory_space<vmem>>[vector<16xi32>], vector<16xf32>,
      %get3A_1126 = arith.constant 70 : i32
      %get3A_1127 = arith.index_cast %get3A_1126 : i32 to index
      %get3A_1128 = arith.constant 0 : index
      %get3A_1129 = tpu.vector_load %arg7[%get3A_1127, %get3A_1128] {strides = array<i32>} : memref<128x32xf32, #tpu.memory_space<vmem>>, vector<16xf32>,
      %get3A_1130 = arith.constant 70 : i32
      %get3A_1131 = arith.index_cast %get3A_1130 : i32 to index
      %get3A_1132 = arith.constant 16 : index
      %get3A_1133 = tpu.vector_load %arg7[%get3A_1131, %get3A_1132] {strides = array<i32>} : memref<128x32xf32, #tpu.memory_space<vmem>>, vector<16xf32>,
      %add3A_1134 = arith.constant 69 : i32
      %add3A_1135 = vector.broadcast %add3A_1134 : i32 to vector<16xi32>
      %add3A_1136 = arith.addi %add3A_13, %add3A_1135 : vector<16xi32>
      tpu.vector_store_idx %arg9[%add3A_1136], %get3A_1115 : memref<4096xf32, #tpu.memory_space<vmem>>[vector<16xi32>], vector<16xf32>,
      %add3A_1137 = arith.constant 69 : i32
      %add3A_1138 = vector.broadcast %add3A_1137 : i32 to vector<16xi32>
      %add3A_1139 = arith.addi %add3A_20, %add3A_1138 : vector<16xi32>
      tpu.vector_store_idx %arg9[%add3A_1139], %get3A_1119 : memref<4096xf32, #tpu.memory_space<vmem>>[vector<16xi32>], vector<16xf32>,
      %get3A_1140 = arith.constant 71 : i32
      %get3A_1141 = arith.index_cast %get3A_1140 : i32 to index
      %get3A_1142 = arith.constant 0 : index
      %get3A_1143 = tpu.vector_load %arg7[%get3A_1141, %get3A_1142] {strides = array<i32>} : memref<128x32xf32, #tpu.memory_space<vmem>>, vector<16xf32>,
      %get3A_1144 = arith.constant 71 : i32
      %get3A_1145 = arith.index_cast %get3A_1144 : i32 to index
      %get3A_1146 = arith.constant 16 : index
      %get3A_1147 = tpu.vector_load %arg7[%get3A_1145, %get3A_1146] {strides = array<i32>} : memref<128x32xf32, #tpu.memory_space<vmem>>, vector<16xf32>,
      %add3A_1148 = arith.constant 70 : i32
      %add3A_1149 = vector.broadcast %add3A_1148 : i32 to vector<16xi32>
      %add3A_1150 = arith.addi %add3A_13, %add3A_1149 : vector<16xi32>
      tpu.vector_store_idx %arg9[%add3A_1150], %get3A_1129 : memref<4096xf32, #tpu.memory_space<vmem>>[vector<16xi32>], vector<16xf32>,
      %add3A_1151 = arith.constant 70 : i32
      %add3A_1152 = vector.broadcast %add3A_1151 : i32 to vector<16xi32>
      %add3A_1153 = arith.addi %add3A_20, %add3A_1152 : vector<16xi32>
      tpu.vector_store_idx %arg9[%add3A_1153], %get3A_1133 : memref<4096xf32, #tpu.memory_space<vmem>>[vector<16xi32>], vector<16xf32>,
      %get3A_1154 = arith.constant 72 : i32
      %get3A_1155 = arith.index_cast %get3A_1154 : i32 to index
      %get3A_1156 = arith.constant 0 : index
      %get3A_1157 = tpu.vector_load %arg7[%get3A_1155, %get3A_1156] {strides = array<i32>} : memref<128x32xf32, #tpu.memory_space<vmem>>, vector<16xf32>,
      %get3A_1158 = arith.constant 72 : i32
      %get3A_1159 = arith.index_cast %get3A_1158 : i32 to index
      %get3A_1160 = arith.constant 16 : index
      %get3A_1161 = tpu.vector_load %arg7[%get3A_1159, %get3A_1160] {strides = array<i32>} : memref<128x32xf32, #tpu.memory_space<vmem>>, vector<16xf32>,
      %add3A_1162 = arith.constant 71 : i32
      %add3A_1163 = vector.broadcast %add3A_1162 : i32 to vector<16xi32>
      %add3A_1164 = arith.addi %add3A_13, %add3A_1163 : vector<16xi32>
      tpu.vector_store_idx %arg9[%add3A_1164], %get3A_1143 : memref<4096xf32, #tpu.memory_space<vmem>>[vector<16xi32>], vector<16xf32>,
      %add3A_1165 = arith.constant 71 : i32
      %add3A_1166 = vector.broadcast %add3A_1165 : i32 to vector<16xi32>
      %add3A_1167 = arith.addi %add3A_20, %add3A_1166 : vector<16xi32>
      tpu.vector_store_idx %arg9[%add3A_1167], %get3A_1147 : memref<4096xf32, #tpu.memory_space<vmem>>[vector<16xi32>], vector<16xf32>,
      %get3A_1168 = arith.constant 73 : i32
      %get3A_1169 = arith.index_cast %get3A_1168 : i32 to index
      %get3A_1170 = arith.constant 0 : index
      %get3A_1171 = tpu.vector_load %arg7[%get3A_1169, %get3A_1170] {strides = array<i32>} : memref<128x32xf32, #tpu.memory_space<vmem>>, vector<16xf32>,
      %get3A_1172 = arith.constant 73 : i32
      %get3A_1173 = arith.index_cast %get3A_1172 : i32 to index
      %get3A_1174 = arith.constant 16 : index
      %get3A_1175 = tpu.vector_load %arg7[%get3A_1173, %get3A_1174] {strides = array<i32>} : memref<128x32xf32, #tpu.memory_space<vmem>>, vector<16xf32>,
      %add3A_1176 = arith.constant 72 : i32
      %add3A_1177 = vector.broadcast %add3A_1176 : i32 to vector<16xi32>
      %add3A_1178 = arith.addi %add3A_13, %add3A_1177 : vector<16xi32>
      tpu.vector_store_idx %arg9[%add3A_1178], %get3A_1157 : memref<4096xf32, #tpu.memory_space<vmem>>[vector<16xi32>], vector<16xf32>,
      %add3A_1179 = arith.constant 72 : i32
      %add3A_1180 = vector.broadcast %add3A_1179 : i32 to vector<16xi32>
      %add3A_1181 = arith.addi %add3A_20, %add3A_1180 : vector<16xi32>
      tpu.vector_store_idx %arg9[%add3A_1181], %get3A_1161 : memref<4096xf32, #tpu.memory_space<vmem>>[vector<16xi32>], vector<16xf32>,
      %get3A_1182 = arith.constant 74 : i32
      %get3A_1183 = arith.index_cast %get3A_1182 : i32 to index
      %get3A_1184 = arith.constant 0 : index
      %get3A_1185 = tpu.vector_load %arg7[%get3A_1183, %get3A_1184] {strides = array<i32>} : memref<128x32xf32, #tpu.memory_space<vmem>>, vector<16xf32>,
      %get3A_1186 = arith.constant 74 : i32
      %get3A_1187 = arith.index_cast %get3A_1186 : i32 to index
      %get3A_1188 = arith.constant 16 : index
      %get3A_1189 = tpu.vector_load %arg7[%get3A_1187, %get3A_1188] {strides = array<i32>} : memref<128x32xf32, #tpu.memory_space<vmem>>, vector<16xf32>,
      %add3A_1190 = arith.constant 73 : i32
      %add3A_1191 = vector.broadcast %add3A_1190 : i32 to vector<16xi32>
      %add3A_1192 = arith.addi %add3A_13, %add3A_1191 : vector<16xi32>
      tpu.vector_store_idx %arg9[%add3A_1192], %get3A_1171 : memref<4096xf32, #tpu.memory_space<vmem>>[vector<16xi32>], vector<16xf32>,
      %add3A_1193 = arith.constant 73 : i32
      %add3A_1194 = vector.broadcast %add3A_1193 : i32 to vector<16xi32>
      %add3A_1195 = arith.addi %add3A_20, %add3A_1194 : vector<16xi32>
      tpu.vector_store_idx %arg9[%add3A_1195], %get3A_1175 : memref<4096xf32, #tpu.memory_space<vmem>>[vector<16xi32>], vector<16xf32>,
      %get3A_1196 = arith.constant 75 : i32
      %get3A_1197 = arith.index_cast %get3A_1196 : i32 to index
      %get3A_1198 = arith.constant 0 : index
      %get3A_1199 = tpu.vector_load %arg7[%get3A_1197, %get3A_1198] {strides = array<i32>} : memref<128x32xf32, #tpu.memory_space<vmem>>, vector<16xf32>,
      %get3A_1200 = arith.constant 75 : i32
      %get3A_1201 = arith.index_cast %get3A_1200 : i32 to index
      %get3A_1202 = arith.constant 16 : index
      %get3A_1203 = tpu.vector_load %arg7[%get3A_1201, %get3A_1202] {strides = array<i32>} : memref<128x32xf32, #tpu.memory_space<vmem>>, vector<16xf32>,
      %add3A_1204 = arith.constant 74 : i32
      %add3A_1205 = vector.broadcast %add3A_1204 : i32 to vector<16xi32>
      %add3A_1206 = arith.addi %add3A_13, %add3A_1205 : vector<16xi32>
      tpu.vector_store_idx %arg9[%add3A_1206], %get3A_1185 : memref<4096xf32, #tpu.memory_space<vmem>>[vector<16xi32>], vector<16xf32>,
      %add3A_1207 = arith.constant 74 : i32
      %add3A_1208 = vector.broadcast %add3A_1207 : i32 to vector<16xi32>
      %add3A_1209 = arith.addi %add3A_20, %add3A_1208 : vector<16xi32>
      tpu.vector_store_idx %arg9[%add3A_1209], %get3A_1189 : memref<4096xf32, #tpu.memory_space<vmem>>[vector<16xi32>], vector<16xf32>,
      %get3A_1210 = arith.constant 76 : i32
      %get3A_1211 = arith.index_cast %get3A_1210 : i32 to index
      %get3A_1212 = arith.constant 0 : index
      %get3A_1213 = tpu.vector_load %arg7[%get3A_1211, %get3A_1212] {strides = array<i32>} : memref<128x32xf32, #tpu.memory_space<vmem>>, vector<16xf32>,
      %get3A_1214 = arith.constant 76 : i32
      %get3A_1215 = arith.index_cast %get3A_1214 : i32 to index
      %get3A_1216 = arith.constant 16 : index
      %get3A_1217 = tpu.vector_load %arg7[%get3A_1215, %get3A_1216] {strides = array<i32>} : memref<128x32xf32, #tpu.memory_space<vmem>>, vector<16xf32>,
      %add3A_1218 = arith.constant 75 : i32
      %add3A_1219 = vector.broadcast %add3A_1218 : i32 to vector<16xi32>
      %add3A_1220 = arith.addi %add3A_13, %add3A_1219 : vector<16xi32>
      tpu.vector_store_idx %arg9[%add3A_1220], %get3A_1199 : memref<4096xf32, #tpu.memory_space<vmem>>[vector<16xi32>], vector<16xf32>,
      %add3A_1221 = arith.constant 75 : i32
      %add3A_1222 = vector.broadcast %add3A_1221 : i32 to vector<16xi32>
      %add3A_1223 = arith.addi %add3A_20, %add3A_1222 : vector<16xi32>
      tpu.vector_store_idx %arg9[%add3A_1223], %get3A_1203 : memref<4096xf32, #tpu.memory_space<vmem>>[vector<16xi32>], vector<16xf32>,
      %get3A_1224 = arith.constant 77 : i32
      %get3A_1225 = arith.index_cast %get3A_1224 : i32 to index
      %get3A_1226 = arith.constant 0 : index
      %get3A_1227 = tpu.vector_load %arg7[%get3A_1225, %get3A_1226] {strides = array<i32>} : memref<128x32xf32, #tpu.memory_space<vmem>>, vector<16xf32>,
      %get3A_1228 = arith.constant 77 : i32
      %get3A_1229 = arith.index_cast %get3A_1228 : i32 to index
      %get3A_1230 = arith.constant 16 : index
      %get3A_1231 = tpu.vector_load %arg7[%get3A_1229, %get3A_1230] {strides = array<i32>} : memref<128x32xf32, #tpu.memory_space<vmem>>, vector<16xf32>,
      %add3A_1232 = arith.constant 76 : i32
      %add3A_1233 = vector.broadcast %add3A_1232 : i32 to vector<16xi32>
      %add3A_1234 = arith.addi %add3A_13, %add3A_1233 : vector<16xi32>
      tpu.vector_store_idx %arg9[%add3A_1234], %get3A_1213 : memref<4096xf32, #tpu.memory_space<vmem>>[vector<16xi32>], vector<16xf32>,
      %add3A_1235 = arith.constant 76 : i32
      %add3A_1236 = vector.broadcast %add3A_1235 : i32 to vector<16xi32>
      %add3A_1237 = arith.addi %add3A_20, %add3A_1236 : vector<16xi32>
      tpu.vector_store_idx %arg9[%add3A_1237], %get3A_1217 : memref<4096xf32, #tpu.memory_space<vmem>>[vector<16xi32>], vector<16xf32>,
      %get3A_1238 = arith.constant 78 : i32
      %get3A_1239 = arith.index_cast %get3A_1238 : i32 to index
      %get3A_1240 = arith.constant 0 : index
      %get3A_1241 = tpu.vector_load %arg7[%get3A_1239, %get3A_1240] {strides = array<i32>} : memref<128x32xf32, #tpu.memory_space<vmem>>, vector<16xf32>,
      %get3A_1242 = arith.constant 78 : i32
      %get3A_1243 = arith.index_cast %get3A_1242 : i32 to index
      %get3A_1244 = arith.constant 16 : index
      %get3A_1245 = tpu.vector_load %arg7[%get3A_1243, %get3A_1244] {strides = array<i32>} : memref<128x32xf32, #tpu.memory_space<vmem>>, vector<16xf32>,
      %add3A_1246 = arith.constant 77 : i32
      %add3A_1247 = vector.broadcast %add3A_1246 : i32 to vector<16xi32>
      %add3A_1248 = arith.addi %add3A_13, %add3A_1247 : vector<16xi32>
      tpu.vector_store_idx %arg9[%add3A_1248], %get3A_1227 : memref<4096xf32, #tpu.memory_space<vmem>>[vector<16xi32>], vector<16xf32>,
      %add3A_1249 = arith.constant 77 : i32
      %add3A_1250 = vector.broadcast %add3A_1249 : i32 to vector<16xi32>
      %add3A_1251 = arith.addi %add3A_20, %add3A_1250 : vector<16xi32>
      tpu.vector_store_idx %arg9[%add3A_1251], %get3A_1231 : memref<4096xf32, #tpu.memory_space<vmem>>[vector<16xi32>], vector<16xf32>,
      %get3A_1252 = arith.constant 79 : i32
      %get3A_1253 = arith.index_cast %get3A_1252 : i32 to index
      %get3A_1254 = arith.constant 0 : index
      %get3A_1255 = tpu.vector_load %arg7[%get3A_1253, %get3A_1254] {strides = array<i32>} : memref<128x32xf32, #tpu.memory_space<vmem>>, vector<16xf32>,
      %get3A_1256 = arith.constant 79 : i32
      %get3A_1257 = arith.index_cast %get3A_1256 : i32 to index
      %get3A_1258 = arith.constant 16 : index
      %get3A_1259 = tpu.vector_load %arg7[%get3A_1257, %get3A_1258] {strides = array<i32>} : memref<128x32xf32, #tpu.memory_space<vmem>>, vector<16xf32>,
      %add3A_1260 = arith.constant 78 : i32
      %add3A_1261 = vector.broadcast %add3A_1260 : i32 to vector<16xi32>
      %add3A_1262 = arith.addi %add3A_13, %add3A_1261 : vector<16xi32>
      tpu.vector_store_idx %arg9[%add3A_1262], %get3A_1241 : memref<4096xf32, #tpu.memory_space<vmem>>[vector<16xi32>], vector<16xf32>,
      %add3A_1263 = arith.constant 78 : i32
      %add3A_1264 = vector.broadcast %add3A_1263 : i32 to vector<16xi32>
      %add3A_1265 = arith.addi %add3A_20, %add3A_1264 : vector<16xi32>
      tpu.vector_store_idx %arg9[%add3A_1265], %get3A_1245 : memref<4096xf32, #tpu.memory_space<vmem>>[vector<16xi32>], vector<16xf32>,
      %get3A_1266 = arith.constant 80 : i32
      %get3A_1267 = arith.index_cast %get3A_1266 : i32 to index
      %get3A_1268 = arith.constant 0 : index
      %get3A_1269 = tpu.vector_load %arg7[%get3A_1267, %get3A_1268] {strides = array<i32>} : memref<128x32xf32, #tpu.memory_space<vmem>>, vector<16xf32>,
      %get3A_1270 = arith.constant 80 : i32
      %get3A_1271 = arith.index_cast %get3A_1270 : i32 to index
      %get3A_1272 = arith.constant 16 : index
      %get3A_1273 = tpu.vector_load %arg7[%get3A_1271, %get3A_1272] {strides = array<i32>} : memref<128x32xf32, #tpu.memory_space<vmem>>, vector<16xf32>,
      %add3A_1274 = arith.constant 79 : i32
      %add3A_1275 = vector.broadcast %add3A_1274 : i32 to vector<16xi32>
      %add3A_1276 = arith.addi %add3A_13, %add3A_1275 : vector<16xi32>
      tpu.vector_store_idx %arg9[%add3A_1276], %get3A_1255 : memref<4096xf32, #tpu.memory_space<vmem>>[vector<16xi32>], vector<16xf32>,
      %add3A_1277 = arith.constant 79 : i32
      %add3A_1278 = vector.broadcast %add3A_1277 : i32 to vector<16xi32>
      %add3A_1279 = arith.addi %add3A_20, %add3A_1278 : vector<16xi32>
      tpu.vector_store_idx %arg9[%add3A_1279], %get3A_1259 : memref<4096xf32, #tpu.memory_space<vmem>>[vector<16xi32>], vector<16xf32>,
      %get3A_1280 = arith.constant 81 : i32
      %get3A_1281 = arith.index_cast %get3A_1280 : i32 to index
      %get3A_1282 = arith.constant 0 : index
      %get3A_1283 = tpu.vector_load %arg7[%get3A_1281, %get3A_1282] {strides = array<i32>} : memref<128x32xf32, #tpu.memory_space<vmem>>, vector<16xf32>,
      %get3A_1284 = arith.constant 81 : i32
      %get3A_1285 = arith.index_cast %get3A_1284 : i32 to index
      %get3A_1286 = arith.constant 16 : index
      %get3A_1287 = tpu.vector_load %arg7[%get3A_1285, %get3A_1286] {strides = array<i32>} : memref<128x32xf32, #tpu.memory_space<vmem>>, vector<16xf32>,
      %add3A_1288 = arith.constant 80 : i32
      %add3A_1289 = vector.broadcast %add3A_1288 : i32 to vector<16xi32>
      %add3A_1290 = arith.addi %add3A_13, %add3A_1289 : vector<16xi32>
      tpu.vector_store_idx %arg9[%add3A_1290], %get3A_1269 : memref<4096xf32, #tpu.memory_space<vmem>>[vector<16xi32>], vector<16xf32>,
      %add3A_1291 = arith.constant 80 : i32
      %add3A_1292 = vector.broadcast %add3A_1291 : i32 to vector<16xi32>
      %add3A_1293 = arith.addi %add3A_20, %add3A_1292 : vector<16xi32>
      tpu.vector_store_idx %arg9[%add3A_1293], %get3A_1273 : memref<4096xf32, #tpu.memory_space<vmem>>[vector<16xi32>], vector<16xf32>,
      %get3A_1294 = arith.constant 82 : i32
      %get3A_1295 = arith.index_cast %get3A_1294 : i32 to index
      %get3A_1296 = arith.constant 0 : index
      %get3A_1297 = tpu.vector_load %arg7[%get3A_1295, %get3A_1296] {strides = array<i32>} : memref<128x32xf32, #tpu.memory_space<vmem>>, vector<16xf32>,
      %get3A_1298 = arith.constant 82 : i32
      %get3A_1299 = arith.index_cast %get3A_1298 : i32 to index
      %get3A_1300 = arith.constant 16 : index
      %get3A_1301 = tpu.vector_load %arg7[%get3A_1299, %get3A_1300] {strides = array<i32>} : memref<128x32xf32, #tpu.memory_space<vmem>>, vector<16xf32>,
      %add3A_1302 = arith.constant 81 : i32
      %add3A_1303 = vector.broadcast %add3A_1302 : i32 to vector<16xi32>
      %add3A_1304 = arith.addi %add3A_13, %add3A_1303 : vector<16xi32>
      tpu.vector_store_idx %arg9[%add3A_1304], %get3A_1283 : memref<4096xf32, #tpu.memory_space<vmem>>[vector<16xi32>], vector<16xf32>,
      %add3A_1305 = arith.constant 81 : i32
      %add3A_1306 = vector.broadcast %add3A_1305 : i32 to vector<16xi32>
      %add3A_1307 = arith.addi %add3A_20, %add3A_1306 : vector<16xi32>
      tpu.vector_store_idx %arg9[%add3A_1307], %get3A_1287 : memref<4096xf32, #tpu.memory_space<vmem>>[vector<16xi32>], vector<16xf32>,
      %get3A_1308 = arith.constant 83 : i32
      %get3A_1309 = arith.index_cast %get3A_1308 : i32 to index
      %get3A_1310 = arith.constant 0 : index
      %get3A_1311 = tpu.vector_load %arg7[%get3A_1309, %get3A_1310] {strides = array<i32>} : memref<128x32xf32, #tpu.memory_space<vmem>>, vector<16xf32>,
      %get3A_1312 = arith.constant 83 : i32
      %get3A_1313 = arith.index_cast %get3A_1312 : i32 to index
      %get3A_1314 = arith.constant 16 : index
      %get3A_1315 = tpu.vector_load %arg7[%get3A_1313, %get3A_1314] {strides = array<i32>} : memref<128x32xf32, #tpu.memory_space<vmem>>, vector<16xf32>,
      %add3A_1316 = arith.constant 82 : i32
      %add3A_1317 = vector.broadcast %add3A_1316 : i32 to vector<16xi32>
      %add3A_1318 = arith.addi %add3A_13, %add3A_1317 : vector<16xi32>
      tpu.vector_store_idx %arg9[%add3A_1318], %get3A_1297 : memref<4096xf32, #tpu.memory_space<vmem>>[vector<16xi32>], vector<16xf32>,
      %add3A_1319 = arith.constant 82 : i32
      %add3A_1320 = vector.broadcast %add3A_1319 : i32 to vector<16xi32>
      %add3A_1321 = arith.addi %add3A_20, %add3A_1320 : vector<16xi32>
      tpu.vector_store_idx %arg9[%add3A_1321], %get3A_1301 : memref<4096xf32, #tpu.memory_space<vmem>>[vector<16xi32>], vector<16xf32>,
      %get3A_1322 = arith.constant 84 : i32
      %get3A_1323 = arith.index_cast %get3A_1322 : i32 to index
      %get3A_1324 = arith.constant 0 : index
      %get3A_1325 = tpu.vector_load %arg7[%get3A_1323, %get3A_1324] {strides = array<i32>} : memref<128x32xf32, #tpu.memory_space<vmem>>, vector<16xf32>,
      %get3A_1326 = arith.constant 84 : i32
      %get3A_1327 = arith.index_cast %get3A_1326 : i32 to index
      %get3A_1328 = arith.constant 16 : index
      %get3A_1329 = tpu.vector_load %arg7[%get3A_1327, %get3A_1328] {strides = array<i32>} : memref<128x32xf32, #tpu.memory_space<vmem>>, vector<16xf32>,
      %add3A_1330 = arith.constant 83 : i32
      %add3A_1331 = vector.broadcast %add3A_1330 : i32 to vector<16xi32>
      %add3A_1332 = arith.addi %add3A_13, %add3A_1331 : vector<16xi32>
      tpu.vector_store_idx %arg9[%add3A_1332], %get3A_1311 : memref<4096xf32, #tpu.memory_space<vmem>>[vector<16xi32>], vector<16xf32>,
      %add3A_1333 = arith.constant 83 : i32
      %add3A_1334 = vector.broadcast %add3A_1333 : i32 to vector<16xi32>
      %add3A_1335 = arith.addi %add3A_20, %add3A_1334 : vector<16xi32>
      tpu.vector_store_idx %arg9[%add3A_1335], %get3A_1315 : memref<4096xf32, #tpu.memory_space<vmem>>[vector<16xi32>], vector<16xf32>,
      %get3A_1336 = arith.constant 85 : i32
      %get3A_1337 = arith.index_cast %get3A_1336 : i32 to index
      %get3A_1338 = arith.constant 0 : index
      %get3A_1339 = tpu.vector_load %arg7[%get3A_1337, %get3A_1338] {strides = array<i32>} : memref<128x32xf32, #tpu.memory_space<vmem>>, vector<16xf32>,
      %get3A_1340 = arith.constant 85 : i32
      %get3A_1341 = arith.index_cast %get3A_1340 : i32 to index
      %get3A_1342 = arith.constant 16 : index
      %get3A_1343 = tpu.vector_load %arg7[%get3A_1341, %get3A_1342] {strides = array<i32>} : memref<128x32xf32, #tpu.memory_space<vmem>>, vector<16xf32>,
      %add3A_1344 = arith.constant 84 : i32
      %add3A_1345 = vector.broadcast %add3A_1344 : i32 to vector<16xi32>
      %add3A_1346 = arith.addi %add3A_13, %add3A_1345 : vector<16xi32>
      tpu.vector_store_idx %arg9[%add3A_1346], %get3A_1325 : memref<4096xf32, #tpu.memory_space<vmem>>[vector<16xi32>], vector<16xf32>,
      %add3A_1347 = arith.constant 84 : i32
      %add3A_1348 = vector.broadcast %add3A_1347 : i32 to vector<16xi32>
      %add3A_1349 = arith.addi %add3A_20, %add3A_1348 : vector<16xi32>
      tpu.vector_store_idx %arg9[%add3A_1349], %get3A_1329 : memref<4096xf32, #tpu.memory_space<vmem>>[vector<16xi32>], vector<16xf32>,
      %get3A_1350 = arith.constant 86 : i32
      %get3A_1351 = arith.index_cast %get3A_1350 : i32 to index
      %get3A_1352 = arith.constant 0 : index
      %get3A_1353 = tpu.vector_load %arg7[%get3A_1351, %get3A_1352] {strides = array<i32>} : memref<128x32xf32, #tpu.memory_space<vmem>>, vector<16xf32>,
      %get3A_1354 = arith.constant 86 : i32
      %get3A_1355 = arith.index_cast %get3A_1354 : i32 to index
      %get3A_1356 = arith.constant 16 : index
      %get3A_1357 = tpu.vector_load %arg7[%get3A_1355, %get3A_1356] {strides = array<i32>} : memref<128x32xf32, #tpu.memory_space<vmem>>, vector<16xf32>,
      %add3A_1358 = arith.constant 85 : i32
      %add3A_1359 = vector.broadcast %add3A_1358 : i32 to vector<16xi32>
      %add3A_1360 = arith.addi %add3A_13, %add3A_1359 : vector<16xi32>
      tpu.vector_store_idx %arg9[%add3A_1360], %get3A_1339 : memref<4096xf32, #tpu.memory_space<vmem>>[vector<16xi32>], vector<16xf32>,
      %add3A_1361 = arith.constant 85 : i32
      %add3A_1362 = vector.broadcast %add3A_1361 : i32 to vector<16xi32>
      %add3A_1363 = arith.addi %add3A_20, %add3A_1362 : vector<16xi32>
      tpu.vector_store_idx %arg9[%add3A_1363], %get3A_1343 : memref<4096xf32, #tpu.memory_space<vmem>>[vector<16xi32>], vector<16xf32>,
      %get3A_1364 = arith.constant 87 : i32
      %get3A_1365 = arith.index_cast %get3A_1364 : i32 to index
      %get3A_1366 = arith.constant 0 : index
      %get3A_1367 = tpu.vector_load %arg7[%get3A_1365, %get3A_1366] {strides = array<i32>} : memref<128x32xf32, #tpu.memory_space<vmem>>, vector<16xf32>,
      %get3A_1368 = arith.constant 87 : i32
      %get3A_1369 = arith.index_cast %get3A_1368 : i32 to index
      %get3A_1370 = arith.constant 16 : index
      %get3A_1371 = tpu.vector_load %arg7[%get3A_1369, %get3A_1370] {strides = array<i32>} : memref<128x32xf32, #tpu.memory_space<vmem>>, vector<16xf32>,
      %add3A_1372 = arith.constant 86 : i32
      %add3A_1373 = vector.broadcast %add3A_1372 : i32 to vector<16xi32>
      %add3A_1374 = arith.addi %add3A_13, %add3A_1373 : vector<16xi32>
      tpu.vector_store_idx %arg9[%add3A_1374], %get3A_1353 : memref<4096xf32, #tpu.memory_space<vmem>>[vector<16xi32>], vector<16xf32>,
      %add3A_1375 = arith.constant 86 : i32
      %add3A_1376 = vector.broadcast %add3A_1375 : i32 to vector<16xi32>
      %add3A_1377 = arith.addi %add3A_20, %add3A_1376 : vector<16xi32>
      tpu.vector_store_idx %arg9[%add3A_1377], %get3A_1357 : memref<4096xf32, #tpu.memory_space<vmem>>[vector<16xi32>], vector<16xf32>,
      %get3A_1378 = arith.constant 88 : i32
      %get3A_1379 = arith.index_cast %get3A_1378 : i32 to index
      %get3A_1380 = arith.constant 0 : index
      %get3A_1381 = tpu.vector_load %arg7[%get3A_1379, %get3A_1380] {strides = array<i32>} : memref<128x32xf32, #tpu.memory_space<vmem>>, vector<16xf32>,
      %get3A_1382 = arith.constant 88 : i32
      %get3A_1383 = arith.index_cast %get3A_1382 : i32 to index
      %get3A_1384 = arith.constant 16 : index
      %get3A_1385 = tpu.vector_load %arg7[%get3A_1383, %get3A_1384] {strides = array<i32>} : memref<128x32xf32, #tpu.memory_space<vmem>>, vector<16xf32>,
      %add3A_1386 = arith.constant 87 : i32
      %add3A_1387 = vector.broadcast %add3A_1386 : i32 to vector<16xi32>
      %add3A_1388 = arith.addi %add3A_13, %add3A_1387 : vector<16xi32>
      tpu.vector_store_idx %arg9[%add3A_1388], %get3A_1367 : memref<4096xf32, #tpu.memory_space<vmem>>[vector<16xi32>], vector<16xf32>,
      %add3A_1389 = arith.constant 87 : i32
      %add3A_1390 = vector.broadcast %add3A_1389 : i32 to vector<16xi32>
      %add3A_1391 = arith.addi %add3A_20, %add3A_1390 : vector<16xi32>
      tpu.vector_store_idx %arg9[%add3A_1391], %get3A_1371 : memref<4096xf32, #tpu.memory_space<vmem>>[vector<16xi32>], vector<16xf32>,
      %get3A_1392 = arith.constant 89 : i32
      %get3A_1393 = arith.index_cast %get3A_1392 : i32 to index
      %get3A_1394 = arith.constant 0 : index
      %get3A_1395 = tpu.vector_load %arg7[%get3A_1393, %get3A_1394] {strides = array<i32>} : memref<128x32xf32, #tpu.memory_space<vmem>>, vector<16xf32>,
      %get3A_1396 = arith.constant 89 : i32
      %get3A_1397 = arith.index_cast %get3A_1396 : i32 to index
      %get3A_1398 = arith.constant 16 : index
      %get3A_1399 = tpu.vector_load %arg7[%get3A_1397, %get3A_1398] {strides = array<i32>} : memref<128x32xf32, #tpu.memory_space<vmem>>, vector<16xf32>,
      %add3A_1400 = arith.constant 88 : i32
      %add3A_1401 = vector.broadcast %add3A_1400 : i32 to vector<16xi32>
      %add3A_1402 = arith.addi %add3A_13, %add3A_1401 : vector<16xi32>
      tpu.vector_store_idx %arg9[%add3A_1402], %get3A_1381 : memref<4096xf32, #tpu.memory_space<vmem>>[vector<16xi32>], vector<16xf32>,
      %add3A_1403 = arith.constant 88 : i32
      %add3A_1404 = vector.broadcast %add3A_1403 : i32 to vector<16xi32>
      %add3A_1405 = arith.addi %add3A_20, %add3A_1404 : vector<16xi32>
      tpu.vector_store_idx %arg9[%add3A_1405], %get3A_1385 : memref<4096xf32, #tpu.memory_space<vmem>>[vector<16xi32>], vector<16xf32>,
      %get3A_1406 = arith.constant 90 : i32
      %get3A_1407 = arith.index_cast %get3A_1406 : i32 to index
      %get3A_1408 = arith.constant 0 : index
      %get3A_1409 = tpu.vector_load %arg7[%get3A_1407, %get3A_1408] {strides = array<i32>} : memref<128x32xf32, #tpu.memory_space<vmem>>, vector<16xf32>,
      %get3A_1410 = arith.constant 90 : i32
      %get3A_1411 = arith.index_cast %get3A_1410 : i32 to index
      %get3A_1412 = arith.constant 16 : index
      %get3A_1413 = tpu.vector_load %arg7[%get3A_1411, %get3A_1412] {strides = array<i32>} : memref<128x32xf32, #tpu.memory_space<vmem>>, vector<16xf32>,
      %add3A_1414 = arith.constant 89 : i32
      %add3A_1415 = vector.broadcast %add3A_1414 : i32 to vector<16xi32>
      %add3A_1416 = arith.addi %add3A_13, %add3A_1415 : vector<16xi32>
      tpu.vector_store_idx %arg9[%add3A_1416], %get3A_1395 : memref<4096xf32, #tpu.memory_space<vmem>>[vector<16xi32>], vector<16xf32>,
      %add3A_1417 = arith.constant 89 : i32
      %add3A_1418 = vector.broadcast %add3A_1417 : i32 to vector<16xi32>
      %add3A_1419 = arith.addi %add3A_20, %add3A_1418 : vector<16xi32>
      tpu.vector_store_idx %arg9[%add3A_1419], %get3A_1399 : memref<4096xf32, #tpu.memory_space<vmem>>[vector<16xi32>], vector<16xf32>,
      %get3A_1420 = arith.constant 91 : i32
      %get3A_1421 = arith.index_cast %get3A_1420 : i32 to index
      %get3A_1422 = arith.constant 0 : index
      %get3A_1423 = tpu.vector_load %arg7[%get3A_1421, %get3A_1422] {strides = array<i32>} : memref<128x32xf32, #tpu.memory_space<vmem>>, vector<16xf32>,
      %get3A_1424 = arith.constant 91 : i32
      %get3A_1425 = arith.index_cast %get3A_1424 : i32 to index
      %get3A_1426 = arith.constant 16 : index
      %get3A_1427 = tpu.vector_load %arg7[%get3A_1425, %get3A_1426] {strides = array<i32>} : memref<128x32xf32, #tpu.memory_space<vmem>>, vector<16xf32>,
      %add3A_1428 = arith.constant 90 : i32
      %add3A_1429 = vector.broadcast %add3A_1428 : i32 to vector<16xi32>
      %add3A_1430 = arith.addi %add3A_13, %add3A_1429 : vector<16xi32>
      tpu.vector_store_idx %arg9[%add3A_1430], %get3A_1409 : memref<4096xf32, #tpu.memory_space<vmem>>[vector<16xi32>], vector<16xf32>,
      %add3A_1431 = arith.constant 90 : i32
      %add3A_1432 = vector.broadcast %add3A_1431 : i32 to vector<16xi32>
      %add3A_1433 = arith.addi %add3A_20, %add3A_1432 : vector<16xi32>
      tpu.vector_store_idx %arg9[%add3A_1433], %get3A_1413 : memref<4096xf32, #tpu.memory_space<vmem>>[vector<16xi32>], vector<16xf32>,
      %get3A_1434 = arith.constant 92 : i32
      %get3A_1435 = arith.index_cast %get3A_1434 : i32 to index
      %get3A_1436 = arith.constant 0 : index
      %get3A_1437 = tpu.vector_load %arg7[%get3A_1435, %get3A_1436] {strides = array<i32>} : memref<128x32xf32, #tpu.memory_space<vmem>>, vector<16xf32>,
      %get3A_1438 = arith.constant 92 : i32
      %get3A_1439 = arith.index_cast %get3A_1438 : i32 to index
      %get3A_1440 = arith.constant 16 : index
      %get3A_1441 = tpu.vector_load %arg7[%get3A_1439, %get3A_1440] {strides = array<i32>} : memref<128x32xf32, #tpu.memory_space<vmem>>, vector<16xf32>,
      %add3A_1442 = arith.constant 91 : i32
      %add3A_1443 = vector.broadcast %add3A_1442 : i32 to vector<16xi32>
      %add3A_1444 = arith.addi %add3A_13, %add3A_1443 : vector<16xi32>
      tpu.vector_store_idx %arg9[%add3A_1444], %get3A_1423 : memref<4096xf32, #tpu.memory_space<vmem>>[vector<16xi32>], vector<16xf32>,
      %add3A_1445 = arith.constant 91 : i32
      %add3A_1446 = vector.broadcast %add3A_1445 : i32 to vector<16xi32>
      %add3A_1447 = arith.addi %add3A_20, %add3A_1446 : vector<16xi32>
      tpu.vector_store_idx %arg9[%add3A_1447], %get3A_1427 : memref<4096xf32, #tpu.memory_space<vmem>>[vector<16xi32>], vector<16xf32>,
      %get3A_1448 = arith.constant 93 : i32
      %get3A_1449 = arith.index_cast %get3A_1448 : i32 to index
      %get3A_1450 = arith.constant 0 : index
      %get3A_1451 = tpu.vector_load %arg7[%get3A_1449, %get3A_1450] {strides = array<i32>} : memref<128x32xf32, #tpu.memory_space<vmem>>, vector<16xf32>,
      %get3A_1452 = arith.constant 93 : i32
      %get3A_1453 = arith.index_cast %get3A_1452 : i32 to index
      %get3A_1454 = arith.constant 16 : index
      %get3A_1455 = tpu.vector_load %arg7[%get3A_1453, %get3A_1454] {strides = array<i32>} : memref<128x32xf32, #tpu.memory_space<vmem>>, vector<16xf32>,
      %add3A_1456 = arith.constant 92 : i32
      %add3A_1457 = vector.broadcast %add3A_1456 : i32 to vector<16xi32>
      %add3A_1458 = arith.addi %add3A_13, %add3A_1457 : vector<16xi32>
      tpu.vector_store_idx %arg9[%add3A_1458], %get3A_1437 : memref<4096xf32, #tpu.memory_space<vmem>>[vector<16xi32>], vector<16xf32>,
      %add3A_1459 = arith.constant 92 : i32
      %add3A_1460 = vector.broadcast %add3A_1459 : i32 to vector<16xi32>
      %add3A_1461 = arith.addi %add3A_20, %add3A_1460 : vector<16xi32>
      tpu.vector_store_idx %arg9[%add3A_1461], %get3A_1441 : memref<4096xf32, #tpu.memory_space<vmem>>[vector<16xi32>], vector<16xf32>,
      %get3A_1462 = arith.constant 94 : i32
      %get3A_1463 = arith.index_cast %get3A_1462 : i32 to index
      %get3A_1464 = arith.constant 0 : index
      %get3A_1465 = tpu.vector_load %arg7[%get3A_1463, %get3A_1464] {strides = array<i32>} : memref<128x32xf32, #tpu.memory_space<vmem>>, vector<16xf32>,
      %get3A_1466 = arith.constant 94 : i32
      %get3A_1467 = arith.index_cast %get3A_1466 : i32 to index
      %get3A_1468 = arith.constant 16 : index
      %get3A_1469 = tpu.vector_load %arg7[%get3A_1467, %get3A_1468] {strides = array<i32>} : memref<128x32xf32, #tpu.memory_space<vmem>>, vector<16xf32>,
      %add3A_1470 = arith.constant 93 : i32
      %add3A_1471 = vector.broadcast %add3A_1470 : i32 to vector<16xi32>
      %add3A_1472 = arith.addi %add3A_13, %add3A_1471 : vector<16xi32>
      tpu.vector_store_idx %arg9[%add3A_1472], %get3A_1451 : memref<4096xf32, #tpu.memory_space<vmem>>[vector<16xi32>], vector<16xf32>,
      %add3A_1473 = arith.constant 93 : i32
      %add3A_1474 = vector.broadcast %add3A_1473 : i32 to vector<16xi32>
      %add3A_1475 = arith.addi %add3A_20, %add3A_1474 : vector<16xi32>
      tpu.vector_store_idx %arg9[%add3A_1475], %get3A_1455 : memref<4096xf32, #tpu.memory_space<vmem>>[vector<16xi32>], vector<16xf32>,
      %get3A_1476 = arith.constant 95 : i32
      %get3A_1477 = arith.index_cast %get3A_1476 : i32 to index
      %get3A_1478 = arith.constant 0 : index
      %get3A_1479 = tpu.vector_load %arg7[%get3A_1477, %get3A_1478] {strides = array<i32>} : memref<128x32xf32, #tpu.memory_space<vmem>>, vector<16xf32>,
      %get3A_1480 = arith.constant 95 : i32
      %get3A_1481 = arith.index_cast %get3A_1480 : i32 to index
      %get3A_1482 = arith.constant 16 : index
      %get3A_1483 = tpu.vector_load %arg7[%get3A_1481, %get3A_1482] {strides = array<i32>} : memref<128x32xf32, #tpu.memory_space<vmem>>, vector<16xf32>,
      %add3A_1484 = arith.constant 94 : i32
      %add3A_1485 = vector.broadcast %add3A_1484 : i32 to vector<16xi32>
      %add3A_1486 = arith.addi %add3A_13, %add3A_1485 : vector<16xi32>
      tpu.vector_store_idx %arg9[%add3A_1486], %get3A_1465 : memref<4096xf32, #tpu.memory_space<vmem>>[vector<16xi32>], vector<16xf32>,
      %add3A_1487 = arith.constant 94 : i32
      %add3A_1488 = vector.broadcast %add3A_1487 : i32 to vector<16xi32>
      %add3A_1489 = arith.addi %add3A_20, %add3A_1488 : vector<16xi32>
      tpu.vector_store_idx %arg9[%add3A_1489], %get3A_1469 : memref<4096xf32, #tpu.memory_space<vmem>>[vector<16xi32>], vector<16xf32>,
      %get3A_1490 = arith.constant 96 : i32
      %get3A_1491 = arith.index_cast %get3A_1490 : i32 to index
      %get3A_1492 = arith.constant 0 : index
      %get3A_1493 = tpu.vector_load %arg7[%get3A_1491, %get3A_1492] {strides = array<i32>} : memref<128x32xf32, #tpu.memory_space<vmem>>, vector<16xf32>,
      %get3A_1494 = arith.constant 96 : i32
      %get3A_1495 = arith.index_cast %get3A_1494 : i32 to index
      %get3A_1496 = arith.constant 16 : index
      %get3A_1497 = tpu.vector_load %arg7[%get3A_1495, %get3A_1496] {strides = array<i32>} : memref<128x32xf32, #tpu.memory_space<vmem>>, vector<16xf32>,
      %add3A_1498 = arith.constant 95 : i32
      %add3A_1499 = vector.broadcast %add3A_1498 : i32 to vector<16xi32>
      %add3A_1500 = arith.addi %add3A_13, %add3A_1499 : vector<16xi32>
      tpu.vector_store_idx %arg9[%add3A_1500], %get3A_1479 : memref<4096xf32, #tpu.memory_space<vmem>>[vector<16xi32>], vector<16xf32>,
      %add3A_1501 = arith.constant 95 : i32
      %add3A_1502 = vector.broadcast %add3A_1501 : i32 to vector<16xi32>
      %add3A_1503 = arith.addi %add3A_20, %add3A_1502 : vector<16xi32>
      tpu.vector_store_idx %arg9[%add3A_1503], %get3A_1483 : memref<4096xf32, #tpu.memory_space<vmem>>[vector<16xi32>], vector<16xf32>,
      %get3A_1504 = arith.constant 97 : i32
      %get3A_1505 = arith.index_cast %get3A_1504 : i32 to index
      %get3A_1506 = arith.constant 0 : index
      %get3A_1507 = tpu.vector_load %arg7[%get3A_1505, %get3A_1506] {strides = array<i32>} : memref<128x32xf32, #tpu.memory_space<vmem>>, vector<16xf32>,
      %get3A_1508 = arith.constant 97 : i32
      %get3A_1509 = arith.index_cast %get3A_1508 : i32 to index
      %get3A_1510 = arith.constant 16 : index
      %get3A_1511 = tpu.vector_load %arg7[%get3A_1509, %get3A_1510] {strides = array<i32>} : memref<128x32xf32, #tpu.memory_space<vmem>>, vector<16xf32>,
      %add3A_1512 = arith.constant 96 : i32
      %add3A_1513 = vector.broadcast %add3A_1512 : i32 to vector<16xi32>
      %add3A_1514 = arith.addi %add3A_13, %add3A_1513 : vector<16xi32>
      tpu.vector_store_idx %arg9[%add3A_1514], %get3A_1493 : memref<4096xf32, #tpu.memory_space<vmem>>[vector<16xi32>], vector<16xf32>,
      %add3A_1515 = arith.constant 96 : i32
      %add3A_1516 = vector.broadcast %add3A_1515 : i32 to vector<16xi32>
      %add3A_1517 = arith.addi %add3A_20, %add3A_1516 : vector<16xi32>
      tpu.vector_store_idx %arg9[%add3A_1517], %get3A_1497 : memref<4096xf32, #tpu.memory_space<vmem>>[vector<16xi32>], vector<16xf32>,
      %get3A_1518 = arith.constant 98 : i32
      %get3A_1519 = arith.index_cast %get3A_1518 : i32 to index
      %get3A_1520 = arith.constant 0 : index
      %get3A_1521 = tpu.vector_load %arg7[%get3A_1519, %get3A_1520] {strides = array<i32>} : memref<128x32xf32, #tpu.memory_space<vmem>>, vector<16xf32>,
      %get3A_1522 = arith.constant 98 : i32
      %get3A_1523 = arith.index_cast %get3A_1522 : i32 to index
      %get3A_1524 = arith.constant 16 : index
      %get3A_1525 = tpu.vector_load %arg7[%get3A_1523, %get3A_1524] {strides = array<i32>} : memref<128x32xf32, #tpu.memory_space<vmem>>, vector<16xf32>,
      %add3A_1526 = arith.constant 97 : i32
      %add3A_1527 = vector.broadcast %add3A_1526 : i32 to vector<16xi32>
      %add3A_1528 = arith.addi %add3A_13, %add3A_1527 : vector<16xi32>
      tpu.vector_store_idx %arg9[%add3A_1528], %get3A_1507 : memref<4096xf32, #tpu.memory_space<vmem>>[vector<16xi32>], vector<16xf32>,
      %add3A_1529 = arith.constant 97 : i32
      %add3A_1530 = vector.broadcast %add3A_1529 : i32 to vector<16xi32>
      %add3A_1531 = arith.addi %add3A_20, %add3A_1530 : vector<16xi32>
      tpu.vector_store_idx %arg9[%add3A_1531], %get3A_1511 : memref<4096xf32, #tpu.memory_space<vmem>>[vector<16xi32>], vector<16xf32>,
      %get3A_1532 = arith.constant 99 : i32
      %get3A_1533 = arith.index_cast %get3A_1532 : i32 to index
      %get3A_1534 = arith.constant 0 : index
      %get3A_1535 = tpu.vector_load %arg7[%get3A_1533, %get3A_1534] {strides = array<i32>} : memref<128x32xf32, #tpu.memory_space<vmem>>, vector<16xf32>,
      %get3A_1536 = arith.constant 99 : i32
      %get3A_1537 = arith.index_cast %get3A_1536 : i32 to index
      %get3A_1538 = arith.constant 16 : index
      %get3A_1539 = tpu.vector_load %arg7[%get3A_1537, %get3A_1538] {strides = array<i32>} : memref<128x32xf32, #tpu.memory_space<vmem>>, vector<16xf32>,
      %add3A_1540 = arith.constant 98 : i32
      %add3A_1541 = vector.broadcast %add3A_1540 : i32 to vector<16xi32>
      %add3A_1542 = arith.addi %add3A_13, %add3A_1541 : vector<16xi32>
      tpu.vector_store_idx %arg9[%add3A_1542], %get3A_1521 : memref<4096xf32, #tpu.memory_space<vmem>>[vector<16xi32>], vector<16xf32>,
      %add3A_1543 = arith.constant 98 : i32
      %add3A_1544 = vector.broadcast %add3A_1543 : i32 to vector<16xi32>
      %add3A_1545 = arith.addi %add3A_20, %add3A_1544 : vector<16xi32>
      tpu.vector_store_idx %arg9[%add3A_1545], %get3A_1525 : memref<4096xf32, #tpu.memory_space<vmem>>[vector<16xi32>], vector<16xf32>,
      %get3A_1546 = arith.constant 100 : i32
      %get3A_1547 = arith.index_cast %get3A_1546 : i32 to index
      %get3A_1548 = arith.constant 0 : index
      %get3A_1549 = tpu.vector_load %arg7[%get3A_1547, %get3A_1548] {strides = array<i32>} : memref<128x32xf32, #tpu.memory_space<vmem>>, vector<16xf32>,
      %get3A_1550 = arith.constant 100 : i32
      %get3A_1551 = arith.index_cast %get3A_1550 : i32 to index
      %get3A_1552 = arith.constant 16 : index
      %get3A_1553 = tpu.vector_load %arg7[%get3A_1551, %get3A_1552] {strides = array<i32>} : memref<128x32xf32, #tpu.memory_space<vmem>>, vector<16xf32>,
      %add3A_1554 = arith.constant 99 : i32
      %add3A_1555 = vector.broadcast %add3A_1554 : i32 to vector<16xi32>
      %add3A_1556 = arith.addi %add3A_13, %add3A_1555 : vector<16xi32>
      tpu.vector_store_idx %arg9[%add3A_1556], %get3A_1535 : memref<4096xf32, #tpu.memory_space<vmem>>[vector<16xi32>], vector<16xf32>,
      %add3A_1557 = arith.constant 99 : i32
      %add3A_1558 = vector.broadcast %add3A_1557 : i32 to vector<16xi32>
      %add3A_1559 = arith.addi %add3A_20, %add3A_1558 : vector<16xi32>
      tpu.vector_store_idx %arg9[%add3A_1559], %get3A_1539 : memref<4096xf32, #tpu.memory_space<vmem>>[vector<16xi32>], vector<16xf32>,
      %get3A_1560 = arith.constant 101 : i32
      %get3A_1561 = arith.index_cast %get3A_1560 : i32 to index
      %get3A_1562 = arith.constant 0 : index
      %get3A_1563 = tpu.vector_load %arg7[%get3A_1561, %get3A_1562] {strides = array<i32>} : memref<128x32xf32, #tpu.memory_space<vmem>>, vector<16xf32>,
      %get3A_1564 = arith.constant 101 : i32
      %get3A_1565 = arith.index_cast %get3A_1564 : i32 to index
      %get3A_1566 = arith.constant 16 : index
      %get3A_1567 = tpu.vector_load %arg7[%get3A_1565, %get3A_1566] {strides = array<i32>} : memref<128x32xf32, #tpu.memory_space<vmem>>, vector<16xf32>,
      %add3A_1568 = arith.constant 100 : i32
      %add3A_1569 = vector.broadcast %add3A_1568 : i32 to vector<16xi32>
      %add3A_1570 = arith.addi %add3A_13, %add3A_1569 : vector<16xi32>
      tpu.vector_store_idx %arg9[%add3A_1570], %get3A_1549 : memref<4096xf32, #tpu.memory_space<vmem>>[vector<16xi32>], vector<16xf32>,
      %add3A_1571 = arith.constant 100 : i32
      %add3A_1572 = vector.broadcast %add3A_1571 : i32 to vector<16xi32>
      %add3A_1573 = arith.addi %add3A_20, %add3A_1572 : vector<16xi32>
      tpu.vector_store_idx %arg9[%add3A_1573], %get3A_1553 : memref<4096xf32, #tpu.memory_space<vmem>>[vector<16xi32>], vector<16xf32>,
      %get3A_1574 = arith.constant 102 : i32
      %get3A_1575 = arith.index_cast %get3A_1574 : i32 to index
      %get3A_1576 = arith.constant 0 : index
      %get3A_1577 = tpu.vector_load %arg7[%get3A_1575, %get3A_1576] {strides = array<i32>} : memref<128x32xf32, #tpu.memory_space<vmem>>, vector<16xf32>,
      %get3A_1578 = arith.constant 102 : i32
      %get3A_1579 = arith.index_cast %get3A_1578 : i32 to index
      %get3A_1580 = arith.constant 16 : index
      %get3A_1581 = tpu.vector_load %arg7[%get3A_1579, %get3A_1580] {strides = array<i32>} : memref<128x32xf32, #tpu.memory_space<vmem>>, vector<16xf32>,
      %add3A_1582 = arith.constant 101 : i32
      %add3A_1583 = vector.broadcast %add3A_1582 : i32 to vector<16xi32>
      %add3A_1584 = arith.addi %add3A_13, %add3A_1583 : vector<16xi32>
      tpu.vector_store_idx %arg9[%add3A_1584], %get3A_1563 : memref<4096xf32, #tpu.memory_space<vmem>>[vector<16xi32>], vector<16xf32>,
      %add3A_1585 = arith.constant 101 : i32
      %add3A_1586 = vector.broadcast %add3A_1585 : i32 to vector<16xi32>
      %add3A_1587 = arith.addi %add3A_20, %add3A_1586 : vector<16xi32>
      tpu.vector_store_idx %arg9[%add3A_1587], %get3A_1567 : memref<4096xf32, #tpu.memory_space<vmem>>[vector<16xi32>], vector<16xf32>,
      %get3A_1588 = arith.constant 103 : i32
      %get3A_1589 = arith.index_cast %get3A_1588 : i32 to index
      %get3A_1590 = arith.constant 0 : index
      %get3A_1591 = tpu.vector_load %arg7[%get3A_1589, %get3A_1590] {strides = array<i32>} : memref<128x32xf32, #tpu.memory_space<vmem>>, vector<16xf32>,
      %get3A_1592 = arith.constant 103 : i32
      %get3A_1593 = arith.index_cast %get3A_1592 : i32 to index
      %get3A_1594 = arith.constant 16 : index
      %get3A_1595 = tpu.vector_load %arg7[%get3A_1593, %get3A_1594] {strides = array<i32>} : memref<128x32xf32, #tpu.memory_space<vmem>>, vector<16xf32>,
      %add3A_1596 = arith.constant 102 : i32
      %add3A_1597 = vector.broadcast %add3A_1596 : i32 to vector<16xi32>
      %add3A_1598 = arith.addi %add3A_13, %add3A_1597 : vector<16xi32>
      tpu.vector_store_idx %arg9[%add3A_1598], %get3A_1577 : memref<4096xf32, #tpu.memory_space<vmem>>[vector<16xi32>], vector<16xf32>,
      %add3A_1599 = arith.constant 102 : i32
      %add3A_1600 = vector.broadcast %add3A_1599 : i32 to vector<16xi32>
      %add3A_1601 = arith.addi %add3A_20, %add3A_1600 : vector<16xi32>
      tpu.vector_store_idx %arg9[%add3A_1601], %get3A_1581 : memref<4096xf32, #tpu.memory_space<vmem>>[vector<16xi32>], vector<16xf32>,
      %get3A_1602 = arith.constant 104 : i32
      %get3A_1603 = arith.index_cast %get3A_1602 : i32 to index
      %get3A_1604 = arith.constant 0 : index
      %get3A_1605 = tpu.vector_load %arg7[%get3A_1603, %get3A_1604] {strides = array<i32>} : memref<128x32xf32, #tpu.memory_space<vmem>>, vector<16xf32>,
      %get3A_1606 = arith.constant 104 : i32
      %get3A_1607 = arith.index_cast %get3A_1606 : i32 to index
      %get3A_1608 = arith.constant 16 : index
      %get3A_1609 = tpu.vector_load %arg7[%get3A_1607, %get3A_1608] {strides = array<i32>} : memref<128x32xf32, #tpu.memory_space<vmem>>, vector<16xf32>,
      %add3A_1610 = arith.constant 103 : i32
      %add3A_1611 = vector.broadcast %add3A_1610 : i32 to vector<16xi32>
      %add3A_1612 = arith.addi %add3A_13, %add3A_1611 : vector<16xi32>
      tpu.vector_store_idx %arg9[%add3A_1612], %get3A_1591 : memref<4096xf32, #tpu.memory_space<vmem>>[vector<16xi32>], vector<16xf32>,
      %add3A_1613 = arith.constant 103 : i32
      %add3A_1614 = vector.broadcast %add3A_1613 : i32 to vector<16xi32>
      %add3A_1615 = arith.addi %add3A_20, %add3A_1614 : vector<16xi32>
      tpu.vector_store_idx %arg9[%add3A_1615], %get3A_1595 : memref<4096xf32, #tpu.memory_space<vmem>>[vector<16xi32>], vector<16xf32>,
      %get3A_1616 = arith.constant 105 : i32
      %get3A_1617 = arith.index_cast %get3A_1616 : i32 to index
      %get3A_1618 = arith.constant 0 : index
      %get3A_1619 = tpu.vector_load %arg7[%get3A_1617, %get3A_1618] {strides = array<i32>} : memref<128x32xf32, #tpu.memory_space<vmem>>, vector<16xf32>,
      %get3A_1620 = arith.constant 105 : i32
      %get3A_1621 = arith.index_cast %get3A_1620 : i32 to index
      %get3A_1622 = arith.constant 16 : index
      %get3A_1623 = tpu.vector_load %arg7[%get3A_1621, %get3A_1622] {strides = array<i32>} : memref<128x32xf32, #tpu.memory_space<vmem>>, vector<16xf32>,
      %add3A_1624 = arith.constant 104 : i32
      %add3A_1625 = vector.broadcast %add3A_1624 : i32 to vector<16xi32>
      %add3A_1626 = arith.addi %add3A_13, %add3A_1625 : vector<16xi32>
      tpu.vector_store_idx %arg9[%add3A_1626], %get3A_1605 : memref<4096xf32, #tpu.memory_space<vmem>>[vector<16xi32>], vector<16xf32>,
      %add3A_1627 = arith.constant 104 : i32
      %add3A_1628 = vector.broadcast %add3A_1627 : i32 to vector<16xi32>
      %add3A_1629 = arith.addi %add3A_20, %add3A_1628 : vector<16xi32>
      tpu.vector_store_idx %arg9[%add3A_1629], %get3A_1609 : memref<4096xf32, #tpu.memory_space<vmem>>[vector<16xi32>], vector<16xf32>,
      %get3A_1630 = arith.constant 106 : i32
      %get3A_1631 = arith.index_cast %get3A_1630 : i32 to index
      %get3A_1632 = arith.constant 0 : index
      %get3A_1633 = tpu.vector_load %arg7[%get3A_1631, %get3A_1632] {strides = array<i32>} : memref<128x32xf32, #tpu.memory_space<vmem>>, vector<16xf32>,
      %get3A_1634 = arith.constant 106 : i32
      %get3A_1635 = arith.index_cast %get3A_1634 : i32 to index
      %get3A_1636 = arith.constant 16 : index
      %get3A_1637 = tpu.vector_load %arg7[%get3A_1635, %get3A_1636] {strides = array<i32>} : memref<128x32xf32, #tpu.memory_space<vmem>>, vector<16xf32>,
      %add3A_1638 = arith.constant 105 : i32
      %add3A_1639 = vector.broadcast %add3A_1638 : i32 to vector<16xi32>
      %add3A_1640 = arith.addi %add3A_13, %add3A_1639 : vector<16xi32>
      tpu.vector_store_idx %arg9[%add3A_1640], %get3A_1619 : memref<4096xf32, #tpu.memory_space<vmem>>[vector<16xi32>], vector<16xf32>,
      %add3A_1641 = arith.constant 105 : i32
      %add3A_1642 = vector.broadcast %add3A_1641 : i32 to vector<16xi32>
      %add3A_1643 = arith.addi %add3A_20, %add3A_1642 : vector<16xi32>
      tpu.vector_store_idx %arg9[%add3A_1643], %get3A_1623 : memref<4096xf32, #tpu.memory_space<vmem>>[vector<16xi32>], vector<16xf32>,
      %get3A_1644 = arith.constant 107 : i32
      %get3A_1645 = arith.index_cast %get3A_1644 : i32 to index
      %get3A_1646 = arith.constant 0 : index
      %get3A_1647 = tpu.vector_load %arg7[%get3A_1645, %get3A_1646] {strides = array<i32>} : memref<128x32xf32, #tpu.memory_space<vmem>>, vector<16xf32>,
      %get3A_1648 = arith.constant 107 : i32
      %get3A_1649 = arith.index_cast %get3A_1648 : i32 to index
      %get3A_1650 = arith.constant 16 : index
      %get3A_1651 = tpu.vector_load %arg7[%get3A_1649, %get3A_1650] {strides = array<i32>} : memref<128x32xf32, #tpu.memory_space<vmem>>, vector<16xf32>,
      %add3A_1652 = arith.constant 106 : i32
      %add3A_1653 = vector.broadcast %add3A_1652 : i32 to vector<16xi32>
      %add3A_1654 = arith.addi %add3A_13, %add3A_1653 : vector<16xi32>
      tpu.vector_store_idx %arg9[%add3A_1654], %get3A_1633 : memref<4096xf32, #tpu.memory_space<vmem>>[vector<16xi32>], vector<16xf32>,
      %add3A_1655 = arith.constant 106 : i32
      %add3A_1656 = vector.broadcast %add3A_1655 : i32 to vector<16xi32>
      %add3A_1657 = arith.addi %add3A_20, %add3A_1656 : vector<16xi32>
      tpu.vector_store_idx %arg9[%add3A_1657], %get3A_1637 : memref<4096xf32, #tpu.memory_space<vmem>>[vector<16xi32>], vector<16xf32>,
      %get3A_1658 = arith.constant 108 : i32
      %get3A_1659 = arith.index_cast %get3A_1658 : i32 to index
      %get3A_1660 = arith.constant 0 : index
      %get3A_1661 = tpu.vector_load %arg7[%get3A_1659, %get3A_1660] {strides = array<i32>} : memref<128x32xf32, #tpu.memory_space<vmem>>, vector<16xf32>,
      %get3A_1662 = arith.constant 108 : i32
      %get3A_1663 = arith.index_cast %get3A_1662 : i32 to index
      %get3A_1664 = arith.constant 16 : index
      %get3A_1665 = tpu.vector_load %arg7[%get3A_1663, %get3A_1664] {strides = array<i32>} : memref<128x32xf32, #tpu.memory_space<vmem>>, vector<16xf32>,
      %add3A_1666 = arith.constant 107 : i32
      %add3A_1667 = vector.broadcast %add3A_1666 : i32 to vector<16xi32>
      %add3A_1668 = arith.addi %add3A_13, %add3A_1667 : vector<16xi32>
      tpu.vector_store_idx %arg9[%add3A_1668], %get3A_1647 : memref<4096xf32, #tpu.memory_space<vmem>>[vector<16xi32>], vector<16xf32>,
      %add3A_1669 = arith.constant 107 : i32
      %add3A_1670 = vector.broadcast %add3A_1669 : i32 to vector<16xi32>
      %add3A_1671 = arith.addi %add3A_20, %add3A_1670 : vector<16xi32>
      tpu.vector_store_idx %arg9[%add3A_1671], %get3A_1651 : memref<4096xf32, #tpu.memory_space<vmem>>[vector<16xi32>], vector<16xf32>,
      %get3A_1672 = arith.constant 109 : i32
      %get3A_1673 = arith.index_cast %get3A_1672 : i32 to index
      %get3A_1674 = arith.constant 0 : index
      %get3A_1675 = tpu.vector_load %arg7[%get3A_1673, %get3A_1674] {strides = array<i32>} : memref<128x32xf32, #tpu.memory_space<vmem>>, vector<16xf32>,
      %get3A_1676 = arith.constant 109 : i32
      %get3A_1677 = arith.index_cast %get3A_1676 : i32 to index
      %get3A_1678 = arith.constant 16 : index
      %get3A_1679 = tpu.vector_load %arg7[%get3A_1677, %get3A_1678] {strides = array<i32>} : memref<128x32xf32, #tpu.memory_space<vmem>>, vector<16xf32>,
      %add3A_1680 = arith.constant 108 : i32
      %add3A_1681 = vector.broadcast %add3A_1680 : i32 to vector<16xi32>
      %add3A_1682 = arith.addi %add3A_13, %add3A_1681 : vector<16xi32>
      tpu.vector_store_idx %arg9[%add3A_1682], %get3A_1661 : memref<4096xf32, #tpu.memory_space<vmem>>[vector<16xi32>], vector<16xf32>,
      %add3A_1683 = arith.constant 108 : i32
      %add3A_1684 = vector.broadcast %add3A_1683 : i32 to vector<16xi32>
      %add3A_1685 = arith.addi %add3A_20, %add3A_1684 : vector<16xi32>
      tpu.vector_store_idx %arg9[%add3A_1685], %get3A_1665 : memref<4096xf32, #tpu.memory_space<vmem>>[vector<16xi32>], vector<16xf32>,
      %get3A_1686 = arith.constant 110 : i32
      %get3A_1687 = arith.index_cast %get3A_1686 : i32 to index
      %get3A_1688 = arith.constant 0 : index
      %get3A_1689 = tpu.vector_load %arg7[%get3A_1687, %get3A_1688] {strides = array<i32>} : memref<128x32xf32, #tpu.memory_space<vmem>>, vector<16xf32>,
      %get3A_1690 = arith.constant 110 : i32
      %get3A_1691 = arith.index_cast %get3A_1690 : i32 to index
      %get3A_1692 = arith.constant 16 : index
      %get3A_1693 = tpu.vector_load %arg7[%get3A_1691, %get3A_1692] {strides = array<i32>} : memref<128x32xf32, #tpu.memory_space<vmem>>, vector<16xf32>,
      %add3A_1694 = arith.constant 109 : i32
      %add3A_1695 = vector.broadcast %add3A_1694 : i32 to vector<16xi32>
      %add3A_1696 = arith.addi %add3A_13, %add3A_1695 : vector<16xi32>
      tpu.vector_store_idx %arg9[%add3A_1696], %get3A_1675 : memref<4096xf32, #tpu.memory_space<vmem>>[vector<16xi32>], vector<16xf32>,
      %add3A_1697 = arith.constant 109 : i32
      %add3A_1698 = vector.broadcast %add3A_1697 : i32 to vector<16xi32>
      %add3A_1699 = arith.addi %add3A_20, %add3A_1698 : vector<16xi32>
      tpu.vector_store_idx %arg9[%add3A_1699], %get3A_1679 : memref<4096xf32, #tpu.memory_space<vmem>>[vector<16xi32>], vector<16xf32>,
      %get3A_1700 = arith.constant 111 : i32
      %get3A_1701 = arith.index_cast %get3A_1700 : i32 to index
      %get3A_1702 = arith.constant 0 : index
      %get3A_1703 = tpu.vector_load %arg7[%get3A_1701, %get3A_1702] {strides = array<i32>} : memref<128x32xf32, #tpu.memory_space<vmem>>, vector<16xf32>,
      %get3A_1704 = arith.constant 111 : i32
      %get3A_1705 = arith.index_cast %get3A_1704 : i32 to index
      %get3A_1706 = arith.constant 16 : index
      %get3A_1707 = tpu.vector_load %arg7[%get3A_1705, %get3A_1706] {strides = array<i32>} : memref<128x32xf32, #tpu.memory_space<vmem>>, vector<16xf32>,
      %add3A_1708 = arith.constant 110 : i32
      %add3A_1709 = vector.broadcast %add3A_1708 : i32 to vector<16xi32>
      %add3A_1710 = arith.addi %add3A_13, %add3A_1709 : vector<16xi32>
      tpu.vector_store_idx %arg9[%add3A_1710], %get3A_1689 : memref<4096xf32, #tpu.memory_space<vmem>>[vector<16xi32>], vector<16xf32>,
      %add3A_1711 = arith.constant 110 : i32
      %add3A_1712 = vector.broadcast %add3A_1711 : i32 to vector<16xi32>
      %add3A_1713 = arith.addi %add3A_20, %add3A_1712 : vector<16xi32>
      tpu.vector_store_idx %arg9[%add3A_1713], %get3A_1693 : memref<4096xf32, #tpu.memory_space<vmem>>[vector<16xi32>], vector<16xf32>,
      %get3A_1714 = arith.constant 112 : i32
      %get3A_1715 = arith.index_cast %get3A_1714 : i32 to index
      %get3A_1716 = arith.constant 0 : index
      %get3A_1717 = tpu.vector_load %arg7[%get3A_1715, %get3A_1716] {strides = array<i32>} : memref<128x32xf32, #tpu.memory_space<vmem>>, vector<16xf32>,
      %get3A_1718 = arith.constant 112 : i32
      %get3A_1719 = arith.index_cast %get3A_1718 : i32 to index
      %get3A_1720 = arith.constant 16 : index
      %get3A_1721 = tpu.vector_load %arg7[%get3A_1719, %get3A_1720] {strides = array<i32>} : memref<128x32xf32, #tpu.memory_space<vmem>>, vector<16xf32>,
      %add3A_1722 = arith.constant 111 : i32
      %add3A_1723 = vector.broadcast %add3A_1722 : i32 to vector<16xi32>
      %add3A_1724 = arith.addi %add3A_13, %add3A_1723 : vector<16xi32>
      tpu.vector_store_idx %arg9[%add3A_1724], %get3A_1703 : memref<4096xf32, #tpu.memory_space<vmem>>[vector<16xi32>], vector<16xf32>,
      %add3A_1725 = arith.constant 111 : i32
      %add3A_1726 = vector.broadcast %add3A_1725 : i32 to vector<16xi32>
      %add3A_1727 = arith.addi %add3A_20, %add3A_1726 : vector<16xi32>
      tpu.vector_store_idx %arg9[%add3A_1727], %get3A_1707 : memref<4096xf32, #tpu.memory_space<vmem>>[vector<16xi32>], vector<16xf32>,
      %get3A_1728 = arith.constant 113 : i32
      %get3A_1729 = arith.index_cast %get3A_1728 : i32 to index
      %get3A_1730 = arith.constant 0 : index
      %get3A_1731 = tpu.vector_load %arg7[%get3A_1729, %get3A_1730] {strides = array<i32>} : memref<128x32xf32, #tpu.memory_space<vmem>>, vector<16xf32>,
      %get3A_1732 = arith.constant 113 : i32
      %get3A_1733 = arith.index_cast %get3A_1732 : i32 to index
      %get3A_1734 = arith.constant 16 : index
      %get3A_1735 = tpu.vector_load %arg7[%get3A_1733, %get3A_1734] {strides = array<i32>} : memref<128x32xf32, #tpu.memory_space<vmem>>, vector<16xf32>,
      %add3A_1736 = arith.constant 112 : i32
      %add3A_1737 = vector.broadcast %add3A_1736 : i32 to vector<16xi32>
      %add3A_1738 = arith.addi %add3A_13, %add3A_1737 : vector<16xi32>
      tpu.vector_store_idx %arg9[%add3A_1738], %get3A_1717 : memref<4096xf32, #tpu.memory_space<vmem>>[vector<16xi32>], vector<16xf32>,
      %add3A_1739 = arith.constant 112 : i32
      %add3A_1740 = vector.broadcast %add3A_1739 : i32 to vector<16xi32>
      %add3A_1741 = arith.addi %add3A_20, %add3A_1740 : vector<16xi32>
      tpu.vector_store_idx %arg9[%add3A_1741], %get3A_1721 : memref<4096xf32, #tpu.memory_space<vmem>>[vector<16xi32>], vector<16xf32>,
      %get3A_1742 = arith.constant 114 : i32
      %get3A_1743 = arith.index_cast %get3A_1742 : i32 to index
      %get3A_1744 = arith.constant 0 : index
      %get3A_1745 = tpu.vector_load %arg7[%get3A_1743, %get3A_1744] {strides = array<i32>} : memref<128x32xf32, #tpu.memory_space<vmem>>, vector<16xf32>,
      %get3A_1746 = arith.constant 114 : i32
      %get3A_1747 = arith.index_cast %get3A_1746 : i32 to index
      %get3A_1748 = arith.constant 16 : index
      %get3A_1749 = tpu.vector_load %arg7[%get3A_1747, %get3A_1748] {strides = array<i32>} : memref<128x32xf32, #tpu.memory_space<vmem>>, vector<16xf32>,
      %add3A_1750 = arith.constant 113 : i32
      %add3A_1751 = vector.broadcast %add3A_1750 : i32 to vector<16xi32>
      %add3A_1752 = arith.addi %add3A_13, %add3A_1751 : vector<16xi32>
      tpu.vector_store_idx %arg9[%add3A_1752], %get3A_1731 : memref<4096xf32, #tpu.memory_space<vmem>>[vector<16xi32>], vector<16xf32>,
      %add3A_1753 = arith.constant 113 : i32
      %add3A_1754 = vector.broadcast %add3A_1753 : i32 to vector<16xi32>
      %add3A_1755 = arith.addi %add3A_20, %add3A_1754 : vector<16xi32>
      tpu.vector_store_idx %arg9[%add3A_1755], %get3A_1735 : memref<4096xf32, #tpu.memory_space<vmem>>[vector<16xi32>], vector<16xf32>,
      %get3A_1756 = arith.constant 115 : i32
      %get3A_1757 = arith.index_cast %get3A_1756 : i32 to index
      %get3A_1758 = arith.constant 0 : index
      %get3A_1759 = tpu.vector_load %arg7[%get3A_1757, %get3A_1758] {strides = array<i32>} : memref<128x32xf32, #tpu.memory_space<vmem>>, vector<16xf32>,
      %get3A_1760 = arith.constant 115 : i32
      %get3A_1761 = arith.index_cast %get3A_1760 : i32 to index
      %get3A_1762 = arith.constant 16 : index
      %get3A_1763 = tpu.vector_load %arg7[%get3A_1761, %get3A_1762] {strides = array<i32>} : memref<128x32xf32, #tpu.memory_space<vmem>>, vector<16xf32>,
      %add3A_1764 = arith.constant 114 : i32
      %add3A_1765 = vector.broadcast %add3A_1764 : i32 to vector<16xi32>
      %add3A_1766 = arith.addi %add3A_13, %add3A_1765 : vector<16xi32>
      tpu.vector_store_idx %arg9[%add3A_1766], %get3A_1745 : memref<4096xf32, #tpu.memory_space<vmem>>[vector<16xi32>], vector<16xf32>,
      %add3A_1767 = arith.constant 114 : i32
      %add3A_1768 = vector.broadcast %add3A_1767 : i32 to vector<16xi32>
      %add3A_1769 = arith.addi %add3A_20, %add3A_1768 : vector<16xi32>
      tpu.vector_store_idx %arg9[%add3A_1769], %get3A_1749 : memref<4096xf32, #tpu.memory_space<vmem>>[vector<16xi32>], vector<16xf32>,
      %get3A_1770 = arith.constant 116 : i32
      %get3A_1771 = arith.index_cast %get3A_1770 : i32 to index
      %get3A_1772 = arith.constant 0 : index
      %get3A_1773 = tpu.vector_load %arg7[%get3A_1771, %get3A_1772] {strides = array<i32>} : memref<128x32xf32, #tpu.memory_space<vmem>>, vector<16xf32>,
      %get3A_1774 = arith.constant 116 : i32
      %get3A_1775 = arith.index_cast %get3A_1774 : i32 to index
      %get3A_1776 = arith.constant 16 : index
      %get3A_1777 = tpu.vector_load %arg7[%get3A_1775, %get3A_1776] {strides = array<i32>} : memref<128x32xf32, #tpu.memory_space<vmem>>, vector<16xf32>,
      %add3A_1778 = arith.constant 115 : i32
      %add3A_1779 = vector.broadcast %add3A_1778 : i32 to vector<16xi32>
      %add3A_1780 = arith.addi %add3A_13, %add3A_1779 : vector<16xi32>
      tpu.vector_store_idx %arg9[%add3A_1780], %get3A_1759 : memref<4096xf32, #tpu.memory_space<vmem>>[vector<16xi32>], vector<16xf32>,
      %add3A_1781 = arith.constant 115 : i32
      %add3A_1782 = vector.broadcast %add3A_1781 : i32 to vector<16xi32>
      %add3A_1783 = arith.addi %add3A_20, %add3A_1782 : vector<16xi32>
      tpu.vector_store_idx %arg9[%add3A_1783], %get3A_1763 : memref<4096xf32, #tpu.memory_space<vmem>>[vector<16xi32>], vector<16xf32>,
      %get3A_1784 = arith.constant 117 : i32
      %get3A_1785 = arith.index_cast %get3A_1784 : i32 to index
      %get3A_1786 = arith.constant 0 : index
      %get3A_1787 = tpu.vector_load %arg7[%get3A_1785, %get3A_1786] {strides = array<i32>} : memref<128x32xf32, #tpu.memory_space<vmem>>, vector<16xf32>,
      %get3A_1788 = arith.constant 117 : i32
      %get3A_1789 = arith.index_cast %get3A_1788 : i32 to index
      %get3A_1790 = arith.constant 16 : index
      %get3A_1791 = tpu.vector_load %arg7[%get3A_1789, %get3A_1790] {strides = array<i32>} : memref<128x32xf32, #tpu.memory_space<vmem>>, vector<16xf32>,
      %add3A_1792 = arith.constant 116 : i32
      %add3A_1793 = vector.broadcast %add3A_1792 : i32 to vector<16xi32>
      %add3A_1794 = arith.addi %add3A_13, %add3A_1793 : vector<16xi32>
      tpu.vector_store_idx %arg9[%add3A_1794], %get3A_1773 : memref<4096xf32, #tpu.memory_space<vmem>>[vector<16xi32>], vector<16xf32>,
      %add3A_1795 = arith.constant 116 : i32
      %add3A_1796 = vector.broadcast %add3A_1795 : i32 to vector<16xi32>
      %add3A_1797 = arith.addi %add3A_20, %add3A_1796 : vector<16xi32>
      tpu.vector_store_idx %arg9[%add3A_1797], %get3A_1777 : memref<4096xf32, #tpu.memory_space<vmem>>[vector<16xi32>], vector<16xf32>,
      %get3A_1798 = arith.constant 118 : i32
      %get3A_1799 = arith.index_cast %get3A_1798 : i32 to index
      %get3A_1800 = arith.constant 0 : index
      %get3A_1801 = tpu.vector_load %arg7[%get3A_1799, %get3A_1800] {strides = array<i32>} : memref<128x32xf32, #tpu.memory_space<vmem>>, vector<16xf32>,
      %get3A_1802 = arith.constant 118 : i32
      %get3A_1803 = arith.index_cast %get3A_1802 : i32 to index
      %get3A_1804 = arith.constant 16 : index
      %get3A_1805 = tpu.vector_load %arg7[%get3A_1803, %get3A_1804] {strides = array<i32>} : memref<128x32xf32, #tpu.memory_space<vmem>>, vector<16xf32>,
      %add3A_1806 = arith.constant 117 : i32
      %add3A_1807 = vector.broadcast %add3A_1806 : i32 to vector<16xi32>
      %add3A_1808 = arith.addi %add3A_13, %add3A_1807 : vector<16xi32>
      tpu.vector_store_idx %arg9[%add3A_1808], %get3A_1787 : memref<4096xf32, #tpu.memory_space<vmem>>[vector<16xi32>], vector<16xf32>,
      %add3A_1809 = arith.constant 117 : i32
      %add3A_1810 = vector.broadcast %add3A_1809 : i32 to vector<16xi32>
      %add3A_1811 = arith.addi %add3A_20, %add3A_1810 : vector<16xi32>
      tpu.vector_store_idx %arg9[%add3A_1811], %get3A_1791 : memref<4096xf32, #tpu.memory_space<vmem>>[vector<16xi32>], vector<16xf32>,
      %get3A_1812 = arith.constant 119 : i32
      %get3A_1813 = arith.index_cast %get3A_1812 : i32 to index
      %get3A_1814 = arith.constant 0 : index
      %get3A_1815 = tpu.vector_load %arg7[%get3A_1813, %get3A_1814] {strides = array<i32>} : memref<128x32xf32, #tpu.memory_space<vmem>>, vector<16xf32>,
      %get3A_1816 = arith.constant 119 : i32
      %get3A_1817 = arith.index_cast %get3A_1816 : i32 to index
      %get3A_1818 = arith.constant 16 : index
      %get3A_1819 = tpu.vector_load %arg7[%get3A_1817, %get3A_1818] {strides = array<i32>} : memref<128x32xf32, #tpu.memory_space<vmem>>, vector<16xf32>,
      %add3A_1820 = arith.constant 118 : i32
      %add3A_1821 = vector.broadcast %add3A_1820 : i32 to vector<16xi32>
      %add3A_1822 = arith.addi %add3A_13, %add3A_1821 : vector<16xi32>
      tpu.vector_store_idx %arg9[%add3A_1822], %get3A_1801 : memref<4096xf32, #tpu.memory_space<vmem>>[vector<16xi32>], vector<16xf32>,
      %add3A_1823 = arith.constant 118 : i32
      %add3A_1824 = vector.broadcast %add3A_1823 : i32 to vector<16xi32>
      %add3A_1825 = arith.addi %add3A_20, %add3A_1824 : vector<16xi32>
      tpu.vector_store_idx %arg9[%add3A_1825], %get3A_1805 : memref<4096xf32, #tpu.memory_space<vmem>>[vector<16xi32>], vector<16xf32>,
      %get3A_1826 = arith.constant 120 : i32
      %get3A_1827 = arith.index_cast %get3A_1826 : i32 to index
      %get3A_1828 = arith.constant 0 : index
      %get3A_1829 = tpu.vector_load %arg7[%get3A_1827, %get3A_1828] {strides = array<i32>} : memref<128x32xf32, #tpu.memory_space<vmem>>, vector<16xf32>,
      %get3A_1830 = arith.constant 120 : i32
      %get3A_1831 = arith.index_cast %get3A_1830 : i32 to index
      %get3A_1832 = arith.constant 16 : index
      %get3A_1833 = tpu.vector_load %arg7[%get3A_1831, %get3A_1832] {strides = array<i32>} : memref<128x32xf32, #tpu.memory_space<vmem>>, vector<16xf32>,
      %add3A_1834 = arith.constant 119 : i32
      %add3A_1835 = vector.broadcast %add3A_1834 : i32 to vector<16xi32>
      %add3A_1836 = arith.addi %add3A_13, %add3A_1835 : vector<16xi32>
      tpu.vector_store_idx %arg9[%add3A_1836], %get3A_1815 : memref<4096xf32, #tpu.memory_space<vmem>>[vector<16xi32>], vector<16xf32>,
      %add3A_1837 = arith.constant 119 : i32
      %add3A_1838 = vector.broadcast %add3A_1837 : i32 to vector<16xi32>
      %add3A_1839 = arith.addi %add3A_20, %add3A_1838 : vector<16xi32>
      tpu.vector_store_idx %arg9[%add3A_1839], %get3A_1819 : memref<4096xf32, #tpu.memory_space<vmem>>[vector<16xi32>], vector<16xf32>,
      %get3A_1840 = arith.constant 121 : i32
      %get3A_1841 = arith.index_cast %get3A_1840 : i32 to index
      %get3A_1842 = arith.constant 0 : index
      %get3A_1843 = tpu.vector_load %arg7[%get3A_1841, %get3A_1842] {strides = array<i32>} : memref<128x32xf32, #tpu.memory_space<vmem>>, vector<16xf32>,
      %get3A_1844 = arith.constant 121 : i32
      %get3A_1845 = arith.index_cast %get3A_1844 : i32 to index
      %get3A_1846 = arith.constant 16 : index
      %get3A_1847 = tpu.vector_load %arg7[%get3A_1845, %get3A_1846] {strides = array<i32>} : memref<128x32xf32, #tpu.memory_space<vmem>>, vector<16xf32>,
      %add3A_1848 = arith.constant 120 : i32
      %add3A_1849 = vector.broadcast %add3A_1848 : i32 to vector<16xi32>
      %add3A_1850 = arith.addi %add3A_13, %add3A_1849 : vector<16xi32>
      tpu.vector_store_idx %arg9[%add3A_1850], %get3A_1829 : memref<4096xf32, #tpu.memory_space<vmem>>[vector<16xi32>], vector<16xf32>,
      %add3A_1851 = arith.constant 120 : i32
      %add3A_1852 = vector.broadcast %add3A_1851 : i32 to vector<16xi32>
      %add3A_1853 = arith.addi %add3A_20, %add3A_1852 : vector<16xi32>
      tpu.vector_store_idx %arg9[%add3A_1853], %get3A_1833 : memref<4096xf32, #tpu.memory_space<vmem>>[vector<16xi32>], vector<16xf32>,
      %get3A_1854 = arith.constant 122 : i32
      %get3A_1855 = arith.index_cast %get3A_1854 : i32 to index
      %get3A_1856 = arith.constant 0 : index
      %get3A_1857 = tpu.vector_load %arg7[%get3A_1855, %get3A_1856] {strides = array<i32>} : memref<128x32xf32, #tpu.memory_space<vmem>>, vector<16xf32>,
      %get3A_1858 = arith.constant 122 : i32
      %get3A_1859 = arith.index_cast %get3A_1858 : i32 to index
      %get3A_1860 = arith.constant 16 : index
      %get3A_1861 = tpu.vector_load %arg7[%get3A_1859, %get3A_1860] {strides = array<i32>} : memref<128x32xf32, #tpu.memory_space<vmem>>, vector<16xf32>,
      %add3A_1862 = arith.constant 121 : i32
      %add3A_1863 = vector.broadcast %add3A_1862 : i32 to vector<16xi32>
      %add3A_1864 = arith.addi %add3A_13, %add3A_1863 : vector<16xi32>
      tpu.vector_store_idx %arg9[%add3A_1864], %get3A_1843 : memref<4096xf32, #tpu.memory_space<vmem>>[vector<16xi32>], vector<16xf32>,
      %add3A_1865 = arith.constant 121 : i32
      %add3A_1866 = vector.broadcast %add3A_1865 : i32 to vector<16xi32>
      %add3A_1867 = arith.addi %add3A_20, %add3A_1866 : vector<16xi32>
      tpu.vector_store_idx %arg9[%add3A_1867], %get3A_1847 : memref<4096xf32, #tpu.memory_space<vmem>>[vector<16xi32>], vector<16xf32>,
      %get3A_1868 = arith.constant 123 : i32
      %get3A_1869 = arith.index_cast %get3A_1868 : i32 to index
      %get3A_1870 = arith.constant 0 : index
      %get3A_1871 = tpu.vector_load %arg7[%get3A_1869, %get3A_1870] {strides = array<i32>} : memref<128x32xf32, #tpu.memory_space<vmem>>, vector<16xf32>,
      %get3A_1872 = arith.constant 123 : i32
      %get3A_1873 = arith.index_cast %get3A_1872 : i32 to index
      %get3A_1874 = arith.constant 16 : index
      %get3A_1875 = tpu.vector_load %arg7[%get3A_1873, %get3A_1874] {strides = array<i32>} : memref<128x32xf32, #tpu.memory_space<vmem>>, vector<16xf32>,
      %add3A_1876 = arith.constant 122 : i32
      %add3A_1877 = vector.broadcast %add3A_1876 : i32 to vector<16xi32>
      %add3A_1878 = arith.addi %add3A_13, %add3A_1877 : vector<16xi32>
      tpu.vector_store_idx %arg9[%add3A_1878], %get3A_1857 : memref<4096xf32, #tpu.memory_space<vmem>>[vector<16xi32>], vector<16xf32>,
      %add3A_1879 = arith.constant 122 : i32
      %add3A_1880 = vector.broadcast %add3A_1879 : i32 to vector<16xi32>
      %add3A_1881 = arith.addi %add3A_20, %add3A_1880 : vector<16xi32>
      tpu.vector_store_idx %arg9[%add3A_1881], %get3A_1861 : memref<4096xf32, #tpu.memory_space<vmem>>[vector<16xi32>], vector<16xf32>,
      %get3A_1882 = arith.constant 124 : i32
      %get3A_1883 = arith.index_cast %get3A_1882 : i32 to index
      %get3A_1884 = arith.constant 0 : index
      %get3A_1885 = tpu.vector_load %arg7[%get3A_1883, %get3A_1884] {strides = array<i32>} : memref<128x32xf32, #tpu.memory_space<vmem>>, vector<16xf32>,
      %get3A_1886 = arith.constant 124 : i32
      %get3A_1887 = arith.index_cast %get3A_1886 : i32 to index
      %get3A_1888 = arith.constant 16 : index
      %get3A_1889 = tpu.vector_load %arg7[%get3A_1887, %get3A_1888] {strides = array<i32>} : memref<128x32xf32, #tpu.memory_space<vmem>>, vector<16xf32>,
      %add3A_1890 = arith.constant 123 : i32
      %add3A_1891 = vector.broadcast %add3A_1890 : i32 to vector<16xi32>
      %add3A_1892 = arith.addi %add3A_13, %add3A_1891 : vector<16xi32>
      tpu.vector_store_idx %arg9[%add3A_1892], %get3A_1871 : memref<4096xf32, #tpu.memory_space<vmem>>[vector<16xi32>], vector<16xf32>,
      %add3A_1893 = arith.constant 123 : i32
      %add3A_1894 = vector.broadcast %add3A_1893 : i32 to vector<16xi32>
      %add3A_1895 = arith.addi %add3A_20, %add3A_1894 : vector<16xi32>
      tpu.vector_store_idx %arg9[%add3A_1895], %get3A_1875 : memref<4096xf32, #tpu.memory_space<vmem>>[vector<16xi32>], vector<16xf32>,
      %get3A_1896 = arith.constant 125 : i32
      %get3A_1897 = arith.index_cast %get3A_1896 : i32 to index
      %get3A_1898 = arith.constant 0 : index
      %get3A_1899 = tpu.vector_load %arg7[%get3A_1897, %get3A_1898] {strides = array<i32>} : memref<128x32xf32, #tpu.memory_space<vmem>>, vector<16xf32>,
      %get3A_1900 = arith.constant 125 : i32
      %get3A_1901 = arith.index_cast %get3A_1900 : i32 to index
      %get3A_1902 = arith.constant 16 : index
      %get3A_1903 = tpu.vector_load %arg7[%get3A_1901, %get3A_1902] {strides = array<i32>} : memref<128x32xf32, #tpu.memory_space<vmem>>, vector<16xf32>,
      %add3A_1904 = arith.constant 124 : i32
      %add3A_1905 = vector.broadcast %add3A_1904 : i32 to vector<16xi32>
      %add3A_1906 = arith.addi %add3A_13, %add3A_1905 : vector<16xi32>
      tpu.vector_store_idx %arg9[%add3A_1906], %get3A_1885 : memref<4096xf32, #tpu.memory_space<vmem>>[vector<16xi32>], vector<16xf32>,
      %add3A_1907 = arith.constant 124 : i32
      %add3A_1908 = vector.broadcast %add3A_1907 : i32 to vector<16xi32>
      %add3A_1909 = arith.addi %add3A_20, %add3A_1908 : vector<16xi32>
      tpu.vector_store_idx %arg9[%add3A_1909], %get3A_1889 : memref<4096xf32, #tpu.memory_space<vmem>>[vector<16xi32>], vector<16xf32>,
      %get3A_1910 = arith.constant 126 : i32
      %get3A_1911 = arith.index_cast %get3A_1910 : i32 to index
      %get3A_1912 = arith.constant 0 : index
      %get3A_1913 = tpu.vector_load %arg7[%get3A_1911, %get3A_1912] {strides = array<i32>} : memref<128x32xf32, #tpu.memory_space<vmem>>, vector<16xf32>,
      %get3A_1914 = arith.constant 126 : i32
      %get3A_1915 = arith.index_cast %get3A_1914 : i32 to index
      %get3A_1916 = arith.constant 16 : index
      %get3A_1917 = tpu.vector_load %arg7[%get3A_1915, %get3A_1916] {strides = array<i32>} : memref<128x32xf32, #tpu.memory_space<vmem>>, vector<16xf32>,
      %add3A_1918 = arith.constant 125 : i32
      %add3A_1919 = vector.broadcast %add3A_1918 : i32 to vector<16xi32>
      %add3A_1920 = arith.addi %add3A_13, %add3A_1919 : vector<16xi32>
      tpu.vector_store_idx %arg9[%add3A_1920], %get3A_1899 : memref<4096xf32, #tpu.memory_space<vmem>>[vector<16xi32>], vector<16xf32>,
      %add3A_1921 = arith.constant 125 : i32
      %add3A_1922 = vector.broadcast %add3A_1921 : i32 to vector<16xi32>
      %add3A_1923 = arith.addi %add3A_20, %add3A_1922 : vector<16xi32>
      tpu.vector_store_idx %arg9[%add3A_1923], %get3A_1903 : memref<4096xf32, #tpu.memory_space<vmem>>[vector<16xi32>], vector<16xf32>,
      %get3A_1924 = arith.constant 127 : i32
      %get3A_1925 = arith.index_cast %get3A_1924 : i32 to index
      %get3A_1926 = arith.constant 0 : index
      %get3A_1927 = tpu.vector_load %arg7[%get3A_1925, %get3A_1926] {strides = array<i32>} : memref<128x32xf32, #tpu.memory_space<vmem>>, vector<16xf32>,
      %get3A_1928 = arith.constant 127 : i32
      %get3A_1929 = arith.index_cast %get3A_1928 : i32 to index
      %get3A_1930 = arith.constant 16 : index
      %get3A_1931 = tpu.vector_load %arg7[%get3A_1929, %get3A_1930] {strides = array<i32>} : memref<128x32xf32, #tpu.memory_space<vmem>>, vector<16xf32>,
      %add3A_1932 = arith.constant 126 : i32
      %add3A_1933 = vector.broadcast %add3A_1932 : i32 to vector<16xi32>
      %add3A_1934 = arith.addi %add3A_13, %add3A_1933 : vector<16xi32>
      tpu.vector_store_idx %arg9[%add3A_1934], %get3A_1913 : memref<4096xf32, #tpu.memory_space<vmem>>[vector<16xi32>], vector<16xf32>,
      %add3A_1935 = arith.constant 126 : i32
      %add3A_1936 = vector.broadcast %add3A_1935 : i32 to vector<16xi32>
      %add3A_1937 = arith.addi %add3A_20, %add3A_1936 : vector<16xi32>
      tpu.vector_store_idx %arg9[%add3A_1937], %get3A_1917 : memref<4096xf32, #tpu.memory_space<vmem>>[vector<16xi32>], vector<16xf32>,
      %add3A_1938 = arith.constant 127 : i32
      %add3A_1939 = vector.broadcast %add3A_1938 : i32 to vector<16xi32>
      %add3A_1940 = arith.addi %add3A_13, %add3A_1939 : vector<16xi32>
      tpu.vector_store_idx %arg9[%add3A_1940], %get3A_1927 : memref<4096xf32, #tpu.memory_space<vmem>>[vector<16xi32>], vector<16xf32>,
      %add3A_1941 = arith.constant 127 : i32
      %add3A_1942 = vector.broadcast %add3A_1941 : i32 to vector<16xi32>
      %add3A_1943 = arith.addi %add3A_20, %add3A_1942 : vector<16xi32>
      tpu.vector_store_idx %arg9[%add3A_1943], %get3A_1931 : memref<4096xf32, #tpu.memory_space<vmem>>[vector<16xi32>], vector<16xf32>,
      %jit3A_1944 = arith.constant 8 : i32
      %div3A_1945 = arith.divsi %min3A_88, %jit3A_1944 : i32
      %sign3A_1946 = arith.constant 0 : i32
      %sign3A_1947 = arith.cmpi sgt, %min3A_88, %sign3A_1946 : i32
      %sign3A_1948 = arith.extui %sign3A_1947 : i1 to i32
      %sign3A_1949 = arith.constant 0 : i32
      %sign3A_1950 = arith.cmpi slt, %min3A_88, %sign3A_1949 : i32
      %sign3A_1951 = arith.extui %sign3A_1950 : i1 to i32
      %sign3A_1952 = arith.subi %sign3A_1948, %sign3A_1951 : i32
      %sign3A_1953 = arith.constant 0 : i32
      %sign3A_1954 = arith.cmpi sgt, %jit3A_1944, %sign3A_1953 : i32
      %sign3A_1955 = arith.extui %sign3A_1954 : i1 to i32
      %sign3A_1956 = arith.constant 0 : i32
      %sign3A_1957 = arith.cmpi slt, %jit3A_1944, %sign3A_1956 : i32
      %sign3A_1958 = arith.extui %sign3A_1957 : i1 to i32
      %sign3A_1959 = arith.subi %sign3A_1955, %sign3A_1958 : i32
      %ne3A_1960 = arith.cmpi ne, %sign3A_1952, %sign3A_1959 : i32
      %rem3A_1961 = arith.remsi %min3A_88, %jit3A_1944 : i32
      %ne3A_1962 = arith.constant 0 : i32
      %ne3A_1963 = arith.cmpi ne, %rem3A_1961, %ne3A_1962 : i32
      %and3A_1964 = arith.andi %ne3A_1960, %ne3A_1963 : i1
      %sub3A_1965 = arith.constant 1 : i32
      %sub3A_1966 = arith.subi %div3A_1945, %sub3A_1965 : i32
      %select_n3A_1967 = arith.select %and3A_1964, %sub3A_1966, %div3A_1945 : i32
      %jit3A_1968 = arith.constant 8 : i32
      %eq3A = arith.constant 0 : i32
      %eq3A_1969 = arith.cmpi eq, %jit3A_1968, %eq3A : i32
      %jit3A_1970 = arith.constant 1 : i32
      %select_n3A_1971 = arith.select %eq3A_1969, %jit3A_1970, %jit3A_1968 : i32
      %rem3A_1972 = arith.remsi %min3A_88, %select_n3A_1971 : i32
      %ne3A_1973 = arith.constant 0 : i32
      %ne3A_1974 = arith.cmpi ne, %rem3A_1972, %ne3A_1973 : i32
      %lt3A = arith.constant 0 : i32
      %lt3A_1975 = arith.cmpi slt, %rem3A_1972, %lt3A : i32
      %lt3A_1976 = arith.constant 0 : i32
      %lt3A_1977 = arith.cmpi slt, %select_n3A_1971, %lt3A_1976 : i32
      %ne3A_1978 = arith.xori %lt3A_1975, %lt3A_1977 : i1
      %and3A_1979 = arith.andi %ne3A_1978, %ne3A_1974 : i1
      %add3A_1980 = arith.addi %rem3A_1972, %select_n3A_1971 : i32
      %select_n3A_1981 = arith.select %and3A_1979, %add3A_1980, %rem3A_1972 : i32
      %mul3A_1982 = arith.constant 32768 : i32
      %mul3A_1983 = arith.muli %select_n3A_1967, %mul3A_1982 : i32
      %mul3A_1984 = arith.constant 1024 : i32
      %mul3A_1985 = arith.muli %select_n3A_1981, %mul3A_1984 : i32
      %add3A_1986 = arith.addi %mul3A_1983, %mul3A_1985 : i32
      %add3A_1987 = arith.constant 0 : i32
      %add3A_1988 = arith.addi %add3A_1986, %add3A_1987 : i32
      %dma_start3A_1989 = arith.constant 0 : i32
      %dma_start3A_1990 = tpu.memref_slice %arg9[%dma_start3A_1989] : memref<4096xf32, #tpu.memory_space<vmem>> -> memref<1024xf32, #tpu.memory_space<vmem>>
      %dma_start3A_1991 = tpu.memref_slice %arg4[%add3A_1988] : memref<42598400xf32, #tpu.memory_space<hbm>> -> memref<1024xf32, #tpu.memory_space<hbm>>
      %dma_start3A_1992 = tpu.memref_slice %arg4[%add3A_1988] : memref<42598400xf32, #tpu.memory_space<hbm>> -> memref<1024xf32, #tpu.memory_space<hbm>>
      %dma_start3A_1993 = arith.constant 0 : i32
      %dma_start3A_1994 = tpu.memref_slice %arg9[%dma_start3A_1993] : memref<4096xf32, #tpu.memory_space<vmem>> -> memref<1024xf32, #tpu.memory_space<vmem>>
      tpu.enqueue_dma source(%dma_start3A_1994 : memref<1024xf32, #tpu.memory_space<vmem>>) target(%dma_start3A_1992 : memref<1024xf32, #tpu.memory_space<hbm>>) target_semaphore(%arg15 : memref<!tpu.dma_semaphore, #tpu.memory_space<semaphore_mem>>)
      %add3A_1995 = arith.constant 8192 : i32
      %add3A_1996 = arith.addi %add3A_1986, %add3A_1995 : i32
      %dma_start3A_1997 = arith.constant 1024 : i32
      %dma_start3A_1998 = tpu.memref_slice %arg9[%dma_start3A_1997] : memref<4096xf32, #tpu.memory_space<vmem>> -> memref<1024xf32, #tpu.memory_space<vmem>>
      %dma_start3A_1999 = tpu.memref_slice %arg4[%add3A_1996] : memref<42598400xf32, #tpu.memory_space<hbm>> -> memref<1024xf32, #tpu.memory_space<hbm>>
      %dma_start3A_2000 = tpu.memref_slice %arg4[%add3A_1996] : memref<42598400xf32, #tpu.memory_space<hbm>> -> memref<1024xf32, #tpu.memory_space<hbm>>
      %dma_start3A_2001 = arith.constant 1024 : i32
      %dma_start3A_2002 = tpu.memref_slice %arg9[%dma_start3A_2001] : memref<4096xf32, #tpu.memory_space<vmem>> -> memref<1024xf32, #tpu.memory_space<vmem>>
      tpu.enqueue_dma source(%dma_start3A_2002 : memref<1024xf32, #tpu.memory_space<vmem>>) target(%dma_start3A_2000 : memref<1024xf32, #tpu.memory_space<hbm>>) target_semaphore(%arg15 : memref<!tpu.dma_semaphore, #tpu.memory_space<semaphore_mem>>)
      %add3A_2003 = arith.constant 16384 : i32
      %add3A_2004 = arith.addi %add3A_1986, %add3A_2003 : i32
      %dma_start3A_2005 = arith.constant 2048 : i32
      %dma_start3A_2006 = tpu.memref_slice %arg9[%dma_start3A_2005] : memref<4096xf32, #tpu.memory_space<vmem>> -> memref<1024xf32, #tpu.memory_space<vmem>>
      %dma_start3A_2007 = tpu.memref_slice %arg4[%add3A_2004] : memref<42598400xf32, #tpu.memory_space<hbm>> -> memref<1024xf32, #tpu.memory_space<hbm>>
      %dma_start3A_2008 = tpu.memref_slice %arg4[%add3A_2004] : memref<42598400xf32, #tpu.memory_space<hbm>> -> memref<1024xf32, #tpu.memory_space<hbm>>
      %dma_start3A_2009 = arith.constant 2048 : i32
      %dma_start3A_2010 = tpu.memref_slice %arg9[%dma_start3A_2009] : memref<4096xf32, #tpu.memory_space<vmem>> -> memref<1024xf32, #tpu.memory_space<vmem>>
      tpu.enqueue_dma source(%dma_start3A_2010 : memref<1024xf32, #tpu.memory_space<vmem>>) target(%dma_start3A_2008 : memref<1024xf32, #tpu.memory_space<hbm>>) target_semaphore(%arg15 : memref<!tpu.dma_semaphore, #tpu.memory_space<semaphore_mem>>)
      %add3A_2011 = arith.constant 24576 : i32
      %add3A_2012 = arith.addi %add3A_1986, %add3A_2011 : i32
      %dma_start3A_2013 = arith.constant 3072 : i32
      %dma_start3A_2014 = tpu.memref_slice %arg9[%dma_start3A_2013] : memref<4096xf32, #tpu.memory_space<vmem>> -> memref<1024xf32, #tpu.memory_space<vmem>>
      %dma_start3A_2015 = tpu.memref_slice %arg4[%add3A_2012] : memref<42598400xf32, #tpu.memory_space<hbm>> -> memref<1024xf32, #tpu.memory_space<hbm>>
      %dma_start3A_2016 = tpu.memref_slice %arg4[%add3A_2012] : memref<42598400xf32, #tpu.memory_space<hbm>> -> memref<1024xf32, #tpu.memory_space<hbm>>
      %dma_start3A_2017 = arith.constant 3072 : i32
      %dma_start3A_2018 = tpu.memref_slice %arg9[%dma_start3A_2017] : memref<4096xf32, #tpu.memory_space<vmem>> -> memref<1024xf32, #tpu.memory_space<vmem>>
      tpu.enqueue_dma source(%dma_start3A_2018 : memref<1024xf32, #tpu.memory_space<vmem>>) target(%dma_start3A_2016 : memref<1024xf32, #tpu.memory_space<hbm>>) target_semaphore(%arg15 : memref<!tpu.dma_semaphore, #tpu.memory_space<semaphore_mem>>)
      %mul3A_2019 = arith.constant 2 : i32
      %mul3A_2020 = arith.muli %mul3A_2019, %scan3A_84 : i32
      %add3A_2021 = arith.constant 1 : i32
      %add3A_2022 = arith.addi %mul3A_2020, %add3A_2021 : i32
      %add3A_2023 = arith.addi %min3A_7, %add3A_2022 : i32
      %min3A_2024 = arith.minsi %add3A_2023, %min3A_6 : i32
      %add3A_2025 = arith.addi %min3A_7, %add3A_2022 : i32
      %add3A_2026 = arith.constant 1 : i32
      %add3A_2027 = arith.addi %add3A_2025, %add3A_2026 : i32
      %min3A_2028 = arith.minsi %add3A_2027, %min3A_6 : i32
      %add3A_2029 = arith.addi %min3A_7, %add3A_2022 : i32
      %add3A_2030 = arith.constant 2 : i32
      %add3A_2031 = arith.addi %add3A_2029, %add3A_2030 : i32
      %min3A_2032 = arith.minsi %add3A_2031, %min3A_6 : i32
      %dma_wait3A_2033 = arith.constant 0 : i32
      %dma_wait3A_2034 = tpu.memref_slice %arg2[%dma_wait3A_2033] : memref<1331200xi32, #tpu.memory_space<hbm>> -> memref<128xi32, #tpu.memory_space<hbm>>
      %dma_wait3A_2035 = arith.constant 0 : i32
      %dma_wait3A_2036 = tpu.memref_slice %arg2[%dma_wait3A_2035] : memref<1331200xi32, #tpu.memory_space<hbm>> -> memref<128xi32, #tpu.memory_space<hbm>>
      tpu.wait_dma2 semaphore(%arg11 : memref<!tpu.dma_semaphore, #tpu.memory_space<semaphore_mem>>) src(%dma_wait3A_2036 : memref<128xi32, #tpu.memory_space<hbm>>) dst(%arg5 : memref<128xi32, #tpu.memory_space<vmem>>)
      %jit3A_2037 = arith.constant 400 : i32
      %div3A_2038 = arith.divsi %min3A_2028, %jit3A_2037 : i32
      %sign3A_2039 = arith.constant 0 : i32
      %sign3A_2040 = arith.cmpi sgt, %min3A_2028, %sign3A_2039 : i32
      %sign3A_2041 = arith.extui %sign3A_2040 : i1 to i32
      %sign3A_2042 = arith.constant 0 : i32
      %sign3A_2043 = arith.cmpi slt, %min3A_2028, %sign3A_2042 : i32
      %sign3A_2044 = arith.extui %sign3A_2043 : i1 to i32
      %sign3A_2045 = arith.subi %sign3A_2041, %sign3A_2044 : i32
      %sign3A_2046 = arith.constant 0 : i32
      %sign3A_2047 = arith.cmpi sgt, %jit3A_2037, %sign3A_2046 : i32
      %sign3A_2048 = arith.extui %sign3A_2047 : i1 to i32
      %sign3A_2049 = arith.constant 0 : i32
      %sign3A_2050 = arith.cmpi slt, %jit3A_2037, %sign3A_2049 : i32
      %sign3A_2051 = arith.extui %sign3A_2050 : i1 to i32
      %sign3A_2052 = arith.subi %sign3A_2048, %sign3A_2051 : i32
      %ne3A_2053 = arith.cmpi ne, %sign3A_2045, %sign3A_2052 : i32
      %rem3A_2054 = arith.remsi %min3A_2028, %jit3A_2037 : i32
      %ne3A_2055 = arith.constant 0 : i32
      %ne3A_2056 = arith.cmpi ne, %rem3A_2054, %ne3A_2055 : i32
      %and3A_2057 = arith.andi %ne3A_2053, %ne3A_2056 : i1
      %sub3A_2058 = arith.constant 1 : i32
      %sub3A_2059 = arith.subi %div3A_2038, %sub3A_2058 : i32
      %select_n3A_2060 = arith.select %and3A_2057, %sub3A_2059, %div3A_2038 : i32
      %dma_start3A_2061 = arith.constant 0 : i32
      %dma_start3A_2062 = arith.constant 0 : i32
      %dma_start3A_2063 = tpu.memref_slice %arg3[%select_n3A_2060, %dma_start3A_2061, %dma_start3A_2062] : memref<26x100000x32xf32, #tpu.memory_space<hbm>> -> memref<1x100000x32xf32, #tpu.memory_space<hbm>>
      %dma_start3A_2064 = tpu.memref_squeeze %dma_start3A_2063 : memref<1x100000x32xf32, #tpu.memory_space<hbm>> -> memref<100000x32xf32, #tpu.memory_space<hbm>>
      %dma_start3A_2065 = arith.constant 0 : i32
      %dma_start3A_2066 = arith.constant 0 : i32
      %dma_start3A_2067 = tpu.memref_slice %dma_start3A_2064[%dma_start3A_2065, %dma_start3A_2066] : memref<100000x32xf32, #tpu.memory_space<hbm>> -> memref<100000x32xf32, #tpu.memory_space<hbm>>
      tpu.enqueue_indirect_dma source(%dma_start3A_2067 : memref<100000x32xf32, #tpu.memory_space<hbm>>) target(%arg7 : memref<128x32xf32, #tpu.memory_space<vmem>>) offsets(%arg5 : memref<128xi32, #tpu.memory_space<vmem>>) semaphore(%arg13 : memref<!tpu.dma_semaphore, #tpu.memory_space<semaphore_mem>>)
      %dma_wait3A_2068 = arith.constant 0 : i32
      %dma_wait3A_2069 = arith.constant 0 : i32
      %dma_wait3A_2070 = arith.constant 0 : i32
      %dma_wait3A_2071 = tpu.memref_slice %arg3[%dma_wait3A_2068, %dma_wait3A_2069, %dma_wait3A_2070] : memref<26x100000x32xf32, #tpu.memory_space<hbm>> -> memref<1x100000x32xf32, #tpu.memory_space<hbm>>
      %dma_wait3A_2072 = tpu.memref_squeeze %dma_wait3A_2071 : memref<1x100000x32xf32, #tpu.memory_space<hbm>> -> memref<100000x32xf32, #tpu.memory_space<hbm>>
      %dma_wait3A_2073 = arith.constant 0 : i32
      %dma_wait3A_2074 = arith.constant 0 : i32
      %dma_wait3A_2075 = tpu.memref_slice %dma_wait3A_2072[%dma_wait3A_2073, %dma_wait3A_2074] : memref<100000x32xf32, #tpu.memory_space<hbm>> -> memref<128x32xf32, #tpu.memory_space<hbm>>
      %dma_wait3A_2076 = arith.constant 0 : i32
      %dma_wait3A_2077 = arith.constant 0 : i32
      %dma_wait3A_2078 = tpu.memref_slice %arg3[%dma_wait3A_2068, %dma_wait3A_2076, %dma_wait3A_2077] : memref<26x100000x32xf32, #tpu.memory_space<hbm>> -> memref<1x100000x32xf32, #tpu.memory_space<hbm>>
      %dma_wait3A_2079 = tpu.memref_squeeze %dma_wait3A_2078 : memref<1x100000x32xf32, #tpu.memory_space<hbm>> -> memref<100000x32xf32, #tpu.memory_space<hbm>>
      %dma_wait3A_2080 = arith.constant 0 : i32
      %dma_wait3A_2081 = arith.constant 0 : i32
      %dma_wait3A_2082 = tpu.memref_slice %dma_wait3A_2079[%dma_wait3A_2080, %dma_wait3A_2081] : memref<100000x32xf32, #tpu.memory_space<hbm>> -> memref<128x32xf32, #tpu.memory_space<hbm>>
      tpu.wait_dma2 semaphore(%arg14 : memref<!tpu.dma_semaphore, #tpu.memory_space<semaphore_mem>>) src(%dma_wait3A_2082 : memref<128x32xf32, #tpu.memory_space<hbm>>) dst(%arg8 : memref<128x32xf32, #tpu.memory_space<vmem>>)
      %mul3A_2083 = arith.constant 128 : i32
      %mul3A_2084 = arith.muli %min3A_2032, %mul3A_2083 : i32
      %dma_start3A_2085 = tpu.memref_slice %arg2[%mul3A_2084] : memref<1331200xi32, #tpu.memory_space<hbm>> -> memref<128xi32, #tpu.memory_space<hbm>>
      %dma_start3A_2086 = tpu.memref_slice %arg2[%mul3A_2084] : memref<1331200xi32, #tpu.memory_space<hbm>> -> memref<128xi32, #tpu.memory_space<hbm>>
      tpu.enqueue_dma source(%dma_start3A_2086 : memref<128xi32, #tpu.memory_space<hbm>>) target(%arg6 : memref<128xi32, #tpu.memory_space<vmem>>) target_semaphore(%arg12 : memref<!tpu.dma_semaphore, #tpu.memory_space<semaphore_mem>>)
      %gt3A_2087 = arith.constant 0 : i32
      %gt3A_2088 = arith.cmpi sgt, %scan3A_84, %gt3A_2087 : i32
      %convert_element_type3A_2089 = arith.extui %gt3A_2088 : i1 to i32
      %cond3A_2090 = arith.constant 0 : i32
      %cond3A_2091 = arith.cmpi ne, %convert_element_type3A_2089, %cond3A_2090 : i32
      scf.if %cond3A_2091 {
        %dma_wait3A_3961 = arith.constant 0 : i32
        %dma_wait3A_3962 = tpu.memref_slice %arg4[%dma_wait3A_3961] : memref<42598400xf32, #tpu.memory_space<hbm>> -> memref<4096xf32, #tpu.memory_space<hbm>>
        %dma_wait3A_3963 = arith.constant 0 : i32
        %dma_wait3A_3964 = tpu.memref_slice %arg4[%dma_wait3A_3963] : memref<42598400xf32, #tpu.memory_space<hbm>> -> memref<4096xf32, #tpu.memory_space<hbm>>
        tpu.wait_dma2 semaphore(%arg16 : memref<!tpu.dma_semaphore, #tpu.memory_space<semaphore_mem>>) src(%dma_wait3A_3964 : memref<4096xf32, #tpu.memory_space<hbm>>) dst(%arg10 : memref<4096xf32, #tpu.memory_space<vmem>>)
      } else {
      }
      %get3A_2092 = arith.constant 0 : i32
      %get3A_2093 = arith.index_cast %get3A_2092 : i32 to index
      %get3A_2094 = arith.constant 0 : index
      %get3A_2095 = tpu.vector_load %arg8[%get3A_2093, %get3A_2094] {strides = array<i32>} : memref<128x32xf32, #tpu.memory_space<vmem>>, vector<16xf32>,
      %get3A_2096 = arith.constant 0 : i32
      %get3A_2097 = arith.index_cast %get3A_2096 : i32 to index
      %get3A_2098 = arith.constant 16 : index
      %get3A_2099 = tpu.vector_load %arg8[%get3A_2097, %get3A_2098] {strides = array<i32>} : memref<128x32xf32, #tpu.memory_space<vmem>>, vector<16xf32>,
      %get3A_2100 = arith.constant 1 : i32
      %get3A_2101 = arith.index_cast %get3A_2100 : i32 to index
      %get3A_2102 = arith.constant 0 : index
      %get3A_2103 = tpu.vector_load %arg8[%get3A_2101, %get3A_2102] {strides = array<i32>} : memref<128x32xf32, #tpu.memory_space<vmem>>, vector<16xf32>,
      %get3A_2104 = arith.constant 1 : i32
      %get3A_2105 = arith.index_cast %get3A_2104 : i32 to index
      %get3A_2106 = arith.constant 16 : index
      %get3A_2107 = tpu.vector_load %arg8[%get3A_2105, %get3A_2106] {strides = array<i32>} : memref<128x32xf32, #tpu.memory_space<vmem>>, vector<16xf32>,
      %add3A_2108 = arith.constant 0 : i32
      %add3A_2109 = vector.broadcast %add3A_2108 : i32 to vector<16xi32>
      %add3A_2110 = arith.addi %add3A_13, %add3A_2109 : vector<16xi32>
      tpu.vector_store_idx %arg10[%add3A_2110], %get3A_2095 : memref<4096xf32, #tpu.memory_space<vmem>>[vector<16xi32>], vector<16xf32>,
      %add3A_2111 = arith.constant 0 : i32
      %add3A_2112 = vector.broadcast %add3A_2111 : i32 to vector<16xi32>
      %add3A_2113 = arith.addi %add3A_20, %add3A_2112 : vector<16xi32>
      tpu.vector_store_idx %arg10[%add3A_2113], %get3A_2099 : memref<4096xf32, #tpu.memory_space<vmem>>[vector<16xi32>], vector<16xf32>,
      %get3A_2114 = arith.constant 2 : i32
      %get3A_2115 = arith.index_cast %get3A_2114 : i32 to index
      %get3A_2116 = arith.constant 0 : index
      %get3A_2117 = tpu.vector_load %arg8[%get3A_2115, %get3A_2116] {strides = array<i32>} : memref<128x32xf32, #tpu.memory_space<vmem>>, vector<16xf32>,
      %get3A_2118 = arith.constant 2 : i32
      %get3A_2119 = arith.index_cast %get3A_2118 : i32 to index
      %get3A_2120 = arith.constant 16 : index
      %get3A_2121 = tpu.vector_load %arg8[%get3A_2119, %get3A_2120] {strides = array<i32>} : memref<128x32xf32, #tpu.memory_space<vmem>>, vector<16xf32>,
      %add3A_2122 = arith.constant 1 : i32
      %add3A_2123 = vector.broadcast %add3A_2122 : i32 to vector<16xi32>
      %add3A_2124 = arith.addi %add3A_13, %add3A_2123 : vector<16xi32>
      tpu.vector_store_idx %arg10[%add3A_2124], %get3A_2103 : memref<4096xf32, #tpu.memory_space<vmem>>[vector<16xi32>], vector<16xf32>,
      %add3A_2125 = arith.constant 1 : i32
      %add3A_2126 = vector.broadcast %add3A_2125 : i32 to vector<16xi32>
      %add3A_2127 = arith.addi %add3A_20, %add3A_2126 : vector<16xi32>
      tpu.vector_store_idx %arg10[%add3A_2127], %get3A_2107 : memref<4096xf32, #tpu.memory_space<vmem>>[vector<16xi32>], vector<16xf32>,
      %get3A_2128 = arith.constant 3 : i32
      %get3A_2129 = arith.index_cast %get3A_2128 : i32 to index
      %get3A_2130 = arith.constant 0 : index
      %get3A_2131 = tpu.vector_load %arg8[%get3A_2129, %get3A_2130] {strides = array<i32>} : memref<128x32xf32, #tpu.memory_space<vmem>>, vector<16xf32>,
      %get3A_2132 = arith.constant 3 : i32
      %get3A_2133 = arith.index_cast %get3A_2132 : i32 to index
      %get3A_2134 = arith.constant 16 : index
      %get3A_2135 = tpu.vector_load %arg8[%get3A_2133, %get3A_2134] {strides = array<i32>} : memref<128x32xf32, #tpu.memory_space<vmem>>, vector<16xf32>,
      %add3A_2136 = arith.constant 2 : i32
      %add3A_2137 = vector.broadcast %add3A_2136 : i32 to vector<16xi32>
      %add3A_2138 = arith.addi %add3A_13, %add3A_2137 : vector<16xi32>
      tpu.vector_store_idx %arg10[%add3A_2138], %get3A_2117 : memref<4096xf32, #tpu.memory_space<vmem>>[vector<16xi32>], vector<16xf32>,
      %add3A_2139 = arith.constant 2 : i32
      %add3A_2140 = vector.broadcast %add3A_2139 : i32 to vector<16xi32>
      %add3A_2141 = arith.addi %add3A_20, %add3A_2140 : vector<16xi32>
      tpu.vector_store_idx %arg10[%add3A_2141], %get3A_2121 : memref<4096xf32, #tpu.memory_space<vmem>>[vector<16xi32>], vector<16xf32>,
      %get3A_2142 = arith.constant 4 : i32
      %get3A_2143 = arith.index_cast %get3A_2142 : i32 to index
      %get3A_2144 = arith.constant 0 : index
      %get3A_2145 = tpu.vector_load %arg8[%get3A_2143, %get3A_2144] {strides = array<i32>} : memref<128x32xf32, #tpu.memory_space<vmem>>, vector<16xf32>,
      %get3A_2146 = arith.constant 4 : i32
      %get3A_2147 = arith.index_cast %get3A_2146 : i32 to index
      %get3A_2148 = arith.constant 16 : index
      %get3A_2149 = tpu.vector_load %arg8[%get3A_2147, %get3A_2148] {strides = array<i32>} : memref<128x32xf32, #tpu.memory_space<vmem>>, vector<16xf32>,
      %add3A_2150 = arith.constant 3 : i32
      %add3A_2151 = vector.broadcast %add3A_2150 : i32 to vector<16xi32>
      %add3A_2152 = arith.addi %add3A_13, %add3A_2151 : vector<16xi32>
      tpu.vector_store_idx %arg10[%add3A_2152], %get3A_2131 : memref<4096xf32, #tpu.memory_space<vmem>>[vector<16xi32>], vector<16xf32>,
      %add3A_2153 = arith.constant 3 : i32
      %add3A_2154 = vector.broadcast %add3A_2153 : i32 to vector<16xi32>
      %add3A_2155 = arith.addi %add3A_20, %add3A_2154 : vector<16xi32>
      tpu.vector_store_idx %arg10[%add3A_2155], %get3A_2135 : memref<4096xf32, #tpu.memory_space<vmem>>[vector<16xi32>], vector<16xf32>,
      %get3A_2156 = arith.constant 5 : i32
      %get3A_2157 = arith.index_cast %get3A_2156 : i32 to index
      %get3A_2158 = arith.constant 0 : index
      %get3A_2159 = tpu.vector_load %arg8[%get3A_2157, %get3A_2158] {strides = array<i32>} : memref<128x32xf32, #tpu.memory_space<vmem>>, vector<16xf32>,
      %get3A_2160 = arith.constant 5 : i32
      %get3A_2161 = arith.index_cast %get3A_2160 : i32 to index
      %get3A_2162 = arith.constant 16 : index
      %get3A_2163 = tpu.vector_load %arg8[%get3A_2161, %get3A_2162] {strides = array<i32>} : memref<128x32xf32, #tpu.memory_space<vmem>>, vector<16xf32>,
      %add3A_2164 = arith.constant 4 : i32
      %add3A_2165 = vector.broadcast %add3A_2164 : i32 to vector<16xi32>
      %add3A_2166 = arith.addi %add3A_13, %add3A_2165 : vector<16xi32>
      tpu.vector_store_idx %arg10[%add3A_2166], %get3A_2145 : memref<4096xf32, #tpu.memory_space<vmem>>[vector<16xi32>], vector<16xf32>,
      %add3A_2167 = arith.constant 4 : i32
      %add3A_2168 = vector.broadcast %add3A_2167 : i32 to vector<16xi32>
      %add3A_2169 = arith.addi %add3A_20, %add3A_2168 : vector<16xi32>
      tpu.vector_store_idx %arg10[%add3A_2169], %get3A_2149 : memref<4096xf32, #tpu.memory_space<vmem>>[vector<16xi32>], vector<16xf32>,
      %get3A_2170 = arith.constant 6 : i32
      %get3A_2171 = arith.index_cast %get3A_2170 : i32 to index
      %get3A_2172 = arith.constant 0 : index
      %get3A_2173 = tpu.vector_load %arg8[%get3A_2171, %get3A_2172] {strides = array<i32>} : memref<128x32xf32, #tpu.memory_space<vmem>>, vector<16xf32>,
      %get3A_2174 = arith.constant 6 : i32
      %get3A_2175 = arith.index_cast %get3A_2174 : i32 to index
      %get3A_2176 = arith.constant 16 : index
      %get3A_2177 = tpu.vector_load %arg8[%get3A_2175, %get3A_2176] {strides = array<i32>} : memref<128x32xf32, #tpu.memory_space<vmem>>, vector<16xf32>,
      %add3A_2178 = arith.constant 5 : i32
      %add3A_2179 = vector.broadcast %add3A_2178 : i32 to vector<16xi32>
      %add3A_2180 = arith.addi %add3A_13, %add3A_2179 : vector<16xi32>
      tpu.vector_store_idx %arg10[%add3A_2180], %get3A_2159 : memref<4096xf32, #tpu.memory_space<vmem>>[vector<16xi32>], vector<16xf32>,
      %add3A_2181 = arith.constant 5 : i32
      %add3A_2182 = vector.broadcast %add3A_2181 : i32 to vector<16xi32>
      %add3A_2183 = arith.addi %add3A_20, %add3A_2182 : vector<16xi32>
      tpu.vector_store_idx %arg10[%add3A_2183], %get3A_2163 : memref<4096xf32, #tpu.memory_space<vmem>>[vector<16xi32>], vector<16xf32>,
      %get3A_2184 = arith.constant 7 : i32
      %get3A_2185 = arith.index_cast %get3A_2184 : i32 to index
      %get3A_2186 = arith.constant 0 : index
      %get3A_2187 = tpu.vector_load %arg8[%get3A_2185, %get3A_2186] {strides = array<i32>} : memref<128x32xf32, #tpu.memory_space<vmem>>, vector<16xf32>,
      %get3A_2188 = arith.constant 7 : i32
      %get3A_2189 = arith.index_cast %get3A_2188 : i32 to index
      %get3A_2190 = arith.constant 16 : index
      %get3A_2191 = tpu.vector_load %arg8[%get3A_2189, %get3A_2190] {strides = array<i32>} : memref<128x32xf32, #tpu.memory_space<vmem>>, vector<16xf32>,
      %add3A_2192 = arith.constant 6 : i32
      %add3A_2193 = vector.broadcast %add3A_2192 : i32 to vector<16xi32>
      %add3A_2194 = arith.addi %add3A_13, %add3A_2193 : vector<16xi32>
      tpu.vector_store_idx %arg10[%add3A_2194], %get3A_2173 : memref<4096xf32, #tpu.memory_space<vmem>>[vector<16xi32>], vector<16xf32>,
      %add3A_2195 = arith.constant 6 : i32
      %add3A_2196 = vector.broadcast %add3A_2195 : i32 to vector<16xi32>
      %add3A_2197 = arith.addi %add3A_20, %add3A_2196 : vector<16xi32>
      tpu.vector_store_idx %arg10[%add3A_2197], %get3A_2177 : memref<4096xf32, #tpu.memory_space<vmem>>[vector<16xi32>], vector<16xf32>,
      %get3A_2198 = arith.constant 8 : i32
      %get3A_2199 = arith.index_cast %get3A_2198 : i32 to index
      %get3A_2200 = arith.constant 0 : index
      %get3A_2201 = tpu.vector_load %arg8[%get3A_2199, %get3A_2200] {strides = array<i32>} : memref<128x32xf32, #tpu.memory_space<vmem>>, vector<16xf32>,
      %get3A_2202 = arith.constant 8 : i32
      %get3A_2203 = arith.index_cast %get3A_2202 : i32 to index
      %get3A_2204 = arith.constant 16 : index
      %get3A_2205 = tpu.vector_load %arg8[%get3A_2203, %get3A_2204] {strides = array<i32>} : memref<128x32xf32, #tpu.memory_space<vmem>>, vector<16xf32>,
      %add3A_2206 = arith.constant 7 : i32
      %add3A_2207 = vector.broadcast %add3A_2206 : i32 to vector<16xi32>
      %add3A_2208 = arith.addi %add3A_13, %add3A_2207 : vector<16xi32>
      tpu.vector_store_idx %arg10[%add3A_2208], %get3A_2187 : memref<4096xf32, #tpu.memory_space<vmem>>[vector<16xi32>], vector<16xf32>,
      %add3A_2209 = arith.constant 7 : i32
      %add3A_2210 = vector.broadcast %add3A_2209 : i32 to vector<16xi32>
      %add3A_2211 = arith.addi %add3A_20, %add3A_2210 : vector<16xi32>
      tpu.vector_store_idx %arg10[%add3A_2211], %get3A_2191 : memref<4096xf32, #tpu.memory_space<vmem>>[vector<16xi32>], vector<16xf32>,
      %get3A_2212 = arith.constant 9 : i32
      %get3A_2213 = arith.index_cast %get3A_2212 : i32 to index
      %get3A_2214 = arith.constant 0 : index
      %get3A_2215 = tpu.vector_load %arg8[%get3A_2213, %get3A_2214] {strides = array<i32>} : memref<128x32xf32, #tpu.memory_space<vmem>>, vector<16xf32>,
      %get3A_2216 = arith.constant 9 : i32
      %get3A_2217 = arith.index_cast %get3A_2216 : i32 to index
      %get3A_2218 = arith.constant 16 : index
      %get3A_2219 = tpu.vector_load %arg8[%get3A_2217, %get3A_2218] {strides = array<i32>} : memref<128x32xf32, #tpu.memory_space<vmem>>, vector<16xf32>,
      %add3A_2220 = arith.constant 8 : i32
      %add3A_2221 = vector.broadcast %add3A_2220 : i32 to vector<16xi32>
      %add3A_2222 = arith.addi %add3A_13, %add3A_2221 : vector<16xi32>
      tpu.vector_store_idx %arg10[%add3A_2222], %get3A_2201 : memref<4096xf32, #tpu.memory_space<vmem>>[vector<16xi32>], vector<16xf32>,
      %add3A_2223 = arith.constant 8 : i32
      %add3A_2224 = vector.broadcast %add3A_2223 : i32 to vector<16xi32>
      %add3A_2225 = arith.addi %add3A_20, %add3A_2224 : vector<16xi32>
      tpu.vector_store_idx %arg10[%add3A_2225], %get3A_2205 : memref<4096xf32, #tpu.memory_space<vmem>>[vector<16xi32>], vector<16xf32>,
      %get3A_2226 = arith.constant 10 : i32
      %get3A_2227 = arith.index_cast %get3A_2226 : i32 to index
      %get3A_2228 = arith.constant 0 : index
      %get3A_2229 = tpu.vector_load %arg8[%get3A_2227, %get3A_2228] {strides = array<i32>} : memref<128x32xf32, #tpu.memory_space<vmem>>, vector<16xf32>,
      %get3A_2230 = arith.constant 10 : i32
      %get3A_2231 = arith.index_cast %get3A_2230 : i32 to index
      %get3A_2232 = arith.constant 16 : index
      %get3A_2233 = tpu.vector_load %arg8[%get3A_2231, %get3A_2232] {strides = array<i32>} : memref<128x32xf32, #tpu.memory_space<vmem>>, vector<16xf32>,
      %add3A_2234 = arith.constant 9 : i32
      %add3A_2235 = vector.broadcast %add3A_2234 : i32 to vector<16xi32>
      %add3A_2236 = arith.addi %add3A_13, %add3A_2235 : vector<16xi32>
      tpu.vector_store_idx %arg10[%add3A_2236], %get3A_2215 : memref<4096xf32, #tpu.memory_space<vmem>>[vector<16xi32>], vector<16xf32>,
      %add3A_2237 = arith.constant 9 : i32
      %add3A_2238 = vector.broadcast %add3A_2237 : i32 to vector<16xi32>
      %add3A_2239 = arith.addi %add3A_20, %add3A_2238 : vector<16xi32>
      tpu.vector_store_idx %arg10[%add3A_2239], %get3A_2219 : memref<4096xf32, #tpu.memory_space<vmem>>[vector<16xi32>], vector<16xf32>,
      %get3A_2240 = arith.constant 11 : i32
      %get3A_2241 = arith.index_cast %get3A_2240 : i32 to index
      %get3A_2242 = arith.constant 0 : index
      %get3A_2243 = tpu.vector_load %arg8[%get3A_2241, %get3A_2242] {strides = array<i32>} : memref<128x32xf32, #tpu.memory_space<vmem>>, vector<16xf32>,
      %get3A_2244 = arith.constant 11 : i32
      %get3A_2245 = arith.index_cast %get3A_2244 : i32 to index
      %get3A_2246 = arith.constant 16 : index
      %get3A_2247 = tpu.vector_load %arg8[%get3A_2245, %get3A_2246] {strides = array<i32>} : memref<128x32xf32, #tpu.memory_space<vmem>>, vector<16xf32>,
      %add3A_2248 = arith.constant 10 : i32
      %add3A_2249 = vector.broadcast %add3A_2248 : i32 to vector<16xi32>
      %add3A_2250 = arith.addi %add3A_13, %add3A_2249 : vector<16xi32>
      tpu.vector_store_idx %arg10[%add3A_2250], %get3A_2229 : memref<4096xf32, #tpu.memory_space<vmem>>[vector<16xi32>], vector<16xf32>,
      %add3A_2251 = arith.constant 10 : i32
      %add3A_2252 = vector.broadcast %add3A_2251 : i32 to vector<16xi32>
      %add3A_2253 = arith.addi %add3A_20, %add3A_2252 : vector<16xi32>
      tpu.vector_store_idx %arg10[%add3A_2253], %get3A_2233 : memref<4096xf32, #tpu.memory_space<vmem>>[vector<16xi32>], vector<16xf32>,
      %get3A_2254 = arith.constant 12 : i32
      %get3A_2255 = arith.index_cast %get3A_2254 : i32 to index
      %get3A_2256 = arith.constant 0 : index
      %get3A_2257 = tpu.vector_load %arg8[%get3A_2255, %get3A_2256] {strides = array<i32>} : memref<128x32xf32, #tpu.memory_space<vmem>>, vector<16xf32>,
      %get3A_2258 = arith.constant 12 : i32
      %get3A_2259 = arith.index_cast %get3A_2258 : i32 to index
      %get3A_2260 = arith.constant 16 : index
      %get3A_2261 = tpu.vector_load %arg8[%get3A_2259, %get3A_2260] {strides = array<i32>} : memref<128x32xf32, #tpu.memory_space<vmem>>, vector<16xf32>,
      %add3A_2262 = arith.constant 11 : i32
      %add3A_2263 = vector.broadcast %add3A_2262 : i32 to vector<16xi32>
      %add3A_2264 = arith.addi %add3A_13, %add3A_2263 : vector<16xi32>
      tpu.vector_store_idx %arg10[%add3A_2264], %get3A_2243 : memref<4096xf32, #tpu.memory_space<vmem>>[vector<16xi32>], vector<16xf32>,
      %add3A_2265 = arith.constant 11 : i32
      %add3A_2266 = vector.broadcast %add3A_2265 : i32 to vector<16xi32>
      %add3A_2267 = arith.addi %add3A_20, %add3A_2266 : vector<16xi32>
      tpu.vector_store_idx %arg10[%add3A_2267], %get3A_2247 : memref<4096xf32, #tpu.memory_space<vmem>>[vector<16xi32>], vector<16xf32>,
      %get3A_2268 = arith.constant 13 : i32
      %get3A_2269 = arith.index_cast %get3A_2268 : i32 to index
      %get3A_2270 = arith.constant 0 : index
      %get3A_2271 = tpu.vector_load %arg8[%get3A_2269, %get3A_2270] {strides = array<i32>} : memref<128x32xf32, #tpu.memory_space<vmem>>, vector<16xf32>,
      %get3A_2272 = arith.constant 13 : i32
      %get3A_2273 = arith.index_cast %get3A_2272 : i32 to index
      %get3A_2274 = arith.constant 16 : index
      %get3A_2275 = tpu.vector_load %arg8[%get3A_2273, %get3A_2274] {strides = array<i32>} : memref<128x32xf32, #tpu.memory_space<vmem>>, vector<16xf32>,
      %add3A_2276 = arith.constant 12 : i32
      %add3A_2277 = vector.broadcast %add3A_2276 : i32 to vector<16xi32>
      %add3A_2278 = arith.addi %add3A_13, %add3A_2277 : vector<16xi32>
      tpu.vector_store_idx %arg10[%add3A_2278], %get3A_2257 : memref<4096xf32, #tpu.memory_space<vmem>>[vector<16xi32>], vector<16xf32>,
      %add3A_2279 = arith.constant 12 : i32
      %add3A_2280 = vector.broadcast %add3A_2279 : i32 to vector<16xi32>
      %add3A_2281 = arith.addi %add3A_20, %add3A_2280 : vector<16xi32>
      tpu.vector_store_idx %arg10[%add3A_2281], %get3A_2261 : memref<4096xf32, #tpu.memory_space<vmem>>[vector<16xi32>], vector<16xf32>,
      %get3A_2282 = arith.constant 14 : i32
      %get3A_2283 = arith.index_cast %get3A_2282 : i32 to index
      %get3A_2284 = arith.constant 0 : index
      %get3A_2285 = tpu.vector_load %arg8[%get3A_2283, %get3A_2284] {strides = array<i32>} : memref<128x32xf32, #tpu.memory_space<vmem>>, vector<16xf32>,
      %get3A_2286 = arith.constant 14 : i32
      %get3A_2287 = arith.index_cast %get3A_2286 : i32 to index
      %get3A_2288 = arith.constant 16 : index
      %get3A_2289 = tpu.vector_load %arg8[%get3A_2287, %get3A_2288] {strides = array<i32>} : memref<128x32xf32, #tpu.memory_space<vmem>>, vector<16xf32>,
      %add3A_2290 = arith.constant 13 : i32
      %add3A_2291 = vector.broadcast %add3A_2290 : i32 to vector<16xi32>
      %add3A_2292 = arith.addi %add3A_13, %add3A_2291 : vector<16xi32>
      tpu.vector_store_idx %arg10[%add3A_2292], %get3A_2271 : memref<4096xf32, #tpu.memory_space<vmem>>[vector<16xi32>], vector<16xf32>,
      %add3A_2293 = arith.constant 13 : i32
      %add3A_2294 = vector.broadcast %add3A_2293 : i32 to vector<16xi32>
      %add3A_2295 = arith.addi %add3A_20, %add3A_2294 : vector<16xi32>
      tpu.vector_store_idx %arg10[%add3A_2295], %get3A_2275 : memref<4096xf32, #tpu.memory_space<vmem>>[vector<16xi32>], vector<16xf32>,
      %get3A_2296 = arith.constant 15 : i32
      %get3A_2297 = arith.index_cast %get3A_2296 : i32 to index
      %get3A_2298 = arith.constant 0 : index
      %get3A_2299 = tpu.vector_load %arg8[%get3A_2297, %get3A_2298] {strides = array<i32>} : memref<128x32xf32, #tpu.memory_space<vmem>>, vector<16xf32>,
      %get3A_2300 = arith.constant 15 : i32
      %get3A_2301 = arith.index_cast %get3A_2300 : i32 to index
      %get3A_2302 = arith.constant 16 : index
      %get3A_2303 = tpu.vector_load %arg8[%get3A_2301, %get3A_2302] {strides = array<i32>} : memref<128x32xf32, #tpu.memory_space<vmem>>, vector<16xf32>,
      %add3A_2304 = arith.constant 14 : i32
      %add3A_2305 = vector.broadcast %add3A_2304 : i32 to vector<16xi32>
      %add3A_2306 = arith.addi %add3A_13, %add3A_2305 : vector<16xi32>
      tpu.vector_store_idx %arg10[%add3A_2306], %get3A_2285 : memref<4096xf32, #tpu.memory_space<vmem>>[vector<16xi32>], vector<16xf32>,
      %add3A_2307 = arith.constant 14 : i32
      %add3A_2308 = vector.broadcast %add3A_2307 : i32 to vector<16xi32>
      %add3A_2309 = arith.addi %add3A_20, %add3A_2308 : vector<16xi32>
      tpu.vector_store_idx %arg10[%add3A_2309], %get3A_2289 : memref<4096xf32, #tpu.memory_space<vmem>>[vector<16xi32>], vector<16xf32>,
      %get3A_2310 = arith.constant 16 : i32
      %get3A_2311 = arith.index_cast %get3A_2310 : i32 to index
      %get3A_2312 = arith.constant 0 : index
      %get3A_2313 = tpu.vector_load %arg8[%get3A_2311, %get3A_2312] {strides = array<i32>} : memref<128x32xf32, #tpu.memory_space<vmem>>, vector<16xf32>,
      %get3A_2314 = arith.constant 16 : i32
      %get3A_2315 = arith.index_cast %get3A_2314 : i32 to index
      %get3A_2316 = arith.constant 16 : index
      %get3A_2317 = tpu.vector_load %arg8[%get3A_2315, %get3A_2316] {strides = array<i32>} : memref<128x32xf32, #tpu.memory_space<vmem>>, vector<16xf32>,
      %add3A_2318 = arith.constant 15 : i32
      %add3A_2319 = vector.broadcast %add3A_2318 : i32 to vector<16xi32>
      %add3A_2320 = arith.addi %add3A_13, %add3A_2319 : vector<16xi32>
      tpu.vector_store_idx %arg10[%add3A_2320], %get3A_2299 : memref<4096xf32, #tpu.memory_space<vmem>>[vector<16xi32>], vector<16xf32>,
      %add3A_2321 = arith.constant 15 : i32
      %add3A_2322 = vector.broadcast %add3A_2321 : i32 to vector<16xi32>
      %add3A_2323 = arith.addi %add3A_20, %add3A_2322 : vector<16xi32>
      tpu.vector_store_idx %arg10[%add3A_2323], %get3A_2303 : memref<4096xf32, #tpu.memory_space<vmem>>[vector<16xi32>], vector<16xf32>,
      %get3A_2324 = arith.constant 17 : i32
      %get3A_2325 = arith.index_cast %get3A_2324 : i32 to index
      %get3A_2326 = arith.constant 0 : index
      %get3A_2327 = tpu.vector_load %arg8[%get3A_2325, %get3A_2326] {strides = array<i32>} : memref<128x32xf32, #tpu.memory_space<vmem>>, vector<16xf32>,
      %get3A_2328 = arith.constant 17 : i32
      %get3A_2329 = arith.index_cast %get3A_2328 : i32 to index
      %get3A_2330 = arith.constant 16 : index
      %get3A_2331 = tpu.vector_load %arg8[%get3A_2329, %get3A_2330] {strides = array<i32>} : memref<128x32xf32, #tpu.memory_space<vmem>>, vector<16xf32>,
      %add3A_2332 = arith.constant 16 : i32
      %add3A_2333 = vector.broadcast %add3A_2332 : i32 to vector<16xi32>
      %add3A_2334 = arith.addi %add3A_13, %add3A_2333 : vector<16xi32>
      tpu.vector_store_idx %arg10[%add3A_2334], %get3A_2313 : memref<4096xf32, #tpu.memory_space<vmem>>[vector<16xi32>], vector<16xf32>,
      %add3A_2335 = arith.constant 16 : i32
      %add3A_2336 = vector.broadcast %add3A_2335 : i32 to vector<16xi32>
      %add3A_2337 = arith.addi %add3A_20, %add3A_2336 : vector<16xi32>
      tpu.vector_store_idx %arg10[%add3A_2337], %get3A_2317 : memref<4096xf32, #tpu.memory_space<vmem>>[vector<16xi32>], vector<16xf32>,
      %get3A_2338 = arith.constant 18 : i32
      %get3A_2339 = arith.index_cast %get3A_2338 : i32 to index
      %get3A_2340 = arith.constant 0 : index
      %get3A_2341 = tpu.vector_load %arg8[%get3A_2339, %get3A_2340] {strides = array<i32>} : memref<128x32xf32, #tpu.memory_space<vmem>>, vector<16xf32>,
      %get3A_2342 = arith.constant 18 : i32
      %get3A_2343 = arith.index_cast %get3A_2342 : i32 to index
      %get3A_2344 = arith.constant 16 : index
      %get3A_2345 = tpu.vector_load %arg8[%get3A_2343, %get3A_2344] {strides = array<i32>} : memref<128x32xf32, #tpu.memory_space<vmem>>, vector<16xf32>,
      %add3A_2346 = arith.constant 17 : i32
      %add3A_2347 = vector.broadcast %add3A_2346 : i32 to vector<16xi32>
      %add3A_2348 = arith.addi %add3A_13, %add3A_2347 : vector<16xi32>
      tpu.vector_store_idx %arg10[%add3A_2348], %get3A_2327 : memref<4096xf32, #tpu.memory_space<vmem>>[vector<16xi32>], vector<16xf32>,
      %add3A_2349 = arith.constant 17 : i32
      %add3A_2350 = vector.broadcast %add3A_2349 : i32 to vector<16xi32>
      %add3A_2351 = arith.addi %add3A_20, %add3A_2350 : vector<16xi32>
      tpu.vector_store_idx %arg10[%add3A_2351], %get3A_2331 : memref<4096xf32, #tpu.memory_space<vmem>>[vector<16xi32>], vector<16xf32>,
      %get3A_2352 = arith.constant 19 : i32
      %get3A_2353 = arith.index_cast %get3A_2352 : i32 to index
      %get3A_2354 = arith.constant 0 : index
      %get3A_2355 = tpu.vector_load %arg8[%get3A_2353, %get3A_2354] {strides = array<i32>} : memref<128x32xf32, #tpu.memory_space<vmem>>, vector<16xf32>,
      %get3A_2356 = arith.constant 19 : i32
      %get3A_2357 = arith.index_cast %get3A_2356 : i32 to index
      %get3A_2358 = arith.constant 16 : index
      %get3A_2359 = tpu.vector_load %arg8[%get3A_2357, %get3A_2358] {strides = array<i32>} : memref<128x32xf32, #tpu.memory_space<vmem>>, vector<16xf32>,
      %add3A_2360 = arith.constant 18 : i32
      %add3A_2361 = vector.broadcast %add3A_2360 : i32 to vector<16xi32>
      %add3A_2362 = arith.addi %add3A_13, %add3A_2361 : vector<16xi32>
      tpu.vector_store_idx %arg10[%add3A_2362], %get3A_2341 : memref<4096xf32, #tpu.memory_space<vmem>>[vector<16xi32>], vector<16xf32>,
      %add3A_2363 = arith.constant 18 : i32
      %add3A_2364 = vector.broadcast %add3A_2363 : i32 to vector<16xi32>
      %add3A_2365 = arith.addi %add3A_20, %add3A_2364 : vector<16xi32>
      tpu.vector_store_idx %arg10[%add3A_2365], %get3A_2345 : memref<4096xf32, #tpu.memory_space<vmem>>[vector<16xi32>], vector<16xf32>,
      %get3A_2366 = arith.constant 20 : i32
      %get3A_2367 = arith.index_cast %get3A_2366 : i32 to index
      %get3A_2368 = arith.constant 0 : index
      %get3A_2369 = tpu.vector_load %arg8[%get3A_2367, %get3A_2368] {strides = array<i32>} : memref<128x32xf32, #tpu.memory_space<vmem>>, vector<16xf32>,
      %get3A_2370 = arith.constant 20 : i32
      %get3A_2371 = arith.index_cast %get3A_2370 : i32 to index
      %get3A_2372 = arith.constant 16 : index
      %get3A_2373 = tpu.vector_load %arg8[%get3A_2371, %get3A_2372] {strides = array<i32>} : memref<128x32xf32, #tpu.memory_space<vmem>>, vector<16xf32>,
      %add3A_2374 = arith.constant 19 : i32
      %add3A_2375 = vector.broadcast %add3A_2374 : i32 to vector<16xi32>
      %add3A_2376 = arith.addi %add3A_13, %add3A_2375 : vector<16xi32>
      tpu.vector_store_idx %arg10[%add3A_2376], %get3A_2355 : memref<4096xf32, #tpu.memory_space<vmem>>[vector<16xi32>], vector<16xf32>,
      %add3A_2377 = arith.constant 19 : i32
      %add3A_2378 = vector.broadcast %add3A_2377 : i32 to vector<16xi32>
      %add3A_2379 = arith.addi %add3A_20, %add3A_2378 : vector<16xi32>
      tpu.vector_store_idx %arg10[%add3A_2379], %get3A_2359 : memref<4096xf32, #tpu.memory_space<vmem>>[vector<16xi32>], vector<16xf32>,
      %get3A_2380 = arith.constant 21 : i32
      %get3A_2381 = arith.index_cast %get3A_2380 : i32 to index
      %get3A_2382 = arith.constant 0 : index
      %get3A_2383 = tpu.vector_load %arg8[%get3A_2381, %get3A_2382] {strides = array<i32>} : memref<128x32xf32, #tpu.memory_space<vmem>>, vector<16xf32>,
      %get3A_2384 = arith.constant 21 : i32
      %get3A_2385 = arith.index_cast %get3A_2384 : i32 to index
      %get3A_2386 = arith.constant 16 : index
      %get3A_2387 = tpu.vector_load %arg8[%get3A_2385, %get3A_2386] {strides = array<i32>} : memref<128x32xf32, #tpu.memory_space<vmem>>, vector<16xf32>,
      %add3A_2388 = arith.constant 20 : i32
      %add3A_2389 = vector.broadcast %add3A_2388 : i32 to vector<16xi32>
      %add3A_2390 = arith.addi %add3A_13, %add3A_2389 : vector<16xi32>
      tpu.vector_store_idx %arg10[%add3A_2390], %get3A_2369 : memref<4096xf32, #tpu.memory_space<vmem>>[vector<16xi32>], vector<16xf32>,
      %add3A_2391 = arith.constant 20 : i32
      %add3A_2392 = vector.broadcast %add3A_2391 : i32 to vector<16xi32>
      %add3A_2393 = arith.addi %add3A_20, %add3A_2392 : vector<16xi32>
      tpu.vector_store_idx %arg10[%add3A_2393], %get3A_2373 : memref<4096xf32, #tpu.memory_space<vmem>>[vector<16xi32>], vector<16xf32>,
      %get3A_2394 = arith.constant 22 : i32
      %get3A_2395 = arith.index_cast %get3A_2394 : i32 to index
      %get3A_2396 = arith.constant 0 : index
      %get3A_2397 = tpu.vector_load %arg8[%get3A_2395, %get3A_2396] {strides = array<i32>} : memref<128x32xf32, #tpu.memory_space<vmem>>, vector<16xf32>,
      %get3A_2398 = arith.constant 22 : i32
      %get3A_2399 = arith.index_cast %get3A_2398 : i32 to index
      %get3A_2400 = arith.constant 16 : index
      %get3A_2401 = tpu.vector_load %arg8[%get3A_2399, %get3A_2400] {strides = array<i32>} : memref<128x32xf32, #tpu.memory_space<vmem>>, vector<16xf32>,
      %add3A_2402 = arith.constant 21 : i32
      %add3A_2403 = vector.broadcast %add3A_2402 : i32 to vector<16xi32>
      %add3A_2404 = arith.addi %add3A_13, %add3A_2403 : vector<16xi32>
      tpu.vector_store_idx %arg10[%add3A_2404], %get3A_2383 : memref<4096xf32, #tpu.memory_space<vmem>>[vector<16xi32>], vector<16xf32>,
      %add3A_2405 = arith.constant 21 : i32
      %add3A_2406 = vector.broadcast %add3A_2405 : i32 to vector<16xi32>
      %add3A_2407 = arith.addi %add3A_20, %add3A_2406 : vector<16xi32>
      tpu.vector_store_idx %arg10[%add3A_2407], %get3A_2387 : memref<4096xf32, #tpu.memory_space<vmem>>[vector<16xi32>], vector<16xf32>,
      %get3A_2408 = arith.constant 23 : i32
      %get3A_2409 = arith.index_cast %get3A_2408 : i32 to index
      %get3A_2410 = arith.constant 0 : index
      %get3A_2411 = tpu.vector_load %arg8[%get3A_2409, %get3A_2410] {strides = array<i32>} : memref<128x32xf32, #tpu.memory_space<vmem>>, vector<16xf32>,
      %get3A_2412 = arith.constant 23 : i32
      %get3A_2413 = arith.index_cast %get3A_2412 : i32 to index
      %get3A_2414 = arith.constant 16 : index
      %get3A_2415 = tpu.vector_load %arg8[%get3A_2413, %get3A_2414] {strides = array<i32>} : memref<128x32xf32, #tpu.memory_space<vmem>>, vector<16xf32>,
      %add3A_2416 = arith.constant 22 : i32
      %add3A_2417 = vector.broadcast %add3A_2416 : i32 to vector<16xi32>
      %add3A_2418 = arith.addi %add3A_13, %add3A_2417 : vector<16xi32>
      tpu.vector_store_idx %arg10[%add3A_2418], %get3A_2397 : memref<4096xf32, #tpu.memory_space<vmem>>[vector<16xi32>], vector<16xf32>,
      %add3A_2419 = arith.constant 22 : i32
      %add3A_2420 = vector.broadcast %add3A_2419 : i32 to vector<16xi32>
      %add3A_2421 = arith.addi %add3A_20, %add3A_2420 : vector<16xi32>
      tpu.vector_store_idx %arg10[%add3A_2421], %get3A_2401 : memref<4096xf32, #tpu.memory_space<vmem>>[vector<16xi32>], vector<16xf32>,
      %get3A_2422 = arith.constant 24 : i32
      %get3A_2423 = arith.index_cast %get3A_2422 : i32 to index
      %get3A_2424 = arith.constant 0 : index
      %get3A_2425 = tpu.vector_load %arg8[%get3A_2423, %get3A_2424] {strides = array<i32>} : memref<128x32xf32, #tpu.memory_space<vmem>>, vector<16xf32>,
      %get3A_2426 = arith.constant 24 : i32
      %get3A_2427 = arith.index_cast %get3A_2426 : i32 to index
      %get3A_2428 = arith.constant 16 : index
      %get3A_2429 = tpu.vector_load %arg8[%get3A_2427, %get3A_2428] {strides = array<i32>} : memref<128x32xf32, #tpu.memory_space<vmem>>, vector<16xf32>,
      %add3A_2430 = arith.constant 23 : i32
      %add3A_2431 = vector.broadcast %add3A_2430 : i32 to vector<16xi32>
      %add3A_2432 = arith.addi %add3A_13, %add3A_2431 : vector<16xi32>
      tpu.vector_store_idx %arg10[%add3A_2432], %get3A_2411 : memref<4096xf32, #tpu.memory_space<vmem>>[vector<16xi32>], vector<16xf32>,
      %add3A_2433 = arith.constant 23 : i32
      %add3A_2434 = vector.broadcast %add3A_2433 : i32 to vector<16xi32>
      %add3A_2435 = arith.addi %add3A_20, %add3A_2434 : vector<16xi32>
      tpu.vector_store_idx %arg10[%add3A_2435], %get3A_2415 : memref<4096xf32, #tpu.memory_space<vmem>>[vector<16xi32>], vector<16xf32>,
      %get3A_2436 = arith.constant 25 : i32
      %get3A_2437 = arith.index_cast %get3A_2436 : i32 to index
      %get3A_2438 = arith.constant 0 : index
      %get3A_2439 = tpu.vector_load %arg8[%get3A_2437, %get3A_2438] {strides = array<i32>} : memref<128x32xf32, #tpu.memory_space<vmem>>, vector<16xf32>,
      %get3A_2440 = arith.constant 25 : i32
      %get3A_2441 = arith.index_cast %get3A_2440 : i32 to index
      %get3A_2442 = arith.constant 16 : index
      %get3A_2443 = tpu.vector_load %arg8[%get3A_2441, %get3A_2442] {strides = array<i32>} : memref<128x32xf32, #tpu.memory_space<vmem>>, vector<16xf32>,
      %add3A_2444 = arith.constant 24 : i32
      %add3A_2445 = vector.broadcast %add3A_2444 : i32 to vector<16xi32>
      %add3A_2446 = arith.addi %add3A_13, %add3A_2445 : vector<16xi32>
      tpu.vector_store_idx %arg10[%add3A_2446], %get3A_2425 : memref<4096xf32, #tpu.memory_space<vmem>>[vector<16xi32>], vector<16xf32>,
      %add3A_2447 = arith.constant 24 : i32
      %add3A_2448 = vector.broadcast %add3A_2447 : i32 to vector<16xi32>
      %add3A_2449 = arith.addi %add3A_20, %add3A_2448 : vector<16xi32>
      tpu.vector_store_idx %arg10[%add3A_2449], %get3A_2429 : memref<4096xf32, #tpu.memory_space<vmem>>[vector<16xi32>], vector<16xf32>,
      %get3A_2450 = arith.constant 26 : i32
      %get3A_2451 = arith.index_cast %get3A_2450 : i32 to index
      %get3A_2452 = arith.constant 0 : index
      %get3A_2453 = tpu.vector_load %arg8[%get3A_2451, %get3A_2452] {strides = array<i32>} : memref<128x32xf32, #tpu.memory_space<vmem>>, vector<16xf32>,
      %get3A_2454 = arith.constant 26 : i32
      %get3A_2455 = arith.index_cast %get3A_2454 : i32 to index
      %get3A_2456 = arith.constant 16 : index
      %get3A_2457 = tpu.vector_load %arg8[%get3A_2455, %get3A_2456] {strides = array<i32>} : memref<128x32xf32, #tpu.memory_space<vmem>>, vector<16xf32>,
      %add3A_2458 = arith.constant 25 : i32
      %add3A_2459 = vector.broadcast %add3A_2458 : i32 to vector<16xi32>
      %add3A_2460 = arith.addi %add3A_13, %add3A_2459 : vector<16xi32>
      tpu.vector_store_idx %arg10[%add3A_2460], %get3A_2439 : memref<4096xf32, #tpu.memory_space<vmem>>[vector<16xi32>], vector<16xf32>,
      %add3A_2461 = arith.constant 25 : i32
      %add3A_2462 = vector.broadcast %add3A_2461 : i32 to vector<16xi32>
      %add3A_2463 = arith.addi %add3A_20, %add3A_2462 : vector<16xi32>
      tpu.vector_store_idx %arg10[%add3A_2463], %get3A_2443 : memref<4096xf32, #tpu.memory_space<vmem>>[vector<16xi32>], vector<16xf32>,
      %get3A_2464 = arith.constant 27 : i32
      %get3A_2465 = arith.index_cast %get3A_2464 : i32 to index
      %get3A_2466 = arith.constant 0 : index
      %get3A_2467 = tpu.vector_load %arg8[%get3A_2465, %get3A_2466] {strides = array<i32>} : memref<128x32xf32, #tpu.memory_space<vmem>>, vector<16xf32>,
      %get3A_2468 = arith.constant 27 : i32
      %get3A_2469 = arith.index_cast %get3A_2468 : i32 to index
      %get3A_2470 = arith.constant 16 : index
      %get3A_2471 = tpu.vector_load %arg8[%get3A_2469, %get3A_2470] {strides = array<i32>} : memref<128x32xf32, #tpu.memory_space<vmem>>, vector<16xf32>,
      %add3A_2472 = arith.constant 26 : i32
      %add3A_2473 = vector.broadcast %add3A_2472 : i32 to vector<16xi32>
      %add3A_2474 = arith.addi %add3A_13, %add3A_2473 : vector<16xi32>
      tpu.vector_store_idx %arg10[%add3A_2474], %get3A_2453 : memref<4096xf32, #tpu.memory_space<vmem>>[vector<16xi32>], vector<16xf32>,
      %add3A_2475 = arith.constant 26 : i32
      %add3A_2476 = vector.broadcast %add3A_2475 : i32 to vector<16xi32>
      %add3A_2477 = arith.addi %add3A_20, %add3A_2476 : vector<16xi32>
      tpu.vector_store_idx %arg10[%add3A_2477], %get3A_2457 : memref<4096xf32, #tpu.memory_space<vmem>>[vector<16xi32>], vector<16xf32>,
      %get3A_2478 = arith.constant 28 : i32
      %get3A_2479 = arith.index_cast %get3A_2478 : i32 to index
      %get3A_2480 = arith.constant 0 : index
      %get3A_2481 = tpu.vector_load %arg8[%get3A_2479, %get3A_2480] {strides = array<i32>} : memref<128x32xf32, #tpu.memory_space<vmem>>, vector<16xf32>,
      %get3A_2482 = arith.constant 28 : i32
      %get3A_2483 = arith.index_cast %get3A_2482 : i32 to index
      %get3A_2484 = arith.constant 16 : index
      %get3A_2485 = tpu.vector_load %arg8[%get3A_2483, %get3A_2484] {strides = array<i32>} : memref<128x32xf32, #tpu.memory_space<vmem>>, vector<16xf32>,
      %add3A_2486 = arith.constant 27 : i32
      %add3A_2487 = vector.broadcast %add3A_2486 : i32 to vector<16xi32>
      %add3A_2488 = arith.addi %add3A_13, %add3A_2487 : vector<16xi32>
      tpu.vector_store_idx %arg10[%add3A_2488], %get3A_2467 : memref<4096xf32, #tpu.memory_space<vmem>>[vector<16xi32>], vector<16xf32>,
      %add3A_2489 = arith.constant 27 : i32
      %add3A_2490 = vector.broadcast %add3A_2489 : i32 to vector<16xi32>
      %add3A_2491 = arith.addi %add3A_20, %add3A_2490 : vector<16xi32>
      tpu.vector_store_idx %arg10[%add3A_2491], %get3A_2471 : memref<4096xf32, #tpu.memory_space<vmem>>[vector<16xi32>], vector<16xf32>,
      %get3A_2492 = arith.constant 29 : i32
      %get3A_2493 = arith.index_cast %get3A_2492 : i32 to index
      %get3A_2494 = arith.constant 0 : index
      %get3A_2495 = tpu.vector_load %arg8[%get3A_2493, %get3A_2494] {strides = array<i32>} : memref<128x32xf32, #tpu.memory_space<vmem>>, vector<16xf32>,
      %get3A_2496 = arith.constant 29 : i32
      %get3A_2497 = arith.index_cast %get3A_2496 : i32 to index
      %get3A_2498 = arith.constant 16 : index
      %get3A_2499 = tpu.vector_load %arg8[%get3A_2497, %get3A_2498] {strides = array<i32>} : memref<128x32xf32, #tpu.memory_space<vmem>>, vector<16xf32>,
      %add3A_2500 = arith.constant 28 : i32
      %add3A_2501 = vector.broadcast %add3A_2500 : i32 to vector<16xi32>
      %add3A_2502 = arith.addi %add3A_13, %add3A_2501 : vector<16xi32>
      tpu.vector_store_idx %arg10[%add3A_2502], %get3A_2481 : memref<4096xf32, #tpu.memory_space<vmem>>[vector<16xi32>], vector<16xf32>,
      %add3A_2503 = arith.constant 28 : i32
      %add3A_2504 = vector.broadcast %add3A_2503 : i32 to vector<16xi32>
      %add3A_2505 = arith.addi %add3A_20, %add3A_2504 : vector<16xi32>
      tpu.vector_store_idx %arg10[%add3A_2505], %get3A_2485 : memref<4096xf32, #tpu.memory_space<vmem>>[vector<16xi32>], vector<16xf32>,
      %get3A_2506 = arith.constant 30 : i32
      %get3A_2507 = arith.index_cast %get3A_2506 : i32 to index
      %get3A_2508 = arith.constant 0 : index
      %get3A_2509 = tpu.vector_load %arg8[%get3A_2507, %get3A_2508] {strides = array<i32>} : memref<128x32xf32, #tpu.memory_space<vmem>>, vector<16xf32>,
      %get3A_2510 = arith.constant 30 : i32
      %get3A_2511 = arith.index_cast %get3A_2510 : i32 to index
      %get3A_2512 = arith.constant 16 : index
      %get3A_2513 = tpu.vector_load %arg8[%get3A_2511, %get3A_2512] {strides = array<i32>} : memref<128x32xf32, #tpu.memory_space<vmem>>, vector<16xf32>,
      %add3A_2514 = arith.constant 29 : i32
      %add3A_2515 = vector.broadcast %add3A_2514 : i32 to vector<16xi32>
      %add3A_2516 = arith.addi %add3A_13, %add3A_2515 : vector<16xi32>
      tpu.vector_store_idx %arg10[%add3A_2516], %get3A_2495 : memref<4096xf32, #tpu.memory_space<vmem>>[vector<16xi32>], vector<16xf32>,
      %add3A_2517 = arith.constant 29 : i32
      %add3A_2518 = vector.broadcast %add3A_2517 : i32 to vector<16xi32>
      %add3A_2519 = arith.addi %add3A_20, %add3A_2518 : vector<16xi32>
      tpu.vector_store_idx %arg10[%add3A_2519], %get3A_2499 : memref<4096xf32, #tpu.memory_space<vmem>>[vector<16xi32>], vector<16xf32>,
      %get3A_2520 = arith.constant 31 : i32
      %get3A_2521 = arith.index_cast %get3A_2520 : i32 to index
      %get3A_2522 = arith.constant 0 : index
      %get3A_2523 = tpu.vector_load %arg8[%get3A_2521, %get3A_2522] {strides = array<i32>} : memref<128x32xf32, #tpu.memory_space<vmem>>, vector<16xf32>,
      %get3A_2524 = arith.constant 31 : i32
      %get3A_2525 = arith.index_cast %get3A_2524 : i32 to index
      %get3A_2526 = arith.constant 16 : index
      %get3A_2527 = tpu.vector_load %arg8[%get3A_2525, %get3A_2526] {strides = array<i32>} : memref<128x32xf32, #tpu.memory_space<vmem>>, vector<16xf32>,
      %add3A_2528 = arith.constant 30 : i32
      %add3A_2529 = vector.broadcast %add3A_2528 : i32 to vector<16xi32>
      %add3A_2530 = arith.addi %add3A_13, %add3A_2529 : vector<16xi32>
      tpu.vector_store_idx %arg10[%add3A_2530], %get3A_2509 : memref<4096xf32, #tpu.memory_space<vmem>>[vector<16xi32>], vector<16xf32>,
      %add3A_2531 = arith.constant 30 : i32
      %add3A_2532 = vector.broadcast %add3A_2531 : i32 to vector<16xi32>
      %add3A_2533 = arith.addi %add3A_20, %add3A_2532 : vector<16xi32>
      tpu.vector_store_idx %arg10[%add3A_2533], %get3A_2513 : memref<4096xf32, #tpu.memory_space<vmem>>[vector<16xi32>], vector<16xf32>,
      %get3A_2534 = arith.constant 32 : i32
      %get3A_2535 = arith.index_cast %get3A_2534 : i32 to index
      %get3A_2536 = arith.constant 0 : index
      %get3A_2537 = tpu.vector_load %arg8[%get3A_2535, %get3A_2536] {strides = array<i32>} : memref<128x32xf32, #tpu.memory_space<vmem>>, vector<16xf32>,
      %get3A_2538 = arith.constant 32 : i32
      %get3A_2539 = arith.index_cast %get3A_2538 : i32 to index
      %get3A_2540 = arith.constant 16 : index
      %get3A_2541 = tpu.vector_load %arg8[%get3A_2539, %get3A_2540] {strides = array<i32>} : memref<128x32xf32, #tpu.memory_space<vmem>>, vector<16xf32>,
      %add3A_2542 = arith.constant 31 : i32
      %add3A_2543 = vector.broadcast %add3A_2542 : i32 to vector<16xi32>
      %add3A_2544 = arith.addi %add3A_13, %add3A_2543 : vector<16xi32>
      tpu.vector_store_idx %arg10[%add3A_2544], %get3A_2523 : memref<4096xf32, #tpu.memory_space<vmem>>[vector<16xi32>], vector<16xf32>,
      %add3A_2545 = arith.constant 31 : i32
      %add3A_2546 = vector.broadcast %add3A_2545 : i32 to vector<16xi32>
      %add3A_2547 = arith.addi %add3A_20, %add3A_2546 : vector<16xi32>
      tpu.vector_store_idx %arg10[%add3A_2547], %get3A_2527 : memref<4096xf32, #tpu.memory_space<vmem>>[vector<16xi32>], vector<16xf32>,
      %get3A_2548 = arith.constant 33 : i32
      %get3A_2549 = arith.index_cast %get3A_2548 : i32 to index
      %get3A_2550 = arith.constant 0 : index
      %get3A_2551 = tpu.vector_load %arg8[%get3A_2549, %get3A_2550] {strides = array<i32>} : memref<128x32xf32, #tpu.memory_space<vmem>>, vector<16xf32>,
      %get3A_2552 = arith.constant 33 : i32
      %get3A_2553 = arith.index_cast %get3A_2552 : i32 to index
      %get3A_2554 = arith.constant 16 : index
      %get3A_2555 = tpu.vector_load %arg8[%get3A_2553, %get3A_2554] {strides = array<i32>} : memref<128x32xf32, #tpu.memory_space<vmem>>, vector<16xf32>,
      %add3A_2556 = arith.constant 32 : i32
      %add3A_2557 = vector.broadcast %add3A_2556 : i32 to vector<16xi32>
      %add3A_2558 = arith.addi %add3A_13, %add3A_2557 : vector<16xi32>
      tpu.vector_store_idx %arg10[%add3A_2558], %get3A_2537 : memref<4096xf32, #tpu.memory_space<vmem>>[vector<16xi32>], vector<16xf32>,
      %add3A_2559 = arith.constant 32 : i32
      %add3A_2560 = vector.broadcast %add3A_2559 : i32 to vector<16xi32>
      %add3A_2561 = arith.addi %add3A_20, %add3A_2560 : vector<16xi32>
      tpu.vector_store_idx %arg10[%add3A_2561], %get3A_2541 : memref<4096xf32, #tpu.memory_space<vmem>>[vector<16xi32>], vector<16xf32>,
      %get3A_2562 = arith.constant 34 : i32
      %get3A_2563 = arith.index_cast %get3A_2562 : i32 to index
      %get3A_2564 = arith.constant 0 : index
      %get3A_2565 = tpu.vector_load %arg8[%get3A_2563, %get3A_2564] {strides = array<i32>} : memref<128x32xf32, #tpu.memory_space<vmem>>, vector<16xf32>,
      %get3A_2566 = arith.constant 34 : i32
      %get3A_2567 = arith.index_cast %get3A_2566 : i32 to index
      %get3A_2568 = arith.constant 16 : index
      %get3A_2569 = tpu.vector_load %arg8[%get3A_2567, %get3A_2568] {strides = array<i32>} : memref<128x32xf32, #tpu.memory_space<vmem>>, vector<16xf32>,
      %add3A_2570 = arith.constant 33 : i32
      %add3A_2571 = vector.broadcast %add3A_2570 : i32 to vector<16xi32>
      %add3A_2572 = arith.addi %add3A_13, %add3A_2571 : vector<16xi32>
      tpu.vector_store_idx %arg10[%add3A_2572], %get3A_2551 : memref<4096xf32, #tpu.memory_space<vmem>>[vector<16xi32>], vector<16xf32>,
      %add3A_2573 = arith.constant 33 : i32
      %add3A_2574 = vector.broadcast %add3A_2573 : i32 to vector<16xi32>
      %add3A_2575 = arith.addi %add3A_20, %add3A_2574 : vector<16xi32>
      tpu.vector_store_idx %arg10[%add3A_2575], %get3A_2555 : memref<4096xf32, #tpu.memory_space<vmem>>[vector<16xi32>], vector<16xf32>,
      %get3A_2576 = arith.constant 35 : i32
      %get3A_2577 = arith.index_cast %get3A_2576 : i32 to index
      %get3A_2578 = arith.constant 0 : index
      %get3A_2579 = tpu.vector_load %arg8[%get3A_2577, %get3A_2578] {strides = array<i32>} : memref<128x32xf32, #tpu.memory_space<vmem>>, vector<16xf32>,
      %get3A_2580 = arith.constant 35 : i32
      %get3A_2581 = arith.index_cast %get3A_2580 : i32 to index
      %get3A_2582 = arith.constant 16 : index
      %get3A_2583 = tpu.vector_load %arg8[%get3A_2581, %get3A_2582] {strides = array<i32>} : memref<128x32xf32, #tpu.memory_space<vmem>>, vector<16xf32>,
      %add3A_2584 = arith.constant 34 : i32
      %add3A_2585 = vector.broadcast %add3A_2584 : i32 to vector<16xi32>
      %add3A_2586 = arith.addi %add3A_13, %add3A_2585 : vector<16xi32>
      tpu.vector_store_idx %arg10[%add3A_2586], %get3A_2565 : memref<4096xf32, #tpu.memory_space<vmem>>[vector<16xi32>], vector<16xf32>,
      %add3A_2587 = arith.constant 34 : i32
      %add3A_2588 = vector.broadcast %add3A_2587 : i32 to vector<16xi32>
      %add3A_2589 = arith.addi %add3A_20, %add3A_2588 : vector<16xi32>
      tpu.vector_store_idx %arg10[%add3A_2589], %get3A_2569 : memref<4096xf32, #tpu.memory_space<vmem>>[vector<16xi32>], vector<16xf32>,
      %get3A_2590 = arith.constant 36 : i32
      %get3A_2591 = arith.index_cast %get3A_2590 : i32 to index
      %get3A_2592 = arith.constant 0 : index
      %get3A_2593 = tpu.vector_load %arg8[%get3A_2591, %get3A_2592] {strides = array<i32>} : memref<128x32xf32, #tpu.memory_space<vmem>>, vector<16xf32>,
      %get3A_2594 = arith.constant 36 : i32
      %get3A_2595 = arith.index_cast %get3A_2594 : i32 to index
      %get3A_2596 = arith.constant 16 : index
      %get3A_2597 = tpu.vector_load %arg8[%get3A_2595, %get3A_2596] {strides = array<i32>} : memref<128x32xf32, #tpu.memory_space<vmem>>, vector<16xf32>,
      %add3A_2598 = arith.constant 35 : i32
      %add3A_2599 = vector.broadcast %add3A_2598 : i32 to vector<16xi32>
      %add3A_2600 = arith.addi %add3A_13, %add3A_2599 : vector<16xi32>
      tpu.vector_store_idx %arg10[%add3A_2600], %get3A_2579 : memref<4096xf32, #tpu.memory_space<vmem>>[vector<16xi32>], vector<16xf32>,
      %add3A_2601 = arith.constant 35 : i32
      %add3A_2602 = vector.broadcast %add3A_2601 : i32 to vector<16xi32>
      %add3A_2603 = arith.addi %add3A_20, %add3A_2602 : vector<16xi32>
      tpu.vector_store_idx %arg10[%add3A_2603], %get3A_2583 : memref<4096xf32, #tpu.memory_space<vmem>>[vector<16xi32>], vector<16xf32>,
      %get3A_2604 = arith.constant 37 : i32
      %get3A_2605 = arith.index_cast %get3A_2604 : i32 to index
      %get3A_2606 = arith.constant 0 : index
      %get3A_2607 = tpu.vector_load %arg8[%get3A_2605, %get3A_2606] {strides = array<i32>} : memref<128x32xf32, #tpu.memory_space<vmem>>, vector<16xf32>,
      %get3A_2608 = arith.constant 37 : i32
      %get3A_2609 = arith.index_cast %get3A_2608 : i32 to index
      %get3A_2610 = arith.constant 16 : index
      %get3A_2611 = tpu.vector_load %arg8[%get3A_2609, %get3A_2610] {strides = array<i32>} : memref<128x32xf32, #tpu.memory_space<vmem>>, vector<16xf32>,
      %add3A_2612 = arith.constant 36 : i32
      %add3A_2613 = vector.broadcast %add3A_2612 : i32 to vector<16xi32>
      %add3A_2614 = arith.addi %add3A_13, %add3A_2613 : vector<16xi32>
      tpu.vector_store_idx %arg10[%add3A_2614], %get3A_2593 : memref<4096xf32, #tpu.memory_space<vmem>>[vector<16xi32>], vector<16xf32>,
      %add3A_2615 = arith.constant 36 : i32
      %add3A_2616 = vector.broadcast %add3A_2615 : i32 to vector<16xi32>
      %add3A_2617 = arith.addi %add3A_20, %add3A_2616 : vector<16xi32>
      tpu.vector_store_idx %arg10[%add3A_2617], %get3A_2597 : memref<4096xf32, #tpu.memory_space<vmem>>[vector<16xi32>], vector<16xf32>,
      %get3A_2618 = arith.constant 38 : i32
      %get3A_2619 = arith.index_cast %get3A_2618 : i32 to index
      %get3A_2620 = arith.constant 0 : index
      %get3A_2621 = tpu.vector_load %arg8[%get3A_2619, %get3A_2620] {strides = array<i32>} : memref<128x32xf32, #tpu.memory_space<vmem>>, vector<16xf32>,
      %get3A_2622 = arith.constant 38 : i32
      %get3A_2623 = arith.index_cast %get3A_2622 : i32 to index
      %get3A_2624 = arith.constant 16 : index
      %get3A_2625 = tpu.vector_load %arg8[%get3A_2623, %get3A_2624] {strides = array<i32>} : memref<128x32xf32, #tpu.memory_space<vmem>>, vector<16xf32>,
      %add3A_2626 = arith.constant 37 : i32
      %add3A_2627 = vector.broadcast %add3A_2626 : i32 to vector<16xi32>
      %add3A_2628 = arith.addi %add3A_13, %add3A_2627 : vector<16xi32>
      tpu.vector_store_idx %arg10[%add3A_2628], %get3A_2607 : memref<4096xf32, #tpu.memory_space<vmem>>[vector<16xi32>], vector<16xf32>,
      %add3A_2629 = arith.constant 37 : i32
      %add3A_2630 = vector.broadcast %add3A_2629 : i32 to vector<16xi32>
      %add3A_2631 = arith.addi %add3A_20, %add3A_2630 : vector<16xi32>
      tpu.vector_store_idx %arg10[%add3A_2631], %get3A_2611 : memref<4096xf32, #tpu.memory_space<vmem>>[vector<16xi32>], vector<16xf32>,
      %get3A_2632 = arith.constant 39 : i32
      %get3A_2633 = arith.index_cast %get3A_2632 : i32 to index
      %get3A_2634 = arith.constant 0 : index
      %get3A_2635 = tpu.vector_load %arg8[%get3A_2633, %get3A_2634] {strides = array<i32>} : memref<128x32xf32, #tpu.memory_space<vmem>>, vector<16xf32>,
      %get3A_2636 = arith.constant 39 : i32
      %get3A_2637 = arith.index_cast %get3A_2636 : i32 to index
      %get3A_2638 = arith.constant 16 : index
      %get3A_2639 = tpu.vector_load %arg8[%get3A_2637, %get3A_2638] {strides = array<i32>} : memref<128x32xf32, #tpu.memory_space<vmem>>, vector<16xf32>,
      %add3A_2640 = arith.constant 38 : i32
      %add3A_2641 = vector.broadcast %add3A_2640 : i32 to vector<16xi32>
      %add3A_2642 = arith.addi %add3A_13, %add3A_2641 : vector<16xi32>
      tpu.vector_store_idx %arg10[%add3A_2642], %get3A_2621 : memref<4096xf32, #tpu.memory_space<vmem>>[vector<16xi32>], vector<16xf32>,
      %add3A_2643 = arith.constant 38 : i32
      %add3A_2644 = vector.broadcast %add3A_2643 : i32 to vector<16xi32>
      %add3A_2645 = arith.addi %add3A_20, %add3A_2644 : vector<16xi32>
      tpu.vector_store_idx %arg10[%add3A_2645], %get3A_2625 : memref<4096xf32, #tpu.memory_space<vmem>>[vector<16xi32>], vector<16xf32>,
      %get3A_2646 = arith.constant 40 : i32
      %get3A_2647 = arith.index_cast %get3A_2646 : i32 to index
      %get3A_2648 = arith.constant 0 : index
      %get3A_2649 = tpu.vector_load %arg8[%get3A_2647, %get3A_2648] {strides = array<i32>} : memref<128x32xf32, #tpu.memory_space<vmem>>, vector<16xf32>,
      %get3A_2650 = arith.constant 40 : i32
      %get3A_2651 = arith.index_cast %get3A_2650 : i32 to index
      %get3A_2652 = arith.constant 16 : index
      %get3A_2653 = tpu.vector_load %arg8[%get3A_2651, %get3A_2652] {strides = array<i32>} : memref<128x32xf32, #tpu.memory_space<vmem>>, vector<16xf32>,
      %add3A_2654 = arith.constant 39 : i32
      %add3A_2655 = vector.broadcast %add3A_2654 : i32 to vector<16xi32>
      %add3A_2656 = arith.addi %add3A_13, %add3A_2655 : vector<16xi32>
      tpu.vector_store_idx %arg10[%add3A_2656], %get3A_2635 : memref<4096xf32, #tpu.memory_space<vmem>>[vector<16xi32>], vector<16xf32>,
      %add3A_2657 = arith.constant 39 : i32
      %add3A_2658 = vector.broadcast %add3A_2657 : i32 to vector<16xi32>
      %add3A_2659 = arith.addi %add3A_20, %add3A_2658 : vector<16xi32>
      tpu.vector_store_idx %arg10[%add3A_2659], %get3A_2639 : memref<4096xf32, #tpu.memory_space<vmem>>[vector<16xi32>], vector<16xf32>,
      %get3A_2660 = arith.constant 41 : i32
      %get3A_2661 = arith.index_cast %get3A_2660 : i32 to index
      %get3A_2662 = arith.constant 0 : index
      %get3A_2663 = tpu.vector_load %arg8[%get3A_2661, %get3A_2662] {strides = array<i32>} : memref<128x32xf32, #tpu.memory_space<vmem>>, vector<16xf32>,
      %get3A_2664 = arith.constant 41 : i32
      %get3A_2665 = arith.index_cast %get3A_2664 : i32 to index
      %get3A_2666 = arith.constant 16 : index
      %get3A_2667 = tpu.vector_load %arg8[%get3A_2665, %get3A_2666] {strides = array<i32>} : memref<128x32xf32, #tpu.memory_space<vmem>>, vector<16xf32>,
      %add3A_2668 = arith.constant 40 : i32
      %add3A_2669 = vector.broadcast %add3A_2668 : i32 to vector<16xi32>
      %add3A_2670 = arith.addi %add3A_13, %add3A_2669 : vector<16xi32>
      tpu.vector_store_idx %arg10[%add3A_2670], %get3A_2649 : memref<4096xf32, #tpu.memory_space<vmem>>[vector<16xi32>], vector<16xf32>,
      %add3A_2671 = arith.constant 40 : i32
      %add3A_2672 = vector.broadcast %add3A_2671 : i32 to vector<16xi32>
      %add3A_2673 = arith.addi %add3A_20, %add3A_2672 : vector<16xi32>
      tpu.vector_store_idx %arg10[%add3A_2673], %get3A_2653 : memref<4096xf32, #tpu.memory_space<vmem>>[vector<16xi32>], vector<16xf32>,
      %get3A_2674 = arith.constant 42 : i32
      %get3A_2675 = arith.index_cast %get3A_2674 : i32 to index
      %get3A_2676 = arith.constant 0 : index
      %get3A_2677 = tpu.vector_load %arg8[%get3A_2675, %get3A_2676] {strides = array<i32>} : memref<128x32xf32, #tpu.memory_space<vmem>>, vector<16xf32>,
      %get3A_2678 = arith.constant 42 : i32
      %get3A_2679 = arith.index_cast %get3A_2678 : i32 to index
      %get3A_2680 = arith.constant 16 : index
      %get3A_2681 = tpu.vector_load %arg8[%get3A_2679, %get3A_2680] {strides = array<i32>} : memref<128x32xf32, #tpu.memory_space<vmem>>, vector<16xf32>,
      %add3A_2682 = arith.constant 41 : i32
      %add3A_2683 = vector.broadcast %add3A_2682 : i32 to vector<16xi32>
      %add3A_2684 = arith.addi %add3A_13, %add3A_2683 : vector<16xi32>
      tpu.vector_store_idx %arg10[%add3A_2684], %get3A_2663 : memref<4096xf32, #tpu.memory_space<vmem>>[vector<16xi32>], vector<16xf32>,
      %add3A_2685 = arith.constant 41 : i32
      %add3A_2686 = vector.broadcast %add3A_2685 : i32 to vector<16xi32>
      %add3A_2687 = arith.addi %add3A_20, %add3A_2686 : vector<16xi32>
      tpu.vector_store_idx %arg10[%add3A_2687], %get3A_2667 : memref<4096xf32, #tpu.memory_space<vmem>>[vector<16xi32>], vector<16xf32>,
      %get3A_2688 = arith.constant 43 : i32
      %get3A_2689 = arith.index_cast %get3A_2688 : i32 to index
      %get3A_2690 = arith.constant 0 : index
      %get3A_2691 = tpu.vector_load %arg8[%get3A_2689, %get3A_2690] {strides = array<i32>} : memref<128x32xf32, #tpu.memory_space<vmem>>, vector<16xf32>,
      %get3A_2692 = arith.constant 43 : i32
      %get3A_2693 = arith.index_cast %get3A_2692 : i32 to index
      %get3A_2694 = arith.constant 16 : index
      %get3A_2695 = tpu.vector_load %arg8[%get3A_2693, %get3A_2694] {strides = array<i32>} : memref<128x32xf32, #tpu.memory_space<vmem>>, vector<16xf32>,
      %add3A_2696 = arith.constant 42 : i32
      %add3A_2697 = vector.broadcast %add3A_2696 : i32 to vector<16xi32>
      %add3A_2698 = arith.addi %add3A_13, %add3A_2697 : vector<16xi32>
      tpu.vector_store_idx %arg10[%add3A_2698], %get3A_2677 : memref<4096xf32, #tpu.memory_space<vmem>>[vector<16xi32>], vector<16xf32>,
      %add3A_2699 = arith.constant 42 : i32
      %add3A_2700 = vector.broadcast %add3A_2699 : i32 to vector<16xi32>
      %add3A_2701 = arith.addi %add3A_20, %add3A_2700 : vector<16xi32>
      tpu.vector_store_idx %arg10[%add3A_2701], %get3A_2681 : memref<4096xf32, #tpu.memory_space<vmem>>[vector<16xi32>], vector<16xf32>,
      %get3A_2702 = arith.constant 44 : i32
      %get3A_2703 = arith.index_cast %get3A_2702 : i32 to index
      %get3A_2704 = arith.constant 0 : index
      %get3A_2705 = tpu.vector_load %arg8[%get3A_2703, %get3A_2704] {strides = array<i32>} : memref<128x32xf32, #tpu.memory_space<vmem>>, vector<16xf32>,
      %get3A_2706 = arith.constant 44 : i32
      %get3A_2707 = arith.index_cast %get3A_2706 : i32 to index
      %get3A_2708 = arith.constant 16 : index
      %get3A_2709 = tpu.vector_load %arg8[%get3A_2707, %get3A_2708] {strides = array<i32>} : memref<128x32xf32, #tpu.memory_space<vmem>>, vector<16xf32>,
      %add3A_2710 = arith.constant 43 : i32
      %add3A_2711 = vector.broadcast %add3A_2710 : i32 to vector<16xi32>
      %add3A_2712 = arith.addi %add3A_13, %add3A_2711 : vector<16xi32>
      tpu.vector_store_idx %arg10[%add3A_2712], %get3A_2691 : memref<4096xf32, #tpu.memory_space<vmem>>[vector<16xi32>], vector<16xf32>,
      %add3A_2713 = arith.constant 43 : i32
      %add3A_2714 = vector.broadcast %add3A_2713 : i32 to vector<16xi32>
      %add3A_2715 = arith.addi %add3A_20, %add3A_2714 : vector<16xi32>
      tpu.vector_store_idx %arg10[%add3A_2715], %get3A_2695 : memref<4096xf32, #tpu.memory_space<vmem>>[vector<16xi32>], vector<16xf32>,
      %get3A_2716 = arith.constant 45 : i32
      %get3A_2717 = arith.index_cast %get3A_2716 : i32 to index
      %get3A_2718 = arith.constant 0 : index
      %get3A_2719 = tpu.vector_load %arg8[%get3A_2717, %get3A_2718] {strides = array<i32>} : memref<128x32xf32, #tpu.memory_space<vmem>>, vector<16xf32>,
      %get3A_2720 = arith.constant 45 : i32
      %get3A_2721 = arith.index_cast %get3A_2720 : i32 to index
      %get3A_2722 = arith.constant 16 : index
      %get3A_2723 = tpu.vector_load %arg8[%get3A_2721, %get3A_2722] {strides = array<i32>} : memref<128x32xf32, #tpu.memory_space<vmem>>, vector<16xf32>,
      %add3A_2724 = arith.constant 44 : i32
      %add3A_2725 = vector.broadcast %add3A_2724 : i32 to vector<16xi32>
      %add3A_2726 = arith.addi %add3A_13, %add3A_2725 : vector<16xi32>
      tpu.vector_store_idx %arg10[%add3A_2726], %get3A_2705 : memref<4096xf32, #tpu.memory_space<vmem>>[vector<16xi32>], vector<16xf32>,
      %add3A_2727 = arith.constant 44 : i32
      %add3A_2728 = vector.broadcast %add3A_2727 : i32 to vector<16xi32>
      %add3A_2729 = arith.addi %add3A_20, %add3A_2728 : vector<16xi32>
      tpu.vector_store_idx %arg10[%add3A_2729], %get3A_2709 : memref<4096xf32, #tpu.memory_space<vmem>>[vector<16xi32>], vector<16xf32>,
      %get3A_2730 = arith.constant 46 : i32
      %get3A_2731 = arith.index_cast %get3A_2730 : i32 to index
      %get3A_2732 = arith.constant 0 : index
      %get3A_2733 = tpu.vector_load %arg8[%get3A_2731, %get3A_2732] {strides = array<i32>} : memref<128x32xf32, #tpu.memory_space<vmem>>, vector<16xf32>,
      %get3A_2734 = arith.constant 46 : i32
      %get3A_2735 = arith.index_cast %get3A_2734 : i32 to index
      %get3A_2736 = arith.constant 16 : index
      %get3A_2737 = tpu.vector_load %arg8[%get3A_2735, %get3A_2736] {strides = array<i32>} : memref<128x32xf32, #tpu.memory_space<vmem>>, vector<16xf32>,
      %add3A_2738 = arith.constant 45 : i32
      %add3A_2739 = vector.broadcast %add3A_2738 : i32 to vector<16xi32>
      %add3A_2740 = arith.addi %add3A_13, %add3A_2739 : vector<16xi32>
      tpu.vector_store_idx %arg10[%add3A_2740], %get3A_2719 : memref<4096xf32, #tpu.memory_space<vmem>>[vector<16xi32>], vector<16xf32>,
      %add3A_2741 = arith.constant 45 : i32
      %add3A_2742 = vector.broadcast %add3A_2741 : i32 to vector<16xi32>
      %add3A_2743 = arith.addi %add3A_20, %add3A_2742 : vector<16xi32>
      tpu.vector_store_idx %arg10[%add3A_2743], %get3A_2723 : memref<4096xf32, #tpu.memory_space<vmem>>[vector<16xi32>], vector<16xf32>,
      %get3A_2744 = arith.constant 47 : i32
      %get3A_2745 = arith.index_cast %get3A_2744 : i32 to index
      %get3A_2746 = arith.constant 0 : index
      %get3A_2747 = tpu.vector_load %arg8[%get3A_2745, %get3A_2746] {strides = array<i32>} : memref<128x32xf32, #tpu.memory_space<vmem>>, vector<16xf32>,
      %get3A_2748 = arith.constant 47 : i32
      %get3A_2749 = arith.index_cast %get3A_2748 : i32 to index
      %get3A_2750 = arith.constant 16 : index
      %get3A_2751 = tpu.vector_load %arg8[%get3A_2749, %get3A_2750] {strides = array<i32>} : memref<128x32xf32, #tpu.memory_space<vmem>>, vector<16xf32>,
      %add3A_2752 = arith.constant 46 : i32
      %add3A_2753 = vector.broadcast %add3A_2752 : i32 to vector<16xi32>
      %add3A_2754 = arith.addi %add3A_13, %add3A_2753 : vector<16xi32>
      tpu.vector_store_idx %arg10[%add3A_2754], %get3A_2733 : memref<4096xf32, #tpu.memory_space<vmem>>[vector<16xi32>], vector<16xf32>,
      %add3A_2755 = arith.constant 46 : i32
      %add3A_2756 = vector.broadcast %add3A_2755 : i32 to vector<16xi32>
      %add3A_2757 = arith.addi %add3A_20, %add3A_2756 : vector<16xi32>
      tpu.vector_store_idx %arg10[%add3A_2757], %get3A_2737 : memref<4096xf32, #tpu.memory_space<vmem>>[vector<16xi32>], vector<16xf32>,
      %get3A_2758 = arith.constant 48 : i32
      %get3A_2759 = arith.index_cast %get3A_2758 : i32 to index
      %get3A_2760 = arith.constant 0 : index
      %get3A_2761 = tpu.vector_load %arg8[%get3A_2759, %get3A_2760] {strides = array<i32>} : memref<128x32xf32, #tpu.memory_space<vmem>>, vector<16xf32>,
      %get3A_2762 = arith.constant 48 : i32
      %get3A_2763 = arith.index_cast %get3A_2762 : i32 to index
      %get3A_2764 = arith.constant 16 : index
      %get3A_2765 = tpu.vector_load %arg8[%get3A_2763, %get3A_2764] {strides = array<i32>} : memref<128x32xf32, #tpu.memory_space<vmem>>, vector<16xf32>,
      %add3A_2766 = arith.constant 47 : i32
      %add3A_2767 = vector.broadcast %add3A_2766 : i32 to vector<16xi32>
      %add3A_2768 = arith.addi %add3A_13, %add3A_2767 : vector<16xi32>
      tpu.vector_store_idx %arg10[%add3A_2768], %get3A_2747 : memref<4096xf32, #tpu.memory_space<vmem>>[vector<16xi32>], vector<16xf32>,
      %add3A_2769 = arith.constant 47 : i32
      %add3A_2770 = vector.broadcast %add3A_2769 : i32 to vector<16xi32>
      %add3A_2771 = arith.addi %add3A_20, %add3A_2770 : vector<16xi32>
      tpu.vector_store_idx %arg10[%add3A_2771], %get3A_2751 : memref<4096xf32, #tpu.memory_space<vmem>>[vector<16xi32>], vector<16xf32>,
      %get3A_2772 = arith.constant 49 : i32
      %get3A_2773 = arith.index_cast %get3A_2772 : i32 to index
      %get3A_2774 = arith.constant 0 : index
      %get3A_2775 = tpu.vector_load %arg8[%get3A_2773, %get3A_2774] {strides = array<i32>} : memref<128x32xf32, #tpu.memory_space<vmem>>, vector<16xf32>,
      %get3A_2776 = arith.constant 49 : i32
      %get3A_2777 = arith.index_cast %get3A_2776 : i32 to index
      %get3A_2778 = arith.constant 16 : index
      %get3A_2779 = tpu.vector_load %arg8[%get3A_2777, %get3A_2778] {strides = array<i32>} : memref<128x32xf32, #tpu.memory_space<vmem>>, vector<16xf32>,
      %add3A_2780 = arith.constant 48 : i32
      %add3A_2781 = vector.broadcast %add3A_2780 : i32 to vector<16xi32>
      %add3A_2782 = arith.addi %add3A_13, %add3A_2781 : vector<16xi32>
      tpu.vector_store_idx %arg10[%add3A_2782], %get3A_2761 : memref<4096xf32, #tpu.memory_space<vmem>>[vector<16xi32>], vector<16xf32>,
      %add3A_2783 = arith.constant 48 : i32
      %add3A_2784 = vector.broadcast %add3A_2783 : i32 to vector<16xi32>
      %add3A_2785 = arith.addi %add3A_20, %add3A_2784 : vector<16xi32>
      tpu.vector_store_idx %arg10[%add3A_2785], %get3A_2765 : memref<4096xf32, #tpu.memory_space<vmem>>[vector<16xi32>], vector<16xf32>,
      %get3A_2786 = arith.constant 50 : i32
      %get3A_2787 = arith.index_cast %get3A_2786 : i32 to index
      %get3A_2788 = arith.constant 0 : index
      %get3A_2789 = tpu.vector_load %arg8[%get3A_2787, %get3A_2788] {strides = array<i32>} : memref<128x32xf32, #tpu.memory_space<vmem>>, vector<16xf32>,
      %get3A_2790 = arith.constant 50 : i32
      %get3A_2791 = arith.index_cast %get3A_2790 : i32 to index
      %get3A_2792 = arith.constant 16 : index
      %get3A_2793 = tpu.vector_load %arg8[%get3A_2791, %get3A_2792] {strides = array<i32>} : memref<128x32xf32, #tpu.memory_space<vmem>>, vector<16xf32>,
      %add3A_2794 = arith.constant 49 : i32
      %add3A_2795 = vector.broadcast %add3A_2794 : i32 to vector<16xi32>
      %add3A_2796 = arith.addi %add3A_13, %add3A_2795 : vector<16xi32>
      tpu.vector_store_idx %arg10[%add3A_2796], %get3A_2775 : memref<4096xf32, #tpu.memory_space<vmem>>[vector<16xi32>], vector<16xf32>,
      %add3A_2797 = arith.constant 49 : i32
      %add3A_2798 = vector.broadcast %add3A_2797 : i32 to vector<16xi32>
      %add3A_2799 = arith.addi %add3A_20, %add3A_2798 : vector<16xi32>
      tpu.vector_store_idx %arg10[%add3A_2799], %get3A_2779 : memref<4096xf32, #tpu.memory_space<vmem>>[vector<16xi32>], vector<16xf32>,
      %get3A_2800 = arith.constant 51 : i32
      %get3A_2801 = arith.index_cast %get3A_2800 : i32 to index
      %get3A_2802 = arith.constant 0 : index
      %get3A_2803 = tpu.vector_load %arg8[%get3A_2801, %get3A_2802] {strides = array<i32>} : memref<128x32xf32, #tpu.memory_space<vmem>>, vector<16xf32>,
      %get3A_2804 = arith.constant 51 : i32
      %get3A_2805 = arith.index_cast %get3A_2804 : i32 to index
      %get3A_2806 = arith.constant 16 : index
      %get3A_2807 = tpu.vector_load %arg8[%get3A_2805, %get3A_2806] {strides = array<i32>} : memref<128x32xf32, #tpu.memory_space<vmem>>, vector<16xf32>,
      %add3A_2808 = arith.constant 50 : i32
      %add3A_2809 = vector.broadcast %add3A_2808 : i32 to vector<16xi32>
      %add3A_2810 = arith.addi %add3A_13, %add3A_2809 : vector<16xi32>
      tpu.vector_store_idx %arg10[%add3A_2810], %get3A_2789 : memref<4096xf32, #tpu.memory_space<vmem>>[vector<16xi32>], vector<16xf32>,
      %add3A_2811 = arith.constant 50 : i32
      %add3A_2812 = vector.broadcast %add3A_2811 : i32 to vector<16xi32>
      %add3A_2813 = arith.addi %add3A_20, %add3A_2812 : vector<16xi32>
      tpu.vector_store_idx %arg10[%add3A_2813], %get3A_2793 : memref<4096xf32, #tpu.memory_space<vmem>>[vector<16xi32>], vector<16xf32>,
      %get3A_2814 = arith.constant 52 : i32
      %get3A_2815 = arith.index_cast %get3A_2814 : i32 to index
      %get3A_2816 = arith.constant 0 : index
      %get3A_2817 = tpu.vector_load %arg8[%get3A_2815, %get3A_2816] {strides = array<i32>} : memref<128x32xf32, #tpu.memory_space<vmem>>, vector<16xf32>,
      %get3A_2818 = arith.constant 52 : i32
      %get3A_2819 = arith.index_cast %get3A_2818 : i32 to index
      %get3A_2820 = arith.constant 16 : index
      %get3A_2821 = tpu.vector_load %arg8[%get3A_2819, %get3A_2820] {strides = array<i32>} : memref<128x32xf32, #tpu.memory_space<vmem>>, vector<16xf32>,
      %add3A_2822 = arith.constant 51 : i32
      %add3A_2823 = vector.broadcast %add3A_2822 : i32 to vector<16xi32>
      %add3A_2824 = arith.addi %add3A_13, %add3A_2823 : vector<16xi32>
      tpu.vector_store_idx %arg10[%add3A_2824], %get3A_2803 : memref<4096xf32, #tpu.memory_space<vmem>>[vector<16xi32>], vector<16xf32>,
      %add3A_2825 = arith.constant 51 : i32
      %add3A_2826 = vector.broadcast %add3A_2825 : i32 to vector<16xi32>
      %add3A_2827 = arith.addi %add3A_20, %add3A_2826 : vector<16xi32>
      tpu.vector_store_idx %arg10[%add3A_2827], %get3A_2807 : memref<4096xf32, #tpu.memory_space<vmem>>[vector<16xi32>], vector<16xf32>,
      %get3A_2828 = arith.constant 53 : i32
      %get3A_2829 = arith.index_cast %get3A_2828 : i32 to index
      %get3A_2830 = arith.constant 0 : index
      %get3A_2831 = tpu.vector_load %arg8[%get3A_2829, %get3A_2830] {strides = array<i32>} : memref<128x32xf32, #tpu.memory_space<vmem>>, vector<16xf32>,
      %get3A_2832 = arith.constant 53 : i32
      %get3A_2833 = arith.index_cast %get3A_2832 : i32 to index
      %get3A_2834 = arith.constant 16 : index
      %get3A_2835 = tpu.vector_load %arg8[%get3A_2833, %get3A_2834] {strides = array<i32>} : memref<128x32xf32, #tpu.memory_space<vmem>>, vector<16xf32>,
      %add3A_2836 = arith.constant 52 : i32
      %add3A_2837 = vector.broadcast %add3A_2836 : i32 to vector<16xi32>
      %add3A_2838 = arith.addi %add3A_13, %add3A_2837 : vector<16xi32>
      tpu.vector_store_idx %arg10[%add3A_2838], %get3A_2817 : memref<4096xf32, #tpu.memory_space<vmem>>[vector<16xi32>], vector<16xf32>,
      %add3A_2839 = arith.constant 52 : i32
      %add3A_2840 = vector.broadcast %add3A_2839 : i32 to vector<16xi32>
      %add3A_2841 = arith.addi %add3A_20, %add3A_2840 : vector<16xi32>
      tpu.vector_store_idx %arg10[%add3A_2841], %get3A_2821 : memref<4096xf32, #tpu.memory_space<vmem>>[vector<16xi32>], vector<16xf32>,
      %get3A_2842 = arith.constant 54 : i32
      %get3A_2843 = arith.index_cast %get3A_2842 : i32 to index
      %get3A_2844 = arith.constant 0 : index
      %get3A_2845 = tpu.vector_load %arg8[%get3A_2843, %get3A_2844] {strides = array<i32>} : memref<128x32xf32, #tpu.memory_space<vmem>>, vector<16xf32>,
      %get3A_2846 = arith.constant 54 : i32
      %get3A_2847 = arith.index_cast %get3A_2846 : i32 to index
      %get3A_2848 = arith.constant 16 : index
      %get3A_2849 = tpu.vector_load %arg8[%get3A_2847, %get3A_2848] {strides = array<i32>} : memref<128x32xf32, #tpu.memory_space<vmem>>, vector<16xf32>,
      %add3A_2850 = arith.constant 53 : i32
      %add3A_2851 = vector.broadcast %add3A_2850 : i32 to vector<16xi32>
      %add3A_2852 = arith.addi %add3A_13, %add3A_2851 : vector<16xi32>
      tpu.vector_store_idx %arg10[%add3A_2852], %get3A_2831 : memref<4096xf32, #tpu.memory_space<vmem>>[vector<16xi32>], vector<16xf32>,
      %add3A_2853 = arith.constant 53 : i32
      %add3A_2854 = vector.broadcast %add3A_2853 : i32 to vector<16xi32>
      %add3A_2855 = arith.addi %add3A_20, %add3A_2854 : vector<16xi32>
      tpu.vector_store_idx %arg10[%add3A_2855], %get3A_2835 : memref<4096xf32, #tpu.memory_space<vmem>>[vector<16xi32>], vector<16xf32>,
      %get3A_2856 = arith.constant 55 : i32
      %get3A_2857 = arith.index_cast %get3A_2856 : i32 to index
      %get3A_2858 = arith.constant 0 : index
      %get3A_2859 = tpu.vector_load %arg8[%get3A_2857, %get3A_2858] {strides = array<i32>} : memref<128x32xf32, #tpu.memory_space<vmem>>, vector<16xf32>,
      %get3A_2860 = arith.constant 55 : i32
      %get3A_2861 = arith.index_cast %get3A_2860 : i32 to index
      %get3A_2862 = arith.constant 16 : index
      %get3A_2863 = tpu.vector_load %arg8[%get3A_2861, %get3A_2862] {strides = array<i32>} : memref<128x32xf32, #tpu.memory_space<vmem>>, vector<16xf32>,
      %add3A_2864 = arith.constant 54 : i32
      %add3A_2865 = vector.broadcast %add3A_2864 : i32 to vector<16xi32>
      %add3A_2866 = arith.addi %add3A_13, %add3A_2865 : vector<16xi32>
      tpu.vector_store_idx %arg10[%add3A_2866], %get3A_2845 : memref<4096xf32, #tpu.memory_space<vmem>>[vector<16xi32>], vector<16xf32>,
      %add3A_2867 = arith.constant 54 : i32
      %add3A_2868 = vector.broadcast %add3A_2867 : i32 to vector<16xi32>
      %add3A_2869 = arith.addi %add3A_20, %add3A_2868 : vector<16xi32>
      tpu.vector_store_idx %arg10[%add3A_2869], %get3A_2849 : memref<4096xf32, #tpu.memory_space<vmem>>[vector<16xi32>], vector<16xf32>,
      %get3A_2870 = arith.constant 56 : i32
      %get3A_2871 = arith.index_cast %get3A_2870 : i32 to index
      %get3A_2872 = arith.constant 0 : index
      %get3A_2873 = tpu.vector_load %arg8[%get3A_2871, %get3A_2872] {strides = array<i32>} : memref<128x32xf32, #tpu.memory_space<vmem>>, vector<16xf32>,
      %get3A_2874 = arith.constant 56 : i32
      %get3A_2875 = arith.index_cast %get3A_2874 : i32 to index
      %get3A_2876 = arith.constant 16 : index
      %get3A_2877 = tpu.vector_load %arg8[%get3A_2875, %get3A_2876] {strides = array<i32>} : memref<128x32xf32, #tpu.memory_space<vmem>>, vector<16xf32>,
      %add3A_2878 = arith.constant 55 : i32
      %add3A_2879 = vector.broadcast %add3A_2878 : i32 to vector<16xi32>
      %add3A_2880 = arith.addi %add3A_13, %add3A_2879 : vector<16xi32>
      tpu.vector_store_idx %arg10[%add3A_2880], %get3A_2859 : memref<4096xf32, #tpu.memory_space<vmem>>[vector<16xi32>], vector<16xf32>,
      %add3A_2881 = arith.constant 55 : i32
      %add3A_2882 = vector.broadcast %add3A_2881 : i32 to vector<16xi32>
      %add3A_2883 = arith.addi %add3A_20, %add3A_2882 : vector<16xi32>
      tpu.vector_store_idx %arg10[%add3A_2883], %get3A_2863 : memref<4096xf32, #tpu.memory_space<vmem>>[vector<16xi32>], vector<16xf32>,
      %get3A_2884 = arith.constant 57 : i32
      %get3A_2885 = arith.index_cast %get3A_2884 : i32 to index
      %get3A_2886 = arith.constant 0 : index
      %get3A_2887 = tpu.vector_load %arg8[%get3A_2885, %get3A_2886] {strides = array<i32>} : memref<128x32xf32, #tpu.memory_space<vmem>>, vector<16xf32>,
      %get3A_2888 = arith.constant 57 : i32
      %get3A_2889 = arith.index_cast %get3A_2888 : i32 to index
      %get3A_2890 = arith.constant 16 : index
      %get3A_2891 = tpu.vector_load %arg8[%get3A_2889, %get3A_2890] {strides = array<i32>} : memref<128x32xf32, #tpu.memory_space<vmem>>, vector<16xf32>,
      %add3A_2892 = arith.constant 56 : i32
      %add3A_2893 = vector.broadcast %add3A_2892 : i32 to vector<16xi32>
      %add3A_2894 = arith.addi %add3A_13, %add3A_2893 : vector<16xi32>
      tpu.vector_store_idx %arg10[%add3A_2894], %get3A_2873 : memref<4096xf32, #tpu.memory_space<vmem>>[vector<16xi32>], vector<16xf32>,
      %add3A_2895 = arith.constant 56 : i32
      %add3A_2896 = vector.broadcast %add3A_2895 : i32 to vector<16xi32>
      %add3A_2897 = arith.addi %add3A_20, %add3A_2896 : vector<16xi32>
      tpu.vector_store_idx %arg10[%add3A_2897], %get3A_2877 : memref<4096xf32, #tpu.memory_space<vmem>>[vector<16xi32>], vector<16xf32>,
      %get3A_2898 = arith.constant 58 : i32
      %get3A_2899 = arith.index_cast %get3A_2898 : i32 to index
      %get3A_2900 = arith.constant 0 : index
      %get3A_2901 = tpu.vector_load %arg8[%get3A_2899, %get3A_2900] {strides = array<i32>} : memref<128x32xf32, #tpu.memory_space<vmem>>, vector<16xf32>,
      %get3A_2902 = arith.constant 58 : i32
      %get3A_2903 = arith.index_cast %get3A_2902 : i32 to index
      %get3A_2904 = arith.constant 16 : index
      %get3A_2905 = tpu.vector_load %arg8[%get3A_2903, %get3A_2904] {strides = array<i32>} : memref<128x32xf32, #tpu.memory_space<vmem>>, vector<16xf32>,
      %add3A_2906 = arith.constant 57 : i32
      %add3A_2907 = vector.broadcast %add3A_2906 : i32 to vector<16xi32>
      %add3A_2908 = arith.addi %add3A_13, %add3A_2907 : vector<16xi32>
      tpu.vector_store_idx %arg10[%add3A_2908], %get3A_2887 : memref<4096xf32, #tpu.memory_space<vmem>>[vector<16xi32>], vector<16xf32>,
      %add3A_2909 = arith.constant 57 : i32
      %add3A_2910 = vector.broadcast %add3A_2909 : i32 to vector<16xi32>
      %add3A_2911 = arith.addi %add3A_20, %add3A_2910 : vector<16xi32>
      tpu.vector_store_idx %arg10[%add3A_2911], %get3A_2891 : memref<4096xf32, #tpu.memory_space<vmem>>[vector<16xi32>], vector<16xf32>,
      %get3A_2912 = arith.constant 59 : i32
      %get3A_2913 = arith.index_cast %get3A_2912 : i32 to index
      %get3A_2914 = arith.constant 0 : index
      %get3A_2915 = tpu.vector_load %arg8[%get3A_2913, %get3A_2914] {strides = array<i32>} : memref<128x32xf32, #tpu.memory_space<vmem>>, vector<16xf32>,
      %get3A_2916 = arith.constant 59 : i32
      %get3A_2917 = arith.index_cast %get3A_2916 : i32 to index
      %get3A_2918 = arith.constant 16 : index
      %get3A_2919 = tpu.vector_load %arg8[%get3A_2917, %get3A_2918] {strides = array<i32>} : memref<128x32xf32, #tpu.memory_space<vmem>>, vector<16xf32>,
      %add3A_2920 = arith.constant 58 : i32
      %add3A_2921 = vector.broadcast %add3A_2920 : i32 to vector<16xi32>
      %add3A_2922 = arith.addi %add3A_13, %add3A_2921 : vector<16xi32>
      tpu.vector_store_idx %arg10[%add3A_2922], %get3A_2901 : memref<4096xf32, #tpu.memory_space<vmem>>[vector<16xi32>], vector<16xf32>,
      %add3A_2923 = arith.constant 58 : i32
      %add3A_2924 = vector.broadcast %add3A_2923 : i32 to vector<16xi32>
      %add3A_2925 = arith.addi %add3A_20, %add3A_2924 : vector<16xi32>
      tpu.vector_store_idx %arg10[%add3A_2925], %get3A_2905 : memref<4096xf32, #tpu.memory_space<vmem>>[vector<16xi32>], vector<16xf32>,
      %get3A_2926 = arith.constant 60 : i32
      %get3A_2927 = arith.index_cast %get3A_2926 : i32 to index
      %get3A_2928 = arith.constant 0 : index
      %get3A_2929 = tpu.vector_load %arg8[%get3A_2927, %get3A_2928] {strides = array<i32>} : memref<128x32xf32, #tpu.memory_space<vmem>>, vector<16xf32>,
      %get3A_2930 = arith.constant 60 : i32
      %get3A_2931 = arith.index_cast %get3A_2930 : i32 to index
      %get3A_2932 = arith.constant 16 : index
      %get3A_2933 = tpu.vector_load %arg8[%get3A_2931, %get3A_2932] {strides = array<i32>} : memref<128x32xf32, #tpu.memory_space<vmem>>, vector<16xf32>,
      %add3A_2934 = arith.constant 59 : i32
      %add3A_2935 = vector.broadcast %add3A_2934 : i32 to vector<16xi32>
      %add3A_2936 = arith.addi %add3A_13, %add3A_2935 : vector<16xi32>
      tpu.vector_store_idx %arg10[%add3A_2936], %get3A_2915 : memref<4096xf32, #tpu.memory_space<vmem>>[vector<16xi32>], vector<16xf32>,
      %add3A_2937 = arith.constant 59 : i32
      %add3A_2938 = vector.broadcast %add3A_2937 : i32 to vector<16xi32>
      %add3A_2939 = arith.addi %add3A_20, %add3A_2938 : vector<16xi32>
      tpu.vector_store_idx %arg10[%add3A_2939], %get3A_2919 : memref<4096xf32, #tpu.memory_space<vmem>>[vector<16xi32>], vector<16xf32>,
      %get3A_2940 = arith.constant 61 : i32
      %get3A_2941 = arith.index_cast %get3A_2940 : i32 to index
      %get3A_2942 = arith.constant 0 : index
      %get3A_2943 = tpu.vector_load %arg8[%get3A_2941, %get3A_2942] {strides = array<i32>} : memref<128x32xf32, #tpu.memory_space<vmem>>, vector<16xf32>,
      %get3A_2944 = arith.constant 61 : i32
      %get3A_2945 = arith.index_cast %get3A_2944 : i32 to index
      %get3A_2946 = arith.constant 16 : index
      %get3A_2947 = tpu.vector_load %arg8[%get3A_2945, %get3A_2946] {strides = array<i32>} : memref<128x32xf32, #tpu.memory_space<vmem>>, vector<16xf32>,
      %add3A_2948 = arith.constant 60 : i32
      %add3A_2949 = vector.broadcast %add3A_2948 : i32 to vector<16xi32>
      %add3A_2950 = arith.addi %add3A_13, %add3A_2949 : vector<16xi32>
      tpu.vector_store_idx %arg10[%add3A_2950], %get3A_2929 : memref<4096xf32, #tpu.memory_space<vmem>>[vector<16xi32>], vector<16xf32>,
      %add3A_2951 = arith.constant 60 : i32
      %add3A_2952 = vector.broadcast %add3A_2951 : i32 to vector<16xi32>
      %add3A_2953 = arith.addi %add3A_20, %add3A_2952 : vector<16xi32>
      tpu.vector_store_idx %arg10[%add3A_2953], %get3A_2933 : memref<4096xf32, #tpu.memory_space<vmem>>[vector<16xi32>], vector<16xf32>,
      %get3A_2954 = arith.constant 62 : i32
      %get3A_2955 = arith.index_cast %get3A_2954 : i32 to index
      %get3A_2956 = arith.constant 0 : index
      %get3A_2957 = tpu.vector_load %arg8[%get3A_2955, %get3A_2956] {strides = array<i32>} : memref<128x32xf32, #tpu.memory_space<vmem>>, vector<16xf32>,
      %get3A_2958 = arith.constant 62 : i32
      %get3A_2959 = arith.index_cast %get3A_2958 : i32 to index
      %get3A_2960 = arith.constant 16 : index
      %get3A_2961 = tpu.vector_load %arg8[%get3A_2959, %get3A_2960] {strides = array<i32>} : memref<128x32xf32, #tpu.memory_space<vmem>>, vector<16xf32>,
      %add3A_2962 = arith.constant 61 : i32
      %add3A_2963 = vector.broadcast %add3A_2962 : i32 to vector<16xi32>
      %add3A_2964 = arith.addi %add3A_13, %add3A_2963 : vector<16xi32>
      tpu.vector_store_idx %arg10[%add3A_2964], %get3A_2943 : memref<4096xf32, #tpu.memory_space<vmem>>[vector<16xi32>], vector<16xf32>,
      %add3A_2965 = arith.constant 61 : i32
      %add3A_2966 = vector.broadcast %add3A_2965 : i32 to vector<16xi32>
      %add3A_2967 = arith.addi %add3A_20, %add3A_2966 : vector<16xi32>
      tpu.vector_store_idx %arg10[%add3A_2967], %get3A_2947 : memref<4096xf32, #tpu.memory_space<vmem>>[vector<16xi32>], vector<16xf32>,
      %get3A_2968 = arith.constant 63 : i32
      %get3A_2969 = arith.index_cast %get3A_2968 : i32 to index
      %get3A_2970 = arith.constant 0 : index
      %get3A_2971 = tpu.vector_load %arg8[%get3A_2969, %get3A_2970] {strides = array<i32>} : memref<128x32xf32, #tpu.memory_space<vmem>>, vector<16xf32>,
      %get3A_2972 = arith.constant 63 : i32
      %get3A_2973 = arith.index_cast %get3A_2972 : i32 to index
      %get3A_2974 = arith.constant 16 : index
      %get3A_2975 = tpu.vector_load %arg8[%get3A_2973, %get3A_2974] {strides = array<i32>} : memref<128x32xf32, #tpu.memory_space<vmem>>, vector<16xf32>,
      %add3A_2976 = arith.constant 62 : i32
      %add3A_2977 = vector.broadcast %add3A_2976 : i32 to vector<16xi32>
      %add3A_2978 = arith.addi %add3A_13, %add3A_2977 : vector<16xi32>
      tpu.vector_store_idx %arg10[%add3A_2978], %get3A_2957 : memref<4096xf32, #tpu.memory_space<vmem>>[vector<16xi32>], vector<16xf32>,
      %add3A_2979 = arith.constant 62 : i32
      %add3A_2980 = vector.broadcast %add3A_2979 : i32 to vector<16xi32>
      %add3A_2981 = arith.addi %add3A_20, %add3A_2980 : vector<16xi32>
      tpu.vector_store_idx %arg10[%add3A_2981], %get3A_2961 : memref<4096xf32, #tpu.memory_space<vmem>>[vector<16xi32>], vector<16xf32>,
      %get3A_2982 = arith.constant 64 : i32
      %get3A_2983 = arith.index_cast %get3A_2982 : i32 to index
      %get3A_2984 = arith.constant 0 : index
      %get3A_2985 = tpu.vector_load %arg8[%get3A_2983, %get3A_2984] {strides = array<i32>} : memref<128x32xf32, #tpu.memory_space<vmem>>, vector<16xf32>,
      %get3A_2986 = arith.constant 64 : i32
      %get3A_2987 = arith.index_cast %get3A_2986 : i32 to index
      %get3A_2988 = arith.constant 16 : index
      %get3A_2989 = tpu.vector_load %arg8[%get3A_2987, %get3A_2988] {strides = array<i32>} : memref<128x32xf32, #tpu.memory_space<vmem>>, vector<16xf32>,
      %add3A_2990 = arith.constant 63 : i32
      %add3A_2991 = vector.broadcast %add3A_2990 : i32 to vector<16xi32>
      %add3A_2992 = arith.addi %add3A_13, %add3A_2991 : vector<16xi32>
      tpu.vector_store_idx %arg10[%add3A_2992], %get3A_2971 : memref<4096xf32, #tpu.memory_space<vmem>>[vector<16xi32>], vector<16xf32>,
      %add3A_2993 = arith.constant 63 : i32
      %add3A_2994 = vector.broadcast %add3A_2993 : i32 to vector<16xi32>
      %add3A_2995 = arith.addi %add3A_20, %add3A_2994 : vector<16xi32>
      tpu.vector_store_idx %arg10[%add3A_2995], %get3A_2975 : memref<4096xf32, #tpu.memory_space<vmem>>[vector<16xi32>], vector<16xf32>,
      %get3A_2996 = arith.constant 65 : i32
      %get3A_2997 = arith.index_cast %get3A_2996 : i32 to index
      %get3A_2998 = arith.constant 0 : index
      %get3A_2999 = tpu.vector_load %arg8[%get3A_2997, %get3A_2998] {strides = array<i32>} : memref<128x32xf32, #tpu.memory_space<vmem>>, vector<16xf32>,
      %get3A_3000 = arith.constant 65 : i32
      %get3A_3001 = arith.index_cast %get3A_3000 : i32 to index
      %get3A_3002 = arith.constant 16 : index
      %get3A_3003 = tpu.vector_load %arg8[%get3A_3001, %get3A_3002] {strides = array<i32>} : memref<128x32xf32, #tpu.memory_space<vmem>>, vector<16xf32>,
      %add3A_3004 = arith.constant 64 : i32
      %add3A_3005 = vector.broadcast %add3A_3004 : i32 to vector<16xi32>
      %add3A_3006 = arith.addi %add3A_13, %add3A_3005 : vector<16xi32>
      tpu.vector_store_idx %arg10[%add3A_3006], %get3A_2985 : memref<4096xf32, #tpu.memory_space<vmem>>[vector<16xi32>], vector<16xf32>,
      %add3A_3007 = arith.constant 64 : i32
      %add3A_3008 = vector.broadcast %add3A_3007 : i32 to vector<16xi32>
      %add3A_3009 = arith.addi %add3A_20, %add3A_3008 : vector<16xi32>
      tpu.vector_store_idx %arg10[%add3A_3009], %get3A_2989 : memref<4096xf32, #tpu.memory_space<vmem>>[vector<16xi32>], vector<16xf32>,
      %get3A_3010 = arith.constant 66 : i32
      %get3A_3011 = arith.index_cast %get3A_3010 : i32 to index
      %get3A_3012 = arith.constant 0 : index
      %get3A_3013 = tpu.vector_load %arg8[%get3A_3011, %get3A_3012] {strides = array<i32>} : memref<128x32xf32, #tpu.memory_space<vmem>>, vector<16xf32>,
      %get3A_3014 = arith.constant 66 : i32
      %get3A_3015 = arith.index_cast %get3A_3014 : i32 to index
      %get3A_3016 = arith.constant 16 : index
      %get3A_3017 = tpu.vector_load %arg8[%get3A_3015, %get3A_3016] {strides = array<i32>} : memref<128x32xf32, #tpu.memory_space<vmem>>, vector<16xf32>,
      %add3A_3018 = arith.constant 65 : i32
      %add3A_3019 = vector.broadcast %add3A_3018 : i32 to vector<16xi32>
      %add3A_3020 = arith.addi %add3A_13, %add3A_3019 : vector<16xi32>
      tpu.vector_store_idx %arg10[%add3A_3020], %get3A_2999 : memref<4096xf32, #tpu.memory_space<vmem>>[vector<16xi32>], vector<16xf32>,
      %add3A_3021 = arith.constant 65 : i32
      %add3A_3022 = vector.broadcast %add3A_3021 : i32 to vector<16xi32>
      %add3A_3023 = arith.addi %add3A_20, %add3A_3022 : vector<16xi32>
      tpu.vector_store_idx %arg10[%add3A_3023], %get3A_3003 : memref<4096xf32, #tpu.memory_space<vmem>>[vector<16xi32>], vector<16xf32>,
      %get3A_3024 = arith.constant 67 : i32
      %get3A_3025 = arith.index_cast %get3A_3024 : i32 to index
      %get3A_3026 = arith.constant 0 : index
      %get3A_3027 = tpu.vector_load %arg8[%get3A_3025, %get3A_3026] {strides = array<i32>} : memref<128x32xf32, #tpu.memory_space<vmem>>, vector<16xf32>,
      %get3A_3028 = arith.constant 67 : i32
      %get3A_3029 = arith.index_cast %get3A_3028 : i32 to index
      %get3A_3030 = arith.constant 16 : index
      %get3A_3031 = tpu.vector_load %arg8[%get3A_3029, %get3A_3030] {strides = array<i32>} : memref<128x32xf32, #tpu.memory_space<vmem>>, vector<16xf32>,
      %add3A_3032 = arith.constant 66 : i32
      %add3A_3033 = vector.broadcast %add3A_3032 : i32 to vector<16xi32>
      %add3A_3034 = arith.addi %add3A_13, %add3A_3033 : vector<16xi32>
      tpu.vector_store_idx %arg10[%add3A_3034], %get3A_3013 : memref<4096xf32, #tpu.memory_space<vmem>>[vector<16xi32>], vector<16xf32>,
      %add3A_3035 = arith.constant 66 : i32
      %add3A_3036 = vector.broadcast %add3A_3035 : i32 to vector<16xi32>
      %add3A_3037 = arith.addi %add3A_20, %add3A_3036 : vector<16xi32>
      tpu.vector_store_idx %arg10[%add3A_3037], %get3A_3017 : memref<4096xf32, #tpu.memory_space<vmem>>[vector<16xi32>], vector<16xf32>,
      %get3A_3038 = arith.constant 68 : i32
      %get3A_3039 = arith.index_cast %get3A_3038 : i32 to index
      %get3A_3040 = arith.constant 0 : index
      %get3A_3041 = tpu.vector_load %arg8[%get3A_3039, %get3A_3040] {strides = array<i32>} : memref<128x32xf32, #tpu.memory_space<vmem>>, vector<16xf32>,
      %get3A_3042 = arith.constant 68 : i32
      %get3A_3043 = arith.index_cast %get3A_3042 : i32 to index
      %get3A_3044 = arith.constant 16 : index
      %get3A_3045 = tpu.vector_load %arg8[%get3A_3043, %get3A_3044] {strides = array<i32>} : memref<128x32xf32, #tpu.memory_space<vmem>>, vector<16xf32>,
      %add3A_3046 = arith.constant 67 : i32
      %add3A_3047 = vector.broadcast %add3A_3046 : i32 to vector<16xi32>
      %add3A_3048 = arith.addi %add3A_13, %add3A_3047 : vector<16xi32>
      tpu.vector_store_idx %arg10[%add3A_3048], %get3A_3027 : memref<4096xf32, #tpu.memory_space<vmem>>[vector<16xi32>], vector<16xf32>,
      %add3A_3049 = arith.constant 67 : i32
      %add3A_3050 = vector.broadcast %add3A_3049 : i32 to vector<16xi32>
      %add3A_3051 = arith.addi %add3A_20, %add3A_3050 : vector<16xi32>
      tpu.vector_store_idx %arg10[%add3A_3051], %get3A_3031 : memref<4096xf32, #tpu.memory_space<vmem>>[vector<16xi32>], vector<16xf32>,
      %get3A_3052 = arith.constant 69 : i32
      %get3A_3053 = arith.index_cast %get3A_3052 : i32 to index
      %get3A_3054 = arith.constant 0 : index
      %get3A_3055 = tpu.vector_load %arg8[%get3A_3053, %get3A_3054] {strides = array<i32>} : memref<128x32xf32, #tpu.memory_space<vmem>>, vector<16xf32>,
      %get3A_3056 = arith.constant 69 : i32
      %get3A_3057 = arith.index_cast %get3A_3056 : i32 to index
      %get3A_3058 = arith.constant 16 : index
      %get3A_3059 = tpu.vector_load %arg8[%get3A_3057, %get3A_3058] {strides = array<i32>} : memref<128x32xf32, #tpu.memory_space<vmem>>, vector<16xf32>,
      %add3A_3060 = arith.constant 68 : i32
      %add3A_3061 = vector.broadcast %add3A_3060 : i32 to vector<16xi32>
      %add3A_3062 = arith.addi %add3A_13, %add3A_3061 : vector<16xi32>
      tpu.vector_store_idx %arg10[%add3A_3062], %get3A_3041 : memref<4096xf32, #tpu.memory_space<vmem>>[vector<16xi32>], vector<16xf32>,
      %add3A_3063 = arith.constant 68 : i32
      %add3A_3064 = vector.broadcast %add3A_3063 : i32 to vector<16xi32>
      %add3A_3065 = arith.addi %add3A_20, %add3A_3064 : vector<16xi32>
      tpu.vector_store_idx %arg10[%add3A_3065], %get3A_3045 : memref<4096xf32, #tpu.memory_space<vmem>>[vector<16xi32>], vector<16xf32>,
      %get3A_3066 = arith.constant 70 : i32
      %get3A_3067 = arith.index_cast %get3A_3066 : i32 to index
      %get3A_3068 = arith.constant 0 : index
      %get3A_3069 = tpu.vector_load %arg8[%get3A_3067, %get3A_3068] {strides = array<i32>} : memref<128x32xf32, #tpu.memory_space<vmem>>, vector<16xf32>,
      %get3A_3070 = arith.constant 70 : i32
      %get3A_3071 = arith.index_cast %get3A_3070 : i32 to index
      %get3A_3072 = arith.constant 16 : index
      %get3A_3073 = tpu.vector_load %arg8[%get3A_3071, %get3A_3072] {strides = array<i32>} : memref<128x32xf32, #tpu.memory_space<vmem>>, vector<16xf32>,
      %add3A_3074 = arith.constant 69 : i32
      %add3A_3075 = vector.broadcast %add3A_3074 : i32 to vector<16xi32>
      %add3A_3076 = arith.addi %add3A_13, %add3A_3075 : vector<16xi32>
      tpu.vector_store_idx %arg10[%add3A_3076], %get3A_3055 : memref<4096xf32, #tpu.memory_space<vmem>>[vector<16xi32>], vector<16xf32>,
      %add3A_3077 = arith.constant 69 : i32
      %add3A_3078 = vector.broadcast %add3A_3077 : i32 to vector<16xi32>
      %add3A_3079 = arith.addi %add3A_20, %add3A_3078 : vector<16xi32>
      tpu.vector_store_idx %arg10[%add3A_3079], %get3A_3059 : memref<4096xf32, #tpu.memory_space<vmem>>[vector<16xi32>], vector<16xf32>,
      %get3A_3080 = arith.constant 71 : i32
      %get3A_3081 = arith.index_cast %get3A_3080 : i32 to index
      %get3A_3082 = arith.constant 0 : index
      %get3A_3083 = tpu.vector_load %arg8[%get3A_3081, %get3A_3082] {strides = array<i32>} : memref<128x32xf32, #tpu.memory_space<vmem>>, vector<16xf32>,
      %get3A_3084 = arith.constant 71 : i32
      %get3A_3085 = arith.index_cast %get3A_3084 : i32 to index
      %get3A_3086 = arith.constant 16 : index
      %get3A_3087 = tpu.vector_load %arg8[%get3A_3085, %get3A_3086] {strides = array<i32>} : memref<128x32xf32, #tpu.memory_space<vmem>>, vector<16xf32>,
      %add3A_3088 = arith.constant 70 : i32
      %add3A_3089 = vector.broadcast %add3A_3088 : i32 to vector<16xi32>
      %add3A_3090 = arith.addi %add3A_13, %add3A_3089 : vector<16xi32>
      tpu.vector_store_idx %arg10[%add3A_3090], %get3A_3069 : memref<4096xf32, #tpu.memory_space<vmem>>[vector<16xi32>], vector<16xf32>,
      %add3A_3091 = arith.constant 70 : i32
      %add3A_3092 = vector.broadcast %add3A_3091 : i32 to vector<16xi32>
      %add3A_3093 = arith.addi %add3A_20, %add3A_3092 : vector<16xi32>
      tpu.vector_store_idx %arg10[%add3A_3093], %get3A_3073 : memref<4096xf32, #tpu.memory_space<vmem>>[vector<16xi32>], vector<16xf32>,
      %get3A_3094 = arith.constant 72 : i32
      %get3A_3095 = arith.index_cast %get3A_3094 : i32 to index
      %get3A_3096 = arith.constant 0 : index
      %get3A_3097 = tpu.vector_load %arg8[%get3A_3095, %get3A_3096] {strides = array<i32>} : memref<128x32xf32, #tpu.memory_space<vmem>>, vector<16xf32>,
      %get3A_3098 = arith.constant 72 : i32
      %get3A_3099 = arith.index_cast %get3A_3098 : i32 to index
      %get3A_3100 = arith.constant 16 : index
      %get3A_3101 = tpu.vector_load %arg8[%get3A_3099, %get3A_3100] {strides = array<i32>} : memref<128x32xf32, #tpu.memory_space<vmem>>, vector<16xf32>,
      %add3A_3102 = arith.constant 71 : i32
      %add3A_3103 = vector.broadcast %add3A_3102 : i32 to vector<16xi32>
      %add3A_3104 = arith.addi %add3A_13, %add3A_3103 : vector<16xi32>
      tpu.vector_store_idx %arg10[%add3A_3104], %get3A_3083 : memref<4096xf32, #tpu.memory_space<vmem>>[vector<16xi32>], vector<16xf32>,
      %add3A_3105 = arith.constant 71 : i32
      %add3A_3106 = vector.broadcast %add3A_3105 : i32 to vector<16xi32>
      %add3A_3107 = arith.addi %add3A_20, %add3A_3106 : vector<16xi32>
      tpu.vector_store_idx %arg10[%add3A_3107], %get3A_3087 : memref<4096xf32, #tpu.memory_space<vmem>>[vector<16xi32>], vector<16xf32>,
      %get3A_3108 = arith.constant 73 : i32
      %get3A_3109 = arith.index_cast %get3A_3108 : i32 to index
      %get3A_3110 = arith.constant 0 : index
      %get3A_3111 = tpu.vector_load %arg8[%get3A_3109, %get3A_3110] {strides = array<i32>} : memref<128x32xf32, #tpu.memory_space<vmem>>, vector<16xf32>,
      %get3A_3112 = arith.constant 73 : i32
      %get3A_3113 = arith.index_cast %get3A_3112 : i32 to index
      %get3A_3114 = arith.constant 16 : index
      %get3A_3115 = tpu.vector_load %arg8[%get3A_3113, %get3A_3114] {strides = array<i32>} : memref<128x32xf32, #tpu.memory_space<vmem>>, vector<16xf32>,
      %add3A_3116 = arith.constant 72 : i32
      %add3A_3117 = vector.broadcast %add3A_3116 : i32 to vector<16xi32>
      %add3A_3118 = arith.addi %add3A_13, %add3A_3117 : vector<16xi32>
      tpu.vector_store_idx %arg10[%add3A_3118], %get3A_3097 : memref<4096xf32, #tpu.memory_space<vmem>>[vector<16xi32>], vector<16xf32>,
      %add3A_3119 = arith.constant 72 : i32
      %add3A_3120 = vector.broadcast %add3A_3119 : i32 to vector<16xi32>
      %add3A_3121 = arith.addi %add3A_20, %add3A_3120 : vector<16xi32>
      tpu.vector_store_idx %arg10[%add3A_3121], %get3A_3101 : memref<4096xf32, #tpu.memory_space<vmem>>[vector<16xi32>], vector<16xf32>,
      %get3A_3122 = arith.constant 74 : i32
      %get3A_3123 = arith.index_cast %get3A_3122 : i32 to index
      %get3A_3124 = arith.constant 0 : index
      %get3A_3125 = tpu.vector_load %arg8[%get3A_3123, %get3A_3124] {strides = array<i32>} : memref<128x32xf32, #tpu.memory_space<vmem>>, vector<16xf32>,
      %get3A_3126 = arith.constant 74 : i32
      %get3A_3127 = arith.index_cast %get3A_3126 : i32 to index
      %get3A_3128 = arith.constant 16 : index
      %get3A_3129 = tpu.vector_load %arg8[%get3A_3127, %get3A_3128] {strides = array<i32>} : memref<128x32xf32, #tpu.memory_space<vmem>>, vector<16xf32>,
      %add3A_3130 = arith.constant 73 : i32
      %add3A_3131 = vector.broadcast %add3A_3130 : i32 to vector<16xi32>
      %add3A_3132 = arith.addi %add3A_13, %add3A_3131 : vector<16xi32>
      tpu.vector_store_idx %arg10[%add3A_3132], %get3A_3111 : memref<4096xf32, #tpu.memory_space<vmem>>[vector<16xi32>], vector<16xf32>,
      %add3A_3133 = arith.constant 73 : i32
      %add3A_3134 = vector.broadcast %add3A_3133 : i32 to vector<16xi32>
      %add3A_3135 = arith.addi %add3A_20, %add3A_3134 : vector<16xi32>
      tpu.vector_store_idx %arg10[%add3A_3135], %get3A_3115 : memref<4096xf32, #tpu.memory_space<vmem>>[vector<16xi32>], vector<16xf32>,
      %get3A_3136 = arith.constant 75 : i32
      %get3A_3137 = arith.index_cast %get3A_3136 : i32 to index
      %get3A_3138 = arith.constant 0 : index
      %get3A_3139 = tpu.vector_load %arg8[%get3A_3137, %get3A_3138] {strides = array<i32>} : memref<128x32xf32, #tpu.memory_space<vmem>>, vector<16xf32>,
      %get3A_3140 = arith.constant 75 : i32
      %get3A_3141 = arith.index_cast %get3A_3140 : i32 to index
      %get3A_3142 = arith.constant 16 : index
      %get3A_3143 = tpu.vector_load %arg8[%get3A_3141, %get3A_3142] {strides = array<i32>} : memref<128x32xf32, #tpu.memory_space<vmem>>, vector<16xf32>,
      %add3A_3144 = arith.constant 74 : i32
      %add3A_3145 = vector.broadcast %add3A_3144 : i32 to vector<16xi32>
      %add3A_3146 = arith.addi %add3A_13, %add3A_3145 : vector<16xi32>
      tpu.vector_store_idx %arg10[%add3A_3146], %get3A_3125 : memref<4096xf32, #tpu.memory_space<vmem>>[vector<16xi32>], vector<16xf32>,
      %add3A_3147 = arith.constant 74 : i32
      %add3A_3148 = vector.broadcast %add3A_3147 : i32 to vector<16xi32>
      %add3A_3149 = arith.addi %add3A_20, %add3A_3148 : vector<16xi32>
      tpu.vector_store_idx %arg10[%add3A_3149], %get3A_3129 : memref<4096xf32, #tpu.memory_space<vmem>>[vector<16xi32>], vector<16xf32>,
      %get3A_3150 = arith.constant 76 : i32
      %get3A_3151 = arith.index_cast %get3A_3150 : i32 to index
      %get3A_3152 = arith.constant 0 : index
      %get3A_3153 = tpu.vector_load %arg8[%get3A_3151, %get3A_3152] {strides = array<i32>} : memref<128x32xf32, #tpu.memory_space<vmem>>, vector<16xf32>,
      %get3A_3154 = arith.constant 76 : i32
      %get3A_3155 = arith.index_cast %get3A_3154 : i32 to index
      %get3A_3156 = arith.constant 16 : index
      %get3A_3157 = tpu.vector_load %arg8[%get3A_3155, %get3A_3156] {strides = array<i32>} : memref<128x32xf32, #tpu.memory_space<vmem>>, vector<16xf32>,
      %add3A_3158 = arith.constant 75 : i32
      %add3A_3159 = vector.broadcast %add3A_3158 : i32 to vector<16xi32>
      %add3A_3160 = arith.addi %add3A_13, %add3A_3159 : vector<16xi32>
      tpu.vector_store_idx %arg10[%add3A_3160], %get3A_3139 : memref<4096xf32, #tpu.memory_space<vmem>>[vector<16xi32>], vector<16xf32>,
      %add3A_3161 = arith.constant 75 : i32
      %add3A_3162 = vector.broadcast %add3A_3161 : i32 to vector<16xi32>
      %add3A_3163 = arith.addi %add3A_20, %add3A_3162 : vector<16xi32>
      tpu.vector_store_idx %arg10[%add3A_3163], %get3A_3143 : memref<4096xf32, #tpu.memory_space<vmem>>[vector<16xi32>], vector<16xf32>,
      %get3A_3164 = arith.constant 77 : i32
      %get3A_3165 = arith.index_cast %get3A_3164 : i32 to index
      %get3A_3166 = arith.constant 0 : index
      %get3A_3167 = tpu.vector_load %arg8[%get3A_3165, %get3A_3166] {strides = array<i32>} : memref<128x32xf32, #tpu.memory_space<vmem>>, vector<16xf32>,
      %get3A_3168 = arith.constant 77 : i32
      %get3A_3169 = arith.index_cast %get3A_3168 : i32 to index
      %get3A_3170 = arith.constant 16 : index
      %get3A_3171 = tpu.vector_load %arg8[%get3A_3169, %get3A_3170] {strides = array<i32>} : memref<128x32xf32, #tpu.memory_space<vmem>>, vector<16xf32>,
      %add3A_3172 = arith.constant 76 : i32
      %add3A_3173 = vector.broadcast %add3A_3172 : i32 to vector<16xi32>
      %add3A_3174 = arith.addi %add3A_13, %add3A_3173 : vector<16xi32>
      tpu.vector_store_idx %arg10[%add3A_3174], %get3A_3153 : memref<4096xf32, #tpu.memory_space<vmem>>[vector<16xi32>], vector<16xf32>,
      %add3A_3175 = arith.constant 76 : i32
      %add3A_3176 = vector.broadcast %add3A_3175 : i32 to vector<16xi32>
      %add3A_3177 = arith.addi %add3A_20, %add3A_3176 : vector<16xi32>
      tpu.vector_store_idx %arg10[%add3A_3177], %get3A_3157 : memref<4096xf32, #tpu.memory_space<vmem>>[vector<16xi32>], vector<16xf32>,
      %get3A_3178 = arith.constant 78 : i32
      %get3A_3179 = arith.index_cast %get3A_3178 : i32 to index
      %get3A_3180 = arith.constant 0 : index
      %get3A_3181 = tpu.vector_load %arg8[%get3A_3179, %get3A_3180] {strides = array<i32>} : memref<128x32xf32, #tpu.memory_space<vmem>>, vector<16xf32>,
      %get3A_3182 = arith.constant 78 : i32
      %get3A_3183 = arith.index_cast %get3A_3182 : i32 to index
      %get3A_3184 = arith.constant 16 : index
      %get3A_3185 = tpu.vector_load %arg8[%get3A_3183, %get3A_3184] {strides = array<i32>} : memref<128x32xf32, #tpu.memory_space<vmem>>, vector<16xf32>,
      %add3A_3186 = arith.constant 77 : i32
      %add3A_3187 = vector.broadcast %add3A_3186 : i32 to vector<16xi32>
      %add3A_3188 = arith.addi %add3A_13, %add3A_3187 : vector<16xi32>
      tpu.vector_store_idx %arg10[%add3A_3188], %get3A_3167 : memref<4096xf32, #tpu.memory_space<vmem>>[vector<16xi32>], vector<16xf32>,
      %add3A_3189 = arith.constant 77 : i32
      %add3A_3190 = vector.broadcast %add3A_3189 : i32 to vector<16xi32>
      %add3A_3191 = arith.addi %add3A_20, %add3A_3190 : vector<16xi32>
      tpu.vector_store_idx %arg10[%add3A_3191], %get3A_3171 : memref<4096xf32, #tpu.memory_space<vmem>>[vector<16xi32>], vector<16xf32>,
      %get3A_3192 = arith.constant 79 : i32
      %get3A_3193 = arith.index_cast %get3A_3192 : i32 to index
      %get3A_3194 = arith.constant 0 : index
      %get3A_3195 = tpu.vector_load %arg8[%get3A_3193, %get3A_3194] {strides = array<i32>} : memref<128x32xf32, #tpu.memory_space<vmem>>, vector<16xf32>,
      %get3A_3196 = arith.constant 79 : i32
      %get3A_3197 = arith.index_cast %get3A_3196 : i32 to index
      %get3A_3198 = arith.constant 16 : index
      %get3A_3199 = tpu.vector_load %arg8[%get3A_3197, %get3A_3198] {strides = array<i32>} : memref<128x32xf32, #tpu.memory_space<vmem>>, vector<16xf32>,
      %add3A_3200 = arith.constant 78 : i32
      %add3A_3201 = vector.broadcast %add3A_3200 : i32 to vector<16xi32>
      %add3A_3202 = arith.addi %add3A_13, %add3A_3201 : vector<16xi32>
      tpu.vector_store_idx %arg10[%add3A_3202], %get3A_3181 : memref<4096xf32, #tpu.memory_space<vmem>>[vector<16xi32>], vector<16xf32>,
      %add3A_3203 = arith.constant 78 : i32
      %add3A_3204 = vector.broadcast %add3A_3203 : i32 to vector<16xi32>
      %add3A_3205 = arith.addi %add3A_20, %add3A_3204 : vector<16xi32>
      tpu.vector_store_idx %arg10[%add3A_3205], %get3A_3185 : memref<4096xf32, #tpu.memory_space<vmem>>[vector<16xi32>], vector<16xf32>,
      %get3A_3206 = arith.constant 80 : i32
      %get3A_3207 = arith.index_cast %get3A_3206 : i32 to index
      %get3A_3208 = arith.constant 0 : index
      %get3A_3209 = tpu.vector_load %arg8[%get3A_3207, %get3A_3208] {strides = array<i32>} : memref<128x32xf32, #tpu.memory_space<vmem>>, vector<16xf32>,
      %get3A_3210 = arith.constant 80 : i32
      %get3A_3211 = arith.index_cast %get3A_3210 : i32 to index
      %get3A_3212 = arith.constant 16 : index
      %get3A_3213 = tpu.vector_load %arg8[%get3A_3211, %get3A_3212] {strides = array<i32>} : memref<128x32xf32, #tpu.memory_space<vmem>>, vector<16xf32>,
      %add3A_3214 = arith.constant 79 : i32
      %add3A_3215 = vector.broadcast %add3A_3214 : i32 to vector<16xi32>
      %add3A_3216 = arith.addi %add3A_13, %add3A_3215 : vector<16xi32>
      tpu.vector_store_idx %arg10[%add3A_3216], %get3A_3195 : memref<4096xf32, #tpu.memory_space<vmem>>[vector<16xi32>], vector<16xf32>,
      %add3A_3217 = arith.constant 79 : i32
      %add3A_3218 = vector.broadcast %add3A_3217 : i32 to vector<16xi32>
      %add3A_3219 = arith.addi %add3A_20, %add3A_3218 : vector<16xi32>
      tpu.vector_store_idx %arg10[%add3A_3219], %get3A_3199 : memref<4096xf32, #tpu.memory_space<vmem>>[vector<16xi32>], vector<16xf32>,
      %get3A_3220 = arith.constant 81 : i32
      %get3A_3221 = arith.index_cast %get3A_3220 : i32 to index
      %get3A_3222 = arith.constant 0 : index
      %get3A_3223 = tpu.vector_load %arg8[%get3A_3221, %get3A_3222] {strides = array<i32>} : memref<128x32xf32, #tpu.memory_space<vmem>>, vector<16xf32>,
      %get3A_3224 = arith.constant 81 : i32
      %get3A_3225 = arith.index_cast %get3A_3224 : i32 to index
      %get3A_3226 = arith.constant 16 : index
      %get3A_3227 = tpu.vector_load %arg8[%get3A_3225, %get3A_3226] {strides = array<i32>} : memref<128x32xf32, #tpu.memory_space<vmem>>, vector<16xf32>,
      %add3A_3228 = arith.constant 80 : i32
      %add3A_3229 = vector.broadcast %add3A_3228 : i32 to vector<16xi32>
      %add3A_3230 = arith.addi %add3A_13, %add3A_3229 : vector<16xi32>
      tpu.vector_store_idx %arg10[%add3A_3230], %get3A_3209 : memref<4096xf32, #tpu.memory_space<vmem>>[vector<16xi32>], vector<16xf32>,
      %add3A_3231 = arith.constant 80 : i32
      %add3A_3232 = vector.broadcast %add3A_3231 : i32 to vector<16xi32>
      %add3A_3233 = arith.addi %add3A_20, %add3A_3232 : vector<16xi32>
      tpu.vector_store_idx %arg10[%add3A_3233], %get3A_3213 : memref<4096xf32, #tpu.memory_space<vmem>>[vector<16xi32>], vector<16xf32>,
      %get3A_3234 = arith.constant 82 : i32
      %get3A_3235 = arith.index_cast %get3A_3234 : i32 to index
      %get3A_3236 = arith.constant 0 : index
      %get3A_3237 = tpu.vector_load %arg8[%get3A_3235, %get3A_3236] {strides = array<i32>} : memref<128x32xf32, #tpu.memory_space<vmem>>, vector<16xf32>,
      %get3A_3238 = arith.constant 82 : i32
      %get3A_3239 = arith.index_cast %get3A_3238 : i32 to index
      %get3A_3240 = arith.constant 16 : index
      %get3A_3241 = tpu.vector_load %arg8[%get3A_3239, %get3A_3240] {strides = array<i32>} : memref<128x32xf32, #tpu.memory_space<vmem>>, vector<16xf32>,
      %add3A_3242 = arith.constant 81 : i32
      %add3A_3243 = vector.broadcast %add3A_3242 : i32 to vector<16xi32>
      %add3A_3244 = arith.addi %add3A_13, %add3A_3243 : vector<16xi32>
      tpu.vector_store_idx %arg10[%add3A_3244], %get3A_3223 : memref<4096xf32, #tpu.memory_space<vmem>>[vector<16xi32>], vector<16xf32>,
      %add3A_3245 = arith.constant 81 : i32
      %add3A_3246 = vector.broadcast %add3A_3245 : i32 to vector<16xi32>
      %add3A_3247 = arith.addi %add3A_20, %add3A_3246 : vector<16xi32>
      tpu.vector_store_idx %arg10[%add3A_3247], %get3A_3227 : memref<4096xf32, #tpu.memory_space<vmem>>[vector<16xi32>], vector<16xf32>,
      %get3A_3248 = arith.constant 83 : i32
      %get3A_3249 = arith.index_cast %get3A_3248 : i32 to index
      %get3A_3250 = arith.constant 0 : index
      %get3A_3251 = tpu.vector_load %arg8[%get3A_3249, %get3A_3250] {strides = array<i32>} : memref<128x32xf32, #tpu.memory_space<vmem>>, vector<16xf32>,
      %get3A_3252 = arith.constant 83 : i32
      %get3A_3253 = arith.index_cast %get3A_3252 : i32 to index
      %get3A_3254 = arith.constant 16 : index
      %get3A_3255 = tpu.vector_load %arg8[%get3A_3253, %get3A_3254] {strides = array<i32>} : memref<128x32xf32, #tpu.memory_space<vmem>>, vector<16xf32>,
      %add3A_3256 = arith.constant 82 : i32
      %add3A_3257 = vector.broadcast %add3A_3256 : i32 to vector<16xi32>
      %add3A_3258 = arith.addi %add3A_13, %add3A_3257 : vector<16xi32>
      tpu.vector_store_idx %arg10[%add3A_3258], %get3A_3237 : memref<4096xf32, #tpu.memory_space<vmem>>[vector<16xi32>], vector<16xf32>,
      %add3A_3259 = arith.constant 82 : i32
      %add3A_3260 = vector.broadcast %add3A_3259 : i32 to vector<16xi32>
      %add3A_3261 = arith.addi %add3A_20, %add3A_3260 : vector<16xi32>
      tpu.vector_store_idx %arg10[%add3A_3261], %get3A_3241 : memref<4096xf32, #tpu.memory_space<vmem>>[vector<16xi32>], vector<16xf32>,
      %get3A_3262 = arith.constant 84 : i32
      %get3A_3263 = arith.index_cast %get3A_3262 : i32 to index
      %get3A_3264 = arith.constant 0 : index
      %get3A_3265 = tpu.vector_load %arg8[%get3A_3263, %get3A_3264] {strides = array<i32>} : memref<128x32xf32, #tpu.memory_space<vmem>>, vector<16xf32>,
      %get3A_3266 = arith.constant 84 : i32
      %get3A_3267 = arith.index_cast %get3A_3266 : i32 to index
      %get3A_3268 = arith.constant 16 : index
      %get3A_3269 = tpu.vector_load %arg8[%get3A_3267, %get3A_3268] {strides = array<i32>} : memref<128x32xf32, #tpu.memory_space<vmem>>, vector<16xf32>,
      %add3A_3270 = arith.constant 83 : i32
      %add3A_3271 = vector.broadcast %add3A_3270 : i32 to vector<16xi32>
      %add3A_3272 = arith.addi %add3A_13, %add3A_3271 : vector<16xi32>
      tpu.vector_store_idx %arg10[%add3A_3272], %get3A_3251 : memref<4096xf32, #tpu.memory_space<vmem>>[vector<16xi32>], vector<16xf32>,
      %add3A_3273 = arith.constant 83 : i32
      %add3A_3274 = vector.broadcast %add3A_3273 : i32 to vector<16xi32>
      %add3A_3275 = arith.addi %add3A_20, %add3A_3274 : vector<16xi32>
      tpu.vector_store_idx %arg10[%add3A_3275], %get3A_3255 : memref<4096xf32, #tpu.memory_space<vmem>>[vector<16xi32>], vector<16xf32>,
      %get3A_3276 = arith.constant 85 : i32
      %get3A_3277 = arith.index_cast %get3A_3276 : i32 to index
      %get3A_3278 = arith.constant 0 : index
      %get3A_3279 = tpu.vector_load %arg8[%get3A_3277, %get3A_3278] {strides = array<i32>} : memref<128x32xf32, #tpu.memory_space<vmem>>, vector<16xf32>,
      %get3A_3280 = arith.constant 85 : i32
      %get3A_3281 = arith.index_cast %get3A_3280 : i32 to index
      %get3A_3282 = arith.constant 16 : index
      %get3A_3283 = tpu.vector_load %arg8[%get3A_3281, %get3A_3282] {strides = array<i32>} : memref<128x32xf32, #tpu.memory_space<vmem>>, vector<16xf32>,
      %add3A_3284 = arith.constant 84 : i32
      %add3A_3285 = vector.broadcast %add3A_3284 : i32 to vector<16xi32>
      %add3A_3286 = arith.addi %add3A_13, %add3A_3285 : vector<16xi32>
      tpu.vector_store_idx %arg10[%add3A_3286], %get3A_3265 : memref<4096xf32, #tpu.memory_space<vmem>>[vector<16xi32>], vector<16xf32>,
      %add3A_3287 = arith.constant 84 : i32
      %add3A_3288 = vector.broadcast %add3A_3287 : i32 to vector<16xi32>
      %add3A_3289 = arith.addi %add3A_20, %add3A_3288 : vector<16xi32>
      tpu.vector_store_idx %arg10[%add3A_3289], %get3A_3269 : memref<4096xf32, #tpu.memory_space<vmem>>[vector<16xi32>], vector<16xf32>,
      %get3A_3290 = arith.constant 86 : i32
      %get3A_3291 = arith.index_cast %get3A_3290 : i32 to index
      %get3A_3292 = arith.constant 0 : index
      %get3A_3293 = tpu.vector_load %arg8[%get3A_3291, %get3A_3292] {strides = array<i32>} : memref<128x32xf32, #tpu.memory_space<vmem>>, vector<16xf32>,
      %get3A_3294 = arith.constant 86 : i32
      %get3A_3295 = arith.index_cast %get3A_3294 : i32 to index
      %get3A_3296 = arith.constant 16 : index
      %get3A_3297 = tpu.vector_load %arg8[%get3A_3295, %get3A_3296] {strides = array<i32>} : memref<128x32xf32, #tpu.memory_space<vmem>>, vector<16xf32>,
      %add3A_3298 = arith.constant 85 : i32
      %add3A_3299 = vector.broadcast %add3A_3298 : i32 to vector<16xi32>
      %add3A_3300 = arith.addi %add3A_13, %add3A_3299 : vector<16xi32>
      tpu.vector_store_idx %arg10[%add3A_3300], %get3A_3279 : memref<4096xf32, #tpu.memory_space<vmem>>[vector<16xi32>], vector<16xf32>,
      %add3A_3301 = arith.constant 85 : i32
      %add3A_3302 = vector.broadcast %add3A_3301 : i32 to vector<16xi32>
      %add3A_3303 = arith.addi %add3A_20, %add3A_3302 : vector<16xi32>
      tpu.vector_store_idx %arg10[%add3A_3303], %get3A_3283 : memref<4096xf32, #tpu.memory_space<vmem>>[vector<16xi32>], vector<16xf32>,
      %get3A_3304 = arith.constant 87 : i32
      %get3A_3305 = arith.index_cast %get3A_3304 : i32 to index
      %get3A_3306 = arith.constant 0 : index
      %get3A_3307 = tpu.vector_load %arg8[%get3A_3305, %get3A_3306] {strides = array<i32>} : memref<128x32xf32, #tpu.memory_space<vmem>>, vector<16xf32>,
      %get3A_3308 = arith.constant 87 : i32
      %get3A_3309 = arith.index_cast %get3A_3308 : i32 to index
      %get3A_3310 = arith.constant 16 : index
      %get3A_3311 = tpu.vector_load %arg8[%get3A_3309, %get3A_3310] {strides = array<i32>} : memref<128x32xf32, #tpu.memory_space<vmem>>, vector<16xf32>,
      %add3A_3312 = arith.constant 86 : i32
      %add3A_3313 = vector.broadcast %add3A_3312 : i32 to vector<16xi32>
      %add3A_3314 = arith.addi %add3A_13, %add3A_3313 : vector<16xi32>
      tpu.vector_store_idx %arg10[%add3A_3314], %get3A_3293 : memref<4096xf32, #tpu.memory_space<vmem>>[vector<16xi32>], vector<16xf32>,
      %add3A_3315 = arith.constant 86 : i32
      %add3A_3316 = vector.broadcast %add3A_3315 : i32 to vector<16xi32>
      %add3A_3317 = arith.addi %add3A_20, %add3A_3316 : vector<16xi32>
      tpu.vector_store_idx %arg10[%add3A_3317], %get3A_3297 : memref<4096xf32, #tpu.memory_space<vmem>>[vector<16xi32>], vector<16xf32>,
      %get3A_3318 = arith.constant 88 : i32
      %get3A_3319 = arith.index_cast %get3A_3318 : i32 to index
      %get3A_3320 = arith.constant 0 : index
      %get3A_3321 = tpu.vector_load %arg8[%get3A_3319, %get3A_3320] {strides = array<i32>} : memref<128x32xf32, #tpu.memory_space<vmem>>, vector<16xf32>,
      %get3A_3322 = arith.constant 88 : i32
      %get3A_3323 = arith.index_cast %get3A_3322 : i32 to index
      %get3A_3324 = arith.constant 16 : index
      %get3A_3325 = tpu.vector_load %arg8[%get3A_3323, %get3A_3324] {strides = array<i32>} : memref<128x32xf32, #tpu.memory_space<vmem>>, vector<16xf32>,
      %add3A_3326 = arith.constant 87 : i32
      %add3A_3327 = vector.broadcast %add3A_3326 : i32 to vector<16xi32>
      %add3A_3328 = arith.addi %add3A_13, %add3A_3327 : vector<16xi32>
      tpu.vector_store_idx %arg10[%add3A_3328], %get3A_3307 : memref<4096xf32, #tpu.memory_space<vmem>>[vector<16xi32>], vector<16xf32>,
      %add3A_3329 = arith.constant 87 : i32
      %add3A_3330 = vector.broadcast %add3A_3329 : i32 to vector<16xi32>
      %add3A_3331 = arith.addi %add3A_20, %add3A_3330 : vector<16xi32>
      tpu.vector_store_idx %arg10[%add3A_3331], %get3A_3311 : memref<4096xf32, #tpu.memory_space<vmem>>[vector<16xi32>], vector<16xf32>,
      %get3A_3332 = arith.constant 89 : i32
      %get3A_3333 = arith.index_cast %get3A_3332 : i32 to index
      %get3A_3334 = arith.constant 0 : index
      %get3A_3335 = tpu.vector_load %arg8[%get3A_3333, %get3A_3334] {strides = array<i32>} : memref<128x32xf32, #tpu.memory_space<vmem>>, vector<16xf32>,
      %get3A_3336 = arith.constant 89 : i32
      %get3A_3337 = arith.index_cast %get3A_3336 : i32 to index
      %get3A_3338 = arith.constant 16 : index
      %get3A_3339 = tpu.vector_load %arg8[%get3A_3337, %get3A_3338] {strides = array<i32>} : memref<128x32xf32, #tpu.memory_space<vmem>>, vector<16xf32>,
      %add3A_3340 = arith.constant 88 : i32
      %add3A_3341 = vector.broadcast %add3A_3340 : i32 to vector<16xi32>
      %add3A_3342 = arith.addi %add3A_13, %add3A_3341 : vector<16xi32>
      tpu.vector_store_idx %arg10[%add3A_3342], %get3A_3321 : memref<4096xf32, #tpu.memory_space<vmem>>[vector<16xi32>], vector<16xf32>,
      %add3A_3343 = arith.constant 88 : i32
      %add3A_3344 = vector.broadcast %add3A_3343 : i32 to vector<16xi32>
      %add3A_3345 = arith.addi %add3A_20, %add3A_3344 : vector<16xi32>
      tpu.vector_store_idx %arg10[%add3A_3345], %get3A_3325 : memref<4096xf32, #tpu.memory_space<vmem>>[vector<16xi32>], vector<16xf32>,
      %get3A_3346 = arith.constant 90 : i32
      %get3A_3347 = arith.index_cast %get3A_3346 : i32 to index
      %get3A_3348 = arith.constant 0 : index
      %get3A_3349 = tpu.vector_load %arg8[%get3A_3347, %get3A_3348] {strides = array<i32>} : memref<128x32xf32, #tpu.memory_space<vmem>>, vector<16xf32>,
      %get3A_3350 = arith.constant 90 : i32
      %get3A_3351 = arith.index_cast %get3A_3350 : i32 to index
      %get3A_3352 = arith.constant 16 : index
      %get3A_3353 = tpu.vector_load %arg8[%get3A_3351, %get3A_3352] {strides = array<i32>} : memref<128x32xf32, #tpu.memory_space<vmem>>, vector<16xf32>,
      %add3A_3354 = arith.constant 89 : i32
      %add3A_3355 = vector.broadcast %add3A_3354 : i32 to vector<16xi32>
      %add3A_3356 = arith.addi %add3A_13, %add3A_3355 : vector<16xi32>
      tpu.vector_store_idx %arg10[%add3A_3356], %get3A_3335 : memref<4096xf32, #tpu.memory_space<vmem>>[vector<16xi32>], vector<16xf32>,
      %add3A_3357 = arith.constant 89 : i32
      %add3A_3358 = vector.broadcast %add3A_3357 : i32 to vector<16xi32>
      %add3A_3359 = arith.addi %add3A_20, %add3A_3358 : vector<16xi32>
      tpu.vector_store_idx %arg10[%add3A_3359], %get3A_3339 : memref<4096xf32, #tpu.memory_space<vmem>>[vector<16xi32>], vector<16xf32>,
      %get3A_3360 = arith.constant 91 : i32
      %get3A_3361 = arith.index_cast %get3A_3360 : i32 to index
      %get3A_3362 = arith.constant 0 : index
      %get3A_3363 = tpu.vector_load %arg8[%get3A_3361, %get3A_3362] {strides = array<i32>} : memref<128x32xf32, #tpu.memory_space<vmem>>, vector<16xf32>,
      %get3A_3364 = arith.constant 91 : i32
      %get3A_3365 = arith.index_cast %get3A_3364 : i32 to index
      %get3A_3366 = arith.constant 16 : index
      %get3A_3367 = tpu.vector_load %arg8[%get3A_3365, %get3A_3366] {strides = array<i32>} : memref<128x32xf32, #tpu.memory_space<vmem>>, vector<16xf32>,
      %add3A_3368 = arith.constant 90 : i32
      %add3A_3369 = vector.broadcast %add3A_3368 : i32 to vector<16xi32>
      %add3A_3370 = arith.addi %add3A_13, %add3A_3369 : vector<16xi32>
      tpu.vector_store_idx %arg10[%add3A_3370], %get3A_3349 : memref<4096xf32, #tpu.memory_space<vmem>>[vector<16xi32>], vector<16xf32>,
      %add3A_3371 = arith.constant 90 : i32
      %add3A_3372 = vector.broadcast %add3A_3371 : i32 to vector<16xi32>
      %add3A_3373 = arith.addi %add3A_20, %add3A_3372 : vector<16xi32>
      tpu.vector_store_idx %arg10[%add3A_3373], %get3A_3353 : memref<4096xf32, #tpu.memory_space<vmem>>[vector<16xi32>], vector<16xf32>,
      %get3A_3374 = arith.constant 92 : i32
      %get3A_3375 = arith.index_cast %get3A_3374 : i32 to index
      %get3A_3376 = arith.constant 0 : index
      %get3A_3377 = tpu.vector_load %arg8[%get3A_3375, %get3A_3376] {strides = array<i32>} : memref<128x32xf32, #tpu.memory_space<vmem>>, vector<16xf32>,
      %get3A_3378 = arith.constant 92 : i32
      %get3A_3379 = arith.index_cast %get3A_3378 : i32 to index
      %get3A_3380 = arith.constant 16 : index
      %get3A_3381 = tpu.vector_load %arg8[%get3A_3379, %get3A_3380] {strides = array<i32>} : memref<128x32xf32, #tpu.memory_space<vmem>>, vector<16xf32>,
      %add3A_3382 = arith.constant 91 : i32
      %add3A_3383 = vector.broadcast %add3A_3382 : i32 to vector<16xi32>
      %add3A_3384 = arith.addi %add3A_13, %add3A_3383 : vector<16xi32>
      tpu.vector_store_idx %arg10[%add3A_3384], %get3A_3363 : memref<4096xf32, #tpu.memory_space<vmem>>[vector<16xi32>], vector<16xf32>,
      %add3A_3385 = arith.constant 91 : i32
      %add3A_3386 = vector.broadcast %add3A_3385 : i32 to vector<16xi32>
      %add3A_3387 = arith.addi %add3A_20, %add3A_3386 : vector<16xi32>
      tpu.vector_store_idx %arg10[%add3A_3387], %get3A_3367 : memref<4096xf32, #tpu.memory_space<vmem>>[vector<16xi32>], vector<16xf32>,
      %get3A_3388 = arith.constant 93 : i32
      %get3A_3389 = arith.index_cast %get3A_3388 : i32 to index
      %get3A_3390 = arith.constant 0 : index
      %get3A_3391 = tpu.vector_load %arg8[%get3A_3389, %get3A_3390] {strides = array<i32>} : memref<128x32xf32, #tpu.memory_space<vmem>>, vector<16xf32>,
      %get3A_3392 = arith.constant 93 : i32
      %get3A_3393 = arith.index_cast %get3A_3392 : i32 to index
      %get3A_3394 = arith.constant 16 : index
      %get3A_3395 = tpu.vector_load %arg8[%get3A_3393, %get3A_3394] {strides = array<i32>} : memref<128x32xf32, #tpu.memory_space<vmem>>, vector<16xf32>,
      %add3A_3396 = arith.constant 92 : i32
      %add3A_3397 = vector.broadcast %add3A_3396 : i32 to vector<16xi32>
      %add3A_3398 = arith.addi %add3A_13, %add3A_3397 : vector<16xi32>
      tpu.vector_store_idx %arg10[%add3A_3398], %get3A_3377 : memref<4096xf32, #tpu.memory_space<vmem>>[vector<16xi32>], vector<16xf32>,
      %add3A_3399 = arith.constant 92 : i32
      %add3A_3400 = vector.broadcast %add3A_3399 : i32 to vector<16xi32>
      %add3A_3401 = arith.addi %add3A_20, %add3A_3400 : vector<16xi32>
      tpu.vector_store_idx %arg10[%add3A_3401], %get3A_3381 : memref<4096xf32, #tpu.memory_space<vmem>>[vector<16xi32>], vector<16xf32>,
      %get3A_3402 = arith.constant 94 : i32
      %get3A_3403 = arith.index_cast %get3A_3402 : i32 to index
      %get3A_3404 = arith.constant 0 : index
      %get3A_3405 = tpu.vector_load %arg8[%get3A_3403, %get3A_3404] {strides = array<i32>} : memref<128x32xf32, #tpu.memory_space<vmem>>, vector<16xf32>,
      %get3A_3406 = arith.constant 94 : i32
      %get3A_3407 = arith.index_cast %get3A_3406 : i32 to index
      %get3A_3408 = arith.constant 16 : index
      %get3A_3409 = tpu.vector_load %arg8[%get3A_3407, %get3A_3408] {strides = array<i32>} : memref<128x32xf32, #tpu.memory_space<vmem>>, vector<16xf32>,
      %add3A_3410 = arith.constant 93 : i32
      %add3A_3411 = vector.broadcast %add3A_3410 : i32 to vector<16xi32>
      %add3A_3412 = arith.addi %add3A_13, %add3A_3411 : vector<16xi32>
      tpu.vector_store_idx %arg10[%add3A_3412], %get3A_3391 : memref<4096xf32, #tpu.memory_space<vmem>>[vector<16xi32>], vector<16xf32>,
      %add3A_3413 = arith.constant 93 : i32
      %add3A_3414 = vector.broadcast %add3A_3413 : i32 to vector<16xi32>
      %add3A_3415 = arith.addi %add3A_20, %add3A_3414 : vector<16xi32>
      tpu.vector_store_idx %arg10[%add3A_3415], %get3A_3395 : memref<4096xf32, #tpu.memory_space<vmem>>[vector<16xi32>], vector<16xf32>,
      %get3A_3416 = arith.constant 95 : i32
      %get3A_3417 = arith.index_cast %get3A_3416 : i32 to index
      %get3A_3418 = arith.constant 0 : index
      %get3A_3419 = tpu.vector_load %arg8[%get3A_3417, %get3A_3418] {strides = array<i32>} : memref<128x32xf32, #tpu.memory_space<vmem>>, vector<16xf32>,
      %get3A_3420 = arith.constant 95 : i32
      %get3A_3421 = arith.index_cast %get3A_3420 : i32 to index
      %get3A_3422 = arith.constant 16 : index
      %get3A_3423 = tpu.vector_load %arg8[%get3A_3421, %get3A_3422] {strides = array<i32>} : memref<128x32xf32, #tpu.memory_space<vmem>>, vector<16xf32>,
      %add3A_3424 = arith.constant 94 : i32
      %add3A_3425 = vector.broadcast %add3A_3424 : i32 to vector<16xi32>
      %add3A_3426 = arith.addi %add3A_13, %add3A_3425 : vector<16xi32>
      tpu.vector_store_idx %arg10[%add3A_3426], %get3A_3405 : memref<4096xf32, #tpu.memory_space<vmem>>[vector<16xi32>], vector<16xf32>,
      %add3A_3427 = arith.constant 94 : i32
      %add3A_3428 = vector.broadcast %add3A_3427 : i32 to vector<16xi32>
      %add3A_3429 = arith.addi %add3A_20, %add3A_3428 : vector<16xi32>
      tpu.vector_store_idx %arg10[%add3A_3429], %get3A_3409 : memref<4096xf32, #tpu.memory_space<vmem>>[vector<16xi32>], vector<16xf32>,
      %get3A_3430 = arith.constant 96 : i32
      %get3A_3431 = arith.index_cast %get3A_3430 : i32 to index
      %get3A_3432 = arith.constant 0 : index
      %get3A_3433 = tpu.vector_load %arg8[%get3A_3431, %get3A_3432] {strides = array<i32>} : memref<128x32xf32, #tpu.memory_space<vmem>>, vector<16xf32>,
      %get3A_3434 = arith.constant 96 : i32
      %get3A_3435 = arith.index_cast %get3A_3434 : i32 to index
      %get3A_3436 = arith.constant 16 : index
      %get3A_3437 = tpu.vector_load %arg8[%get3A_3435, %get3A_3436] {strides = array<i32>} : memref<128x32xf32, #tpu.memory_space<vmem>>, vector<16xf32>,
      %add3A_3438 = arith.constant 95 : i32
      %add3A_3439 = vector.broadcast %add3A_3438 : i32 to vector<16xi32>
      %add3A_3440 = arith.addi %add3A_13, %add3A_3439 : vector<16xi32>
      tpu.vector_store_idx %arg10[%add3A_3440], %get3A_3419 : memref<4096xf32, #tpu.memory_space<vmem>>[vector<16xi32>], vector<16xf32>,
      %add3A_3441 = arith.constant 95 : i32
      %add3A_3442 = vector.broadcast %add3A_3441 : i32 to vector<16xi32>
      %add3A_3443 = arith.addi %add3A_20, %add3A_3442 : vector<16xi32>
      tpu.vector_store_idx %arg10[%add3A_3443], %get3A_3423 : memref<4096xf32, #tpu.memory_space<vmem>>[vector<16xi32>], vector<16xf32>,
      %get3A_3444 = arith.constant 97 : i32
      %get3A_3445 = arith.index_cast %get3A_3444 : i32 to index
      %get3A_3446 = arith.constant 0 : index
      %get3A_3447 = tpu.vector_load %arg8[%get3A_3445, %get3A_3446] {strides = array<i32>} : memref<128x32xf32, #tpu.memory_space<vmem>>, vector<16xf32>,
      %get3A_3448 = arith.constant 97 : i32
      %get3A_3449 = arith.index_cast %get3A_3448 : i32 to index
      %get3A_3450 = arith.constant 16 : index
      %get3A_3451 = tpu.vector_load %arg8[%get3A_3449, %get3A_3450] {strides = array<i32>} : memref<128x32xf32, #tpu.memory_space<vmem>>, vector<16xf32>,
      %add3A_3452 = arith.constant 96 : i32
      %add3A_3453 = vector.broadcast %add3A_3452 : i32 to vector<16xi32>
      %add3A_3454 = arith.addi %add3A_13, %add3A_3453 : vector<16xi32>
      tpu.vector_store_idx %arg10[%add3A_3454], %get3A_3433 : memref<4096xf32, #tpu.memory_space<vmem>>[vector<16xi32>], vector<16xf32>,
      %add3A_3455 = arith.constant 96 : i32
      %add3A_3456 = vector.broadcast %add3A_3455 : i32 to vector<16xi32>
      %add3A_3457 = arith.addi %add3A_20, %add3A_3456 : vector<16xi32>
      tpu.vector_store_idx %arg10[%add3A_3457], %get3A_3437 : memref<4096xf32, #tpu.memory_space<vmem>>[vector<16xi32>], vector<16xf32>,
      %get3A_3458 = arith.constant 98 : i32
      %get3A_3459 = arith.index_cast %get3A_3458 : i32 to index
      %get3A_3460 = arith.constant 0 : index
      %get3A_3461 = tpu.vector_load %arg8[%get3A_3459, %get3A_3460] {strides = array<i32>} : memref<128x32xf32, #tpu.memory_space<vmem>>, vector<16xf32>,
      %get3A_3462 = arith.constant 98 : i32
      %get3A_3463 = arith.index_cast %get3A_3462 : i32 to index
      %get3A_3464 = arith.constant 16 : index
      %get3A_3465 = tpu.vector_load %arg8[%get3A_3463, %get3A_3464] {strides = array<i32>} : memref<128x32xf32, #tpu.memory_space<vmem>>, vector<16xf32>,
      %add3A_3466 = arith.constant 97 : i32
      %add3A_3467 = vector.broadcast %add3A_3466 : i32 to vector<16xi32>
      %add3A_3468 = arith.addi %add3A_13, %add3A_3467 : vector<16xi32>
      tpu.vector_store_idx %arg10[%add3A_3468], %get3A_3447 : memref<4096xf32, #tpu.memory_space<vmem>>[vector<16xi32>], vector<16xf32>,
      %add3A_3469 = arith.constant 97 : i32
      %add3A_3470 = vector.broadcast %add3A_3469 : i32 to vector<16xi32>
      %add3A_3471 = arith.addi %add3A_20, %add3A_3470 : vector<16xi32>
      tpu.vector_store_idx %arg10[%add3A_3471], %get3A_3451 : memref<4096xf32, #tpu.memory_space<vmem>>[vector<16xi32>], vector<16xf32>,
      %get3A_3472 = arith.constant 99 : i32
      %get3A_3473 = arith.index_cast %get3A_3472 : i32 to index
      %get3A_3474 = arith.constant 0 : index
      %get3A_3475 = tpu.vector_load %arg8[%get3A_3473, %get3A_3474] {strides = array<i32>} : memref<128x32xf32, #tpu.memory_space<vmem>>, vector<16xf32>,
      %get3A_3476 = arith.constant 99 : i32
      %get3A_3477 = arith.index_cast %get3A_3476 : i32 to index
      %get3A_3478 = arith.constant 16 : index
      %get3A_3479 = tpu.vector_load %arg8[%get3A_3477, %get3A_3478] {strides = array<i32>} : memref<128x32xf32, #tpu.memory_space<vmem>>, vector<16xf32>,
      %add3A_3480 = arith.constant 98 : i32
      %add3A_3481 = vector.broadcast %add3A_3480 : i32 to vector<16xi32>
      %add3A_3482 = arith.addi %add3A_13, %add3A_3481 : vector<16xi32>
      tpu.vector_store_idx %arg10[%add3A_3482], %get3A_3461 : memref<4096xf32, #tpu.memory_space<vmem>>[vector<16xi32>], vector<16xf32>,
      %add3A_3483 = arith.constant 98 : i32
      %add3A_3484 = vector.broadcast %add3A_3483 : i32 to vector<16xi32>
      %add3A_3485 = arith.addi %add3A_20, %add3A_3484 : vector<16xi32>
      tpu.vector_store_idx %arg10[%add3A_3485], %get3A_3465 : memref<4096xf32, #tpu.memory_space<vmem>>[vector<16xi32>], vector<16xf32>,
      %get3A_3486 = arith.constant 100 : i32
      %get3A_3487 = arith.index_cast %get3A_3486 : i32 to index
      %get3A_3488 = arith.constant 0 : index
      %get3A_3489 = tpu.vector_load %arg8[%get3A_3487, %get3A_3488] {strides = array<i32>} : memref<128x32xf32, #tpu.memory_space<vmem>>, vector<16xf32>,
      %get3A_3490 = arith.constant 100 : i32
      %get3A_3491 = arith.index_cast %get3A_3490 : i32 to index
      %get3A_3492 = arith.constant 16 : index
      %get3A_3493 = tpu.vector_load %arg8[%get3A_3491, %get3A_3492] {strides = array<i32>} : memref<128x32xf32, #tpu.memory_space<vmem>>, vector<16xf32>,
      %add3A_3494 = arith.constant 99 : i32
      %add3A_3495 = vector.broadcast %add3A_3494 : i32 to vector<16xi32>
      %add3A_3496 = arith.addi %add3A_13, %add3A_3495 : vector<16xi32>
      tpu.vector_store_idx %arg10[%add3A_3496], %get3A_3475 : memref<4096xf32, #tpu.memory_space<vmem>>[vector<16xi32>], vector<16xf32>,
      %add3A_3497 = arith.constant 99 : i32
      %add3A_3498 = vector.broadcast %add3A_3497 : i32 to vector<16xi32>
      %add3A_3499 = arith.addi %add3A_20, %add3A_3498 : vector<16xi32>
      tpu.vector_store_idx %arg10[%add3A_3499], %get3A_3479 : memref<4096xf32, #tpu.memory_space<vmem>>[vector<16xi32>], vector<16xf32>,
      %get3A_3500 = arith.constant 101 : i32
      %get3A_3501 = arith.index_cast %get3A_3500 : i32 to index
      %get3A_3502 = arith.constant 0 : index
      %get3A_3503 = tpu.vector_load %arg8[%get3A_3501, %get3A_3502] {strides = array<i32>} : memref<128x32xf32, #tpu.memory_space<vmem>>, vector<16xf32>,
      %get3A_3504 = arith.constant 101 : i32
      %get3A_3505 = arith.index_cast %get3A_3504 : i32 to index
      %get3A_3506 = arith.constant 16 : index
      %get3A_3507 = tpu.vector_load %arg8[%get3A_3505, %get3A_3506] {strides = array<i32>} : memref<128x32xf32, #tpu.memory_space<vmem>>, vector<16xf32>,
      %add3A_3508 = arith.constant 100 : i32
      %add3A_3509 = vector.broadcast %add3A_3508 : i32 to vector<16xi32>
      %add3A_3510 = arith.addi %add3A_13, %add3A_3509 : vector<16xi32>
      tpu.vector_store_idx %arg10[%add3A_3510], %get3A_3489 : memref<4096xf32, #tpu.memory_space<vmem>>[vector<16xi32>], vector<16xf32>,
      %add3A_3511 = arith.constant 100 : i32
      %add3A_3512 = vector.broadcast %add3A_3511 : i32 to vector<16xi32>
      %add3A_3513 = arith.addi %add3A_20, %add3A_3512 : vector<16xi32>
      tpu.vector_store_idx %arg10[%add3A_3513], %get3A_3493 : memref<4096xf32, #tpu.memory_space<vmem>>[vector<16xi32>], vector<16xf32>,
      %get3A_3514 = arith.constant 102 : i32
      %get3A_3515 = arith.index_cast %get3A_3514 : i32 to index
      %get3A_3516 = arith.constant 0 : index
      %get3A_3517 = tpu.vector_load %arg8[%get3A_3515, %get3A_3516] {strides = array<i32>} : memref<128x32xf32, #tpu.memory_space<vmem>>, vector<16xf32>,
      %get3A_3518 = arith.constant 102 : i32
      %get3A_3519 = arith.index_cast %get3A_3518 : i32 to index
      %get3A_3520 = arith.constant 16 : index
      %get3A_3521 = tpu.vector_load %arg8[%get3A_3519, %get3A_3520] {strides = array<i32>} : memref<128x32xf32, #tpu.memory_space<vmem>>, vector<16xf32>,
      %add3A_3522 = arith.constant 101 : i32
      %add3A_3523 = vector.broadcast %add3A_3522 : i32 to vector<16xi32>
      %add3A_3524 = arith.addi %add3A_13, %add3A_3523 : vector<16xi32>
      tpu.vector_store_idx %arg10[%add3A_3524], %get3A_3503 : memref<4096xf32, #tpu.memory_space<vmem>>[vector<16xi32>], vector<16xf32>,
      %add3A_3525 = arith.constant 101 : i32
      %add3A_3526 = vector.broadcast %add3A_3525 : i32 to vector<16xi32>
      %add3A_3527 = arith.addi %add3A_20, %add3A_3526 : vector<16xi32>
      tpu.vector_store_idx %arg10[%add3A_3527], %get3A_3507 : memref<4096xf32, #tpu.memory_space<vmem>>[vector<16xi32>], vector<16xf32>,
      %get3A_3528 = arith.constant 103 : i32
      %get3A_3529 = arith.index_cast %get3A_3528 : i32 to index
      %get3A_3530 = arith.constant 0 : index
      %get3A_3531 = tpu.vector_load %arg8[%get3A_3529, %get3A_3530] {strides = array<i32>} : memref<128x32xf32, #tpu.memory_space<vmem>>, vector<16xf32>,
      %get3A_3532 = arith.constant 103 : i32
      %get3A_3533 = arith.index_cast %get3A_3532 : i32 to index
      %get3A_3534 = arith.constant 16 : index
      %get3A_3535 = tpu.vector_load %arg8[%get3A_3533, %get3A_3534] {strides = array<i32>} : memref<128x32xf32, #tpu.memory_space<vmem>>, vector<16xf32>,
      %add3A_3536 = arith.constant 102 : i32
      %add3A_3537 = vector.broadcast %add3A_3536 : i32 to vector<16xi32>
      %add3A_3538 = arith.addi %add3A_13, %add3A_3537 : vector<16xi32>
      tpu.vector_store_idx %arg10[%add3A_3538], %get3A_3517 : memref<4096xf32, #tpu.memory_space<vmem>>[vector<16xi32>], vector<16xf32>,
      %add3A_3539 = arith.constant 102 : i32
      %add3A_3540 = vector.broadcast %add3A_3539 : i32 to vector<16xi32>
      %add3A_3541 = arith.addi %add3A_20, %add3A_3540 : vector<16xi32>
      tpu.vector_store_idx %arg10[%add3A_3541], %get3A_3521 : memref<4096xf32, #tpu.memory_space<vmem>>[vector<16xi32>], vector<16xf32>,
      %get3A_3542 = arith.constant 104 : i32
      %get3A_3543 = arith.index_cast %get3A_3542 : i32 to index
      %get3A_3544 = arith.constant 0 : index
      %get3A_3545 = tpu.vector_load %arg8[%get3A_3543, %get3A_3544] {strides = array<i32>} : memref<128x32xf32, #tpu.memory_space<vmem>>, vector<16xf32>,
      %get3A_3546 = arith.constant 104 : i32
      %get3A_3547 = arith.index_cast %get3A_3546 : i32 to index
      %get3A_3548 = arith.constant 16 : index
      %get3A_3549 = tpu.vector_load %arg8[%get3A_3547, %get3A_3548] {strides = array<i32>} : memref<128x32xf32, #tpu.memory_space<vmem>>, vector<16xf32>,
      %add3A_3550 = arith.constant 103 : i32
      %add3A_3551 = vector.broadcast %add3A_3550 : i32 to vector<16xi32>
      %add3A_3552 = arith.addi %add3A_13, %add3A_3551 : vector<16xi32>
      tpu.vector_store_idx %arg10[%add3A_3552], %get3A_3531 : memref<4096xf32, #tpu.memory_space<vmem>>[vector<16xi32>], vector<16xf32>,
      %add3A_3553 = arith.constant 103 : i32
      %add3A_3554 = vector.broadcast %add3A_3553 : i32 to vector<16xi32>
      %add3A_3555 = arith.addi %add3A_20, %add3A_3554 : vector<16xi32>
      tpu.vector_store_idx %arg10[%add3A_3555], %get3A_3535 : memref<4096xf32, #tpu.memory_space<vmem>>[vector<16xi32>], vector<16xf32>,
      %get3A_3556 = arith.constant 105 : i32
      %get3A_3557 = arith.index_cast %get3A_3556 : i32 to index
      %get3A_3558 = arith.constant 0 : index
      %get3A_3559 = tpu.vector_load %arg8[%get3A_3557, %get3A_3558] {strides = array<i32>} : memref<128x32xf32, #tpu.memory_space<vmem>>, vector<16xf32>,
      %get3A_3560 = arith.constant 105 : i32
      %get3A_3561 = arith.index_cast %get3A_3560 : i32 to index
      %get3A_3562 = arith.constant 16 : index
      %get3A_3563 = tpu.vector_load %arg8[%get3A_3561, %get3A_3562] {strides = array<i32>} : memref<128x32xf32, #tpu.memory_space<vmem>>, vector<16xf32>,
      %add3A_3564 = arith.constant 104 : i32
      %add3A_3565 = vector.broadcast %add3A_3564 : i32 to vector<16xi32>
      %add3A_3566 = arith.addi %add3A_13, %add3A_3565 : vector<16xi32>
      tpu.vector_store_idx %arg10[%add3A_3566], %get3A_3545 : memref<4096xf32, #tpu.memory_space<vmem>>[vector<16xi32>], vector<16xf32>,
      %add3A_3567 = arith.constant 104 : i32
      %add3A_3568 = vector.broadcast %add3A_3567 : i32 to vector<16xi32>
      %add3A_3569 = arith.addi %add3A_20, %add3A_3568 : vector<16xi32>
      tpu.vector_store_idx %arg10[%add3A_3569], %get3A_3549 : memref<4096xf32, #tpu.memory_space<vmem>>[vector<16xi32>], vector<16xf32>,
      %get3A_3570 = arith.constant 106 : i32
      %get3A_3571 = arith.index_cast %get3A_3570 : i32 to index
      %get3A_3572 = arith.constant 0 : index
      %get3A_3573 = tpu.vector_load %arg8[%get3A_3571, %get3A_3572] {strides = array<i32>} : memref<128x32xf32, #tpu.memory_space<vmem>>, vector<16xf32>,
      %get3A_3574 = arith.constant 106 : i32
      %get3A_3575 = arith.index_cast %get3A_3574 : i32 to index
      %get3A_3576 = arith.constant 16 : index
      %get3A_3577 = tpu.vector_load %arg8[%get3A_3575, %get3A_3576] {strides = array<i32>} : memref<128x32xf32, #tpu.memory_space<vmem>>, vector<16xf32>,
      %add3A_3578 = arith.constant 105 : i32
      %add3A_3579 = vector.broadcast %add3A_3578 : i32 to vector<16xi32>
      %add3A_3580 = arith.addi %add3A_13, %add3A_3579 : vector<16xi32>
      tpu.vector_store_idx %arg10[%add3A_3580], %get3A_3559 : memref<4096xf32, #tpu.memory_space<vmem>>[vector<16xi32>], vector<16xf32>,
      %add3A_3581 = arith.constant 105 : i32
      %add3A_3582 = vector.broadcast %add3A_3581 : i32 to vector<16xi32>
      %add3A_3583 = arith.addi %add3A_20, %add3A_3582 : vector<16xi32>
      tpu.vector_store_idx %arg10[%add3A_3583], %get3A_3563 : memref<4096xf32, #tpu.memory_space<vmem>>[vector<16xi32>], vector<16xf32>,
      %get3A_3584 = arith.constant 107 : i32
      %get3A_3585 = arith.index_cast %get3A_3584 : i32 to index
      %get3A_3586 = arith.constant 0 : index
      %get3A_3587 = tpu.vector_load %arg8[%get3A_3585, %get3A_3586] {strides = array<i32>} : memref<128x32xf32, #tpu.memory_space<vmem>>, vector<16xf32>,
      %get3A_3588 = arith.constant 107 : i32
      %get3A_3589 = arith.index_cast %get3A_3588 : i32 to index
      %get3A_3590 = arith.constant 16 : index
      %get3A_3591 = tpu.vector_load %arg8[%get3A_3589, %get3A_3590] {strides = array<i32>} : memref<128x32xf32, #tpu.memory_space<vmem>>, vector<16xf32>,
      %add3A_3592 = arith.constant 106 : i32
      %add3A_3593 = vector.broadcast %add3A_3592 : i32 to vector<16xi32>
      %add3A_3594 = arith.addi %add3A_13, %add3A_3593 : vector<16xi32>
      tpu.vector_store_idx %arg10[%add3A_3594], %get3A_3573 : memref<4096xf32, #tpu.memory_space<vmem>>[vector<16xi32>], vector<16xf32>,
      %add3A_3595 = arith.constant 106 : i32
      %add3A_3596 = vector.broadcast %add3A_3595 : i32 to vector<16xi32>
      %add3A_3597 = arith.addi %add3A_20, %add3A_3596 : vector<16xi32>
      tpu.vector_store_idx %arg10[%add3A_3597], %get3A_3577 : memref<4096xf32, #tpu.memory_space<vmem>>[vector<16xi32>], vector<16xf32>,
      %get3A_3598 = arith.constant 108 : i32
      %get3A_3599 = arith.index_cast %get3A_3598 : i32 to index
      %get3A_3600 = arith.constant 0 : index
      %get3A_3601 = tpu.vector_load %arg8[%get3A_3599, %get3A_3600] {strides = array<i32>} : memref<128x32xf32, #tpu.memory_space<vmem>>, vector<16xf32>,
      %get3A_3602 = arith.constant 108 : i32
      %get3A_3603 = arith.index_cast %get3A_3602 : i32 to index
      %get3A_3604 = arith.constant 16 : index
      %get3A_3605 = tpu.vector_load %arg8[%get3A_3603, %get3A_3604] {strides = array<i32>} : memref<128x32xf32, #tpu.memory_space<vmem>>, vector<16xf32>,
      %add3A_3606 = arith.constant 107 : i32
      %add3A_3607 = vector.broadcast %add3A_3606 : i32 to vector<16xi32>
      %add3A_3608 = arith.addi %add3A_13, %add3A_3607 : vector<16xi32>
      tpu.vector_store_idx %arg10[%add3A_3608], %get3A_3587 : memref<4096xf32, #tpu.memory_space<vmem>>[vector<16xi32>], vector<16xf32>,
      %add3A_3609 = arith.constant 107 : i32
      %add3A_3610 = vector.broadcast %add3A_3609 : i32 to vector<16xi32>
      %add3A_3611 = arith.addi %add3A_20, %add3A_3610 : vector<16xi32>
      tpu.vector_store_idx %arg10[%add3A_3611], %get3A_3591 : memref<4096xf32, #tpu.memory_space<vmem>>[vector<16xi32>], vector<16xf32>,
      %get3A_3612 = arith.constant 109 : i32
      %get3A_3613 = arith.index_cast %get3A_3612 : i32 to index
      %get3A_3614 = arith.constant 0 : index
      %get3A_3615 = tpu.vector_load %arg8[%get3A_3613, %get3A_3614] {strides = array<i32>} : memref<128x32xf32, #tpu.memory_space<vmem>>, vector<16xf32>,
      %get3A_3616 = arith.constant 109 : i32
      %get3A_3617 = arith.index_cast %get3A_3616 : i32 to index
      %get3A_3618 = arith.constant 16 : index
      %get3A_3619 = tpu.vector_load %arg8[%get3A_3617, %get3A_3618] {strides = array<i32>} : memref<128x32xf32, #tpu.memory_space<vmem>>, vector<16xf32>,
      %add3A_3620 = arith.constant 108 : i32
      %add3A_3621 = vector.broadcast %add3A_3620 : i32 to vector<16xi32>
      %add3A_3622 = arith.addi %add3A_13, %add3A_3621 : vector<16xi32>
      tpu.vector_store_idx %arg10[%add3A_3622], %get3A_3601 : memref<4096xf32, #tpu.memory_space<vmem>>[vector<16xi32>], vector<16xf32>,
      %add3A_3623 = arith.constant 108 : i32
      %add3A_3624 = vector.broadcast %add3A_3623 : i32 to vector<16xi32>
      %add3A_3625 = arith.addi %add3A_20, %add3A_3624 : vector<16xi32>
      tpu.vector_store_idx %arg10[%add3A_3625], %get3A_3605 : memref<4096xf32, #tpu.memory_space<vmem>>[vector<16xi32>], vector<16xf32>,
      %get3A_3626 = arith.constant 110 : i32
      %get3A_3627 = arith.index_cast %get3A_3626 : i32 to index
      %get3A_3628 = arith.constant 0 : index
      %get3A_3629 = tpu.vector_load %arg8[%get3A_3627, %get3A_3628] {strides = array<i32>} : memref<128x32xf32, #tpu.memory_space<vmem>>, vector<16xf32>,
      %get3A_3630 = arith.constant 110 : i32
      %get3A_3631 = arith.index_cast %get3A_3630 : i32 to index
      %get3A_3632 = arith.constant 16 : index
      %get3A_3633 = tpu.vector_load %arg8[%get3A_3631, %get3A_3632] {strides = array<i32>} : memref<128x32xf32, #tpu.memory_space<vmem>>, vector<16xf32>,
      %add3A_3634 = arith.constant 109 : i32
      %add3A_3635 = vector.broadcast %add3A_3634 : i32 to vector<16xi32>
      %add3A_3636 = arith.addi %add3A_13, %add3A_3635 : vector<16xi32>
      tpu.vector_store_idx %arg10[%add3A_3636], %get3A_3615 : memref<4096xf32, #tpu.memory_space<vmem>>[vector<16xi32>], vector<16xf32>,
      %add3A_3637 = arith.constant 109 : i32
      %add3A_3638 = vector.broadcast %add3A_3637 : i32 to vector<16xi32>
      %add3A_3639 = arith.addi %add3A_20, %add3A_3638 : vector<16xi32>
      tpu.vector_store_idx %arg10[%add3A_3639], %get3A_3619 : memref<4096xf32, #tpu.memory_space<vmem>>[vector<16xi32>], vector<16xf32>,
      %get3A_3640 = arith.constant 111 : i32
      %get3A_3641 = arith.index_cast %get3A_3640 : i32 to index
      %get3A_3642 = arith.constant 0 : index
      %get3A_3643 = tpu.vector_load %arg8[%get3A_3641, %get3A_3642] {strides = array<i32>} : memref<128x32xf32, #tpu.memory_space<vmem>>, vector<16xf32>,
      %get3A_3644 = arith.constant 111 : i32
      %get3A_3645 = arith.index_cast %get3A_3644 : i32 to index
      %get3A_3646 = arith.constant 16 : index
      %get3A_3647 = tpu.vector_load %arg8[%get3A_3645, %get3A_3646] {strides = array<i32>} : memref<128x32xf32, #tpu.memory_space<vmem>>, vector<16xf32>,
      %add3A_3648 = arith.constant 110 : i32
      %add3A_3649 = vector.broadcast %add3A_3648 : i32 to vector<16xi32>
      %add3A_3650 = arith.addi %add3A_13, %add3A_3649 : vector<16xi32>
      tpu.vector_store_idx %arg10[%add3A_3650], %get3A_3629 : memref<4096xf32, #tpu.memory_space<vmem>>[vector<16xi32>], vector<16xf32>,
      %add3A_3651 = arith.constant 110 : i32
      %add3A_3652 = vector.broadcast %add3A_3651 : i32 to vector<16xi32>
      %add3A_3653 = arith.addi %add3A_20, %add3A_3652 : vector<16xi32>
      tpu.vector_store_idx %arg10[%add3A_3653], %get3A_3633 : memref<4096xf32, #tpu.memory_space<vmem>>[vector<16xi32>], vector<16xf32>,
      %get3A_3654 = arith.constant 112 : i32
      %get3A_3655 = arith.index_cast %get3A_3654 : i32 to index
      %get3A_3656 = arith.constant 0 : index
      %get3A_3657 = tpu.vector_load %arg8[%get3A_3655, %get3A_3656] {strides = array<i32>} : memref<128x32xf32, #tpu.memory_space<vmem>>, vector<16xf32>,
      %get3A_3658 = arith.constant 112 : i32
      %get3A_3659 = arith.index_cast %get3A_3658 : i32 to index
      %get3A_3660 = arith.constant 16 : index
      %get3A_3661 = tpu.vector_load %arg8[%get3A_3659, %get3A_3660] {strides = array<i32>} : memref<128x32xf32, #tpu.memory_space<vmem>>, vector<16xf32>,
      %add3A_3662 = arith.constant 111 : i32
      %add3A_3663 = vector.broadcast %add3A_3662 : i32 to vector<16xi32>
      %add3A_3664 = arith.addi %add3A_13, %add3A_3663 : vector<16xi32>
      tpu.vector_store_idx %arg10[%add3A_3664], %get3A_3643 : memref<4096xf32, #tpu.memory_space<vmem>>[vector<16xi32>], vector<16xf32>,
      %add3A_3665 = arith.constant 111 : i32
      %add3A_3666 = vector.broadcast %add3A_3665 : i32 to vector<16xi32>
      %add3A_3667 = arith.addi %add3A_20, %add3A_3666 : vector<16xi32>
      tpu.vector_store_idx %arg10[%add3A_3667], %get3A_3647 : memref<4096xf32, #tpu.memory_space<vmem>>[vector<16xi32>], vector<16xf32>,
      %get3A_3668 = arith.constant 113 : i32
      %get3A_3669 = arith.index_cast %get3A_3668 : i32 to index
      %get3A_3670 = arith.constant 0 : index
      %get3A_3671 = tpu.vector_load %arg8[%get3A_3669, %get3A_3670] {strides = array<i32>} : memref<128x32xf32, #tpu.memory_space<vmem>>, vector<16xf32>,
      %get3A_3672 = arith.constant 113 : i32
      %get3A_3673 = arith.index_cast %get3A_3672 : i32 to index
      %get3A_3674 = arith.constant 16 : index
      %get3A_3675 = tpu.vector_load %arg8[%get3A_3673, %get3A_3674] {strides = array<i32>} : memref<128x32xf32, #tpu.memory_space<vmem>>, vector<16xf32>,
      %add3A_3676 = arith.constant 112 : i32
      %add3A_3677 = vector.broadcast %add3A_3676 : i32 to vector<16xi32>
      %add3A_3678 = arith.addi %add3A_13, %add3A_3677 : vector<16xi32>
      tpu.vector_store_idx %arg10[%add3A_3678], %get3A_3657 : memref<4096xf32, #tpu.memory_space<vmem>>[vector<16xi32>], vector<16xf32>,
      %add3A_3679 = arith.constant 112 : i32
      %add3A_3680 = vector.broadcast %add3A_3679 : i32 to vector<16xi32>
      %add3A_3681 = arith.addi %add3A_20, %add3A_3680 : vector<16xi32>
      tpu.vector_store_idx %arg10[%add3A_3681], %get3A_3661 : memref<4096xf32, #tpu.memory_space<vmem>>[vector<16xi32>], vector<16xf32>,
      %get3A_3682 = arith.constant 114 : i32
      %get3A_3683 = arith.index_cast %get3A_3682 : i32 to index
      %get3A_3684 = arith.constant 0 : index
      %get3A_3685 = tpu.vector_load %arg8[%get3A_3683, %get3A_3684] {strides = array<i32>} : memref<128x32xf32, #tpu.memory_space<vmem>>, vector<16xf32>,
      %get3A_3686 = arith.constant 114 : i32
      %get3A_3687 = arith.index_cast %get3A_3686 : i32 to index
      %get3A_3688 = arith.constant 16 : index
      %get3A_3689 = tpu.vector_load %arg8[%get3A_3687, %get3A_3688] {strides = array<i32>} : memref<128x32xf32, #tpu.memory_space<vmem>>, vector<16xf32>,
      %add3A_3690 = arith.constant 113 : i32
      %add3A_3691 = vector.broadcast %add3A_3690 : i32 to vector<16xi32>
      %add3A_3692 = arith.addi %add3A_13, %add3A_3691 : vector<16xi32>
      tpu.vector_store_idx %arg10[%add3A_3692], %get3A_3671 : memref<4096xf32, #tpu.memory_space<vmem>>[vector<16xi32>], vector<16xf32>,
      %add3A_3693 = arith.constant 113 : i32
      %add3A_3694 = vector.broadcast %add3A_3693 : i32 to vector<16xi32>
      %add3A_3695 = arith.addi %add3A_20, %add3A_3694 : vector<16xi32>
      tpu.vector_store_idx %arg10[%add3A_3695], %get3A_3675 : memref<4096xf32, #tpu.memory_space<vmem>>[vector<16xi32>], vector<16xf32>,
      %get3A_3696 = arith.constant 115 : i32
      %get3A_3697 = arith.index_cast %get3A_3696 : i32 to index
      %get3A_3698 = arith.constant 0 : index
      %get3A_3699 = tpu.vector_load %arg8[%get3A_3697, %get3A_3698] {strides = array<i32>} : memref<128x32xf32, #tpu.memory_space<vmem>>, vector<16xf32>,
      %get3A_3700 = arith.constant 115 : i32
      %get3A_3701 = arith.index_cast %get3A_3700 : i32 to index
      %get3A_3702 = arith.constant 16 : index
      %get3A_3703 = tpu.vector_load %arg8[%get3A_3701, %get3A_3702] {strides = array<i32>} : memref<128x32xf32, #tpu.memory_space<vmem>>, vector<16xf32>,
      %add3A_3704 = arith.constant 114 : i32
      %add3A_3705 = vector.broadcast %add3A_3704 : i32 to vector<16xi32>
      %add3A_3706 = arith.addi %add3A_13, %add3A_3705 : vector<16xi32>
      tpu.vector_store_idx %arg10[%add3A_3706], %get3A_3685 : memref<4096xf32, #tpu.memory_space<vmem>>[vector<16xi32>], vector<16xf32>,
      %add3A_3707 = arith.constant 114 : i32
      %add3A_3708 = vector.broadcast %add3A_3707 : i32 to vector<16xi32>
      %add3A_3709 = arith.addi %add3A_20, %add3A_3708 : vector<16xi32>
      tpu.vector_store_idx %arg10[%add3A_3709], %get3A_3689 : memref<4096xf32, #tpu.memory_space<vmem>>[vector<16xi32>], vector<16xf32>,
      %get3A_3710 = arith.constant 116 : i32
      %get3A_3711 = arith.index_cast %get3A_3710 : i32 to index
      %get3A_3712 = arith.constant 0 : index
      %get3A_3713 = tpu.vector_load %arg8[%get3A_3711, %get3A_3712] {strides = array<i32>} : memref<128x32xf32, #tpu.memory_space<vmem>>, vector<16xf32>,
      %get3A_3714 = arith.constant 116 : i32
      %get3A_3715 = arith.index_cast %get3A_3714 : i32 to index
      %get3A_3716 = arith.constant 16 : index
      %get3A_3717 = tpu.vector_load %arg8[%get3A_3715, %get3A_3716] {strides = array<i32>} : memref<128x32xf32, #tpu.memory_space<vmem>>, vector<16xf32>,
      %add3A_3718 = arith.constant 115 : i32
      %add3A_3719 = vector.broadcast %add3A_3718 : i32 to vector<16xi32>
      %add3A_3720 = arith.addi %add3A_13, %add3A_3719 : vector<16xi32>
      tpu.vector_store_idx %arg10[%add3A_3720], %get3A_3699 : memref<4096xf32, #tpu.memory_space<vmem>>[vector<16xi32>], vector<16xf32>,
      %add3A_3721 = arith.constant 115 : i32
      %add3A_3722 = vector.broadcast %add3A_3721 : i32 to vector<16xi32>
      %add3A_3723 = arith.addi %add3A_20, %add3A_3722 : vector<16xi32>
      tpu.vector_store_idx %arg10[%add3A_3723], %get3A_3703 : memref<4096xf32, #tpu.memory_space<vmem>>[vector<16xi32>], vector<16xf32>,
      %get3A_3724 = arith.constant 117 : i32
      %get3A_3725 = arith.index_cast %get3A_3724 : i32 to index
      %get3A_3726 = arith.constant 0 : index
      %get3A_3727 = tpu.vector_load %arg8[%get3A_3725, %get3A_3726] {strides = array<i32>} : memref<128x32xf32, #tpu.memory_space<vmem>>, vector<16xf32>,
      %get3A_3728 = arith.constant 117 : i32
      %get3A_3729 = arith.index_cast %get3A_3728 : i32 to index
      %get3A_3730 = arith.constant 16 : index
      %get3A_3731 = tpu.vector_load %arg8[%get3A_3729, %get3A_3730] {strides = array<i32>} : memref<128x32xf32, #tpu.memory_space<vmem>>, vector<16xf32>,
      %add3A_3732 = arith.constant 116 : i32
      %add3A_3733 = vector.broadcast %add3A_3732 : i32 to vector<16xi32>
      %add3A_3734 = arith.addi %add3A_13, %add3A_3733 : vector<16xi32>
      tpu.vector_store_idx %arg10[%add3A_3734], %get3A_3713 : memref<4096xf32, #tpu.memory_space<vmem>>[vector<16xi32>], vector<16xf32>,
      %add3A_3735 = arith.constant 116 : i32
      %add3A_3736 = vector.broadcast %add3A_3735 : i32 to vector<16xi32>
      %add3A_3737 = arith.addi %add3A_20, %add3A_3736 : vector<16xi32>
      tpu.vector_store_idx %arg10[%add3A_3737], %get3A_3717 : memref<4096xf32, #tpu.memory_space<vmem>>[vector<16xi32>], vector<16xf32>,
      %get3A_3738 = arith.constant 118 : i32
      %get3A_3739 = arith.index_cast %get3A_3738 : i32 to index
      %get3A_3740 = arith.constant 0 : index
      %get3A_3741 = tpu.vector_load %arg8[%get3A_3739, %get3A_3740] {strides = array<i32>} : memref<128x32xf32, #tpu.memory_space<vmem>>, vector<16xf32>,
      %get3A_3742 = arith.constant 118 : i32
      %get3A_3743 = arith.index_cast %get3A_3742 : i32 to index
      %get3A_3744 = arith.constant 16 : index
      %get3A_3745 = tpu.vector_load %arg8[%get3A_3743, %get3A_3744] {strides = array<i32>} : memref<128x32xf32, #tpu.memory_space<vmem>>, vector<16xf32>,
      %add3A_3746 = arith.constant 117 : i32
      %add3A_3747 = vector.broadcast %add3A_3746 : i32 to vector<16xi32>
      %add3A_3748 = arith.addi %add3A_13, %add3A_3747 : vector<16xi32>
      tpu.vector_store_idx %arg10[%add3A_3748], %get3A_3727 : memref<4096xf32, #tpu.memory_space<vmem>>[vector<16xi32>], vector<16xf32>,
      %add3A_3749 = arith.constant 117 : i32
      %add3A_3750 = vector.broadcast %add3A_3749 : i32 to vector<16xi32>
      %add3A_3751 = arith.addi %add3A_20, %add3A_3750 : vector<16xi32>
      tpu.vector_store_idx %arg10[%add3A_3751], %get3A_3731 : memref<4096xf32, #tpu.memory_space<vmem>>[vector<16xi32>], vector<16xf32>,
      %get3A_3752 = arith.constant 119 : i32
      %get3A_3753 = arith.index_cast %get3A_3752 : i32 to index
      %get3A_3754 = arith.constant 0 : index
      %get3A_3755 = tpu.vector_load %arg8[%get3A_3753, %get3A_3754] {strides = array<i32>} : memref<128x32xf32, #tpu.memory_space<vmem>>, vector<16xf32>,
      %get3A_3756 = arith.constant 119 : i32
      %get3A_3757 = arith.index_cast %get3A_3756 : i32 to index
      %get3A_3758 = arith.constant 16 : index
      %get3A_3759 = tpu.vector_load %arg8[%get3A_3757, %get3A_3758] {strides = array<i32>} : memref<128x32xf32, #tpu.memory_space<vmem>>, vector<16xf32>,
      %add3A_3760 = arith.constant 118 : i32
      %add3A_3761 = vector.broadcast %add3A_3760 : i32 to vector<16xi32>
      %add3A_3762 = arith.addi %add3A_13, %add3A_3761 : vector<16xi32>
      tpu.vector_store_idx %arg10[%add3A_3762], %get3A_3741 : memref<4096xf32, #tpu.memory_space<vmem>>[vector<16xi32>], vector<16xf32>,
      %add3A_3763 = arith.constant 118 : i32
      %add3A_3764 = vector.broadcast %add3A_3763 : i32 to vector<16xi32>
      %add3A_3765 = arith.addi %add3A_20, %add3A_3764 : vector<16xi32>
      tpu.vector_store_idx %arg10[%add3A_3765], %get3A_3745 : memref<4096xf32, #tpu.memory_space<vmem>>[vector<16xi32>], vector<16xf32>,
      %get3A_3766 = arith.constant 120 : i32
      %get3A_3767 = arith.index_cast %get3A_3766 : i32 to index
      %get3A_3768 = arith.constant 0 : index
      %get3A_3769 = tpu.vector_load %arg8[%get3A_3767, %get3A_3768] {strides = array<i32>} : memref<128x32xf32, #tpu.memory_space<vmem>>, vector<16xf32>,
      %get3A_3770 = arith.constant 120 : i32
      %get3A_3771 = arith.index_cast %get3A_3770 : i32 to index
      %get3A_3772 = arith.constant 16 : index
      %get3A_3773 = tpu.vector_load %arg8[%get3A_3771, %get3A_3772] {strides = array<i32>} : memref<128x32xf32, #tpu.memory_space<vmem>>, vector<16xf32>,
      %add3A_3774 = arith.constant 119 : i32
      %add3A_3775 = vector.broadcast %add3A_3774 : i32 to vector<16xi32>
      %add3A_3776 = arith.addi %add3A_13, %add3A_3775 : vector<16xi32>
      tpu.vector_store_idx %arg10[%add3A_3776], %get3A_3755 : memref<4096xf32, #tpu.memory_space<vmem>>[vector<16xi32>], vector<16xf32>,
      %add3A_3777 = arith.constant 119 : i32
      %add3A_3778 = vector.broadcast %add3A_3777 : i32 to vector<16xi32>
      %add3A_3779 = arith.addi %add3A_20, %add3A_3778 : vector<16xi32>
      tpu.vector_store_idx %arg10[%add3A_3779], %get3A_3759 : memref<4096xf32, #tpu.memory_space<vmem>>[vector<16xi32>], vector<16xf32>,
      %get3A_3780 = arith.constant 121 : i32
      %get3A_3781 = arith.index_cast %get3A_3780 : i32 to index
      %get3A_3782 = arith.constant 0 : index
      %get3A_3783 = tpu.vector_load %arg8[%get3A_3781, %get3A_3782] {strides = array<i32>} : memref<128x32xf32, #tpu.memory_space<vmem>>, vector<16xf32>,
      %get3A_3784 = arith.constant 121 : i32
      %get3A_3785 = arith.index_cast %get3A_3784 : i32 to index
      %get3A_3786 = arith.constant 16 : index
      %get3A_3787 = tpu.vector_load %arg8[%get3A_3785, %get3A_3786] {strides = array<i32>} : memref<128x32xf32, #tpu.memory_space<vmem>>, vector<16xf32>,
      %add3A_3788 = arith.constant 120 : i32
      %add3A_3789 = vector.broadcast %add3A_3788 : i32 to vector<16xi32>
      %add3A_3790 = arith.addi %add3A_13, %add3A_3789 : vector<16xi32>
      tpu.vector_store_idx %arg10[%add3A_3790], %get3A_3769 : memref<4096xf32, #tpu.memory_space<vmem>>[vector<16xi32>], vector<16xf32>,
      %add3A_3791 = arith.constant 120 : i32
      %add3A_3792 = vector.broadcast %add3A_3791 : i32 to vector<16xi32>
      %add3A_3793 = arith.addi %add3A_20, %add3A_3792 : vector<16xi32>
      tpu.vector_store_idx %arg10[%add3A_3793], %get3A_3773 : memref<4096xf32, #tpu.memory_space<vmem>>[vector<16xi32>], vector<16xf32>,
      %get3A_3794 = arith.constant 122 : i32
      %get3A_3795 = arith.index_cast %get3A_3794 : i32 to index
      %get3A_3796 = arith.constant 0 : index
      %get3A_3797 = tpu.vector_load %arg8[%get3A_3795, %get3A_3796] {strides = array<i32>} : memref<128x32xf32, #tpu.memory_space<vmem>>, vector<16xf32>,
      %get3A_3798 = arith.constant 122 : i32
      %get3A_3799 = arith.index_cast %get3A_3798 : i32 to index
      %get3A_3800 = arith.constant 16 : index
      %get3A_3801 = tpu.vector_load %arg8[%get3A_3799, %get3A_3800] {strides = array<i32>} : memref<128x32xf32, #tpu.memory_space<vmem>>, vector<16xf32>,
      %add3A_3802 = arith.constant 121 : i32
      %add3A_3803 = vector.broadcast %add3A_3802 : i32 to vector<16xi32>
      %add3A_3804 = arith.addi %add3A_13, %add3A_3803 : vector<16xi32>
      tpu.vector_store_idx %arg10[%add3A_3804], %get3A_3783 : memref<4096xf32, #tpu.memory_space<vmem>>[vector<16xi32>], vector<16xf32>,
      %add3A_3805 = arith.constant 121 : i32
      %add3A_3806 = vector.broadcast %add3A_3805 : i32 to vector<16xi32>
      %add3A_3807 = arith.addi %add3A_20, %add3A_3806 : vector<16xi32>
      tpu.vector_store_idx %arg10[%add3A_3807], %get3A_3787 : memref<4096xf32, #tpu.memory_space<vmem>>[vector<16xi32>], vector<16xf32>,
      %get3A_3808 = arith.constant 123 : i32
      %get3A_3809 = arith.index_cast %get3A_3808 : i32 to index
      %get3A_3810 = arith.constant 0 : index
      %get3A_3811 = tpu.vector_load %arg8[%get3A_3809, %get3A_3810] {strides = array<i32>} : memref<128x32xf32, #tpu.memory_space<vmem>>, vector<16xf32>,
      %get3A_3812 = arith.constant 123 : i32
      %get3A_3813 = arith.index_cast %get3A_3812 : i32 to index
      %get3A_3814 = arith.constant 16 : index
      %get3A_3815 = tpu.vector_load %arg8[%get3A_3813, %get3A_3814] {strides = array<i32>} : memref<128x32xf32, #tpu.memory_space<vmem>>, vector<16xf32>,
      %add3A_3816 = arith.constant 122 : i32
      %add3A_3817 = vector.broadcast %add3A_3816 : i32 to vector<16xi32>
      %add3A_3818 = arith.addi %add3A_13, %add3A_3817 : vector<16xi32>
      tpu.vector_store_idx %arg10[%add3A_3818], %get3A_3797 : memref<4096xf32, #tpu.memory_space<vmem>>[vector<16xi32>], vector<16xf32>,
      %add3A_3819 = arith.constant 122 : i32
      %add3A_3820 = vector.broadcast %add3A_3819 : i32 to vector<16xi32>
      %add3A_3821 = arith.addi %add3A_20, %add3A_3820 : vector<16xi32>
      tpu.vector_store_idx %arg10[%add3A_3821], %get3A_3801 : memref<4096xf32, #tpu.memory_space<vmem>>[vector<16xi32>], vector<16xf32>,
      %get3A_3822 = arith.constant 124 : i32
      %get3A_3823 = arith.index_cast %get3A_3822 : i32 to index
      %get3A_3824 = arith.constant 0 : index
      %get3A_3825 = tpu.vector_load %arg8[%get3A_3823, %get3A_3824] {strides = array<i32>} : memref<128x32xf32, #tpu.memory_space<vmem>>, vector<16xf32>,
      %get3A_3826 = arith.constant 124 : i32
      %get3A_3827 = arith.index_cast %get3A_3826 : i32 to index
      %get3A_3828 = arith.constant 16 : index
      %get3A_3829 = tpu.vector_load %arg8[%get3A_3827, %get3A_3828] {strides = array<i32>} : memref<128x32xf32, #tpu.memory_space<vmem>>, vector<16xf32>,
      %add3A_3830 = arith.constant 123 : i32
      %add3A_3831 = vector.broadcast %add3A_3830 : i32 to vector<16xi32>
      %add3A_3832 = arith.addi %add3A_13, %add3A_3831 : vector<16xi32>
      tpu.vector_store_idx %arg10[%add3A_3832], %get3A_3811 : memref<4096xf32, #tpu.memory_space<vmem>>[vector<16xi32>], vector<16xf32>,
      %add3A_3833 = arith.constant 123 : i32
      %add3A_3834 = vector.broadcast %add3A_3833 : i32 to vector<16xi32>
      %add3A_3835 = arith.addi %add3A_20, %add3A_3834 : vector<16xi32>
      tpu.vector_store_idx %arg10[%add3A_3835], %get3A_3815 : memref<4096xf32, #tpu.memory_space<vmem>>[vector<16xi32>], vector<16xf32>,
      %get3A_3836 = arith.constant 125 : i32
      %get3A_3837 = arith.index_cast %get3A_3836 : i32 to index
      %get3A_3838 = arith.constant 0 : index
      %get3A_3839 = tpu.vector_load %arg8[%get3A_3837, %get3A_3838] {strides = array<i32>} : memref<128x32xf32, #tpu.memory_space<vmem>>, vector<16xf32>,
      %get3A_3840 = arith.constant 125 : i32
      %get3A_3841 = arith.index_cast %get3A_3840 : i32 to index
      %get3A_3842 = arith.constant 16 : index
      %get3A_3843 = tpu.vector_load %arg8[%get3A_3841, %get3A_3842] {strides = array<i32>} : memref<128x32xf32, #tpu.memory_space<vmem>>, vector<16xf32>,
      %add3A_3844 = arith.constant 124 : i32
      %add3A_3845 = vector.broadcast %add3A_3844 : i32 to vector<16xi32>
      %add3A_3846 = arith.addi %add3A_13, %add3A_3845 : vector<16xi32>
      tpu.vector_store_idx %arg10[%add3A_3846], %get3A_3825 : memref<4096xf32, #tpu.memory_space<vmem>>[vector<16xi32>], vector<16xf32>,
      %add3A_3847 = arith.constant 124 : i32
      %add3A_3848 = vector.broadcast %add3A_3847 : i32 to vector<16xi32>
      %add3A_3849 = arith.addi %add3A_20, %add3A_3848 : vector<16xi32>
      tpu.vector_store_idx %arg10[%add3A_3849], %get3A_3829 : memref<4096xf32, #tpu.memory_space<vmem>>[vector<16xi32>], vector<16xf32>,
      %get3A_3850 = arith.constant 126 : i32
      %get3A_3851 = arith.index_cast %get3A_3850 : i32 to index
      %get3A_3852 = arith.constant 0 : index
      %get3A_3853 = tpu.vector_load %arg8[%get3A_3851, %get3A_3852] {strides = array<i32>} : memref<128x32xf32, #tpu.memory_space<vmem>>, vector<16xf32>,
      %get3A_3854 = arith.constant 126 : i32
      %get3A_3855 = arith.index_cast %get3A_3854 : i32 to index
      %get3A_3856 = arith.constant 16 : index
      %get3A_3857 = tpu.vector_load %arg8[%get3A_3855, %get3A_3856] {strides = array<i32>} : memref<128x32xf32, #tpu.memory_space<vmem>>, vector<16xf32>,
      %add3A_3858 = arith.constant 125 : i32
      %add3A_3859 = vector.broadcast %add3A_3858 : i32 to vector<16xi32>
      %add3A_3860 = arith.addi %add3A_13, %add3A_3859 : vector<16xi32>
      tpu.vector_store_idx %arg10[%add3A_3860], %get3A_3839 : memref<4096xf32, #tpu.memory_space<vmem>>[vector<16xi32>], vector<16xf32>,
      %add3A_3861 = arith.constant 125 : i32
      %add3A_3862 = vector.broadcast %add3A_3861 : i32 to vector<16xi32>
      %add3A_3863 = arith.addi %add3A_20, %add3A_3862 : vector<16xi32>
      tpu.vector_store_idx %arg10[%add3A_3863], %get3A_3843 : memref<4096xf32, #tpu.memory_space<vmem>>[vector<16xi32>], vector<16xf32>,
      %get3A_3864 = arith.constant 127 : i32
      %get3A_3865 = arith.index_cast %get3A_3864 : i32 to index
      %get3A_3866 = arith.constant 0 : index
      %get3A_3867 = tpu.vector_load %arg8[%get3A_3865, %get3A_3866] {strides = array<i32>} : memref<128x32xf32, #tpu.memory_space<vmem>>, vector<16xf32>,
      %get3A_3868 = arith.constant 127 : i32
      %get3A_3869 = arith.index_cast %get3A_3868 : i32 to index
      %get3A_3870 = arith.constant 16 : index
      %get3A_3871 = tpu.vector_load %arg8[%get3A_3869, %get3A_3870] {strides = array<i32>} : memref<128x32xf32, #tpu.memory_space<vmem>>, vector<16xf32>,
      %add3A_3872 = arith.constant 126 : i32
      %add3A_3873 = vector.broadcast %add3A_3872 : i32 to vector<16xi32>
      %add3A_3874 = arith.addi %add3A_13, %add3A_3873 : vector<16xi32>
      tpu.vector_store_idx %arg10[%add3A_3874], %get3A_3853 : memref<4096xf32, #tpu.memory_space<vmem>>[vector<16xi32>], vector<16xf32>,
      %add3A_3875 = arith.constant 126 : i32
      %add3A_3876 = vector.broadcast %add3A_3875 : i32 to vector<16xi32>
      %add3A_3877 = arith.addi %add3A_20, %add3A_3876 : vector<16xi32>
      tpu.vector_store_idx %arg10[%add3A_3877], %get3A_3857 : memref<4096xf32, #tpu.memory_space<vmem>>[vector<16xi32>], vector<16xf32>,
      %add3A_3878 = arith.constant 127 : i32
      %add3A_3879 = vector.broadcast %add3A_3878 : i32 to vector<16xi32>
      %add3A_3880 = arith.addi %add3A_13, %add3A_3879 : vector<16xi32>
      tpu.vector_store_idx %arg10[%add3A_3880], %get3A_3867 : memref<4096xf32, #tpu.memory_space<vmem>>[vector<16xi32>], vector<16xf32>,
      %add3A_3881 = arith.constant 127 : i32
      %add3A_3882 = vector.broadcast %add3A_3881 : i32 to vector<16xi32>
      %add3A_3883 = arith.addi %add3A_20, %add3A_3882 : vector<16xi32>
      tpu.vector_store_idx %arg10[%add3A_3883], %get3A_3871 : memref<4096xf32, #tpu.memory_space<vmem>>[vector<16xi32>], vector<16xf32>,
      %jit3A_3884 = arith.constant 8 : i32
      %div3A_3885 = arith.divsi %min3A_2024, %jit3A_3884 : i32
      %sign3A_3886 = arith.constant 0 : i32
      %sign3A_3887 = arith.cmpi sgt, %min3A_2024, %sign3A_3886 : i32
      %sign3A_3888 = arith.extui %sign3A_3887 : i1 to i32
      %sign3A_3889 = arith.constant 0 : i32
      %sign3A_3890 = arith.cmpi slt, %min3A_2024, %sign3A_3889 : i32
      %sign3A_3891 = arith.extui %sign3A_3890 : i1 to i32
      %sign3A_3892 = arith.subi %sign3A_3888, %sign3A_3891 : i32
      %sign3A_3893 = arith.constant 0 : i32
      %sign3A_3894 = arith.cmpi sgt, %jit3A_3884, %sign3A_3893 : i32
      %sign3A_3895 = arith.extui %sign3A_3894 : i1 to i32
      %sign3A_3896 = arith.constant 0 : i32
      %sign3A_3897 = arith.cmpi slt, %jit3A_3884, %sign3A_3896 : i32
      %sign3A_3898 = arith.extui %sign3A_3897 : i1 to i32
      %sign3A_3899 = arith.subi %sign3A_3895, %sign3A_3898 : i32
      %ne3A_3900 = arith.cmpi ne, %sign3A_3892, %sign3A_3899 : i32
      %rem3A_3901 = arith.remsi %min3A_2024, %jit3A_3884 : i32
      %ne3A_3902 = arith.constant 0 : i32
      %ne3A_3903 = arith.cmpi ne, %rem3A_3901, %ne3A_3902 : i32
      %and3A_3904 = arith.andi %ne3A_3900, %ne3A_3903 : i1
      %sub3A_3905 = arith.constant 1 : i32
      %sub3A_3906 = arith.subi %div3A_3885, %sub3A_3905 : i32
      %select_n3A_3907 = arith.select %and3A_3904, %sub3A_3906, %div3A_3885 : i32
      %jit3A_3908 = arith.constant 8 : i32
      %eq3A_3909 = arith.constant 0 : i32
      %eq3A_3910 = arith.cmpi eq, %jit3A_3908, %eq3A_3909 : i32
      %jit3A_3911 = arith.constant 1 : i32
      %select_n3A_3912 = arith.select %eq3A_3910, %jit3A_3911, %jit3A_3908 : i32
      %rem3A_3913 = arith.remsi %min3A_2024, %select_n3A_3912 : i32
      %ne3A_3914 = arith.constant 0 : i32
      %ne3A_3915 = arith.cmpi ne, %rem3A_3913, %ne3A_3914 : i32
      %lt3A_3916 = arith.constant 0 : i32
      %lt3A_3917 = arith.cmpi slt, %rem3A_3913, %lt3A_3916 : i32
      %lt3A_3918 = arith.constant 0 : i32
      %lt3A_3919 = arith.cmpi slt, %select_n3A_3912, %lt3A_3918 : i32
      %ne3A_3920 = arith.xori %lt3A_3917, %lt3A_3919 : i1
      %and3A_3921 = arith.andi %ne3A_3920, %ne3A_3915 : i1
      %add3A_3922 = arith.addi %rem3A_3913, %select_n3A_3912 : i32
      %select_n3A_3923 = arith.select %and3A_3921, %add3A_3922, %rem3A_3913 : i32
      %mul3A_3924 = arith.constant 32768 : i32
      %mul3A_3925 = arith.muli %select_n3A_3907, %mul3A_3924 : i32
      %mul3A_3926 = arith.constant 1024 : i32
      %mul3A_3927 = arith.muli %select_n3A_3923, %mul3A_3926 : i32
      %add3A_3928 = arith.addi %mul3A_3925, %mul3A_3927 : i32
      %add3A_3929 = arith.constant 0 : i32
      %add3A_3930 = arith.addi %add3A_3928, %add3A_3929 : i32
      %dma_start3A_3931 = arith.constant 0 : i32
      %dma_start3A_3932 = tpu.memref_slice %arg10[%dma_start3A_3931] : memref<4096xf32, #tpu.memory_space<vmem>> -> memref<1024xf32, #tpu.memory_space<vmem>>
      %dma_start3A_3933 = tpu.memref_slice %arg4[%add3A_3930] : memref<42598400xf32, #tpu.memory_space<hbm>> -> memref<1024xf32, #tpu.memory_space<hbm>>
      %dma_start3A_3934 = tpu.memref_slice %arg4[%add3A_3930] : memref<42598400xf32, #tpu.memory_space<hbm>> -> memref<1024xf32, #tpu.memory_space<hbm>>
      %dma_start3A_3935 = arith.constant 0 : i32
      %dma_start3A_3936 = tpu.memref_slice %arg10[%dma_start3A_3935] : memref<4096xf32, #tpu.memory_space<vmem>> -> memref<1024xf32, #tpu.memory_space<vmem>>
      tpu.enqueue_dma source(%dma_start3A_3936 : memref<1024xf32, #tpu.memory_space<vmem>>) target(%dma_start3A_3934 : memref<1024xf32, #tpu.memory_space<hbm>>) target_semaphore(%arg16 : memref<!tpu.dma_semaphore, #tpu.memory_space<semaphore_mem>>)
      %add3A_3937 = arith.constant 8192 : i32
      %add3A_3938 = arith.addi %add3A_3928, %add3A_3937 : i32
      %dma_start3A_3939 = arith.constant 1024 : i32
      %dma_start3A_3940 = tpu.memref_slice %arg10[%dma_start3A_3939] : memref<4096xf32, #tpu.memory_space<vmem>> -> memref<1024xf32, #tpu.memory_space<vmem>>
      %dma_start3A_3941 = tpu.memref_slice %arg4[%add3A_3938] : memref<42598400xf32, #tpu.memory_space<hbm>> -> memref<1024xf32, #tpu.memory_space<hbm>>
      %dma_start3A_3942 = tpu.memref_slice %arg4[%add3A_3938] : memref<42598400xf32, #tpu.memory_space<hbm>> -> memref<1024xf32, #tpu.memory_space<hbm>>
      %dma_start3A_3943 = arith.constant 1024 : i32
      %dma_start3A_3944 = tpu.memref_slice %arg10[%dma_start3A_3943] : memref<4096xf32, #tpu.memory_space<vmem>> -> memref<1024xf32, #tpu.memory_space<vmem>>
      tpu.enqueue_dma source(%dma_start3A_3944 : memref<1024xf32, #tpu.memory_space<vmem>>) target(%dma_start3A_3942 : memref<1024xf32, #tpu.memory_space<hbm>>) target_semaphore(%arg16 : memref<!tpu.dma_semaphore, #tpu.memory_space<semaphore_mem>>)
      %add3A_3945 = arith.constant 16384 : i32
      %add3A_3946 = arith.addi %add3A_3928, %add3A_3945 : i32
      %dma_start3A_3947 = arith.constant 2048 : i32
      %dma_start3A_3948 = tpu.memref_slice %arg10[%dma_start3A_3947] : memref<4096xf32, #tpu.memory_space<vmem>> -> memref<1024xf32, #tpu.memory_space<vmem>>
      %dma_start3A_3949 = tpu.memref_slice %arg4[%add3A_3946] : memref<42598400xf32, #tpu.memory_space<hbm>> -> memref<1024xf32, #tpu.memory_space<hbm>>
      %dma_start3A_3950 = tpu.memref_slice %arg4[%add3A_3946] : memref<42598400xf32, #tpu.memory_space<hbm>> -> memref<1024xf32, #tpu.memory_space<hbm>>
      %dma_start3A_3951 = arith.constant 2048 : i32
      %dma_start3A_3952 = tpu.memref_slice %arg10[%dma_start3A_3951] : memref<4096xf32, #tpu.memory_space<vmem>> -> memref<1024xf32, #tpu.memory_space<vmem>>
      tpu.enqueue_dma source(%dma_start3A_3952 : memref<1024xf32, #tpu.memory_space<vmem>>) target(%dma_start3A_3950 : memref<1024xf32, #tpu.memory_space<hbm>>) target_semaphore(%arg16 : memref<!tpu.dma_semaphore, #tpu.memory_space<semaphore_mem>>)
      %add3A_3953 = arith.constant 24576 : i32
      %add3A_3954 = arith.addi %add3A_3928, %add3A_3953 : i32
      %dma_start3A_3955 = arith.constant 3072 : i32
      %dma_start3A_3956 = tpu.memref_slice %arg10[%dma_start3A_3955] : memref<4096xf32, #tpu.memory_space<vmem>> -> memref<1024xf32, #tpu.memory_space<vmem>>
      %dma_start3A_3957 = tpu.memref_slice %arg4[%add3A_3954] : memref<42598400xf32, #tpu.memory_space<hbm>> -> memref<1024xf32, #tpu.memory_space<hbm>>
      %dma_start3A_3958 = tpu.memref_slice %arg4[%add3A_3954] : memref<42598400xf32, #tpu.memory_space<hbm>> -> memref<1024xf32, #tpu.memory_space<hbm>>
      %dma_start3A_3959 = arith.constant 3072 : i32
      %dma_start3A_3960 = tpu.memref_slice %arg10[%dma_start3A_3959] : memref<4096xf32, #tpu.memory_space<vmem>> -> memref<1024xf32, #tpu.memory_space<vmem>>
      tpu.enqueue_dma source(%dma_start3A_3960 : memref<1024xf32, #tpu.memory_space<vmem>>) target(%dma_start3A_3958 : memref<1024xf32, #tpu.memory_space<hbm>>) target_semaphore(%arg16 : memref<!tpu.dma_semaphore, #tpu.memory_space<semaphore_mem>>)
    }
    %scan3A_57 = arith.constant 163 : i32
    %dma_wait3A = arith.constant 0 : i32
    %dma_wait3A_58 = arith.constant 0 : i32
    %dma_wait3A_59 = arith.constant 0 : i32
    %dma_wait3A_60 = tpu.memref_slice %arg3[%dma_wait3A, %dma_wait3A_58, %dma_wait3A_59] : memref<26x100000x32xf32, #tpu.memory_space<hbm>> -> memref<1x100000x32xf32, #tpu.memory_space<hbm>>
    %dma_wait3A_61 = tpu.memref_squeeze %dma_wait3A_60 : memref<1x100000x32xf32, #tpu.memory_space<hbm>> -> memref<100000x32xf32, #tpu.memory_space<hbm>>
    %dma_wait3A_62 = arith.constant 0 : i32
    %dma_wait3A_63 = arith.constant 0 : i32
    %dma_wait3A_64 = tpu.memref_slice %dma_wait3A_61[%dma_wait3A_62, %dma_wait3A_63] : memref<100000x32xf32, #tpu.memory_space<hbm>> -> memref<128x32xf32, #tpu.memory_space<hbm>>
    %dma_wait3A_65 = arith.constant 0 : i32
    %dma_wait3A_66 = arith.constant 0 : i32
    %dma_wait3A_67 = tpu.memref_slice %arg3[%dma_wait3A, %dma_wait3A_65, %dma_wait3A_66] : memref<26x100000x32xf32, #tpu.memory_space<hbm>> -> memref<1x100000x32xf32, #tpu.memory_space<hbm>>
    %dma_wait3A_68 = tpu.memref_squeeze %dma_wait3A_67 : memref<1x100000x32xf32, #tpu.memory_space<hbm>> -> memref<100000x32xf32, #tpu.memory_space<hbm>>
    %dma_wait3A_69 = arith.constant 0 : i32
    %dma_wait3A_70 = arith.constant 0 : i32
    %dma_wait3A_71 = tpu.memref_slice %dma_wait3A_68[%dma_wait3A_69, %dma_wait3A_70] : memref<100000x32xf32, #tpu.memory_space<hbm>> -> memref<128x32xf32, #tpu.memory_space<hbm>>
    tpu.wait_dma2 semaphore(%arg13 : memref<!tpu.dma_semaphore, #tpu.memory_space<semaphore_mem>>) src(%dma_wait3A_71 : memref<128x32xf32, #tpu.memory_space<hbm>>) dst(%arg7 : memref<128x32xf32, #tpu.memory_space<vmem>>)
    %dma_wait3A_72 = arith.constant 0 : i32
    %dma_wait3A_73 = tpu.memref_slice %arg2[%dma_wait3A_72] : memref<1331200xi32, #tpu.memory_space<hbm>> -> memref<128xi32, #tpu.memory_space<hbm>>
    %dma_wait3A_74 = arith.constant 0 : i32
    %dma_wait3A_75 = tpu.memref_slice %arg2[%dma_wait3A_74] : memref<1331200xi32, #tpu.memory_space<hbm>> -> memref<128xi32, #tpu.memory_space<hbm>>
    tpu.wait_dma2 semaphore(%arg12 : memref<!tpu.dma_semaphore, #tpu.memory_space<semaphore_mem>>) src(%dma_wait3A_75 : memref<128xi32, #tpu.memory_space<hbm>>) dst(%arg6 : memref<128xi32, #tpu.memory_space<vmem>>)
    %dma_wait3A_76 = arith.constant 0 : i32
    %dma_wait3A_77 = tpu.memref_slice %arg4[%dma_wait3A_76] : memref<42598400xf32, #tpu.memory_space<hbm>> -> memref<4096xf32, #tpu.memory_space<hbm>>
    %dma_wait3A_78 = arith.constant 0 : i32
    %dma_wait3A_79 = tpu.memref_slice %arg4[%dma_wait3A_78] : memref<42598400xf32, #tpu.memory_space<hbm>> -> memref<4096xf32, #tpu.memory_space<hbm>>
    tpu.wait_dma2 semaphore(%arg15 : memref<!tpu.dma_semaphore, #tpu.memory_space<semaphore_mem>>) src(%dma_wait3A_79 : memref<4096xf32, #tpu.memory_space<hbm>>) dst(%arg9 : memref<4096xf32, #tpu.memory_space<vmem>>)
    %dma_wait3A_80 = arith.constant 0 : i32
    %dma_wait3A_81 = tpu.memref_slice %arg4[%dma_wait3A_80] : memref<42598400xf32, #tpu.memory_space<hbm>> -> memref<4096xf32, #tpu.memory_space<hbm>>
    %dma_wait3A_82 = arith.constant 0 : i32
    %dma_wait3A_83 = tpu.memref_slice %arg4[%dma_wait3A_82] : memref<42598400xf32, #tpu.memory_space<hbm>> -> memref<4096xf32, #tpu.memory_space<hbm>>
    tpu.wait_dma2 semaphore(%arg16 : memref<!tpu.dma_semaphore, #tpu.memory_space<semaphore_mem>>) src(%dma_wait3A_83 : memref<4096xf32, #tpu.memory_space<hbm>>) dst(%arg10 : memref<4096xf32, #tpu.memory_space<vmem>>)
    return
  }
}

</mosaic_0001>

<sc_bundles>
// kernel: kernel.3.cloned.1.call-start
scs
__scs_entry_jumppad:
0x0: {  	(pc) =	sbr.rel $0x88, $3  }
0x1: {  	(tag) =	ssettag $0x0;
	lr =	simm.s32 $0x1  }
0x2: {  	[smem:$0x3F9F] =	sst lr;
	_ =	strace $0xD0000000  }
0x3: {  	_ = 	snop  }
0x4: {  	_ = 	snop  }
0x5: {  	_ = 	snop  }
0x6: {  	_ = 	snop  }
0x7: {  	_ = 	snop  }
__scs_overlays_trampoline_lowered:
0x8: {  	[smem:$0x3FAE] =	sst s0  }
0x9: {  	[smem:$0x3FAF] =	sst s1  }
0xa: {  	[smem:$0x3FB0] =	sst s2  }
0xb: {  	[smem:$0x3FB1] =	sst s3  }
0xc: {  	[smem:$0x3FB2] =	sst s4  }
0xd: {  	[smem:$0x3FB3] =	sst s5  }
0xe: {  	[smem:$0x3FB4] =	sst s6  }
0xf: {  	[smem:$0x3FB5] =	sst s7  }
0x10: {  	[smem:$0x3FB6] =	sst s8  }
0x11: {  	[smem:$0x3FB7] =	sst s9;
	s0 =	simm.s32 @!p0 $0x0  }
0x12: {  	s1 =	sld [smem:$0x3F9D];
	s0 =	simm.s32 @p0 $0x1  }
0x13: {  	[smem:$0x3FB8] =	sst s0;
	s0 =	simm.s32 @!p1 $0x0  }
0x14: {  	s2 =	sld [smem:$0x3F9C];
	s0 =	simm.s32 @p1 $0x1  }
0x15: {  	[smem:$0x3FB9] =	sst s0;
	s0 =	simm.s32 @!p2 $0x0  }
0x16: {  	s3 =	sld [smem:$0x3FDB];
	s0 =	simm.s32 @p2 $0x1  }
0x17: {  	s4 =	simm.s32 $0x1BF5;
	[smem:$0x3FBB] =	sst s0  }
0x18: {  	s0 =	sld [smem:$0x3F9E];
	_ =	swait.ge [sflag:s4], $0x0  }
0x19: {  	s7 =	sld [smem:$0x3F9F]  }
0x1a: {  	s8 =	sadd.s32 $0xFFFFE003, lr  }
0x1b: {  	s9 =	sadd.s32 $0xFFFFFEF7, lr;
	s5 =	simm.s32 $0xFFFFFFFF;
	p2 =	slt.u32 s8, $0xFFFFF086  }
0x1c: {  	p1 =	slt.u32 s9, $0xF7A;
	s5 =	simm.s32 @!p2 $0x0  }
0x1d: {  	s5 =	simm.s32 @p1 $0x1;
	p0 =	seq.s32 s7, s2  }
0x1e: {  	s7 =	smul.u32 @!p0 $0xF7A, s2;
	p2 =	seq.s32 @!p0 s5, $0x0  }
0x1f: {  	s9 =	smul.u32 $0xF7A, s1;
	s8 =	simm.s32 @!p0 $0x1BF5;
	p2 =	por !p2, p0  }
0x20: {  	[sflag:s8] =	ssyncset.s32 @!p0 $0xFFFFF086;
	s6 =	sadd.s32 @!p0 s3, s7;
	s7 =	simm.s32 @!p0 $0x108  }
0x21: {  	s3 =	sadd.s32 s3, s9;
	s6 =	sadd.s32 @!p0 $0x88, s6;
	s7 =	simm.s32 @p2 $0x1082  }
0x22: {  	[simem:s7], [sflag:s8] =	dma.local @!p0 [hbm:s6], $0xF7A  }
0x23: {  	s9 =	sor.u32 $0xD0000000, s2;
	s6 =	simm.s32 $0x108;
	_ =	swait.ge @!p0 [sflag:s8], $0x0  }
0x24: {  	s3 =	sadd.s32 $0x88, s3;
	s6 =	simm.s32 @!p1 $0x1082;
	[sflag:s4] =	ssyncset.s32 $0xFFFFF086  }
0x25: {  	[simem:s6], [sflag:s4] =	dma.local [hbm:s3], $0xF7A  }
0x26: {  	[smem:$0x3F9F] =	sst s1;
	(tag) =	ssettag s2;
	_ =	strace s9  }
0x27: {  	s1 =	sld [smem:$0x3FAF]  }
0x28: {  	s2 =	sld [smem:$0x3FB0]  }
0x29: {  	s4 =	sld [smem:$0x3FB2]  }
0x2a: {  	p0 =	seq.s32 s5, $0x0;
	s5 =	sld [smem:$0x3FB3]  }
0x2b: {  	s6 =	sld [smem:$0x3FB4]  }
0x2c: {  	s7 =	sld [smem:$0x3FB5]  }
0x2d: {  	s3 =	simm.s32 $0x108;
	s8 =	sld [smem:$0x3FB6]  }
0x2e: {  	s3 =	simm.s32 @!p0 $0x1082;
	s9 =	sld [smem:$0x3FB7]  }
0x2f: {  	lr =	sadd.s32 s0, s3;
	s0 =	sld [smem:$0x3FAE]  }
0x30: {  	s3 =	sld [smem:$0x3FB1]  }
0x31: {  	[smem:$0x3FBA] =	sst s10  }
0x32: {  	s10 =	sld [smem:$0x3FB8];
	_ =	sdelay $0x3  }
0x33: {  	p0 =	seq.s32 s10, $0x1;
	s10 =	sld [smem:$0x3FBA];
	_ =	sdelay $0x3  }
0x34: {  	[smem:$0x3FBA] =	sst s10  }
0x35: {  	s10 =	sld [smem:$0x3FB9];
	_ =	sdelay $0x3  }
0x36: {  	p1 =	seq.s32 s10, $0x1;
	s10 =	sld [smem:$0x3FBA];
	_ =	sdelay $0x3  }
0x37: {  	[smem:$0x3FBA] =	sst s10  }
0x38: {  	s10 =	sld [smem:$0x3FBB]  }
0x39: {  	_ = 	snop;
	(pc) =	sbr.ind lr, $3  }
0x3a: {  	_ = 	snop  }
0x3b: {  	_ = 	snop  }
0x3c: {  	p2 =	seq.s32 s10, $0x1;
	s10 =	sld [smem:$0x3FBA]  }
0x3d: {  	_ =	shalt  }
0x3e: {  	_ =	shalt  }
0x3f: {  	_ =	shalt  }
0x40: {  	_ =	shalt  }
0x41: {  	_ =	shalt  }
0x42: {  	_ =	shalt  }
0x43: {  	_ =	shalt  }
0x44: {  	_ =	shalt  }
0x45: {  	_ =	shalt  }
0x46: {  	_ =	shalt  }
0x47: {  	_ =	shalt  }
0x48: {  	_ =	shalt  }
0x49: {  	_ =	shalt  }
0x4a: {  	_ =	shalt  }
0x4b: {  	_ =	shalt  }
0x4c: {  	_ =	shalt  }
0x4d: {  	_ =	shalt  }
0x4e: {  	_ =	shalt  }
0x4f: {  	_ =	shalt  }
0x50: {  	_ =	shalt  }
0x51: {  	_ =	shalt  }
0x52: {  	_ =	shalt  }
0x53: {  	_ =	shalt  }
0x54: {  	_ =	shalt  }
0x55: {  	_ =	shalt  }
0x56: {  	_ =	shalt  }
0x57: {  	_ =	shalt  }
0x58: {  	_ =	shalt  }
0x59: {  	_ =	shalt  }
0x5a: {  	_ =	shalt  }
0x5b: {  	_ =	shalt  }
0x5c: {  	_ =	shalt  }
0x5d: {  	_ =	shalt  }
0x5e: {  	_ =	shalt  }
0x5f: {  	_ =	shalt  }
0x60: {  	_ =	shalt  }
0x61: {  	_ =	shalt  }
0x62: {  	_ =	shalt  }
0x63: {  	_ =	shalt  }
0x64: {  	_ =	shalt  }
0x65: {  	_ =	shalt  }
0x66: {  	_ =	shalt  }
0x67: {  	_ =	shalt  }
0x68: {  	_ =	shalt  }
0x69: {  	_ =	shalt  }
0x6a: {  	_ =	shalt  }
0x6b: {  	_ =	shalt  }
0x6c: {  	_ =	shalt  }
0x6d: {  	_ =	shalt  }
0x6e: {  	_ =	shalt  }
0x6f: {  	_ =	shalt  }
0x70: {  	_ =	shalt  }
0x71: {  	_ =	shalt  }
0x72: {  	_ =	shalt  }
0x73: {  	_ =	shalt  }
0x74: {  	_ =	shalt  }
0x75: {  	_ =	shalt  }
0x76: {  	_ =	shalt  }
0x77: {  	_ =	shalt  }
0x78: {  	_ =	shalt  }
0x79: {  	_ =	shalt  }
0x7a: {  	_ =	shalt  }
0x7b: {  	_ =	shalt  }
0x7c: {  	_ =	shalt  }
0x7d: {  	_ =	shalt  }
0x7e: {  	_ =	shalt  }
0x7f: {  	_ =	shalt  }
0x80: {  	_ =	shalt  }
0x81: {  	_ =	shalt  }
0x82: {  	_ =	shalt  }
0x83: {  	_ =	shalt  }
0x84: {  	_ =	shalt  }
0x85: {  	_ =	shalt  }
0x86: {  	_ =	shalt  }
0x87: {  	_ =	shalt  }
.Lfunc_end0:
.L_simem_size_0:
called_computation_lowered:
.L_overlay_start_0:
0x88: {  	s2 =	sld [smem:$0x3FD9]  }
0x89: {  	s3 =	sld [smem:$0x3FFE];
	_ =	sdelay $0x1  }
0x8a: {  	s1 =	srdreg.scid  }
0x8b: {  	s0 =	sand.u32 $0x1, s1  }
0x8c: {  	s17 =	sshll.u32 s0, $0xA;
	s2 =	sadd.s32 s3, s2  }
0x8d: {  	s2 =	sadd.s32 s2, s17  }
0x8e: {  	[smem:$0x3FC6] =	sst s2  }
0x8f: {  	_ = 	snop  }
0x90: {  	s2 =	sld [smem:$0x3FD0];
	(tm) =	ssettm $0x1  }
0x91: {  	s18 =	sld [smem:$0x3FFB];
	_ =	sdelay $0x3  }
0x92: {  	_ =	strace s18  }
0x93: {  	s3 =	sld [smem:$0x3FFC];
	_ =	sdelay $0x3  }
0x94: {  	_ =	strace s3  }
0x95: {  	s3 =	sld [smem:$0x3FFD];
	_ =	sdelay $0x3  }
0x96: {  	_ =	strace s3  }
0x97: {  	_ =	strace $0x8FFFFFFF  }
0x98: {  	s19 =	sld [smem:$0x3FDB];
	_ =	sdelay $0x1  }
0x99: {  	s4 =	simm.s32 $_scs_section_size  }
0x9a: {  	s5 =	simm.s32 $_size__tile_overlayer_lowered;
	s6 =	simm.s32 $_tile_overlayer_lowered  }
0x9b: {  	s22 =	simm.s32 $0x1BFF;
	s21 =	sshll.u32 s6, $0x1;
	s3 =	sadd.s32 s4, s19  }
0x9c: {  	s7 =	simm.s32 $0x0;
	s20 =	sshll.u32 s5, $0x1;
	s5 =	sadd.s32 s21, s3  }
0x9d: {  	[timem:s7], [sflag:s22] =	dma.local [hbm:s5], s20  }
0x9e: {  	_ =	swait.ge [sflag:s22], s20  }
0x9f: {  	s4 =	ssub.s32 $0x0, s20;
	[sflag:s22] =	ssyncset.done $0x0  }
0xa0: {  	[sflag:s22] =	ssyncadd.s32 s4;
	_ =	sdelay $0x1  }
0xa1: {  	s23 =	simm.s32 $0x1B8B  }
0xa2: {  	_ =	swait.ge [sflag:s23], $0x1  }
0xa3: {  	[sflag:s23] =	ssyncset.done $0x0  }
0xa4: {  	s25 =	simm.s32 $0x1B8E;
	s24 =	sld [smem:$0x3FFE];
	[sflag:s23] =	ssyncadd.s32 $0xFFFFFFFF  }
0xa5: {  	s26 =	simm.s32 $execute0_lowered;
	[smem:$0x3FD2] =	sst s25  }
0xa6: {  	s5 =	sshll.u32 s26, $0x1;
	_ =	strace $0x80000046;
	[dreg:$0x1] =	wrdreg $0xFFFFFFFF  }
0xa7: {  	s28 =	simm.s32 $_size_execute0_lowered;
	s3 =	sadd.s32 s3, s5;
	[dreg:$0x0] =	wrdreg $0x0  }
0xa8: {  	s5 =	sshll.u32 s28, $0x1;
	[dreg:$0x2] =	wrdreg s3  }
0xa9: {  	[dreg:$0x3] =	wrdreg s5  }
0xaa: {  	[dreg:$0x4] =	wrdreg $0xC0  }
0xab: {  	_ =	task [dreg:s7], $0x5FFFF  }
0xac: {  	[dreg:$0x1] =	wrdreg $0xFFFFFFFF  }
0xad: {  	[dreg:$0x0] =	wrdreg $0x60  }
0xae: {  	[dreg:$0x2] =	wrdreg s24  }
0xaf: {  	[dreg:$0x3] =	wrdreg s2  }
0xb0: {  	[dreg:$0x4] =	wrdreg $0x9  }
0xb1: {  	_ =	task.clear_ibuf [dreg:s7], $0x5FFFF;
	_ =	strace $0x90000046  }
0xb2: {  	s29 =	simm.s32 $0x9;
	_ =	strace $0x80000048  }
0xb3: {  	_ =	swait.ge [sflag:s29], $0x1  }
0xb4: {  	[sflag:s29] =	ssyncadd.s32 $0xFFFFFFFF  }
0xb5: {  	_ =	strace $0x90000048  }
0xb6: {  	_ =	sfence  }
0xb7: {  	s30 =	sld [smem:$0x0];
	_ =	sdelay $0x2  }
0xb8: {  	s31 =	sshll.u32 s1, $0xD;
	s1 =	sshrl.u32 s1, $0x2  }
0xb9: {  	s3 =	sand.u32 $0x4000, s31;
	s1 =	sadd.s32 s1, s30  }
0xba: {  	s0 =	sor.u32 s3, s0;
	s1 =	sshll.u32 s1, $0x11  }
0xbb: {  	s0 =	sor.u32 s1, s0  }
0xbc: {  	s0 =	sadd.s32 $0x8F2B, s0  }
0xbd: {  	[sflag:s0] =	ssyncadd.remote.s32 $0x1  }
0xbe: {  	_ =	sfence.sel $0xFFFF  }
0xbf: {  	[dreg:$0x0] =	wrdreg $0xFFFFFFFF;
	(pc) =	sbr.abs _section_cstart, $3  }
0xc0: {  	[dreg:$0x1] =	wrdreg $0xFFFFFFFF  }
0xc1: {  	_ =	task.clear_ibuf [dreg:s7], $0x2FFFF;
	_ =	strace $0x9FFFFFFF  }
0xc2: {  	(tm) =	ssettm $0x7FFFFFFF  }
0xc3: {  	_ =	shalt  }
tec
execute0_lowered:
.L_overlay_start_1:
0x0: {  	(tag) =	ssettag $0x1  }
0x1: {  	s1 =	srdreg.scid;
	s6 =	rddreg [dreg:$0x0]  }
0x2: {  	s0 =	stileid.u32;
	v0 =	vlaneseq.u32;
	s2 =	rddreg [dreg:$0x1]  }
0x3: {  	s10 =	simm.s32 $0x1;
	s31 =	simm.s32 $0x1100;
	s17 =	simm.s32 $0x2500;
	v0 =	vmul.u32 $0x80, v0  }
0x4: {  	s18 =	simm.s32 $0x2900;
	s19 =	simm.s32 $0x2D00;
	s20 =	simm.s32 $0x3500  }
0x5: {  	s9 =	sand.u32 $0x1, s1;
	s28 =	sshll.u32 s0, $0x1;
	s15 =	smul.u32 $0x28A, s0;
	v5 =	vor.u32 $0x800, v0;
	v6 =	vor.u32 $0x1, v0;
	v63 =	vor.u32 $0x801, v0  }
0x6: {  	s21 =	simm.s32 $0x3900;
	s5 =	sor.u32 s9, s28;
	s16 =	smul.u32 $0x145, s9;
	v8 =	vor.u32 $0x2, v0;
	v9 =	vor.u32 $0x802, v0;
	v10 =	vor.u32 $0x3, v0  }
0x7: {  	s23 =	simm.s32 $0x3D00;
	s22 =	simm.s32 $0x3100;
	s1 =	smul.u32 $0x75000D, s5;
	v11 =	vor.u32 $0x803, v0;
	v12 =	vor.u32 $0x4, v0;
	v13 =	vor.u32 $0x804, v0  }
0x8: {  	s24 =	simm.s32 $0x6;
	s25 =	simm.s32 $0x0;
	s29 =	smul.u32 $0x1A0027, s5;
	v14 =	vor.u32 $0x5, v0;
	v15 =	vor.u32 $0x805, v0;
	v16 =	vor.u32 $0x6, v0  }
0x9: {  	s8 =	ssub.s32 $0x2, s9;
	p0 =	seq.s32 s5, $0x0;
	v17 =	vor.u32 $0x806, v0;
	v19 =	vor.u32 $0x807, v0;
	s11 =	smul.u32 $0x145, s5;
	v21 =	vor.u32 $0x808, v0  }
0xa: {  	v22 =	vor.u32 $0x9, v0;
	s12 =	sshrl.u32 s8, $0x1;
	s13 =	smul.u32 $0x1450, s5;
	v23 =	vor.u32 $0x809, v0;
	v24 =	vor.u32 $0xA, v0;
	s5 =	sadd.s32 $0x600, s6  }
0xb: {  	v25 =	vor.u32 $0x80A, v0;
	v26 =	vor.u32 $0xB, v0;
	v27 =	vor.u32 $0x80B, v0;
	s14 =	ssub.s32 s8, s12;
	s8 =	simm.s32 $0x1;
	s12 =	sadd.s32 $0x800, s2  }
0xc: {  	v28 =	vor.u32 $0xC, v0;
	v29 =	vor.u32 $0x80C, v0;
	v30 =	vor.u32 $0xD, v0;
	s15 =	sadd.s32 s16, s15;
	s16 =	simm.s32 $0x80;
	s3 =	sand.u32 $0xFFF0, s1  }
0xd: {  	v31 =	vor.u32 $0x80D, v0;
	v32 =	vor.u32 $0xE, v0;
	v33 =	vor.u32 $0x80E, v0;
	s4 =	sshll.u32 s1, $0xC;
	s7 =	sshrl.u32 s3, $0x4;
	s3 =	simm.s32 $0x0  }
0xe: {  	v34 =	vor.u32 $0xF, v0;
	v35 =	vor.u32 $0x80F, v0;
	v36 =	vor.u32 $0x10, v0;
	s14 =	smax.u32 s14, $0x1;
	s4 =	sor.u32 s4, s7;
	[smem:$0x7FF] =	sst s3  }
0xf: {  	v37 =	vor.u32 $0x810, v0;
	v38 =	vor.u32 $0x11, v0;
	v39 =	vor.u32 $0x811, v0;
	s4 =	sand.u32 $0xFFFF, s4;
	_ =	strace $0x80000047;
	[dreg:$0x3] =	wrdreg s15  }
0x10: {  	v40 =	vor.u32 $0x12, v0;
	v41 =	vor.u32 $0x812, v0;
	v42 =	vor.u32 $0x13, v0;
	s7 =	sshrl.u32 s29, $0x15;
	[dreg:$0x4] =	wrdreg s31;
	p1 =	sgt.u32 s4, $0xA3  }
0x11: {  	v43 =	vor.u32 $0x813, v0;
	v44 =	vor.u32 $0x14, v0;
	v1 =	vor.u32 $0x81E, v0;
	s15 =	simm.s32 $0x7;
	[dreg:$0x5] =	wrdreg s17;
	p0 =	por !p0, !p1  }
0x12: {  	v45 =	vor.u32 $0x814, v0;
	v46 =	vor.u32 $0x15, v0;
	v47 =	vor.u32 $0x815, v0;
	s17 =	simm.s32 $0x100;
	[dreg:$0x6] =	wrdreg s18;
	[tilespmem:$0x1FF80] =	vst v1;
	p0 =	por !p0, !p0  }
0x13: {  	v48 =	vor.u32 $0x16, v0;
	v49 =	vor.u32 $0x816, v0;
	v50 =	vor.u32 $0x17, v0;
	s18 =	simm.s32 $0x2;
	[dreg:$0x7] =	wrdreg s19;
	[tilespmem:$0x1FFB0] =	vst v6;
	s10 =	simm.s32 @!p0 $0x0  }
0x14: {  	v51 =	vor.u32 $0x817, v0;
	v52 =	vor.u32 $0x18, v0;
	v3 =	vor.u32 $0x1B, v0;
	s19 =	simm.s32 $0x3;
	[dreg:$0x8] =	wrdreg s20;
	[tilespmem:$0x1FFC0] =	vst v5;
	s7 =	ssub.s32 s7, s10  }
0x15: {  	v18 =	vor.u32 $0x7, v0;
	v53 =	vor.u32 $0x818, v0;
	v7 =	vor.u32 $0x81A, v0;
	s20 =	simm.s32 $0x2100;
	[dreg:$0x9] =	wrdreg s21;
	[tilespmem:$0x1FFD0] =	vst v3;
	s10 =	smul.u32 $0x30D400, s7  }
0x16: {  	v54 =	vor.u32 $0x19, v0;
	v55 =	vor.u32 $0x819, v0;
	v56 =	vor.u32 $0x1A, v0;
	s21 =	simm.s32 $0x4;
	[dreg:$0xa] =	wrdreg s23;
	s23 =	simm.s32 $0x5;
	[tilespmem:$0x1FFE0] =	vst v7  }
0x17: {  	v20 =	vor.u32 $0x8, v0;
	v57 =	vor.u32 $0x81B, v0;
	v1 =	vor.u32 $0x1F, v0;
	[tilespmem:$0x1FFF0] =	vst v63;
	s4 =	sadd.s32 $0x27ACA00, s6;
	s6 =	sadd.s32 $0x144, s11;
	s10 =	sshrl.u32 s10, $0x3  }
0x18: {  	v58 =	vor.u32 $0x1C, v0;
	v59 =	vor.u32 $0x81C, v0;
	s11 =	sadd.s32 $0x400, s2;
	[tilespmem:$0x1FF90] =	vst v1;
	v1 =	vor.u32 $0x81F, v0;
	s7 =	sadd.s32 s5, s13;
	s30 =	sadd.s32 s4, s10  }
0x19: {  	v60 =	vor.u32 $0x1D, v0;
	v61 =	vor.u32 $0x81D, v0;
	v62 =	vor.u32 $0x1E, v0;
	[tilespmem:$0x1FFA0] =	vst v1;
	s13 =	sadd.s32 $0xC00, s2;
	s10 =	sadd.s32 $0x10, s7;
	[dreg:$0xb] =	wrdreg s30  }
.LBB2_1:
0x1a: {  	[tilespmem:s3], [sflag:$0x7] =	stream.linear.gather [hbm4b:s7+s3], $0x80, $0x38;
	[tilespmem:$0x4100] =	vst v63  }
0x1b: {  	_ =	swait.ge [sflag:s15], $0x80  }
0x1c: {  	[sflag:s15] =	ssyncset.done $0x0  }
0x1d: {  	s0 =	rddreg [dreg:$0xb];
	[sflag:s15] =	ssyncadd.s32 $0xFFFFFF80  }
0x1e: {  	[tilespmem:s17], [sflag:$0x3] =	stream.indirect.gather [hbm4b:s0+s16], $0x20, s3, s16, $0xb8;
	[tilespmem:$0x4100] =	vst v63  }
0x1f: {  	s26 =	simm.s32 $0x0  }
0x20: {  	[tilespmem:s16], [sflag:$0x2] =	stream.linear.gather [hbm4b:s10+s3], $0x80, $0x38;
	[tilespmem:$0x4100] =	vst v63  }
.LBB2_2:
0x21: {  	s28 =	rddreg [dreg:$0x3]  }
0x22: {  	s29 =	sadd.s32 s26, s28  }
0x23: {  	s30 =	sadd.s32 $0x1, s29  }
0x24: {  	s28 =	smov.u32 s6;
	p0 =	slt.s32 s30, s6  }
0x25: {  	s28 =	smov.u32 @p0 s30  }
0x26: {  	s30 =	smulhi.u32 $0x51EB851F, s28;
	_ =	sdelay $0x1  }
0x27: {  	_ =	swait.ge [sflag:s18], $0x80;
	s30 =	sshrl.u32 s30, $0x7  }
0x28: {  	s0 =	rddreg [dreg:$0x4];
	s31 =	sadd.s32 $0x2, s29;
	s1 =	smul.u32 $0x61A80, s30  }
0x29: {  	[sflag:s18] =	ssyncset.done $0x0;
	p0 =	slt.s32 s31, s6;
	s30 =	smov.u32 s6  }
0x2a: {  	[sflag:s18] =	ssyncadd.s32 $0xFFFFFF80;
	s30 =	smov.u32 @p0 s31;
	s1 =	sadd.s32 s4, s1  }
0x2b: {  	[tilespmem:s0], [sflag:$0x4] =	stream.indirect.gather [hbm4b:s1+s16], $0x20, s16, s16, $0xb8;
	[tilespmem:$0x4100] =	vst v63  }
0x2c: {  	s1 =	sshll.u32 s30, $0x4;
	_ =	swait.ge [sflag:s19], $0x1000  }
0x2d: {  	s0 =	sand.u32 $0x1FFFFFF0, s1;
	[sflag:s19] =	ssyncset.done $0x0  }
0x2e: {  	p0 =	seq.s32 s26, $0x0;
	s0 =	sadd.s32 s5, s0;
	[sflag:s19] =	ssyncadd.s32 $0xFFFFF000  }
0x2f: {  	[tilespmem:s3], [sflag:$0x1] =	stream.linear.gather [hbm4b:s0+s3], $0x80, $0x38;
	[tilespmem:$0x4100] =	vst v63  }
0x30: {  	s0 =	simm.s32 @!p0 $0x5  }
0x31: {  	_ =	swait.ge @!p0 [sflag:s0], $0x1000  }
0x32: {  	[sflag:s0] =	ssyncset.done @!p0 $0x0  }
0x33: {  	[sflag:s0] =	ssyncadd.s32 @!p0 $0xFFFFF000  }
0x34: {  	v1 =	vld [tilespmem:$0x100]  }
0x35: {  	v2 =	vld [tilespmem:$0x110];
	_ =	sdelay $0x1  }
0x36: {  	v3 =	vld [tilespmem:$0x120]  }
0x37: {  	v4 =	vld [tilespmem:$0x130]  }
0x38: {  	[tilespmem:v0+s20+$0x0] =	vst.idx.msk $0xffff, v1  }
0x39: {  	[tilespmem:v5+s20+$0x0] =	vst.idx.msk $0xffff, v2  }
0x3a: {  	v1 =	vld [tilespmem:$0x140]  }
0x3b: {  	v2 =	vld [tilespmem:$0x150];
	[tilespmem:v6+s20+$0x0] =	vst.idx.msk $0xffff, v3  }
0x3c: {  	[tilespmem:v63+s20+$0x0] =	vst.idx.msk $0xffff, v4  }
0x3d: {  	v3 =	vld [tilespmem:$0x160]  }
0x3e: {  	v4 =	vld [tilespmem:$0x170]  }
0x3f: {  	[tilespmem:v8+s20+$0x0] =	vst.idx.msk $0xffff, v1  }
0x40: {  	[tilespmem:v9+s20+$0x0] =	vst.idx.msk $0xffff, v2  }
0x41: {  	v1 =	vld [tilespmem:$0x180]  }
0x42: {  	v2 =	vld [tilespmem:$0x190];
	[tilespmem:v10+s20+$0x0] =	vst.idx.msk $0xffff, v3  }
0x43: {  	[tilespmem:v11+s20+$0x0] =	vst.idx.msk $0xffff, v4  }
0x44: {  	v3 =	vld [tilespmem:$0x1A0]  }
0x45: {  	v4 =	vld [tilespmem:$0x1B0]  }
0x46: {  	[tilespmem:v12+s20+$0x0] =	vst.idx.msk $0xffff, v1  }
0x47: {  	[tilespmem:v13+s20+$0x0] =	vst.idx.msk $0xffff, v2  }
0x48: {  	v1 =	vld [tilespmem:$0x1C0]  }
0x49: {  	v2 =	vld [tilespmem:$0x1D0];
	[tilespmem:v14+s20+$0x0] =	vst.idx.msk $0xffff, v3  }
0x4a: {  	[tilespmem:v15+s20+$0x0] =	vst.idx.msk $0xffff, v4  }
0x4b: {  	v3 =	vld [tilespmem:$0x1E0]  }
0x4c: {  	v4 =	vld [tilespmem:$0x1F0]  }
0x4d: {  	[tilespmem:v16+s20+$0x0] =	vst.idx.msk $0xffff, v1  }
0x4e: {  	[tilespmem:v17+s20+$0x0] =	vst.idx.msk $0xffff, v2  }
0x4f: {  	v1 =	vld [tilespmem:$0x200]  }
0x50: {  	v2 =	vld [tilespmem:$0x210];
	[tilespmem:v18+s20+$0x0] =	vst.idx.msk $0xffff, v3  }
0x51: {  	[tilespmem:v19+s20+$0x0] =	vst.idx.msk $0xffff, v4  }
0x52: {  	v3 =	vld [tilespmem:$0x220]  }
0x53: {  	v4 =	vld [tilespmem:$0x230]  }
0x54: {  	[tilespmem:v20+s20+$0x0] =	vst.idx.msk $0xffff, v1  }
0x55: {  	[tilespmem:v21+s20+$0x0] =	vst.idx.msk $0xffff, v2  }
0x56: {  	v1 =	vld [tilespmem:$0x240]  }
0x57: {  	v2 =	vld [tilespmem:$0x250];
	[tilespmem:v22+s20+$0x0] =	vst.idx.msk $0xffff, v3  }
0x58: {  	[tilespmem:v23+s20+$0x0] =	vst.idx.msk $0xffff, v4  }
0x59: {  	v3 =	vld [tilespmem:$0x260]  }
0x5a: {  	v4 =	vld [tilespmem:$0x270]  }
0x5b: {  	[tilespmem:v24+s20+$0x0] =	vst.idx.msk $0xffff, v1  }
0x5c: {  	[tilespmem:v25+s20+$0x0] =	vst.idx.msk $0xffff, v2  }
0x5d: {  	v1 =	vld [tilespmem:$0x280]  }
0x5e: {  	v2 =	vld [tilespmem:$0x290];
	[tilespmem:v26+s20+$0x0] =	vst.idx.msk $0xffff, v3  }
0x5f: {  	[tilespmem:v27+s20+$0x0] =	vst.idx.msk $0xffff, v4  }
0x60: {  	v3 =	vld [tilespmem:$0x2A0]  }
0x61: {  	v4 =	vld [tilespmem:$0x2B0]  }
0x62: {  	[tilespmem:v28+s20+$0x0] =	vst.idx.msk $0xffff, v1  }
0x63: {  	[tilespmem:v29+s20+$0x0] =	vst.idx.msk $0xffff, v2  }
0x64: {  	v1 =	vld [tilespmem:$0x2C0]  }
0x65: {  	v2 =	vld [tilespmem:$0x2D0];
	[tilespmem:v30+s20+$0x0] =	vst.idx.msk $0xffff, v3  }
0x66: {  	[tilespmem:v31+s20+$0x0] =	vst.idx.msk $0xffff, v4  }
0x67: {  	v3 =	vld [tilespmem:$0x2E0]  }
0x68: {  	v4 =	vld [tilespmem:$0x2F0]  }
0x69: {  	[tilespmem:v32+s20+$0x0] =	vst.idx.msk $0xffff, v1  }
0x6a: {  	[tilespmem:v33+s20+$0x0] =	vst.idx.msk $0xffff, v2  }
0x6b: {  	v1 =	vld [tilespmem:$0x300]  }
0x6c: {  	v2 =	vld [tilespmem:$0x310];
	[tilespmem:v34+s20+$0x0] =	vst.idx.msk $0xffff, v3  }
0x6d: {  	[tilespmem:v35+s20+$0x0] =	vst.idx.msk $0xffff, v4  }
0x6e: {  	v3 =	vld [tilespmem:$0x320]  }
0x6f: {  	v4 =	vld [tilespmem:$0x330]  }
0x70: {  	[tilespmem:v36+s20+$0x0] =	vst.idx.msk $0xffff, v1  }
0x71: {  	[tilespmem:v37+s20+$0x0] =	vst.idx.msk $0xffff, v2  }
0x72: {  	v1 =	vld [tilespmem:$0x340]  }
0x73: {  	v2 =	vld [tilespmem:$0x350];
	[tilespmem:v38+s20+$0x0] =	vst.idx.msk $0xffff, v3  }
0x74: {  	[tilespmem:v39+s20+$0x0] =	vst.idx.msk $0xffff, v4  }
0x75: {  	v3 =	vld [tilespmem:$0x360]  }
0x76: {  	v4 =	vld [tilespmem:$0x370]  }
0x77: {  	[tilespmem:v40+s20+$0x0] =	vst.idx.msk $0xffff, v1  }
0x78: {  	[tilespmem:v41+s20+$0x0] =	vst.idx.msk $0xffff, v2  }
0x79: {  	v1 =	vld [tilespmem:$0x380]  }
0x7a: {  	v2 =	vld [tilespmem:$0x390];
	[tilespmem:v42+s20+$0x0] =	vst.idx.msk $0xffff, v3  }
0x7b: {  	[tilespmem:v43+s20+$0x0] =	vst.idx.msk $0xffff, v4  }
0x7c: {  	v3 =	vld [tilespmem:$0x3A0]  }
0x7d: {  	v4 =	vld [tilespmem:$0x3B0]  }
0x7e: {  	[tilespmem:v44+s20+$0x0] =	vst.idx.msk $0xffff, v1  }
0x7f: {  	[tilespmem:v45+s20+$0x0] =	vst.idx.msk $0xffff, v2  }
0x80: {  	v1 =	vld [tilespmem:$0x3C0]  }
0x81: {  	v2 =	vld [tilespmem:$0x3D0];
	[tilespmem:v46+s20+$0x0] =	vst.idx.msk $0xffff, v3  }
0x82: {  	[tilespmem:v47+s20+$0x0] =	vst.idx.msk $0xffff, v4  }
0x83: {  	v3 =	vld [tilespmem:$0x3E0]  }
0x84: {  	v4 =	vld [tilespmem:$0x3F0]  }
0x85: {  	[tilespmem:v48+s20+$0x0] =	vst.idx.msk $0xffff, v1  }
0x86: {  	[tilespmem:v49+s20+$0x0] =	vst.idx.msk $0xffff, v2  }
0x87: {  	v1 =	vld [tilespmem:$0x400]  }
0x88: {  	v2 =	vld [tilespmem:$0x410];
	[tilespmem:v50+s20+$0x0] =	vst.idx.msk $0xffff, v3  }
0x89: {  	[tilespmem:v51+s20+$0x0] =	vst.idx.msk $0xffff, v4  }
0x8a: {  	v3 =	vld [tilespmem:$0x420]  }
0x8b: {  	v4 =	vld [tilespmem:$0x430]  }
0x8c: {  	[tilespmem:v52+s20+$0x0] =	vst.idx.msk $0xffff, v1  }
0x8d: {  	v5 =	vld [tilespmem:$0x1FFD0];
	[tilespmem:v53+s20+$0x0] =	vst.idx.msk $0xffff, v2  }
0x8e: {  	v1 =	vld [tilespmem:$0x440]  }
0x8f: {  	v2 =	vld [tilespmem:$0x450];
	[tilespmem:v54+s20+$0x0] =	vst.idx.msk $0xffff, v3  }
0x90: {  	[tilespmem:v55+s20+$0x0] =	vst.idx.msk $0xffff, v4  }
0x91: {  	v3 =	vld [tilespmem:$0x460]  }
0x92: {  	v4 =	vld [tilespmem:$0x470]  }
0x93: {  	[tilespmem:v56+s20+$0x0] =	vst.idx.msk $0xffff, v1  }
0x94: {  	[tilespmem:v7+s20+$0x0] =	vst.idx.msk $0xffff, v2  }
0x95: {  	v1 =	vld [tilespmem:$0x480]  }
0x96: {  	v2 =	vld [tilespmem:$0x490];
	[tilespmem:v5+s20+$0x0] =	vst.idx.msk $0xffff, v3  }
0x97: {  	[tilespmem:v57+s20+$0x0] =	vst.idx.msk $0xffff, v4  }
0x98: {  	v3 =	vld [tilespmem:$0x4A0]  }
0x99: {  	v4 =	vld [tilespmem:$0x4B0]  }
0x9a: {  	[tilespmem:v58+s20+$0x0] =	vst.idx.msk $0xffff, v1  }
0x9b: {  	[tilespmem:v59+s20+$0x0] =	vst.idx.msk $0xffff, v2  }
0x9c: {  	v1 =	vld [tilespmem:$0x4C0]  }
0x9d: {  	v2 =	vld [tilespmem:$0x4D0];
	[tilespmem:v60+s20+$0x0] =	vst.idx.msk $0xffff, v3  }
0x9e: {  	[tilespmem:v61+s20+$0x0] =	vst.idx.msk $0xffff, v4  }
0x9f: {  	v3 =	vld [tilespmem:$0x4E0]  }
0xa0: {  	v4 =	vld [tilespmem:$0x4F0]  }
0xa1: {  	[tilespmem:v62+s20+$0x0] =	vst.idx.msk $0xffff, v1;
	v1 =	vld [tilespmem:$0x1FF80];
	_ =	sdelay $0x2  }
0xa2: {  	v6 =	vld [tilespmem:$0x1FF90];
	_ =	sdelay $0x4  }
0xa3: {  	[tilespmem:v1+s20+$0x0] =	vst.idx.msk $0xffff, v2  }
0xa4: {  	v1 =	vld [tilespmem:$0x500]  }
0xa5: {  	v2 =	vld [tilespmem:$0x510]  }
0xa6: {  	[tilespmem:v6+s20+$0x0] =	vst.idx.msk $0xffff, v3;
	v3 =	vld [tilespmem:$0x1FFA0];
	_ =	sdelay $0x4  }
0xa7: {  	v7 =	vor.u32 $0x21, v0;
	v5 =	vor.u32 $0x20, v0  }
0xa8: {  	[tilespmem:$0x1F3B0] =	vst v7  }
0xa9: {  	[tilespmem:$0x1F390] =	vst v5;
	v6 =	vor.u32 $0x820, v0  }
0xaa: {  	[tilespmem:v3+s20+$0x0] =	vst.idx.msk $0xffff, v4  }
0xab: {  	[tilespmem:$0x1F3A0] =	vst v6;
	v3 =	vld [tilespmem:$0x520]  }
0xac: {  	v4 =	vld [tilespmem:$0x530];
	[tilespmem:v5+s20+$0x0] =	vst.idx.msk $0xffff, v1;
	v5 =	vor.u32 $0x821, v0  }
0xad: {  	[tilespmem:$0x1F3C0] =	vst v5  }
0xae: {  	[tilespmem:v6+s20+$0x0] =	vst.idx.msk $0xffff, v2;
	v6 =	vor.u32 $0x22, v0  }
0xaf: {  	v1 =	vld [tilespmem:$0x540];
	[tilespmem:$0x1F3D0] =	vst v6  }
0xb0: {  	v2 =	vld [tilespmem:$0x550];
	[tilespmem:v7+s20+$0x0] =	vst.idx.msk $0xffff, v3;
	v7 =	vor.u32 $0x822, v0  }
0xb1: {  	[tilespmem:$0x1F3E0] =	vst v7  }
0xb2: {  	[tilespmem:v5+s20+$0x0] =	vst.idx.msk $0xffff, v4;
	v5 =	vor.u32 $0x23, v0  }
0xb3: {  	v3 =	vld [tilespmem:$0x560];
	[tilespmem:$0x1F3F0] =	vst v5  }
0xb4: {  	v4 =	vld [tilespmem:$0x570];
	[tilespmem:v6+s20+$0x0] =	vst.idx.msk $0xffff, v1;
	v6 =	vor.u32 $0x823, v0  }
0xb5: {  	[tilespmem:$0x1F400] =	vst v6  }
0xb6: {  	[tilespmem:v7+s20+$0x0] =	vst.idx.msk $0xffff, v2;
	v7 =	vor.u32 $0x24, v0  }
0xb7: {  	v1 =	vld [tilespmem:$0x580];
	[tilespmem:$0x1F410] =	vst v7  }
0xb8: {  	v2 =	vld [tilespmem:$0x590];
	[tilespmem:v5+s20+$0x0] =	vst.idx.msk $0xffff, v3;
	v5 =	vor.u32 $0x824, v0  }
0xb9: {  	[tilespmem:$0x1F420] =	vst v5  }
0xba: {  	[tilespmem:v6+s20+$0x0] =	vst.idx.msk $0xffff, v4;
	v6 =	vor.u32 $0x25, v0  }
0xbb: {  	v3 =	vld [tilespmem:$0x5A0];
	[tilespmem:$0x1F430] =	vst v6  }
0xbc: {  	v4 =	vld [tilespmem:$0x5B0];
	[tilespmem:v7+s20+$0x0] =	vst.idx.msk $0xffff, v1;
	v7 =	vor.u32 $0x825, v0  }
0xbd: {  	[tilespmem:$0x1F440] =	vst v7  }
0xbe: {  	[tilespmem:v5+s20+$0x0] =	vst.idx.msk $0xffff, v2;
	v5 =	vor.u32 $0x26, v0  }
0xbf: {  	v1 =	vld [tilespmem:$0x5C0];
	[tilespmem:$0x1F450] =	vst v5  }
0xc0: {  	v2 =	vld [tilespmem:$0x5D0];
	[tilespmem:v6+s20+$0x0] =	vst.idx.msk $0xffff, v3;
	v6 =	vor.u32 $0x826, v0  }
0xc1: {  	[tilespmem:$0x1F460] =	vst v6  }
0xc2: {  	[tilespmem:v7+s20+$0x0] =	vst.idx.msk $0xffff, v4;
	v7 =	vor.u32 $0x27, v0  }
0xc3: {  	v3 =	vld [tilespmem:$0x5E0];
	[tilespmem:$0x1F470] =	vst v7  }
0xc4: {  	v4 =	vld [tilespmem:$0x5F0];
	[tilespmem:v5+s20+$0x0] =	vst.idx.msk $0xffff, v1;
	v5 =	vor.u32 $0x827, v0  }
0xc5: {  	[tilespmem:$0x1F480] =	vst v5  }
0xc6: {  	[tilespmem:v6+s20+$0x0] =	vst.idx.msk $0xffff, v2;
	v6 =	vor.u32 $0x28, v0  }
0xc7: {  	v1 =	vld [tilespmem:$0x600];
	[tilespmem:$0x1F490] =	vst v6  }
0xc8: {  	v2 =	vld [tilespmem:$0x610];
	[tilespmem:v7+s20+$0x0] =	vst.idx.msk $0xffff, v3;
	v7 =	vor.u32 $0x828, v0  }
0xc9: {  	[tilespmem:$0x1F4A0] =	vst v7  }
0xca: {  	[tilespmem:v5+s20+$0x0] =	vst.idx.msk $0xffff, v4;
	v5 =	vor.u32 $0x29, v0  }
0xcb: {  	v3 =	vld [tilespmem:$0x620];
	[tilespmem:$0x1F4B0] =	vst v5  }
0xcc: {  	v4 =	vld [tilespmem:$0x630];
	[tilespmem:v6+s20+$0x0] =	vst.idx.msk $0xffff, v1;
	v6 =	vor.u32 $0x829, v0  }
0xcd: {  	[tilespmem:$0x1F4C0] =	vst v6  }
0xce: {  	[tilespmem:v7+s20+$0x0] =	vst.idx.msk $0xffff, v2;
	v7 =	vor.u32 $0x2A, v0  }
0xcf: {  	v1 =	vld [tilespmem:$0x640];
	[tilespmem:$0x1F4D0] =	vst v7  }
0xd0: {  	v2 =	vld [tilespmem:$0x650];
	[tilespmem:v5+s20+$0x0] =	vst.idx.msk $0xffff, v3;
	v5 =	vor.u32 $0x82A, v0  }
0xd1: {  	[tilespmem:$0x1F4E0] =	vst v5  }
0xd2: {  	[tilespmem:v6+s20+$0x0] =	vst.idx.msk $0xffff, v4;
	v6 =	vor.u32 $0x2B, v0  }
0xd3: {  	v3 =	vld [tilespmem:$0x660];
	[tilespmem:$0x1F4F0] =	vst v6  }
0xd4: {  	v4 =	vld [tilespmem:$0x670];
	[tilespmem:v7+s20+$0x0] =	vst.idx.msk $0xffff, v1;
	v7 =	vor.u32 $0x82B, v0  }
0xd5: {  	[tilespmem:$0x1F500] =	vst v7  }
0xd6: {  	[tilespmem:v5+s20+$0x0] =	vst.idx.msk $0xffff, v2;
	v5 =	vor.u32 $0x2C, v0  }
0xd7: {  	v1 =	vld [tilespmem:$0x680];
	[tilespmem:$0x1F510] =	vst v5  }
0xd8: {  	v2 =	vld [tilespmem:$0x690];
	[tilespmem:v6+s20+$0x0] =	vst.idx.msk $0xffff, v3;
	v6 =	vor.u32 $0x82C, v0  }
0xd9: {  	[tilespmem:$0x1F520] =	vst v6  }
0xda: {  	[tilespmem:v7+s20+$0x0] =	vst.idx.msk $0xffff, v4;
	v7 =	vor.u32 $0x2D, v0  }
0xdb: {  	v3 =	vld [tilespmem:$0x6A0];
	[tilespmem:$0x1F530] =	vst v7  }
0xdc: {  	v4 =	vld [tilespmem:$0x6B0];
	[tilespmem:v5+s20+$0x0] =	vst.idx.msk $0xffff, v1;
	v5 =	vor.u32 $0x82D, v0  }
0xdd: {  	[tilespmem:$0x1F540] =	vst v5  }
0xde: {  	[tilespmem:v6+s20+$0x0] =	vst.idx.msk $0xffff, v2;
	v6 =	vor.u32 $0x2E, v0  }
0xdf: {  	v1 =	vld [tilespmem:$0x6C0];
	[tilespmem:$0x1F550] =	vst v6  }
0xe0: {  	v2 =	vld [tilespmem:$0x6D0];
	[tilespmem:v7+s20+$0x0] =	vst.idx.msk $0xffff, v3;
	v7 =	vor.u32 $0x82E, v0  }
0xe1: {  	[tilespmem:$0x1F560] =	vst v7  }
0xe2: {  	[tilespmem:v5+s20+$0x0] =	vst.idx.msk $0xffff, v4;
	v5 =	vor.u32 $0x2F, v0  }
0xe3: {  	v3 =	vld [tilespmem:$0x6E0];
	[tilespmem:$0x1F570] =	vst v5  }
0xe4: {  	v4 =	vld [tilespmem:$0x6F0];
	[tilespmem:v6+s20+$0x0] =	vst.idx.msk $0xffff, v1;
	v6 =	vor.u32 $0x82F, v0  }
0xe5: {  	[tilespmem:$0x1F580] =	vst v6  }
0xe6: {  	[tilespmem:v7+s20+$0x0] =	vst.idx.msk $0xffff, v2;
	v7 =	vor.u32 $0x30, v0  }
0xe7: {  	v1 =	vld [tilespmem:$0x700];
	[tilespmem:$0x1F590] =	vst v7  }
0xe8: {  	v2 =	vld [tilespmem:$0x710];
	[tilespmem:v5+s20+$0x0] =	vst.idx.msk $0xffff, v3;
	v5 =	vor.u32 $0x830, v0  }
0xe9: {  	[tilespmem:$0x1F5A0] =	vst v5  }
0xea: {  	[tilespmem:v6+s20+$0x0] =	vst.idx.msk $0xffff, v4;
	v6 =	vor.u32 $0x31, v0  }
0xeb: {  	v3 =	vld [tilespmem:$0x720];
	[tilespmem:$0x1F5B0] =	vst v6  }
0xec: {  	v4 =	vld [tilespmem:$0x730];
	[tilespmem:v7+s20+$0x0] =	vst.idx.msk $0xffff, v1;
	v7 =	vor.u32 $0x831, v0  }
0xed: {  	[tilespmem:$0x1F5C0] =	vst v7  }
0xee: {  	[tilespmem:v5+s20+$0x0] =	vst.idx.msk $0xffff, v2;
	v5 =	vor.u32 $0x32, v0  }
0xef: {  	v1 =	vld [tilespmem:$0x740];
	[tilespmem:$0x1F5D0] =	vst v5  }
0xf0: {  	v2 =	vld [tilespmem:$0x750];
	[tilespmem:v6+s20+$0x0] =	vst.idx.msk $0xffff, v3;
	v6 =	vor.u32 $0x832, v0  }
0xf1: {  	[tilespmem:$0x1F5E0] =	vst v6  }
0xf2: {  	[tilespmem:v7+s20+$0x0] =	vst.idx.msk $0xffff, v4;
	v7 =	vor.u32 $0x33, v0  }
0xf3: {  	v3 =	vld [tilespmem:$0x760];
	[tilespmem:$0x1F5F0] =	vst v7  }
0xf4: {  	v4 =	vld [tilespmem:$0x770];
	[tilespmem:v5+s20+$0x0] =	vst.idx.msk $0xffff, v1;
	v5 =	vor.u32 $0x833, v0  }
0xf5: {  	[tilespmem:$0x1F600] =	vst v5  }
0xf6: {  	[tilespmem:v6+s20+$0x0] =	vst.idx.msk $0xffff, v2;
	v6 =	vor.u32 $0x34, v0  }
0xf7: {  	v1 =	vld [tilespmem:$0x780];
	[tilespmem:$0x1F610] =	vst v6  }
0xf8: {  	v2 =	vld [tilespmem:$0x790];
	[tilespmem:v7+s20+$0x0] =	vst.idx.msk $0xffff, v3;
	v7 =	vor.u32 $0x834, v0  }
0xf9: {  	[tilespmem:$0x1F620] =	vst v7  }
0xfa: {  	[tilespmem:v5+s20+$0x0] =	vst.idx.msk $0xffff, v4;
	v5 =	vor.u32 $0x35, v0  }
0xfb: {  	v3 =	vld [tilespmem:$0x7A0];
	[tilespmem:$0x1F630] =	vst v5  }
0xfc: {  	v4 =	vld [tilespmem:$0x7B0];
	[tilespmem:v6+s20+$0x0] =	vst.idx.msk $0xffff, v1;
	v6 =	vor.u32 $0x835, v0  }
0xfd: {  	[tilespmem:$0x1F640] =	vst v6  }
0xfe: {  	[tilespmem:v7+s20+$0x0] =	vst.idx.msk $0xffff, v2;
	v7 =	vor.u32 $0x36, v0  }
0xff: {  	v1 =	vld [tilespmem:$0x7C0];
	[tilespmem:$0x1F650] =	vst v7  }
0x100: {  	v2 =	vld [tilespmem:$0x7D0];
	[tilespmem:v5+s20+$0x0] =	vst.idx.msk $0xffff, v3;
	v5 =	vor.u32 $0x836, v0  }
0x101: {  	[tilespmem:$0x1F660] =	vst v5  }
0x102: {  	[tilespmem:v6+s20+$0x0] =	vst.idx.msk $0xffff, v4;
	v6 =	vor.u32 $0x37, v0  }
0x103: {  	v3 =	vld [tilespmem:$0x7E0];
	[tilespmem:$0x1F670] =	vst v6  }
0x104: {  	v4 =	vld [tilespmem:$0x7F0];
	[tilespmem:v7+s20+$0x0] =	vst.idx.msk $0xffff, v1;
	v7 =	vor.u32 $0x837, v0  }
0x105: {  	[tilespmem:$0x1F680] =	vst v7  }
0x106: {  	[tilespmem:v5+s20+$0x0] =	vst.idx.msk $0xffff, v2;
	v5 =	vor.u32 $0x38, v0  }
0x107: {  	v1 =	vld [tilespmem:$0x800];
	[tilespmem:$0x1F690] =	vst v5  }
0x108: {  	v2 =	vld [tilespmem:$0x810];
	[tilespmem:v6+s20+$0x0] =	vst.idx.msk $0xffff, v3;
	v6 =	vor.u32 $0x838, v0  }
0x109: {  	[tilespmem:$0x1F6A0] =	vst v6  }
0x10a: {  	[tilespmem:v7+s20+$0x0] =	vst.idx.msk $0xffff, v4;
	v7 =	vor.u32 $0x39, v0  }
0x10b: {  	v3 =	vld [tilespmem:$0x820];
	[tilespmem:$0x1F6B0] =	vst v7  }
0x10c: {  	v4 =	vld [tilespmem:$0x830];
	[tilespmem:v5+s20+$0x0] =	vst.idx.msk $0xffff, v1;
	v5 =	vor.u32 $0x839, v0  }
0x10d: {  	[tilespmem:$0x1F6C0] =	vst v5  }
0x10e: {  	[tilespmem:v6+s20+$0x0] =	vst.idx.msk $0xffff, v2;
	v6 =	vor.u32 $0x3A, v0  }
0x10f: {  	v1 =	vld [tilespmem:$0x840];
	[tilespmem:$0x1F6D0] =	vst v6  }
0x110: {  	v2 =	vld [tilespmem:$0x850];
	[tilespmem:v7+s20+$0x0] =	vst.idx.msk $0xffff, v3;
	v7 =	vor.u32 $0x83A, v0  }
0x111: {  	[tilespmem:$0x1F6E0] =	vst v7  }
0x112: {  	[tilespmem:v5+s20+$0x0] =	vst.idx.msk $0xffff, v4;
	v5 =	vor.u32 $0x3B, v0  }
0x113: {  	v3 =	vld [tilespmem:$0x860];
	[tilespmem:$0x1F6F0] =	vst v5  }
0x114: {  	v4 =	vld [tilespmem:$0x870];
	[tilespmem:v6+s20+$0x0] =	vst.idx.msk $0xffff, v1;
	v6 =	vor.u32 $0x83B, v0  }
0x115: {  	[tilespmem:$0x1F700] =	vst v6  }
0x116: {  	[tilespmem:v7+s20+$0x0] =	vst.idx.msk $0xffff, v2;
	v7 =	vor.u32 $0x3C, v0  }
0x117: {  	v1 =	vld [tilespmem:$0x880];
	[tilespmem:$0x1F710] =	vst v7  }
0x118: {  	v2 =	vld [tilespmem:$0x890];
	[tilespmem:v5+s20+$0x0] =	vst.idx.msk $0xffff, v3;
	v5 =	vor.u32 $0x83C, v0  }
0x119: {  	[tilespmem:$0x1F720] =	vst v5  }
0x11a: {  	[tilespmem:v6+s20+$0x0] =	vst.idx.msk $0xffff, v4;
	v6 =	vor.u32 $0x3D, v0  }
0x11b: {  	v3 =	vld [tilespmem:$0x8A0];
	[tilespmem:$0x1F730] =	vst v6  }
0x11c: {  	v4 =	vld [tilespmem:$0x8B0];
	[tilespmem:v7+s20+$0x0] =	vst.idx.msk $0xffff, v1;
	v7 =	vor.u32 $0x83D, v0  }
0x11d: {  	[tilespmem:$0x1F740] =	vst v7  }
0x11e: {  	[tilespmem:v5+s20+$0x0] =	vst.idx.msk $0xffff, v2;
	v5 =	vor.u32 $0x3E, v0  }
0x11f: {  	v1 =	vld [tilespmem:$0x8C0];
	[tilespmem:$0x1F750] =	vst v5  }
0x120: {  	v2 =	vld [tilespmem:$0x8D0];
	[tilespmem:v6+s20+$0x0] =	vst.idx.msk $0xffff, v3;
	v6 =	vor.u32 $0x83E, v0  }
0x121: {  	[tilespmem:$0x1F760] =	vst v6  }
0x122: {  	[tilespmem:v7+s20+$0x0] =	vst.idx.msk $0xffff, v4;
	v7 =	vor.u32 $0x3F, v0  }
0x123: {  	v3 =	vld [tilespmem:$0x8E0];
	[tilespmem:$0x1F770] =	vst v7  }
0x124: {  	v4 =	vld [tilespmem:$0x8F0];
	[tilespmem:v5+s20+$0x0] =	vst.idx.msk $0xffff, v1;
	v5 =	vor.u32 $0x83F, v0  }
0x125: {  	[tilespmem:$0x1F780] =	vst v5  }
0x126: {  	[tilespmem:v6+s20+$0x0] =	vst.idx.msk $0xffff, v2;
	v6 =	vor.u32 $0x40, v0  }
0x127: {  	v1 =	vld [tilespmem:$0x900];
	[tilespmem:$0x1F790] =	vst v6  }
0x128: {  	v2 =	vld [tilespmem:$0x910];
	[tilespmem:v7+s20+$0x0] =	vst.idx.msk $0xffff, v3;
	v7 =	vor.u32 $0x840, v0  }
0x129: {  	[tilespmem:$0x1F7A0] =	vst v7  }
0x12a: {  	[tilespmem:v5+s20+$0x0] =	vst.idx.msk $0xffff, v4;
	v5 =	vor.u32 $0x41, v0  }
0x12b: {  	v3 =	vld [tilespmem:$0x920];
	[tilespmem:$0x1F7B0] =	vst v5  }
0x12c: {  	v4 =	vld [tilespmem:$0x930];
	[tilespmem:v6+s20+$0x0] =	vst.idx.msk $0xffff, v1;
	v6 =	vor.u32 $0x841, v0  }
0x12d: {  	[tilespmem:$0x1F7C0] =	vst v6  }
0x12e: {  	[tilespmem:v7+s20+$0x0] =	vst.idx.msk $0xffff, v2;
	v7 =	vor.u32 $0x42, v0  }
0x12f: {  	v1 =	vld [tilespmem:$0x940];
	[tilespmem:$0x1F7D0] =	vst v7  }
0x130: {  	v2 =	vld [tilespmem:$0x950];
	[tilespmem:v5+s20+$0x0] =	vst.idx.msk $0xffff, v3;
	v5 =	vor.u32 $0x842, v0  }
0x131: {  	[tilespmem:$0x1F7E0] =	vst v5  }
0x132: {  	[tilespmem:v6+s20+$0x0] =	vst.idx.msk $0xffff, v4;
	v6 =	vor.u32 $0x43, v0  }
0x133: {  	v3 =	vld [tilespmem:$0x960];
	[tilespmem:$0x1F7F0] =	vst v6  }
0x134: {  	v4 =	vld [tilespmem:$0x970];
	[tilespmem:v7+s20+$0x0] =	vst.idx.msk $0xffff, v1;
	v7 =	vor.u32 $0x843, v0  }
0x135: {  	[tilespmem:$0x1F800] =	vst v7  }
0x136: {  	[tilespmem:v5+s20+$0x0] =	vst.idx.msk $0xffff, v2;
	v5 =	vor.u32 $0x44, v0  }
0x137: {  	v1 =	vld [tilespmem:$0x980];
	[tilespmem:$0x1F810] =	vst v5  }
0x138: {  	v2 =	vld [tilespmem:$0x990];
	[tilespmem:v6+s20+$0x0] =	vst.idx.msk $0xffff, v3;
	v6 =	vor.u32 $0x844, v0  }
0x139: {  	[tilespmem:$0x1F820] =	vst v6  }
0x13a: {  	[tilespmem:v7+s20+$0x0] =	vst.idx.msk $0xffff, v4;
	v7 =	vor.u32 $0x45, v0  }
0x13b: {  	v3 =	vld [tilespmem:$0x9A0];
	[tilespmem:$0x1F830] =	vst v7  }
0x13c: {  	v4 =	vld [tilespmem:$0x9B0];
	[tilespmem:v5+s20+$0x0] =	vst.idx.msk $0xffff, v1;
	v5 =	vor.u32 $0x845, v0  }
0x13d: {  	[tilespmem:$0x1F840] =	vst v5  }
0x13e: {  	[tilespmem:v6+s20+$0x0] =	vst.idx.msk $0xffff, v2;
	v6 =	vor.u32 $0x46, v0  }
0x13f: {  	v1 =	vld [tilespmem:$0x9C0];
	[tilespmem:$0x1F850] =	vst v6  }
0x140: {  	v2 =	vld [tilespmem:$0x9D0];
	[tilespmem:v7+s20+$0x0] =	vst.idx.msk $0xffff, v3;
	v7 =	vor.u32 $0x846, v0  }
0x141: {  	[tilespmem:$0x1F860] =	vst v7  }
0x142: {  	[tilespmem:v5+s20+$0x0] =	vst.idx.msk $0xffff, v4;
	v5 =	vor.u32 $0x47, v0  }
0x143: {  	v3 =	vld [tilespmem:$0x9E0];
	[tilespmem:$0x1F870] =	vst v5  }
0x144: {  	v4 =	vld [tilespmem:$0x9F0];
	[tilespmem:v6+s20+$0x0] =	vst.idx.msk $0xffff, v1;
	v6 =	vor.u32 $0x847, v0  }
0x145: {  	[tilespmem:$0x1F880] =	vst v6  }
0x146: {  	[tilespmem:v7+s20+$0x0] =	vst.idx.msk $0xffff, v2;
	v7 =	vor.u32 $0x48, v0  }
0x147: {  	v1 =	vld [tilespmem:$0xA00];
	[tilespmem:$0x1F890] =	vst v7  }
0x148: {  	v2 =	vld [tilespmem:$0xA10];
	[tilespmem:v5+s20+$0x0] =	vst.idx.msk $0xffff, v3;
	v5 =	vor.u32 $0x848, v0  }
0x149: {  	[tilespmem:$0x1F8A0] =	vst v5  }
0x14a: {  	[tilespmem:v6+s20+$0x0] =	vst.idx.msk $0xffff, v4;
	v6 =	vor.u32 $0x49, v0  }
0x14b: {  	v3 =	vld [tilespmem:$0xA20];
	[tilespmem:$0x1F8B0] =	vst v6  }
0x14c: {  	v4 =	vld [tilespmem:$0xA30];
	[tilespmem:v7+s20+$0x0] =	vst.idx.msk $0xffff, v1;
	v7 =	vor.u32 $0x849, v0  }
0x14d: {  	[tilespmem:$0x1F8C0] =	vst v7  }
0x14e: {  	[tilespmem:v5+s20+$0x0] =	vst.idx.msk $0xffff, v2;
	v5 =	vor.u32 $0x4A, v0  }
0x14f: {  	v1 =	vld [tilespmem:$0xA40];
	[tilespmem:$0x1F8D0] =	vst v5  }
0x150: {  	v2 =	vld [tilespmem:$0xA50];
	[tilespmem:v6+s20+$0x0] =	vst.idx.msk $0xffff, v3;
	v6 =	vor.u32 $0x84A, v0  }
0x151: {  	[tilespmem:$0x1F8E0] =	vst v6  }
0x152: {  	[tilespmem:v7+s20+$0x0] =	vst.idx.msk $0xffff, v4;
	v7 =	vor.u32 $0x4B, v0  }
0x153: {  	v3 =	vld [tilespmem:$0xA60];
	[tilespmem:$0x1F8F0] =	vst v7  }
0x154: {  	v4 =	vld [tilespmem:$0xA70];
	[tilespmem:v5+s20+$0x0] =	vst.idx.msk $0xffff, v1;
	v5 =	vor.u32 $0x84B, v0  }
0x155: {  	[tilespmem:$0x1F900] =	vst v5  }
0x156: {  	[tilespmem:v6+s20+$0x0] =	vst.idx.msk $0xffff, v2;
	v6 =	vor.u32 $0x4C, v0  }
0x157: {  	v1 =	vld [tilespmem:$0xA80];
	[tilespmem:$0x1F910] =	vst v6  }
0x158: {  	v2 =	vld [tilespmem:$0xA90];
	[tilespmem:v7+s20+$0x0] =	vst.idx.msk $0xffff, v3;
	v7 =	vor.u32 $0x84C, v0  }
0x159: {  	[tilespmem:$0x1F920] =	vst v7  }
0x15a: {  	[tilespmem:v5+s20+$0x0] =	vst.idx.msk $0xffff, v4;
	v5 =	vor.u32 $0x4D, v0  }
0x15b: {  	v3 =	vld [tilespmem:$0xAA0];
	[tilespmem:$0x1F930] =	vst v5  }
0x15c: {  	v4 =	vld [tilespmem:$0xAB0];
	[tilespmem:v6+s20+$0x0] =	vst.idx.msk $0xffff, v1;
	v6 =	vor.u32 $0x84D, v0  }
0x15d: {  	[tilespmem:$0x1F940] =	vst v6  }
0x15e: {  	[tilespmem:v7+s20+$0x0] =	vst.idx.msk $0xffff, v2;
	v7 =	vor.u32 $0x4E, v0  }
0x15f: {  	v1 =	vld [tilespmem:$0xAC0];
	[tilespmem:$0x1F950] =	vst v7  }
0x160: {  	v2 =	vld [tilespmem:$0xAD0];
	[tilespmem:v5+s20+$0x0] =	vst.idx.msk $0xffff, v3;
	v5 =	vor.u32 $0x84E, v0  }
0x161: {  	[tilespmem:$0x1F960] =	vst v5  }
0x162: {  	[tilespmem:v6+s20+$0x0] =	vst.idx.msk $0xffff, v4;
	v6 =	vor.u32 $0x4F, v0  }
0x163: {  	v3 =	vld [tilespmem:$0xAE0];
	[tilespmem:$0x1F970] =	vst v6  }
0x164: {  	v4 =	vld [tilespmem:$0xAF0];
	[tilespmem:v7+s20+$0x0] =	vst.idx.msk $0xffff, v1;
	v7 =	vor.u32 $0x84F, v0  }
0x165: {  	[tilespmem:$0x1F980] =	vst v7  }
0x166: {  	[tilespmem:v5+s20+$0x0] =	vst.idx.msk $0xffff, v2;
	v5 =	vor.u32 $0x50, v0  }
0x167: {  	v1 =	vld [tilespmem:$0xB00];
	[tilespmem:$0x1F990] =	vst v5  }
0x168: {  	v2 =	vld [tilespmem:$0xB10];
	[tilespmem:v6+s20+$0x0] =	vst.idx.msk $0xffff, v3;
	v6 =	vor.u32 $0x850, v0  }
0x169: {  	[tilespmem:$0x1F9A0] =	vst v6  }
0x16a: {  	[tilespmem:v7+s20+$0x0] =	vst.idx.msk $0xffff, v4;
	v7 =	vor.u32 $0x51, v0  }
0x16b: {  	v3 =	vld [tilespmem:$0xB20];
	[tilespmem:$0x1F9B0] =	vst v7  }
0x16c: {  	v4 =	vld [tilespmem:$0xB30];
	[tilespmem:v5+s20+$0x0] =	vst.idx.msk $0xffff, v1;
	v5 =	vor.u32 $0x851, v0  }
0x16d: {  	[tilespmem:$0x1F9C0] =	vst v5  }
0x16e: {  	[tilespmem:v6+s20+$0x0] =	vst.idx.msk $0xffff, v2;
	v6 =	vor.u32 $0x52, v0  }
0x16f: {  	v1 =	vld [tilespmem:$0xB40];
	[tilespmem:$0x1F9D0] =	vst v6  }
0x170: {  	v2 =	vld [tilespmem:$0xB50];
	[tilespmem:v7+s20+$0x0] =	vst.idx.msk $0xffff, v3;
	v7 =	vor.u32 $0x852, v0  }
0x171: {  	[tilespmem:$0x1F9E0] =	vst v7  }
0x172: {  	[tilespmem:v5+s20+$0x0] =	vst.idx.msk $0xffff, v4;
	v5 =	vor.u32 $0x53, v0  }
0x173: {  	v3 =	vld [tilespmem:$0xB60];
	[tilespmem:$0x1F9F0] =	vst v5  }
0x174: {  	v4 =	vld [tilespmem:$0xB70];
	[tilespmem:v6+s20+$0x0] =	vst.idx.msk $0xffff, v1  }
0x175: {  	v6 =	vor.u32 $0x853, v0;
	[tilespmem:v7+s20+$0x0] =	vst.idx.msk $0xffff, v2  }
0x176: {  	[tilespmem:$0x1FA00] =	vst v6;
	v7 =	vor.u32 $0x54, v0;
	v1 =	vld [tilespmem:$0xB80]  }
0x177: {  	v2 =	vld [tilespmem:$0xB90];
	[tilespmem:$0x1FA10] =	vst v7  }
0x178: {  	[tilespmem:v5+s20+$0x0] =	vst.idx.msk $0xffff, v3;
	v5 =	vor.u32 $0x854, v0  }
0x179: {  	[tilespmem:$0x1FA20] =	vst v5  }
0x17a: {  	[tilespmem:v6+s20+$0x0] =	vst.idx.msk $0xffff, v4;
	v6 =	vor.u32 $0x55, v0  }
0x17b: {  	v3 =	vld [tilespmem:$0xBA0];
	[tilespmem:$0x1FA30] =	vst v6  }
0x17c: {  	v4 =	vld [tilespmem:$0xBB0];
	[tilespmem:v7+s20+$0x0] =	vst.idx.msk $0xffff, v1;
	v7 =	vor.u32 $0x855, v0  }
0x17d: {  	[tilespmem:$0x1FA40] =	vst v7  }
0x17e: {  	[tilespmem:v5+s20+$0x0] =	vst.idx.msk $0xffff, v2;
	v5 =	vor.u32 $0x56, v0  }
0x17f: {  	v1 =	vld [tilespmem:$0xBC0];
	[tilespmem:$0x1FA50] =	vst v5  }
0x180: {  	v2 =	vld [tilespmem:$0xBD0];
	[tilespmem:v6+s20+$0x0] =	vst.idx.msk $0xffff, v3;
	v6 =	vor.u32 $0x856, v0  }
0x181: {  	[tilespmem:$0x1FA60] =	vst v6  }
0x182: {  	[tilespmem:v7+s20+$0x0] =	vst.idx.msk $0xffff, v4;
	v7 =	vor.u32 $0x57, v0  }
0x183: {  	v3 =	vld [tilespmem:$0xBE0];
	[tilespmem:$0x1FA70] =	vst v7  }
0x184: {  	v4 =	vld [tilespmem:$0xBF0];
	[tilespmem:v5+s20+$0x0] =	vst.idx.msk $0xffff, v1;
	v5 =	vor.u32 $0x857, v0  }
0x185: {  	[tilespmem:$0x1FA80] =	vst v5  }
0x186: {  	[tilespmem:v6+s20+$0x0] =	vst.idx.msk $0xffff, v2;
	v6 =	vor.u32 $0x58, v0  }
0x187: {  	v1 =	vld [tilespmem:$0xC00];
	[tilespmem:$0x1FA90] =	vst v6  }
0x188: {  	v2 =	vld [tilespmem:$0xC10];
	[tilespmem:v7+s20+$0x0] =	vst.idx.msk $0xffff, v3;
	v7 =	vor.u32 $0x858, v0  }
0x189: {  	[tilespmem:$0x1FAA0] =	vst v7  }
0x18a: {  	[tilespmem:v5+s20+$0x0] =	vst.idx.msk $0xffff, v4;
	v5 =	vor.u32 $0x59, v0  }
0x18b: {  	v3 =	vld [tilespmem:$0xC20];
	[tilespmem:$0x1FAB0] =	vst v5  }
0x18c: {  	v4 =	vld [tilespmem:$0xC30];
	[tilespmem:v6+s20+$0x0] =	vst.idx.msk $0xffff, v1;
	v6 =	vor.u32 $0x859, v0  }
0x18d: {  	[tilespmem:$0x1FAC0] =	vst v6  }
0x18e: {  	[tilespmem:v7+s20+$0x0] =	vst.idx.msk $0xffff, v2;
	v7 =	vor.u32 $0x5A, v0  }
0x18f: {  	v1 =	vld [tilespmem:$0xC40];
	[tilespmem:$0x1FAD0] =	vst v7  }
0x190: {  	v2 =	vld [tilespmem:$0xC50];
	[tilespmem:v5+s20+$0x0] =	vst.idx.msk $0xffff, v3;
	v5 =	vor.u32 $0x85A, v0  }
0x191: {  	[tilespmem:$0x1FAE0] =	vst v5  }
0x192: {  	[tilespmem:v6+s20+$0x0] =	vst.idx.msk $0xffff, v4;
	v6 =	vor.u32 $0x5B, v0  }
0x193: {  	v3 =	vld [tilespmem:$0xC60];
	[tilespmem:$0x1FAF0] =	vst v6  }
0x194: {  	v4 =	vld [tilespmem:$0xC70];
	[tilespmem:v7+s20+$0x0] =	vst.idx.msk $0xffff, v1;
	v7 =	vor.u32 $0x85B, v0  }
0x195: {  	[tilespmem:$0x1FB00] =	vst v7  }
0x196: {  	[tilespmem:v5+s20+$0x0] =	vst.idx.msk $0xffff, v2;
	v5 =	vor.u32 $0x5C, v0  }
0x197: {  	v1 =	vld [tilespmem:$0xC80];
	[tilespmem:$0x1FB10] =	vst v5  }
0x198: {  	v2 =	vld [tilespmem:$0xC90];
	[tilespmem:v6+s20+$0x0] =	vst.idx.msk $0xffff, v3;
	v6 =	vor.u32 $0x85C, v0  }
0x199: {  	[tilespmem:$0x1FB20] =	vst v6  }
0x19a: {  	[tilespmem:v7+s20+$0x0] =	vst.idx.msk $0xffff, v4;
	v7 =	vor.u32 $0x5D, v0  }
0x19b: {  	v3 =	vld [tilespmem:$0xCA0];
	[tilespmem:$0x1FB30] =	vst v7  }
0x19c: {  	v4 =	vld [tilespmem:$0xCB0];
	[tilespmem:v5+s20+$0x0] =	vst.idx.msk $0xffff, v1;
	v5 =	vor.u32 $0x85D, v0  }
0x19d: {  	[tilespmem:$0x1FB40] =	vst v5  }
0x19e: {  	[tilespmem:v6+s20+$0x0] =	vst.idx.msk $0xffff, v2;
	v6 =	vor.u32 $0x5E, v0  }
0x19f: {  	v1 =	vld [tilespmem:$0xCC0];
	[tilespmem:$0x1FB50] =	vst v6  }
0x1a0: {  	v2 =	vld [tilespmem:$0xCD0];
	[tilespmem:v7+s20+$0x0] =	vst.idx.msk $0xffff, v3;
	v7 =	vor.u32 $0x85E, v0  }
0x1a1: {  	[tilespmem:$0x1FB60] =	vst v7  }
0x1a2: {  	[tilespmem:v5+s20+$0x0] =	vst.idx.msk $0xffff, v4;
	v5 =	vor.u32 $0x5F, v0  }
0x1a3: {  	v3 =	vld [tilespmem:$0xCE0];
	[tilespmem:$0x1FB70] =	vst v5  }
0x1a4: {  	v4 =	vld [tilespmem:$0xCF0];
	[tilespmem:v6+s20+$0x0] =	vst.idx.msk $0xffff, v1;
	v6 =	vor.u32 $0x85F, v0  }
0x1a5: {  	[tilespmem:$0x1FB80] =	vst v6  }
0x1a6: {  	[tilespmem:v7+s20+$0x0] =	vst.idx.msk $0xffff, v2;
	v7 =	vor.u32 $0x60, v0  }
0x1a7: {  	v1 =	vld [tilespmem:$0xD00];
	[tilespmem:$0x1FB90] =	vst v7  }
0x1a8: {  	v2 =	vld [tilespmem:$0xD10];
	[tilespmem:v5+s20+$0x0] =	vst.idx.msk $0xffff, v3;
	v5 =	vor.u32 $0x860, v0  }
0x1a9: {  	[tilespmem:$0x1FBA0] =	vst v5  }
0x1aa: {  	[tilespmem:v6+s20+$0x0] =	vst.idx.msk $0xffff, v4;
	v6 =	vor.u32 $0x61, v0  }
0x1ab: {  	v3 =	vld [tilespmem:$0xD20];
	[tilespmem:$0x1FBB0] =	vst v6  }
0x1ac: {  	v4 =	vld [tilespmem:$0xD30];
	[tilespmem:v7+s20+$0x0] =	vst.idx.msk $0xffff, v1;
	v7 =	vor.u32 $0x861, v0  }
0x1ad: {  	[tilespmem:$0x1FBC0] =	vst v7  }
0x1ae: {  	[tilespmem:v5+s20+$0x0] =	vst.idx.msk $0xffff, v2;
	v5 =	vor.u32 $0x62, v0  }
0x1af: {  	v1 =	vld [tilespmem:$0xD40];
	[tilespmem:$0x1FBD0] =	vst v5  }
0x1b0: {  	v2 =	vld [tilespmem:$0xD50];
	[tilespmem:v6+s20+$0x0] =	vst.idx.msk $0xffff, v3;
	v6 =	vor.u32 $0x862, v0  }
0x1b1: {  	[tilespmem:$0x1FBE0] =	vst v6  }
0x1b2: {  	[tilespmem:v7+s20+$0x0] =	vst.idx.msk $0xffff, v4;
	v7 =	vor.u32 $0x63, v0  }
0x1b3: {  	v3 =	vld [tilespmem:$0xD60];
	[tilespmem:$0x1FBF0] =	vst v7  }
0x1b4: {  	v4 =	vld [tilespmem:$0xD70];
	[tilespmem:v5+s20+$0x0] =	vst.idx.msk $0xffff, v1;
	v5 =	vor.u32 $0x863, v0  }
0x1b5: {  	[tilespmem:$0x1FC00] =	vst v5  }
0x1b6: {  	[tilespmem:v6+s20+$0x0] =	vst.idx.msk $0xffff, v2;
	v6 =	vor.u32 $0x64, v0  }
0x1b7: {  	v1 =	vld [tilespmem:$0xD80];
	[tilespmem:$0x1FC10] =	vst v6  }
0x1b8: {  	v2 =	vld [tilespmem:$0xD90];
	[tilespmem:v7+s20+$0x0] =	vst.idx.msk $0xffff, v3;
	v7 =	vor.u32 $0x864, v0  }
0x1b9: {  	[tilespmem:$0x1FC20] =	vst v7  }
0x1ba: {  	[tilespmem:v5+s20+$0x0] =	vst.idx.msk $0xffff, v4;
	v5 =	vor.u32 $0x65, v0  }
0x1bb: {  	v3 =	vld [tilespmem:$0xDA0];
	[tilespmem:$0x1FC30] =	vst v5  }
0x1bc: {  	v4 =	vld [tilespmem:$0xDB0];
	[tilespmem:v6+s20+$0x0] =	vst.idx.msk $0xffff, v1;
	v6 =	vor.u32 $0x865, v0  }
0x1bd: {  	[tilespmem:$0x1FC40] =	vst v6  }
0x1be: {  	[tilespmem:v7+s20+$0x0] =	vst.idx.msk $0xffff, v2;
	v7 =	vor.u32 $0x66, v0  }
0x1bf: {  	v1 =	vld [tilespmem:$0xDC0];
	[tilespmem:$0x1FC50] =	vst v7  }
0x1c0: {  	v2 =	vld [tilespmem:$0xDD0];
	[tilespmem:v5+s20+$0x0] =	vst.idx.msk $0xffff, v3;
	v5 =	vor.u32 $0x866, v0  }
0x1c1: {  	[tilespmem:$0x1FC60] =	vst v5  }
0x1c2: {  	[tilespmem:v6+s20+$0x0] =	vst.idx.msk $0xffff, v4;
	v6 =	vor.u32 $0x67, v0  }
0x1c3: {  	v3 =	vld [tilespmem:$0xDE0];
	[tilespmem:$0x1FC70] =	vst v6  }
0x1c4: {  	v4 =	vld [tilespmem:$0xDF0];
	[tilespmem:v7+s20+$0x0] =	vst.idx.msk $0xffff, v1;
	v7 =	vor.u32 $0x867, v0  }
0x1c5: {  	[tilespmem:$0x1FC80] =	vst v7  }
0x1c6: {  	[tilespmem:v5+s20+$0x0] =	vst.idx.msk $0xffff, v2;
	v5 =	vor.u32 $0x68, v0  }
0x1c7: {  	v1 =	vld [tilespmem:$0xE00];
	[tilespmem:$0x1FC90] =	vst v5  }
0x1c8: {  	v2 =	vld [tilespmem:$0xE10];
	[tilespmem:v6+s20+$0x0] =	vst.idx.msk $0xffff, v3;
	v6 =	vor.u32 $0x868, v0  }
0x1c9: {  	[tilespmem:$0x1FCA0] =	vst v6  }
0x1ca: {  	[tilespmem:v7+s20+$0x0] =	vst.idx.msk $0xffff, v4;
	v7 =	vor.u32 $0x69, v0  }
0x1cb: {  	v3 =	vld [tilespmem:$0xE20];
	[tilespmem:$0x1FCB0] =	vst v7  }
0x1cc: {  	v4 =	vld [tilespmem:$0xE30];
	[tilespmem:v5+s20+$0x0] =	vst.idx.msk $0xffff, v1;
	v5 =	vor.u32 $0x869, v0  }
0x1cd: {  	[tilespmem:$0x1FCC0] =	vst v5  }
0x1ce: {  	[tilespmem:v6+s20+$0x0] =	vst.idx.msk $0xffff, v2;
	v6 =	vor.u32 $0x6A, v0  }
0x1cf: {  	v1 =	vld [tilespmem:$0xE40];
	[tilespmem:$0x1FCD0] =	vst v6  }
0x1d0: {  	v2 =	vld [tilespmem:$0xE50];
	[tilespmem:v7+s20+$0x0] =	vst.idx.msk $0xffff, v3;
	v7 =	vor.u32 $0x86A, v0  }
0x1d1: {  	[tilespmem:$0x1FCE0] =	vst v7  }
0x1d2: {  	[tilespmem:v5+s20+$0x0] =	vst.idx.msk $0xffff, v4;
	v5 =	vor.u32 $0x6B, v0  }
0x1d3: {  	v3 =	vld [tilespmem:$0xE60];
	[tilespmem:$0x1FCF0] =	vst v5  }
0x1d4: {  	v4 =	vld [tilespmem:$0xE70];
	[tilespmem:v6+s20+$0x0] =	vst.idx.msk $0xffff, v1;
	v6 =	vor.u32 $0x86B, v0  }
0x1d5: {  	[tilespmem:$0x1FD00] =	vst v6  }
0x1d6: {  	[tilespmem:v7+s20+$0x0] =	vst.idx.msk $0xffff, v2;
	v7 =	vor.u32 $0x6C, v0  }
0x1d7: {  	v1 =	vld [tilespmem:$0xE80];
	[tilespmem:$0x1FD10] =	vst v7  }
0x1d8: {  	v2 =	vld [tilespmem:$0xE90];
	[tilespmem:v5+s20+$0x0] =	vst.idx.msk $0xffff, v3;
	v5 =	vor.u32 $0x86C, v0  }
0x1d9: {  	[tilespmem:$0x1FD20] =	vst v5  }
0x1da: {  	[tilespmem:v6+s20+$0x0] =	vst.idx.msk $0xffff, v4;
	v6 =	vor.u32 $0x6D, v0  }
0x1db: {  	v3 =	vld [tilespmem:$0xEA0];
	[tilespmem:$0x1FD30] =	vst v6  }
0x1dc: {  	v4 =	vld [tilespmem:$0xEB0];
	[tilespmem:v7+s20+$0x0] =	vst.idx.msk $0xffff, v1;
	v7 =	vor.u32 $0x86D, v0  }
0x1dd: {  	[tilespmem:$0x1FD40] =	vst v7  }
0x1de: {  	[tilespmem:v5+s20+$0x0] =	vst.idx.msk $0xffff, v2;
	v5 =	vor.u32 $0x6E, v0  }
0x1df: {  	v1 =	vld [tilespmem:$0xEC0];
	[tilespmem:$0x1FD50] =	vst v5  }
0x1e0: {  	v2 =	vld [tilespmem:$0xED0];
	[tilespmem:v6+s20+$0x0] =	vst.idx.msk $0xffff, v3;
	v6 =	vor.u32 $0x86E, v0  }
0x1e1: {  	[tilespmem:$0x1FD60] =	vst v6  }
0x1e2: {  	[tilespmem:v7+s20+$0x0] =	vst.idx.msk $0xffff, v4;
	v7 =	vor.u32 $0x6F, v0  }
0x1e3: {  	v3 =	vld [tilespmem:$0xEE0];
	[tilespmem:$0x1FD70] =	vst v7  }
0x1e4: {  	v4 =	vld [tilespmem:$0xEF0];
	[tilespmem:v5+s20+$0x0] =	vst.idx.msk $0xffff, v1;
	v5 =	vor.u32 $0x86F, v0  }
0x1e5: {  	[tilespmem:$0x1FD80] =	vst v5  }
0x1e6: {  	[tilespmem:v6+s20+$0x0] =	vst.idx.msk $0xffff, v2;
	v6 =	vor.u32 $0x70, v0  }
0x1e7: {  	v1 =	vld [tilespmem:$0xF00];
	[tilespmem:$0x1FD90] =	vst v6  }
0x1e8: {  	v2 =	vld [tilespmem:$0xF10];
	[tilespmem:v7+s20+$0x0] =	vst.idx.msk $0xffff, v3;
	v7 =	vor.u32 $0x870, v0  }
0x1e9: {  	[tilespmem:$0x1FDA0] =	vst v7  }
0x1ea: {  	[tilespmem:v5+s20+$0x0] =	vst.idx.msk $0xffff, v4;
	v5 =	vor.u32 $0x71, v0  }
0x1eb: {  	v3 =	vld [tilespmem:$0xF20];
	[tilespmem:$0x1FDB0] =	vst v5  }
0x1ec: {  	v4 =	vld [tilespmem:$0xF30];
	[tilespmem:v6+s20+$0x0] =	vst.idx.msk $0xffff, v1;
	v6 =	vor.u32 $0x871, v0  }
0x1ed: {  	[tilespmem:$0x1FDC0] =	vst v6  }
0x1ee: {  	[tilespmem:v7+s20+$0x0] =	vst.idx.msk $0xffff, v2;
	v7 =	vor.u32 $0x72, v0  }
0x1ef: {  	v1 =	vld [tilespmem:$0xF40];
	[tilespmem:$0x1FDD0] =	vst v7  }
0x1f0: {  	v2 =	vld [tilespmem:$0xF50];
	[tilespmem:v5+s20+$0x0] =	vst.idx.msk $0xffff, v3;
	v5 =	vor.u32 $0x872, v0  }
0x1f1: {  	[tilespmem:$0x1FDE0] =	vst v5  }
0x1f2: {  	[tilespmem:v6+s20+$0x0] =	vst.idx.msk $0xffff, v4;
	v6 =	vor.u32 $0x73, v0  }
0x1f3: {  	v3 =	vld [tilespmem:$0xF60];
	[tilespmem:$0x1FDF0] =	vst v6  }
0x1f4: {  	v4 =	vld [tilespmem:$0xF70];
	[tilespmem:v7+s20+$0x0] =	vst.idx.msk $0xffff, v1;
	v7 =	vor.u32 $0x873, v0  }
0x1f5: {  	[tilespmem:$0x1FE00] =	vst v7  }
0x1f6: {  	[tilespmem:v5+s20+$0x0] =	vst.idx.msk $0xffff, v2;
	v5 =	vor.u32 $0x74, v0  }
0x1f7: {  	v1 =	vld [tilespmem:$0xF80];
	[tilespmem:$0x1FE10] =	vst v5  }
0x1f8: {  	v2 =	vld [tilespmem:$0xF90];
	[tilespmem:v6+s20+$0x0] =	vst.idx.msk $0xffff, v3;
	v6 =	vor.u32 $0x874, v0  }
0x1f9: {  	[tilespmem:$0x1FE20] =	vst v6  }
0x1fa: {  	[tilespmem:v7+s20+$0x0] =	vst.idx.msk $0xffff, v4;
	v7 =	vor.u32 $0x75, v0  }
0x1fb: {  	v3 =	vld [tilespmem:$0xFA0];
	[tilespmem:$0x1FE30] =	vst v7  }
0x1fc: {  	v4 =	vld [tilespmem:$0xFB0];
	[tilespmem:v5+s20+$0x0] =	vst.idx.msk $0xffff, v1;
	v5 =	vor.u32 $0x875, v0  }
0x1fd: {  	[tilespmem:$0x1FE40] =	vst v5  }
0x1fe: {  	[tilespmem:v6+s20+$0x0] =	vst.idx.msk $0xffff, v2;
	v6 =	vor.u32 $0x76, v0  }
0x1ff: {  	v1 =	vld [tilespmem:$0xFC0];
	[tilespmem:$0x1FE50] =	vst v6  }
0x200: {  	v2 =	vld [tilespmem:$0xFD0];
	[tilespmem:v7+s20+$0x0] =	vst.idx.msk $0xffff, v3;
	v7 =	vor.u32 $0x876, v0  }
0x201: {  	[tilespmem:$0x1FE60] =	vst v7  }
0x202: {  	[tilespmem:v5+s20+$0x0] =	vst.idx.msk $0xffff, v4;
	v5 =	vor.u32 $0x77, v0  }
0x203: {  	v3 =	vld [tilespmem:$0xFE0];
	[tilespmem:$0x1FE70] =	vst v5  }
0x204: {  	v4 =	vld [tilespmem:$0xFF0];
	[tilespmem:v6+s20+$0x0] =	vst.idx.msk $0xffff, v1;
	v6 =	vor.u32 $0x877, v0  }
0x205: {  	[tilespmem:$0x1FE80] =	vst v6  }
0x206: {  	[tilespmem:v7+s20+$0x0] =	vst.idx.msk $0xffff, v2;
	v7 =	vor.u32 $0x78, v0  }
0x207: {  	v1 =	vld [tilespmem:$0x1000];
	[tilespmem:$0x1FE90] =	vst v7  }
0x208: {  	v2 =	vld [tilespmem:$0x1010];
	[tilespmem:v5+s20+$0x0] =	vst.idx.msk $0xffff, v3;
	v5 =	vor.u32 $0x878, v0  }
0x209: {  	[tilespmem:v6+s20+$0x0] =	vst.idx.msk $0xffff, v4  }
0x20a: {  	[tilespmem:$0x1FEA0] =	vst v5;
	v6 =	vor.u32 $0x79, v0;
	v3 =	vld [tilespmem:$0x1020]  }
0x20b: {  	[tilespmem:$0x1FEB0] =	vst v6  }
0x20c: {  	v4 =	vld [tilespmem:$0x1030];
	[tilespmem:v7+s20+$0x0] =	vst.idx.msk $0xffff, v1;
	v7 =	vor.u32 $0x879, v0  }
0x20d: {  	[tilespmem:v5+s20+$0x0] =	vst.idx.msk $0xffff, v2  }
0x20e: {  	[tilespmem:$0x1FEC0] =	vst v7;
	v5 =	vor.u32 $0x7A, v0;
	v1 =	vld [tilespmem:$0x1040]  }
0x20f: {  	v2 =	vld [tilespmem:$0x1050];
	[tilespmem:v6+s20+$0x0] =	vst.idx.msk $0xffff, v3;
	v6 =	vor.u32 $0x87A, v0  }
0x210: {  	[tilespmem:$0x1FED0] =	vst v5  }
0x211: {  	[tilespmem:v7+s20+$0x0] =	vst.idx.msk $0xffff, v4  }
0x212: {  	[tilespmem:$0x1FEE0] =	vst v6;
	v7 =	vor.u32 $0x7B, v0;
	v3 =	vld [tilespmem:$0x1060]  }
0x213: {  	v4 =	vld [tilespmem:$0x1070];
	[tilespmem:v5+s20+$0x0] =	vst.idx.msk $0xffff, v1;
	v5 =	vor.u32 $0x87B, v0  }
0x214: {  	[tilespmem:v6+s20+$0x0] =	vst.idx.msk $0xffff, v2  }
0x215: {  	[tilespmem:$0x1FEF0] =	vst v7;
	v6 =	vor.u32 $0x7C, v0;
	v1 =	vld [tilespmem:$0x1080]  }
0x216: {  	[tilespmem:$0x1FF00] =	vst v5  }
0x217: {  	v2 =	vld [tilespmem:$0x1090];
	[tilespmem:v7+s20+$0x0] =	vst.idx.msk $0xffff, v3;
	v7 =	vor.u32 $0x87C, v0  }
0x218: {  	[tilespmem:v5+s20+$0x0] =	vst.idx.msk $0xffff, v4  }
0x219: {  	[tilespmem:$0x1FF10] =	vst v6;
	v5 =	vor.u32 $0x7D, v0;
	v3 =	vld [tilespmem:$0x10A0]  }
0x21a: {  	v4 =	vld [tilespmem:$0x10B0];
	[tilespmem:v6+s20+$0x0] =	vst.idx.msk $0xffff, v1;
	v1 =	vor.u32 $0x87D, v0  }
0x21b: {  	[tilespmem:$0x1FF20] =	vst v7  }
0x21c: {  	[tilespmem:v7+s20+$0x0] =	vst.idx.msk $0xffff, v2  }
0x21d: {  	[tilespmem:$0x1FF40] =	vst v1;
	v7 =	vld [tilespmem:$0x10C0]  }
0x21e: {  	v63 =	vmov v8;
	v6 =	vor.u32 $0x7E, v0;
	v8 =	vld [tilespmem:$0x10D0];
	[tilespmem:v5+s20+$0x0] =	vst.idx.msk $0xffff, v3  }
0x21f: {  	[tilespmem:v1+s20+$0x0] =	vst.idx.msk $0xffff, v4;
	v1 =	vor.u32 $0x87E, v0  }
0x220: {  	v3 =	vor.u32 $0x7F, v0;
	v4 =	vmov v63;
	v63 =	vld [tilespmem:$0x10E0]  }
0x221: {  	p1 =	slt.s32 s29, s6;
	s0 =	smov.u32 s6;
	[tilespmem:$0x1FF30] =	vst v5;
	v5 =	vor.u32 $0x87F, v0;
	v2 =	vld [tilespmem:$0x10F0]  }
0x222: {  	s0 =	smov.u32 @p1 s29  }
0x223: {  	s9 =	sshll.u32 s0, $0x9;
	s0 =	sshll.u32 s0, $0x7;
	[tilespmem:v6+s20+$0x0] =	vst.idx.msk $0xffff, v7  }
0x224: {  	s1 =	sand.u32 $0xFFF000, s9;
	s0 =	sand.u32 $0x380, s0;
	[tilespmem:v1+s20+$0x0] =	vst.idx.msk $0xffff, v8  }
0x225: {  	s0 =	sor.u32 s0, s1;
	[tilespmem:v3+s20+$0x0] =	vst.idx.msk $0xffff, v63  }
0x226: {  	s1 =	sadd.s32 s2, s0;
	[tilespmem:v5+s20+$0x0] =	vst.idx.msk $0xffff, v2  }
0x227: {  	[hbm4b:s1+s3] =	stream.linear.scatter [tilespmem:s20], [sflag:$0x5], $0x400, $0x38;
	[tilespmem:$0x4100] =	vst v63  }
0x228: {  	s31 =	rddreg [dreg:$0x5];
	s1 =	sadd.s32 s0, s11  }
0x229: {  	[hbm4b:s1+s3] =	stream.linear.scatter [tilespmem:s31], [sflag:$0x5], $0x400, $0x38;
	[tilespmem:$0x4100] =	vst v63  }
0x22a: {  	s9 =	rddreg [dreg:$0x6];
	[tilespmem:$0x1FF50] =	vst v6;
	s1 =	sadd.s32 s0, s12  }
0x22b: {  	[hbm4b:s1+s3] =	stream.linear.scatter [tilespmem:s9], [sflag:$0x5], $0x400, $0x38;
	[tilespmem:$0x4100] =	vst v63  }
0x22c: {  	s30 =	smulhi.u32 $0x51EB851F, s30;
	[tilespmem:$0x1FF60] =	vst v3;
	s31 =	rddreg [dreg:$0x7];
	s0 =	sadd.s32 s0, s13  }
0x22d: {  	[hbm4b:s0+s3] =	stream.linear.scatter [tilespmem:s31], [sflag:$0x5], $0x400, $0x38;
	[tilespmem:$0x4100] =	vst v63  }
0x22e: {  	[tilespmem:$0x1FF70] =	vst v5;
	s31 =	sshrl.u32 s30, $0x7  }
0x22f: {  	s1 =	sadd.s32 $0x3, s29;
	_ =	swait.ge [sflag:s8], $0x80;
	s0 =	smul.u32 $0x61A80, s31  }
0x230: {  	s9 =	smov.u32 s6;
	p1 =	slt.s32 s1, s6;
	[sflag:s8] =	ssyncset.done $0x0  }
0x231: {  	s9 =	smov.u32 @p1 s1;
	[sflag:s8] =	ssyncadd.s32 $0xFFFFFF80;
	s0 =	sadd.s32 s4, s0  }
0x232: {  	[tilespmem:s17], [sflag:$0x3] =	stream.indirect.gather [hbm4b:s0+s16], $0x20, s3, s16, $0xb8;
	[tilespmem:$0x4100] =	vst v63  }
0x233: {  	s1 =	sshll.u32 s9, $0x4;
	_ =	swait.ge [sflag:s21], $0x1000  }
0x234: {  	s0 =	sand.u32 $0x1FFFFFF0, s1;
	[sflag:s21] =	ssyncset.done $0x0  }
0x235: {  	s0 =	sadd.s32 s5, s0;
	[sflag:s21] =	ssyncadd.s32 $0xFFFFF000  }
0x236: {  	[tilespmem:s16], [sflag:$0x2] =	stream.linear.gather [hbm4b:s0+s3], $0x80, $0x38;
	[tilespmem:$0x4100] =	vst v63  }
0x237: {  	s0 =	simm.s32 @!p0 $0x6  }
0x238: {  	_ =	swait.ge @!p0 [sflag:s0], $0x1000  }
0x239: {  	[sflag:s0] =	ssyncset.done @!p0 $0x0  }
0x23a: {  	[sflag:s0] =	ssyncadd.s32 @!p0 $0xFFFFF000  }
0x23b: {  	v8 =	vmov v1;
	v1 =	vld [tilespmem:$0x1100];
	_ =	sdelay $0x1  }
0x23c: {  	v2 =	vld [tilespmem:$0x1110]  }
0x23d: {  	v5 =	vld [tilespmem:$0x1120]  }
0x23e: {  	v6 =	vld [tilespmem:$0x1130]  }
0x23f: {  	[tilespmem:v0+s22+$0x0] =	vst.idx.msk $0xffff, v1;
	v1 =	vld [tilespmem:$0x1FFC0];
	_ =	sdelay $0x6  }
0x240: {  	v63 =	vld [tilespmem:$0x1FFB0]  }
0x241: {  	[tilespmem:v1+s22+$0x0] =	vst.idx.msk $0xffff, v2;
	v1 =	vld [tilespmem:$0x1FFF0];
	_ =	sdelay $0x5  }
0x242: {  	v3 =	vld [tilespmem:$0x1140]  }
0x243: {  	v2 =	vld [tilespmem:$0x1150];
	[tilespmem:v63+s22+$0x0] =	vst.idx.msk $0xffff, v5  }
0x244: {  	[tilespmem:v1+s22+$0x0] =	vst.idx.msk $0xffff, v6  }
0x245: {  	v5 =	vld [tilespmem:$0x1160]  }
0x246: {  	v6 =	vld [tilespmem:$0x1170]  }
0x247: {  	[tilespmem:v4+s22+$0x0] =	vst.idx.msk $0xffff, v3  }
0x248: {  	[tilespmem:v9+s22+$0x0] =	vst.idx.msk $0xffff, v2  }
0x249: {  	v1 =	vld [tilespmem:$0x1180]  }
0x24a: {  	v2 =	vld [tilespmem:$0x1190];
	[tilespmem:v10+s22+$0x0] =	vst.idx.msk $0xffff, v5  }
0x24b: {  	[tilespmem:v11+s22+$0x0] =	vst.idx.msk $0xffff, v6  }
0x24c: {  	v5 =	vld [tilespmem:$0x11A0]  }
0x24d: {  	v6 =	vld [tilespmem:$0x11B0]  }
0x24e: {  	[tilespmem:v12+s22+$0x0] =	vst.idx.msk $0xffff, v1  }
0x24f: {  	[tilespmem:v13+s22+$0x0] =	vst.idx.msk $0xffff, v2  }
0x250: {  	v1 =	vld [tilespmem:$0x11C0]  }
0x251: {  	v2 =	vld [tilespmem:$0x11D0];
	[tilespmem:v14+s22+$0x0] =	vst.idx.msk $0xffff, v5  }
0x252: {  	[tilespmem:v15+s22+$0x0] =	vst.idx.msk $0xffff, v6  }
0x253: {  	v5 =	vld [tilespmem:$0x11E0]  }
0x254: {  	v6 =	vld [tilespmem:$0x11F0]  }
0x255: {  	[tilespmem:v16+s22+$0x0] =	vst.idx.msk $0xffff, v1  }
0x256: {  	[tilespmem:v17+s22+$0x0] =	vst.idx.msk $0xffff, v2  }
0x257: {  	v1 =	vld [tilespmem:$0x1200]  }
0x258: {  	v2 =	vld [tilespmem:$0x1210];
	[tilespmem:v18+s22+$0x0] =	vst.idx.msk $0xffff, v5  }
0x259: {  	[tilespmem:v19+s22+$0x0] =	vst.idx.msk $0xffff, v6  }
0x25a: {  	v5 =	vld [tilespmem:$0x1220]  }
0x25b: {  	v6 =	vld [tilespmem:$0x1230]  }
0x25c: {  	[tilespmem:v20+s22+$0x0] =	vst.idx.msk $0xffff, v1  }
0x25d: {  	[tilespmem:v21+s22+$0x0] =	vst.idx.msk $0xffff, v2  }
0x25e: {  	v1 =	vld [tilespmem:$0x1240]  }
0x25f: {  	v2 =	vld [tilespmem:$0x1250];
	[tilespmem:v22+s22+$0x0] =	vst.idx.msk $0xffff, v5  }
0x260: {  	[tilespmem:v23+s22+$0x0] =	vst.idx.msk $0xffff, v6  }
0x261: {  	v5 =	vld [tilespmem:$0x1260]  }
0x262: {  	v6 =	vld [tilespmem:$0x1270]  }
0x263: {  	[tilespmem:v24+s22+$0x0] =	vst.idx.msk $0xffff, v1  }
0x264: {  	[tilespmem:v25+s22+$0x0] =	vst.idx.msk $0xffff, v2  }
0x265: {  	v1 =	vld [tilespmem:$0x1280]  }
0x266: {  	v2 =	vld [tilespmem:$0x1290];
	[tilespmem:v26+s22+$0x0] =	vst.idx.msk $0xffff, v5  }
0x267: {  	[tilespmem:v27+s22+$0x0] =	vst.idx.msk $0xffff, v6  }
0x268: {  	v5 =	vld [tilespmem:$0x12A0]  }
0x269: {  	v6 =	vld [tilespmem:$0x12B0]  }
0x26a: {  	[tilespmem:v28+s22+$0x0] =	vst.idx.msk $0xffff, v1  }
0x26b: {  	[tilespmem:v29+s22+$0x0] =	vst.idx.msk $0xffff, v2  }
0x26c: {  	v1 =	vld [tilespmem:$0x12C0]  }
0x26d: {  	v2 =	vld [tilespmem:$0x12D0];
	[tilespmem:v30+s22+$0x0] =	vst.idx.msk $0xffff, v5  }
0x26e: {  	[tilespmem:v31+s22+$0x0] =	vst.idx.msk $0xffff, v6  }
0x26f: {  	v5 =	vld [tilespmem:$0x12E0]  }
0x270: {  	v6 =	vld [tilespmem:$0x12F0]  }
0x271: {  	[tilespmem:v32+s22+$0x0] =	vst.idx.msk $0xffff, v1  }
0x272: {  	[tilespmem:v33+s22+$0x0] =	vst.idx.msk $0xffff, v2  }
0x273: {  	v1 =	vld [tilespmem:$0x1300]  }
0x274: {  	v2 =	vld [tilespmem:$0x1310];
	[tilespmem:v34+s22+$0x0] =	vst.idx.msk $0xffff, v5  }
0x275: {  	[tilespmem:v35+s22+$0x0] =	vst.idx.msk $0xffff, v6  }
0x276: {  	v5 =	vld [tilespmem:$0x1320]  }
0x277: {  	v6 =	vld [tilespmem:$0x1330]  }
0x278: {  	[tilespmem:v36+s22+$0x0] =	vst.idx.msk $0xffff, v1  }
0x279: {  	[tilespmem:v37+s22+$0x0] =	vst.idx.msk $0xffff, v2  }
0x27a: {  	v1 =	vld [tilespmem:$0x1340]  }
0x27b: {  	v2 =	vld [tilespmem:$0x1350];
	[tilespmem:v38+s22+$0x0] =	vst.idx.msk $0xffff, v5  }
0x27c: {  	[tilespmem:v39+s22+$0x0] =	vst.idx.msk $0xffff, v6  }
0x27d: {  	v5 =	vld [tilespmem:$0x1360]  }
0x27e: {  	v6 =	vld [tilespmem:$0x1370]  }
0x27f: {  	[tilespmem:v40+s22+$0x0] =	vst.idx.msk $0xffff, v1  }
0x280: {  	[tilespmem:v41+s22+$0x0] =	vst.idx.msk $0xffff, v2  }
0x281: {  	v1 =	vld [tilespmem:$0x1380]  }
0x282: {  	v2 =	vld [tilespmem:$0x1390];
	[tilespmem:v42+s22+$0x0] =	vst.idx.msk $0xffff, v5  }
0x283: {  	[tilespmem:v43+s22+$0x0] =	vst.idx.msk $0xffff, v6  }
0x284: {  	v5 =	vld [tilespmem:$0x13A0]  }
0x285: {  	v6 =	vld [tilespmem:$0x13B0]  }
0x286: {  	[tilespmem:v44+s22+$0x0] =	vst.idx.msk $0xffff, v1  }
0x287: {  	[tilespmem:v45+s22+$0x0] =	vst.idx.msk $0xffff, v2  }
0x288: {  	v1 =	vld [tilespmem:$0x13C0]  }
0x289: {  	v2 =	vld [tilespmem:$0x13D0];
	[tilespmem:v46+s22+$0x0] =	vst.idx.msk $0xffff, v5  }
0x28a: {  	[tilespmem:v47+s22+$0x0] =	vst.idx.msk $0xffff, v6  }
0x28b: {  	v5 =	vld [tilespmem:$0x13E0]  }
0x28c: {  	v6 =	vld [tilespmem:$0x13F0]  }
0x28d: {  	[tilespmem:v48+s22+$0x0] =	vst.idx.msk $0xffff, v1  }
0x28e: {  	[tilespmem:v49+s22+$0x0] =	vst.idx.msk $0xffff, v2  }
0x28f: {  	v1 =	vld [tilespmem:$0x1400]  }
0x290: {  	v2 =	vld [tilespmem:$0x1410];
	[tilespmem:v50+s22+$0x0] =	vst.idx.msk $0xffff, v5  }
0x291: {  	[tilespmem:v51+s22+$0x0] =	vst.idx.msk $0xffff, v6  }
0x292: {  	v5 =	vld [tilespmem:$0x1420]  }
0x293: {  	v6 =	vld [tilespmem:$0x1430]  }
0x294: {  	v63 =	vld [tilespmem:$0x1FFE0];
	[tilespmem:v52+s22+$0x0] =	vst.idx.msk $0xffff, v1  }
0x295: {  	v3 =	vld [tilespmem:$0x1FFD0];
	[tilespmem:v53+s22+$0x0] =	vst.idx.msk $0xffff, v2  }
0x296: {  	v1 =	vld [tilespmem:$0x1440]  }
0x297: {  	v2 =	vld [tilespmem:$0x1450];
	[tilespmem:v54+s22+$0x0] =	vst.idx.msk $0xffff, v5  }
0x298: {  	[tilespmem:v55+s22+$0x0] =	vst.idx.msk $0xffff, v6  }
0x299: {  	v5 =	vld [tilespmem:$0x1460]  }
0x29a: {  	v6 =	vld [tilespmem:$0x1470]  }
0x29b: {  	[tilespmem:v56+s22+$0x0] =	vst.idx.msk $0xffff, v1  }
0x29c: {  	[tilespmem:v63+s22+$0x0] =	vst.idx.msk $0xffff, v2  }
0x29d: {  	v1 =	vld [tilespmem:$0x1480]  }
0x29e: {  	v2 =	vld [tilespmem:$0x1490];
	[tilespmem:v3+s22+$0x0] =	vst.idx.msk $0xffff, v5  }
0x29f: {  	[tilespmem:v57+s22+$0x0] =	vst.idx.msk $0xffff, v6  }
0x2a0: {  	v5 =	vld [tilespmem:$0x14A0]  }
0x2a1: {  	v6 =	vld [tilespmem:$0x14B0]  }
0x2a2: {  	[tilespmem:v58+s22+$0x0] =	vst.idx.msk $0xffff, v1  }
0x2a3: {  	[tilespmem:v59+s22+$0x0] =	vst.idx.msk $0xffff, v2  }
0x2a4: {  	v1 =	vld [tilespmem:$0x14C0]  }
0x2a5: {  	v2 =	vld [tilespmem:$0x14D0];
	[tilespmem:v60+s22+$0x0] =	vst.idx.msk $0xffff, v5  }
0x2a6: {  	[tilespmem:v61+s22+$0x0] =	vst.idx.msk $0xffff, v6  }
0x2a7: {  	v5 =	vld [tilespmem:$0x14E0]  }
0x2a8: {  	v6 =	vld [tilespmem:$0x14F0]  }
0x2a9: {  	[tilespmem:v62+s22+$0x0] =	vst.idx.msk $0xffff, v1;
	v1 =	vld [tilespmem:$0x1FF80];
	_ =	sdelay $0x2  }
0x2aa: {  	v7 =	vmov v63;
	v63 =	vld [tilespmem:$0x1FF90];
	_ =	sdelay $0x4  }
0x2ab: {  	[tilespmem:v1+s22+$0x0] =	vst.idx.msk $0xffff, v2  }
0x2ac: {  	v1 =	vld [tilespmem:$0x1500]  }
0x2ad: {  	v2 =	vld [tilespmem:$0x1510]  }
0x2ae: {  	[tilespmem:v63+s22+$0x0] =	vst.idx.msk $0xffff, v5;
	v5 =	vld [tilespmem:$0x1FFA0];
	_ =	sdelay $0x2  }
0x2af: {  	v63 =	vld [tilespmem:$0x1F390];
	_ =	sdelay $0x4  }
0x2b0: {  	[tilespmem:v5+s22+$0x0] =	vst.idx.msk $0xffff, v6  }
0x2b1: {  	v5 =	vld [tilespmem:$0x1520]  }
0x2b2: {  	v6 =	vld [tilespmem:$0x1530]  }
0x2b3: {  	[tilespmem:v63+s22+$0x0] =	vst.idx.msk $0xffff, v1;
	v1 =	vld [tilespmem:$0x1F3A0];
	_ =	sdelay $0x2  }
0x2b4: {  	v63 =	vld [tilespmem:$0x1F3B0];
	_ =	sdelay $0x4  }
0x2b5: {  	[tilespmem:v1+s22+$0x0] =	vst.idx.msk $0xffff, v2  }
0x2b6: {  	v1 =	vld [tilespmem:$0x1540]  }
0x2b7: {  	v2 =	vld [tilespmem:$0x1550]  }
0x2b8: {  	[tilespmem:v63+s22+$0x0] =	vst.idx.msk $0xffff, v5;
	v5 =	vld [tilespmem:$0x1F3C0];
	_ =	sdelay $0x2  }
0x2b9: {  	v63 =	vld [tilespmem:$0x1F3D0];
	_ =	sdelay $0x4  }
0x2ba: {  	[tilespmem:v5+s22+$0x0] =	vst.idx.msk $0xffff, v6  }
0x2bb: {  	v5 =	vld [tilespmem:$0x1560]  }
0x2bc: {  	v6 =	vld [tilespmem:$0x1570]  }
0x2bd: {  	[tilespmem:v63+s22+$0x0] =	vst.idx.msk $0xffff, v1;
	v1 =	vld [tilespmem:$0x1F3E0];
	_ =	sdelay $0x2  }
0x2be: {  	v63 =	vld [tilespmem:$0x1F3F0];
	_ =	sdelay $0x4  }
0x2bf: {  	[tilespmem:v1+s22+$0x0] =	vst.idx.msk $0xffff, v2  }
0x2c0: {  	v1 =	vld [tilespmem:$0x1580]  }
0x2c1: {  	v2 =	vld [tilespmem:$0x1590]  }
0x2c2: {  	[tilespmem:v63+s22+$0x0] =	vst.idx.msk $0xffff, v5;
	v5 =	vld [tilespmem:$0x1F400];
	_ =	sdelay $0x2  }
0x2c3: {  	v63 =	vld [tilespmem:$0x1F410];
	_ =	sdelay $0x4  }
0x2c4: {  	[tilespmem:v5+s22+$0x0] =	vst.idx.msk $0xffff, v6  }
0x2c5: {  	v5 =	vld [tilespmem:$0x15A0]  }
0x2c6: {  	v6 =	vld [tilespmem:$0x15B0]  }
0x2c7: {  	[tilespmem:v63+s22+$0x0] =	vst.idx.msk $0xffff, v1;
	v1 =	vld [tilespmem:$0x1F420];
	_ =	sdelay $0x2  }
0x2c8: {  	v63 =	vld [tilespmem:$0x1F430];
	_ =	sdelay $0x4  }
0x2c9: {  	[tilespmem:v1+s22+$0x0] =	vst.idx.msk $0xffff, v2  }
0x2ca: {  	v1 =	vld [tilespmem:$0x15C0]  }
0x2cb: {  	v2 =	vld [tilespmem:$0x15D0]  }
0x2cc: {  	[tilespmem:v63+s22+$0x0] =	vst.idx.msk $0xffff, v5;
	v5 =	vld [tilespmem:$0x1F440];
	_ =	sdelay $0x2  }
0x2cd: {  	v63 =	vld [tilespmem:$0x1F450];
	_ =	sdelay $0x4  }
0x2ce: {  	[tilespmem:v5+s22+$0x0] =	vst.idx.msk $0xffff, v6  }
0x2cf: {  	v5 =	vld [tilespmem:$0x15E0]  }
0x2d0: {  	v6 =	vld [tilespmem:$0x15F0]  }
0x2d1: {  	[tilespmem:v63+s22+$0x0] =	vst.idx.msk $0xffff, v1;
	v1 =	vld [tilespmem:$0x1F460];
	_ =	sdelay $0x2  }
0x2d2: {  	v63 =	vld [tilespmem:$0x1F470];
	_ =	sdelay $0x4  }
0x2d3: {  	[tilespmem:v1+s22+$0x0] =	vst.idx.msk $0xffff, v2  }
0x2d4: {  	v1 =	vld [tilespmem:$0x1600]  }
0x2d5: {  	v2 =	vld [tilespmem:$0x1610]  }
0x2d6: {  	[tilespmem:v63+s22+$0x0] =	vst.idx.msk $0xffff, v5;
	v5 =	vld [tilespmem:$0x1F480];
	_ =	sdelay $0x2  }
0x2d7: {  	v63 =	vld [tilespmem:$0x1F490];
	_ =	sdelay $0x4  }
0x2d8: {  	[tilespmem:v5+s22+$0x0] =	vst.idx.msk $0xffff, v6  }
0x2d9: {  	v5 =	vld [tilespmem:$0x1620]  }
0x2da: {  	v6 =	vld [tilespmem:$0x1630]  }
0x2db: {  	[tilespmem:v63+s22+$0x0] =	vst.idx.msk $0xffff, v1;
	v1 =	vld [tilespmem:$0x1F4A0];
	_ =	sdelay $0x2  }
0x2dc: {  	v63 =	vld [tilespmem:$0x1F4B0];
	_ =	sdelay $0x4  }
0x2dd: {  	[tilespmem:v1+s22+$0x0] =	vst.idx.msk $0xffff, v2  }
0x2de: {  	v1 =	vld [tilespmem:$0x1640]  }
0x2df: {  	v2 =	vld [tilespmem:$0x1650]  }
0x2e0: {  	[tilespmem:v63+s22+$0x0] =	vst.idx.msk $0xffff, v5;
	v5 =	vld [tilespmem:$0x1F4C0];
	_ =	sdelay $0x2  }
0x2e1: {  	v63 =	vld [tilespmem:$0x1F4D0];
	_ =	sdelay $0x4  }
0x2e2: {  	[tilespmem:v5+s22+$0x0] =	vst.idx.msk $0xffff, v6  }
0x2e3: {  	v5 =	vld [tilespmem:$0x1660]  }
0x2e4: {  	v6 =	vld [tilespmem:$0x1670]  }
0x2e5: {  	[tilespmem:v63+s22+$0x0] =	vst.idx.msk $0xffff, v1;
	v1 =	vld [tilespmem:$0x1F4E0];
	_ =	sdelay $0x2  }
0x2e6: {  	v63 =	vld [tilespmem:$0x1F4F0];
	_ =	sdelay $0x4  }
0x2e7: {  	[tilespmem:v1+s22+$0x0] =	vst.idx.msk $0xffff, v2  }
0x2e8: {  	v1 =	vld [tilespmem:$0x1680]  }
0x2e9: {  	v2 =	vld [tilespmem:$0x1690]  }
0x2ea: {  	[tilespmem:v63+s22+$0x0] =	vst.idx.msk $0xffff, v5;
	v5 =	vld [tilespmem:$0x1F500];
	_ =	sdelay $0x2  }
0x2eb: {  	v63 =	vld [tilespmem:$0x1F510];
	_ =	sdelay $0x4  }
0x2ec: {  	[tilespmem:v5+s22+$0x0] =	vst.idx.msk $0xffff, v6  }
0x2ed: {  	v5 =	vld [tilespmem:$0x16A0]  }
0x2ee: {  	v6 =	vld [tilespmem:$0x16B0]  }
0x2ef: {  	[tilespmem:v63+s22+$0x0] =	vst.idx.msk $0xffff, v1;
	v1 =	vld [tilespmem:$0x1F520];
	_ =	sdelay $0x2  }
0x2f0: {  	v63 =	vld [tilespmem:$0x1F530];
	_ =	sdelay $0x4  }
0x2f1: {  	[tilespmem:v1+s22+$0x0] =	vst.idx.msk $0xffff, v2  }
0x2f2: {  	v1 =	vld [tilespmem:$0x16C0]  }
0x2f3: {  	v2 =	vld [tilespmem:$0x16D0]  }
0x2f4: {  	[tilespmem:v63+s22+$0x0] =	vst.idx.msk $0xffff, v5;
	v5 =	vld [tilespmem:$0x1F540];
	_ =	sdelay $0x7  }
0x2f5: {  	[tilespmem:v5+s22+$0x0] =	vst.idx.msk $0xffff, v6  }
0x2f6: {  	v63 =	vld [tilespmem:$0x1F550];
	_ =	sdelay $0x5  }
0x2f7: {  	v5 =	vld [tilespmem:$0x16E0]  }
0x2f8: {  	v6 =	vld [tilespmem:$0x16F0]  }
0x2f9: {  	[tilespmem:v63+s22+$0x0] =	vst.idx.msk $0xffff, v1;
	v1 =	vld [tilespmem:$0x1F560];
	_ =	sdelay $0x2  }
0x2fa: {  	v63 =	vld [tilespmem:$0x1F570];
	_ =	sdelay $0x4  }
0x2fb: {  	[tilespmem:v1+s22+$0x0] =	vst.idx.msk $0xffff, v2  }
0x2fc: {  	v1 =	vld [tilespmem:$0x1700]  }
0x2fd: {  	v2 =	vld [tilespmem:$0x1710]  }
0x2fe: {  	[tilespmem:v63+s22+$0x0] =	vst.idx.msk $0xffff, v5;
	v5 =	vld [tilespmem:$0x1F580];
	_ =	sdelay $0x2  }
0x2ff: {  	v63 =	vld [tilespmem:$0x1F590];
	_ =	sdelay $0x4  }
0x300: {  	[tilespmem:v5+s22+$0x0] =	vst.idx.msk $0xffff, v6  }
0x301: {  	v5 =	vld [tilespmem:$0x1720]  }
0x302: {  	v6 =	vld [tilespmem:$0x1730]  }
0x303: {  	[tilespmem:v63+s22+$0x0] =	vst.idx.msk $0xffff, v1;
	v1 =	vld [tilespmem:$0x1F5A0];
	_ =	sdelay $0x2  }
0x304: {  	v63 =	vld [tilespmem:$0x1F5B0];
	_ =	sdelay $0x4  }
0x305: {  	[tilespmem:v1+s22+$0x0] =	vst.idx.msk $0xffff, v2  }
0x306: {  	v1 =	vld [tilespmem:$0x1740]  }
0x307: {  	v2 =	vld [tilespmem:$0x1750]  }
0x308: {  	[tilespmem:v63+s22+$0x0] =	vst.idx.msk $0xffff, v5;
	v5 =	vld [tilespmem:$0x1F5C0];
	_ =	sdelay $0x2  }
0x309: {  	v63 =	vld [tilespmem:$0x1F5D0];
	_ =	sdelay $0x4  }
0x30a: {  	[tilespmem:v5+s22+$0x0] =	vst.idx.msk $0xffff, v6  }
0x30b: {  	v5 =	vld [tilespmem:$0x1760]  }
0x30c: {  	v6 =	vld [tilespmem:$0x1770]  }
0x30d: {  	[tilespmem:v63+s22+$0x0] =	vst.idx.msk $0xffff, v1;
	v1 =	vld [tilespmem:$0x1F5E0];
	_ =	sdelay $0x2  }
0x30e: {  	v63 =	vld [tilespmem:$0x1F5F0];
	_ =	sdelay $0x4  }
0x30f: {  	[tilespmem:v1+s22+$0x0] =	vst.idx.msk $0xffff, v2  }
0x310: {  	v1 =	vld [tilespmem:$0x1780]  }
0x311: {  	v2 =	vld [tilespmem:$0x1790]  }
0x312: {  	[tilespmem:v63+s22+$0x0] =	vst.idx.msk $0xffff, v5;
	v5 =	vld [tilespmem:$0x1F600];
	_ =	sdelay $0x2  }
0x313: {  	v63 =	vld [tilespmem:$0x1F610];
	_ =	sdelay $0x4  }
0x314: {  	[tilespmem:v5+s22+$0x0] =	vst.idx.msk $0xffff, v6  }
0x315: {  	v5 =	vld [tilespmem:$0x17A0]  }
0x316: {  	v6 =	vld [tilespmem:$0x17B0]  }
0x317: {  	[tilespmem:v63+s22+$0x0] =	vst.idx.msk $0xffff, v1;
	v1 =	vld [tilespmem:$0x1F620];
	_ =	sdelay $0x2  }
0x318: {  	v63 =	vld [tilespmem:$0x1F630];
	_ =	sdelay $0x4  }
0x319: {  	[tilespmem:v1+s22+$0x0] =	vst.idx.msk $0xffff, v2  }
0x31a: {  	v1 =	vld [tilespmem:$0x17C0]  }
0x31b: {  	v2 =	vld [tilespmem:$0x17D0]  }
0x31c: {  	[tilespmem:v63+s22+$0x0] =	vst.idx.msk $0xffff, v5;
	v5 =	vld [tilespmem:$0x1F640];
	_ =	sdelay $0x2  }
0x31d: {  	v63 =	vld [tilespmem:$0x1F650];
	_ =	sdelay $0x4  }
0x31e: {  	[tilespmem:v5+s22+$0x0] =	vst.idx.msk $0xffff, v6  }
0x31f: {  	v5 =	vld [tilespmem:$0x17E0]  }
0x320: {  	v6 =	vld [tilespmem:$0x17F0]  }
0x321: {  	[tilespmem:v63+s22+$0x0] =	vst.idx.msk $0xffff, v1;
	v1 =	vld [tilespmem:$0x1F660];
	_ =	sdelay $0x2  }
0x322: {  	v63 =	vld [tilespmem:$0x1F670];
	_ =	sdelay $0x4  }
0x323: {  	[tilespmem:v1+s22+$0x0] =	vst.idx.msk $0xffff, v2  }
0x324: {  	v1 =	vld [tilespmem:$0x1800]  }
0x325: {  	v2 =	vld [tilespmem:$0x1810]  }
0x326: {  	[tilespmem:v63+s22+$0x0] =	vst.idx.msk $0xffff, v5;
	v5 =	vld [tilespmem:$0x1F680];
	_ =	sdelay $0x2  }
0x327: {  	v63 =	vld [tilespmem:$0x1F690];
	_ =	sdelay $0x4  }
0x328: {  	[tilespmem:v5+s22+$0x0] =	vst.idx.msk $0xffff, v6  }
0x329: {  	v5 =	vld [tilespmem:$0x1820]  }
0x32a: {  	v6 =	vld [tilespmem:$0x1830]  }
0x32b: {  	[tilespmem:v63+s22+$0x0] =	vst.idx.msk $0xffff, v1;
	v1 =	vld [tilespmem:$0x1F6A0];
	_ =	sdelay $0x2  }
0x32c: {  	v63 =	vld [tilespmem:$0x1F6B0];
	_ =	sdelay $0x4  }
0x32d: {  	[tilespmem:v1+s22+$0x0] =	vst.idx.msk $0xffff, v2  }
0x32e: {  	v1 =	vld [tilespmem:$0x1840]  }
0x32f: {  	v2 =	vld [tilespmem:$0x1850]  }
0x330: {  	[tilespmem:v63+s22+$0x0] =	vst.idx.msk $0xffff, v5;
	v5 =	vld [tilespmem:$0x1F6C0];
	_ =	sdelay $0x2  }
0x331: {  	v63 =	vld [tilespmem:$0x1F6D0];
	_ =	sdelay $0x4  }
0x332: {  	[tilespmem:v5+s22+$0x0] =	vst.idx.msk $0xffff, v6  }
0x333: {  	v5 =	vld [tilespmem:$0x1860]  }
0x334: {  	v6 =	vld [tilespmem:$0x1870]  }
0x335: {  	[tilespmem:v63+s22+$0x0] =	vst.idx.msk $0xffff, v1;
	v1 =	vld [tilespmem:$0x1F6E0];
	_ =	sdelay $0x2  }
0x336: {  	v63 =	vld [tilespmem:$0x1F6F0];
	_ =	sdelay $0x4  }
0x337: {  	[tilespmem:v1+s22+$0x0] =	vst.idx.msk $0xffff, v2  }
0x338: {  	v1 =	vld [tilespmem:$0x1880]  }
0x339: {  	v2 =	vld [tilespmem:$0x1890]  }
0x33a: {  	[tilespmem:v63+s22+$0x0] =	vst.idx.msk $0xffff, v5;
	v5 =	vld [tilespmem:$0x1F700];
	_ =	sdelay $0x2  }
0x33b: {  	v63 =	vld [tilespmem:$0x1F710];
	_ =	sdelay $0x4  }
0x33c: {  	[tilespmem:v5+s22+$0x0] =	vst.idx.msk $0xffff, v6  }
0x33d: {  	v5 =	vld [tilespmem:$0x18A0]  }
0x33e: {  	v6 =	vld [tilespmem:$0x18B0]  }
0x33f: {  	[tilespmem:v63+s22+$0x0] =	vst.idx.msk $0xffff, v1;
	v1 =	vld [tilespmem:$0x1F720];
	_ =	sdelay $0x2  }
0x340: {  	v63 =	vld [tilespmem:$0x1F730];
	_ =	sdelay $0x4  }
0x341: {  	[tilespmem:v1+s22+$0x0] =	vst.idx.msk $0xffff, v2  }
0x342: {  	v1 =	vld [tilespmem:$0x18C0]  }
0x343: {  	v2 =	vld [tilespmem:$0x18D0]  }
0x344: {  	[tilespmem:v63+s22+$0x0] =	vst.idx.msk $0xffff, v5;
	v5 =	vld [tilespmem:$0x1F740];
	_ =	sdelay $0x2  }
0x345: {  	v63 =	vld [tilespmem:$0x1F750];
	_ =	sdelay $0x4  }
0x346: {  	[tilespmem:v5+s22+$0x0] =	vst.idx.msk $0xffff, v6  }
0x347: {  	v5 =	vld [tilespmem:$0x18E0]  }
0x348: {  	v6 =	vld [tilespmem:$0x18F0]  }
0x349: {  	[tilespmem:v63+s22+$0x0] =	vst.idx.msk $0xffff, v1;
	v1 =	vld [tilespmem:$0x1F760];
	_ =	sdelay $0x2  }
0x34a: {  	v63 =	vld [tilespmem:$0x1F770];
	_ =	sdelay $0x4  }
0x34b: {  	[tilespmem:v1+s22+$0x0] =	vst.idx.msk $0xffff, v2  }
0x34c: {  	v1 =	vld [tilespmem:$0x1900]  }
0x34d: {  	v2 =	vld [tilespmem:$0x1910]  }
0x34e: {  	[tilespmem:v63+s22+$0x0] =	vst.idx.msk $0xffff, v5;
	v5 =	vld [tilespmem:$0x1F780];
	_ =	sdelay $0x2  }
0x34f: {  	v63 =	vld [tilespmem:$0x1F790];
	_ =	sdelay $0x4  }
0x350: {  	[tilespmem:v5+s22+$0x0] =	vst.idx.msk $0xffff, v6  }
0x351: {  	v5 =	vld [tilespmem:$0x1920]  }
0x352: {  	v6 =	vld [tilespmem:$0x1930]  }
0x353: {  	[tilespmem:v63+s22+$0x0] =	vst.idx.msk $0xffff, v1;
	v1 =	vld [tilespmem:$0x1F7A0];
	_ =	sdelay $0x2  }
0x354: {  	v63 =	vld [tilespmem:$0x1F7B0];
	_ =	sdelay $0x4  }
0x355: {  	[tilespmem:v1+s22+$0x0] =	vst.idx.msk $0xffff, v2  }
0x356: {  	v1 =	vld [tilespmem:$0x1940]  }
0x357: {  	v2 =	vld [tilespmem:$0x1950]  }
0x358: {  	[tilespmem:v63+s22+$0x0] =	vst.idx.msk $0xffff, v5;
	v5 =	vld [tilespmem:$0x1F7C0];
	_ =	sdelay $0x2  }
0x359: {  	v63 =	vld [tilespmem:$0x1F7D0];
	_ =	sdelay $0x4  }
0x35a: {  	[tilespmem:v5+s22+$0x0] =	vst.idx.msk $0xffff, v6  }
0x35b: {  	v5 =	vld [tilespmem:$0x1960]  }
0x35c: {  	v6 =	vld [tilespmem:$0x1970]  }
0x35d: {  	[tilespmem:v63+s22+$0x0] =	vst.idx.msk $0xffff, v1;
	v1 =	vld [tilespmem:$0x1F7E0];
	_ =	sdelay $0x2  }
0x35e: {  	v63 =	vld [tilespmem:$0x1F7F0];
	_ =	sdelay $0x4  }
0x35f: {  	[tilespmem:v1+s22+$0x0] =	vst.idx.msk $0xffff, v2  }
0x360: {  	v1 =	vld [tilespmem:$0x1980]  }
0x361: {  	v2 =	vld [tilespmem:$0x1990]  }
0x362: {  	[tilespmem:v63+s22+$0x0] =	vst.idx.msk $0xffff, v5;
	v5 =	vld [tilespmem:$0x1F800];
	_ =	sdelay $0x2  }
0x363: {  	v63 =	vld [tilespmem:$0x1F810];
	_ =	sdelay $0x4  }
0x364: {  	[tilespmem:v5+s22+$0x0] =	vst.idx.msk $0xffff, v6  }
0x365: {  	v5 =	vld [tilespmem:$0x19A0]  }
0x366: {  	v6 =	vld [tilespmem:$0x19B0]  }
0x367: {  	[tilespmem:v63+s22+$0x0] =	vst.idx.msk $0xffff, v1;
	v1 =	vld [tilespmem:$0x1F820];
	_ =	sdelay $0x2  }
0x368: {  	v63 =	vld [tilespmem:$0x1F830];
	_ =	sdelay $0x4  }
0x369: {  	[tilespmem:v1+s22+$0x0] =	vst.idx.msk $0xffff, v2  }
0x36a: {  	v1 =	vld [tilespmem:$0x19C0]  }
0x36b: {  	v2 =	vld [tilespmem:$0x19D0]  }
0x36c: {  	[tilespmem:v63+s22+$0x0] =	vst.idx.msk $0xffff, v5;
	v5 =	vld [tilespmem:$0x1F840];
	_ =	sdelay $0x2  }
0x36d: {  	v63 =	vld [tilespmem:$0x1F850];
	_ =	sdelay $0x4  }
0x36e: {  	[tilespmem:v5+s22+$0x0] =	vst.idx.msk $0xffff, v6  }
0x36f: {  	v5 =	vld [tilespmem:$0x19E0]  }
0x370: {  	v6 =	vld [tilespmem:$0x19F0]  }
0x371: {  	[tilespmem:v63+s22+$0x0] =	vst.idx.msk $0xffff, v1;
	v1 =	vld [tilespmem:$0x1F860];
	_ =	sdelay $0x2  }
0x372: {  	v63 =	vld [tilespmem:$0x1F870];
	_ =	sdelay $0x4  }
0x373: {  	[tilespmem:v1+s22+$0x0] =	vst.idx.msk $0xffff, v2  }
0x374: {  	v1 =	vld [tilespmem:$0x1A00]  }
0x375: {  	v2 =	vld [tilespmem:$0x1A10]  }
0x376: {  	[tilespmem:v63+s22+$0x0] =	vst.idx.msk $0xffff, v5;
	v5 =	vld [tilespmem:$0x1F880];
	_ =	sdelay $0x2  }
0x377: {  	v63 =	vld [tilespmem:$0x1F890];
	_ =	sdelay $0x4  }
0x378: {  	[tilespmem:v5+s22+$0x0] =	vst.idx.msk $0xffff, v6  }
0x379: {  	v5 =	vld [tilespmem:$0x1A20]  }
0x37a: {  	v6 =	vld [tilespmem:$0x1A30]  }
0x37b: {  	[tilespmem:v63+s22+$0x0] =	vst.idx.msk $0xffff, v1;
	v1 =	vld [tilespmem:$0x1F8A0];
	_ =	sdelay $0x2  }
0x37c: {  	v63 =	vld [tilespmem:$0x1F8B0];
	_ =	sdelay $0x4  }
0x37d: {  	[tilespmem:v1+s22+$0x0] =	vst.idx.msk $0xffff, v2  }
0x37e: {  	v1 =	vld [tilespmem:$0x1A40]  }
0x37f: {  	v2 =	vld [tilespmem:$0x1A50]  }
0x380: {  	[tilespmem:v63+s22+$0x0] =	vst.idx.msk $0xffff, v5;
	v5 =	vld [tilespmem:$0x1F8C0];
	_ =	sdelay $0x2  }
0x381: {  	v63 =	vld [tilespmem:$0x1F8D0];
	_ =	sdelay $0x4  }
0x382: {  	[tilespmem:v5+s22+$0x0] =	vst.idx.msk $0xffff, v6  }
0x383: {  	v5 =	vld [tilespmem:$0x1A60]  }
0x384: {  	v6 =	vld [tilespmem:$0x1A70]  }
0x385: {  	[tilespmem:v63+s22+$0x0] =	vst.idx.msk $0xffff, v1;
	v1 =	vld [tilespmem:$0x1F8E0];
	_ =	sdelay $0x2  }
0x386: {  	v63 =	vld [tilespmem:$0x1F8F0];
	_ =	sdelay $0x4  }
0x387: {  	[tilespmem:v1+s22+$0x0] =	vst.idx.msk $0xffff, v2  }
0x388: {  	v1 =	vld [tilespmem:$0x1A80]  }
0x389: {  	v2 =	vld [tilespmem:$0x1A90]  }
0x38a: {  	[tilespmem:v63+s22+$0x0] =	vst.idx.msk $0xffff, v5;
	v5 =	vld [tilespmem:$0x1F900];
	_ =	sdelay $0x2  }
0x38b: {  	v63 =	vld [tilespmem:$0x1F910];
	_ =	sdelay $0x4  }
0x38c: {  	[tilespmem:v5+s22+$0x0] =	vst.idx.msk $0xffff, v6  }
0x38d: {  	v5 =	vld [tilespmem:$0x1AA0]  }
0x38e: {  	v6 =	vld [tilespmem:$0x1AB0]  }
0x38f: {  	[tilespmem:v63+s22+$0x0] =	vst.idx.msk $0xffff, v1;
	v1 =	vld [tilespmem:$0x1F920];
	_ =	sdelay $0x2  }
0x390: {  	v63 =	vld [tilespmem:$0x1F930];
	_ =	sdelay $0x4  }
0x391: {  	[tilespmem:v1+s22+$0x0] =	vst.idx.msk $0xffff, v2  }
0x392: {  	v1 =	vld [tilespmem:$0x1AC0]  }
0x393: {  	v2 =	vld [tilespmem:$0x1AD0]  }
0x394: {  	[tilespmem:v63+s22+$0x0] =	vst.idx.msk $0xffff, v5;
	v5 =	vld [tilespmem:$0x1F940];
	_ =	sdelay $0x2  }
0x395: {  	v63 =	vld [tilespmem:$0x1F950];
	_ =	sdelay $0x4  }
0x396: {  	[tilespmem:v5+s22+$0x0] =	vst.idx.msk $0xffff, v6  }
0x397: {  	v5 =	vld [tilespmem:$0x1AE0]  }
0x398: {  	v6 =	vld [tilespmem:$0x1AF0]  }
0x399: {  	[tilespmem:v63+s22+$0x0] =	vst.idx.msk $0xffff, v1;
	v1 =	vld [tilespmem:$0x1F960];
	_ =	sdelay $0x2  }
0x39a: {  	v63 =	vld [tilespmem:$0x1F970];
	_ =	sdelay $0x4  }
0x39b: {  	[tilespmem:v1+s22+$0x0] =	vst.idx.msk $0xffff, v2  }
0x39c: {  	v1 =	vld [tilespmem:$0x1B00]  }
0x39d: {  	v2 =	vld [tilespmem:$0x1B10]  }
0x39e: {  	[tilespmem:v63+s22+$0x0] =	vst.idx.msk $0xffff, v5;
	v5 =	vld [tilespmem:$0x1F980];
	_ =	sdelay $0x2  }
0x39f: {  	v63 =	vld [tilespmem:$0x1F990];
	_ =	sdelay $0x4  }
0x3a0: {  	[tilespmem:v5+s22+$0x0] =	vst.idx.msk $0xffff, v6  }
0x3a1: {  	v5 =	vld [tilespmem:$0x1B20]  }
0x3a2: {  	v6 =	vld [tilespmem:$0x1B30]  }
0x3a3: {  	[tilespmem:v63+s22+$0x0] =	vst.idx.msk $0xffff, v1;
	v1 =	vld [tilespmem:$0x1F9A0];
	_ =	sdelay $0x2  }
0x3a4: {  	v63 =	vld [tilespmem:$0x1F9B0];
	_ =	sdelay $0x4  }
0x3a5: {  	[tilespmem:v1+s22+$0x0] =	vst.idx.msk $0xffff, v2  }
0x3a6: {  	v1 =	vld [tilespmem:$0x1B40]  }
0x3a7: {  	v2 =	vld [tilespmem:$0x1B50]  }
0x3a8: {  	[tilespmem:v63+s22+$0x0] =	vst.idx.msk $0xffff, v5;
	v5 =	vld [tilespmem:$0x1F9C0];
	_ =	sdelay $0x2  }
0x3a9: {  	v63 =	vld [tilespmem:$0x1F9D0];
	_ =	sdelay $0x4  }
0x3aa: {  	[tilespmem:v5+s22+$0x0] =	vst.idx.msk $0xffff, v6  }
0x3ab: {  	v5 =	vld [tilespmem:$0x1B60]  }
0x3ac: {  	v6 =	vld [tilespmem:$0x1B70]  }
0x3ad: {  	[tilespmem:v63+s22+$0x0] =	vst.idx.msk $0xffff, v1;
	v1 =	vld [tilespmem:$0x1F9E0];
	_ =	sdelay $0x2  }
0x3ae: {  	v63 =	vld [tilespmem:$0x1F9F0];
	_ =	sdelay $0x4  }
0x3af: {  	[tilespmem:v1+s22+$0x0] =	vst.idx.msk $0xffff, v2  }
0x3b0: {  	v1 =	vld [tilespmem:$0x1B80]  }
0x3b1: {  	v2 =	vld [tilespmem:$0x1B90]  }
0x3b2: {  	[tilespmem:v63+s22+$0x0] =	vst.idx.msk $0xffff, v5;
	v5 =	vld [tilespmem:$0x1FA00];
	_ =	sdelay $0x2  }
0x3b3: {  	v63 =	vld [tilespmem:$0x1FA10];
	_ =	sdelay $0x4  }
0x3b4: {  	[tilespmem:v5+s22+$0x0] =	vst.idx.msk $0xffff, v6  }
0x3b5: {  	v5 =	vld [tilespmem:$0x1BA0]  }
0x3b6: {  	v6 =	vld [tilespmem:$0x1BB0]  }
0x3b7: {  	[tilespmem:v63+s22+$0x0] =	vst.idx.msk $0xffff, v1;
	v1 =	vld [tilespmem:$0x1FA20];
	_ =	sdelay $0x2  }
0x3b8: {  	v63 =	vld [tilespmem:$0x1FA30];
	_ =	sdelay $0x4  }
0x3b9: {  	[tilespmem:v1+s22+$0x0] =	vst.idx.msk $0xffff, v2  }
0x3ba: {  	v1 =	vld [tilespmem:$0x1BC0]  }
0x3bb: {  	v2 =	vld [tilespmem:$0x1BD0]  }
0x3bc: {  	[tilespmem:v63+s22+$0x0] =	vst.idx.msk $0xffff, v5;
	v5 =	vld [tilespmem:$0x1FA40];
	_ =	sdelay $0x2  }
0x3bd: {  	v63 =	vld [tilespmem:$0x1FA50];
	_ =	sdelay $0x4  }
0x3be: {  	[tilespmem:v5+s22+$0x0] =	vst.idx.msk $0xffff, v6  }
0x3bf: {  	v5 =	vld [tilespmem:$0x1BE0]  }
0x3c0: {  	v6 =	vld [tilespmem:$0x1BF0]  }
0x3c1: {  	[tilespmem:v63+s22+$0x0] =	vst.idx.msk $0xffff, v1;
	v1 =	vld [tilespmem:$0x1FA60];
	_ =	sdelay $0x2  }
0x3c2: {  	v63 =	vld [tilespmem:$0x1FA70];
	_ =	sdelay $0x4  }
0x3c3: {  	[tilespmem:v1+s22+$0x0] =	vst.idx.msk $0xffff, v2  }
0x3c4: {  	v1 =	vld [tilespmem:$0x1C00]  }
0x3c5: {  	v2 =	vld [tilespmem:$0x1C10]  }
0x3c6: {  	[tilespmem:v63+s22+$0x0] =	vst.idx.msk $0xffff, v5;
	v5 =	vld [tilespmem:$0x1FA80];
	_ =	sdelay $0x2  }
0x3c7: {  	v63 =	vld [tilespmem:$0x1FA90];
	_ =	sdelay $0x4  }
0x3c8: {  	[tilespmem:v5+s22+$0x0] =	vst.idx.msk $0xffff, v6  }
0x3c9: {  	v5 =	vld [tilespmem:$0x1C20]  }
0x3ca: {  	v6 =	vld [tilespmem:$0x1C30]  }
0x3cb: {  	[tilespmem:v63+s22+$0x0] =	vst.idx.msk $0xffff, v1;
	v1 =	vld [tilespmem:$0x1FAA0];
	_ =	sdelay $0x2  }
0x3cc: {  	v63 =	vld [tilespmem:$0x1FAB0];
	_ =	sdelay $0x4  }
0x3cd: {  	[tilespmem:v1+s22+$0x0] =	vst.idx.msk $0xffff, v2  }
0x3ce: {  	v1 =	vld [tilespmem:$0x1C40]  }
0x3cf: {  	v2 =	vld [tilespmem:$0x1C50]  }
0x3d0: {  	[tilespmem:v63+s22+$0x0] =	vst.idx.msk $0xffff, v5;
	v5 =	vld [tilespmem:$0x1FAC0];
	_ =	sdelay $0x2  }
0x3d1: {  	v63 =	vld [tilespmem:$0x1FAD0];
	_ =	sdelay $0x4  }
0x3d2: {  	[tilespmem:v5+s22+$0x0] =	vst.idx.msk $0xffff, v6  }
0x3d3: {  	v5 =	vld [tilespmem:$0x1C60]  }
0x3d4: {  	v6 =	vld [tilespmem:$0x1C70]  }
0x3d5: {  	[tilespmem:v63+s22+$0x0] =	vst.idx.msk $0xffff, v1;
	v1 =	vld [tilespmem:$0x1FAE0];
	_ =	sdelay $0x2  }
0x3d6: {  	v63 =	vld [tilespmem:$0x1FAF0];
	_ =	sdelay $0x4  }
0x3d7: {  	[tilespmem:v1+s22+$0x0] =	vst.idx.msk $0xffff, v2  }
0x3d8: {  	v1 =	vld [tilespmem:$0x1C80]  }
0x3d9: {  	v2 =	vld [tilespmem:$0x1C90]  }
0x3da: {  	[tilespmem:v63+s22+$0x0] =	vst.idx.msk $0xffff, v5;
	v5 =	vld [tilespmem:$0x1FB00];
	_ =	sdelay $0x2  }
0x3db: {  	v63 =	vld [tilespmem:$0x1FB10];
	_ =	sdelay $0x4  }
0x3dc: {  	[tilespmem:v5+s22+$0x0] =	vst.idx.msk $0xffff, v6  }
0x3dd: {  	v5 =	vld [tilespmem:$0x1CA0]  }
0x3de: {  	v6 =	vld [tilespmem:$0x1CB0]  }
0x3df: {  	[tilespmem:v63+s22+$0x0] =	vst.idx.msk $0xffff, v1;
	v1 =	vld [tilespmem:$0x1FB20];
	_ =	sdelay $0x2  }
0x3e0: {  	v63 =	vld [tilespmem:$0x1FB30];
	_ =	sdelay $0x4  }
0x3e1: {  	[tilespmem:v1+s22+$0x0] =	vst.idx.msk $0xffff, v2  }
0x3e2: {  	v1 =	vld [tilespmem:$0x1CC0]  }
0x3e3: {  	v2 =	vld [tilespmem:$0x1CD0]  }
0x3e4: {  	[tilespmem:v63+s22+$0x0] =	vst.idx.msk $0xffff, v5;
	v5 =	vld [tilespmem:$0x1FB40];
	_ =	sdelay $0x2  }
0x3e5: {  	v63 =	vld [tilespmem:$0x1FB50];
	_ =	sdelay $0x4  }
0x3e6: {  	[tilespmem:v5+s22+$0x0] =	vst.idx.msk $0xffff, v6  }
0x3e7: {  	v5 =	vld [tilespmem:$0x1CE0]  }
0x3e8: {  	v6 =	vld [tilespmem:$0x1CF0]  }
0x3e9: {  	[tilespmem:v63+s22+$0x0] =	vst.idx.msk $0xffff, v1;
	v1 =	vld [tilespmem:$0x1FB60];
	_ =	sdelay $0x2  }
0x3ea: {  	v63 =	vld [tilespmem:$0x1FB70];
	_ =	sdelay $0x4  }
0x3eb: {  	[tilespmem:v1+s22+$0x0] =	vst.idx.msk $0xffff, v2  }
0x3ec: {  	v1 =	vld [tilespmem:$0x1D00]  }
0x3ed: {  	v2 =	vld [tilespmem:$0x1D10]  }
0x3ee: {  	[tilespmem:v63+s22+$0x0] =	vst.idx.msk $0xffff, v5;
	v5 =	vld [tilespmem:$0x1FB80];
	_ =	sdelay $0x2  }
0x3ef: {  	v63 =	vld [tilespmem:$0x1FB90];
	_ =	sdelay $0x4  }
0x3f0: {  	[tilespmem:v5+s22+$0x0] =	vst.idx.msk $0xffff, v6  }
0x3f1: {  	v5 =	vld [tilespmem:$0x1D20]  }
0x3f2: {  	v6 =	vld [tilespmem:$0x1D30]  }
0x3f3: {  	[tilespmem:v63+s22+$0x0] =	vst.idx.msk $0xffff, v1;
	v1 =	vld [tilespmem:$0x1FBA0];
	_ =	sdelay $0x2  }
0x3f4: {  	v63 =	vld [tilespmem:$0x1FBB0];
	_ =	sdelay $0x4  }
0x3f5: {  	[tilespmem:v1+s22+$0x0] =	vst.idx.msk $0xffff, v2  }
0x3f6: {  	v1 =	vld [tilespmem:$0x1D40]  }
0x3f7: {  	v2 =	vld [tilespmem:$0x1D50]  }
0x3f8: {  	[tilespmem:v63+s22+$0x0] =	vst.idx.msk $0xffff, v5;
	v5 =	vld [tilespmem:$0x1FBC0];
	_ =	sdelay $0x2  }
0x3f9: {  	v63 =	vld [tilespmem:$0x1FBD0];
	_ =	sdelay $0x4  }
0x3fa: {  	[tilespmem:v5+s22+$0x0] =	vst.idx.msk $0xffff, v6  }
0x3fb: {  	v5 =	vld [tilespmem:$0x1D60]  }
0x3fc: {  	v6 =	vld [tilespmem:$0x1D70]  }
0x3fd: {  	[tilespmem:v63+s22+$0x0] =	vst.idx.msk $0xffff, v1;
	v1 =	vld [tilespmem:$0x1FBE0];
	_ =	sdelay $0x2  }
0x3fe: {  	v63 =	vld [tilespmem:$0x1FBF0];
	_ =	sdelay $0x4  }
0x3ff: {  	[tilespmem:v1+s22+$0x0] =	vst.idx.msk $0xffff, v2  }
0x400: {  	v1 =	vld [tilespmem:$0x1D80]  }
0x401: {  	v2 =	vld [tilespmem:$0x1D90]  }
0x402: {  	[tilespmem:v63+s22+$0x0] =	vst.idx.msk $0xffff, v5;
	v5 =	vld [tilespmem:$0x1FC00];
	_ =	sdelay $0x2  }
0x403: {  	v63 =	vld [tilespmem:$0x1FC10];
	_ =	sdelay $0x4  }
0x404: {  	[tilespmem:v5+s22+$0x0] =	vst.idx.msk $0xffff, v6  }
0x405: {  	v5 =	vld [tilespmem:$0x1DA0]  }
0x406: {  	v6 =	vld [tilespmem:$0x1DB0]  }
0x407: {  	[tilespmem:v63+s22+$0x0] =	vst.idx.msk $0xffff, v1;
	v1 =	vld [tilespmem:$0x1FC20];
	_ =	sdelay $0x2  }
0x408: {  	v63 =	vld [tilespmem:$0x1FC30];
	_ =	sdelay $0x4  }
0x409: {  	[tilespmem:v1+s22+$0x0] =	vst.idx.msk $0xffff, v2  }
0x40a: {  	v1 =	vld [tilespmem:$0x1DC0]  }
0x40b: {  	v2 =	vld [tilespmem:$0x1DD0]  }
0x40c: {  	[tilespmem:v63+s22+$0x0] =	vst.idx.msk $0xffff, v5;
	v5 =	vld [tilespmem:$0x1FC40];
	_ =	sdelay $0x2  }
0x40d: {  	v63 =	vld [tilespmem:$0x1FC50];
	_ =	sdelay $0x4  }
0x40e: {  	[tilespmem:v5+s22+$0x0] =	vst.idx.msk $0xffff, v6  }
0x40f: {  	v5 =	vld [tilespmem:$0x1DE0]  }
0x410: {  	v6 =	vld [tilespmem:$0x1DF0]  }
0x411: {  	[tilespmem:v63+s22+$0x0] =	vst.idx.msk $0xffff, v1;
	v1 =	vld [tilespmem:$0x1FC60];
	_ =	sdelay $0x2  }
0x412: {  	v63 =	vld [tilespmem:$0x1FC70];
	_ =	sdelay $0x4  }
0x413: {  	[tilespmem:v1+s22+$0x0] =	vst.idx.msk $0xffff, v2  }
0x414: {  	v1 =	vld [tilespmem:$0x1E00]  }
0x415: {  	v2 =	vld [tilespmem:$0x1E10]  }
0x416: {  	[tilespmem:v63+s22+$0x0] =	vst.idx.msk $0xffff, v5;
	v5 =	vld [tilespmem:$0x1FC80];
	_ =	sdelay $0x2  }
0x417: {  	v63 =	vld [tilespmem:$0x1FC90];
	_ =	sdelay $0x4  }
0x418: {  	[tilespmem:v5+s22+$0x0] =	vst.idx.msk $0xffff, v6  }
0x419: {  	v5 =	vld [tilespmem:$0x1E20]  }
0x41a: {  	v6 =	vld [tilespmem:$0x1E30]  }
0x41b: {  	[tilespmem:v63+s22+$0x0] =	vst.idx.msk $0xffff, v1;
	v1 =	vld [tilespmem:$0x1FCA0];
	_ =	sdelay $0x2  }
0x41c: {  	v63 =	vld [tilespmem:$0x1FCB0];
	_ =	sdelay $0x4  }
0x41d: {  	[tilespmem:v1+s22+$0x0] =	vst.idx.msk $0xffff, v2  }
0x41e: {  	v1 =	vld [tilespmem:$0x1E40]  }
0x41f: {  	v2 =	vld [tilespmem:$0x1E50]  }
0x420: {  	[tilespmem:v63+s22+$0x0] =	vst.idx.msk $0xffff, v5;
	v5 =	vld [tilespmem:$0x1FCC0];
	_ =	sdelay $0x2  }
0x421: {  	v63 =	vld [tilespmem:$0x1FCD0];
	_ =	sdelay $0x4  }
0x422: {  	[tilespmem:v5+s22+$0x0] =	vst.idx.msk $0xffff, v6  }
0x423: {  	v5 =	vld [tilespmem:$0x1E60]  }
0x424: {  	v6 =	vld [tilespmem:$0x1E70]  }
0x425: {  	[tilespmem:v63+s22+$0x0] =	vst.idx.msk $0xffff, v1;
	v1 =	vld [tilespmem:$0x1FCE0];
	_ =	sdelay $0x2  }
0x426: {  	v63 =	vld [tilespmem:$0x1FCF0];
	_ =	sdelay $0x4  }
0x427: {  	[tilespmem:v1+s22+$0x0] =	vst.idx.msk $0xffff, v2  }
0x428: {  	v1 =	vld [tilespmem:$0x1E80]  }
0x429: {  	v2 =	vld [tilespmem:$0x1E90]  }
0x42a: {  	[tilespmem:v63+s22+$0x0] =	vst.idx.msk $0xffff, v5;
	v5 =	vld [tilespmem:$0x1FD00];
	_ =	sdelay $0x2  }
0x42b: {  	v63 =	vld [tilespmem:$0x1FD10];
	_ =	sdelay $0x4  }
0x42c: {  	[tilespmem:v5+s22+$0x0] =	vst.idx.msk $0xffff, v6  }
0x42d: {  	v5 =	vld [tilespmem:$0x1EA0]  }
0x42e: {  	v6 =	vld [tilespmem:$0x1EB0]  }
0x42f: {  	[tilespmem:v63+s22+$0x0] =	vst.idx.msk $0xffff, v1;
	v1 =	vld [tilespmem:$0x1FD20];
	_ =	sdelay $0x2  }
0x430: {  	v63 =	vld [tilespmem:$0x1FD30];
	_ =	sdelay $0x4  }
0x431: {  	[tilespmem:v1+s22+$0x0] =	vst.idx.msk $0xffff, v2  }
0x432: {  	v1 =	vld [tilespmem:$0x1EC0]  }
0x433: {  	v2 =	vld [tilespmem:$0x1ED0]  }
0x434: {  	[tilespmem:v63+s22+$0x0] =	vst.idx.msk $0xffff, v5;
	v5 =	vld [tilespmem:$0x1FD40];
	_ =	sdelay $0x2  }
0x435: {  	v63 =	vld [tilespmem:$0x1FD50];
	_ =	sdelay $0x4  }
0x436: {  	[tilespmem:v5+s22+$0x0] =	vst.idx.msk $0xffff, v6  }
0x437: {  	v5 =	vld [tilespmem:$0x1EE0]  }
0x438: {  	v6 =	vld [tilespmem:$0x1EF0]  }
0x439: {  	[tilespmem:v63+s22+$0x0] =	vst.idx.msk $0xffff, v1;
	v1 =	vld [tilespmem:$0x1FD60];
	_ =	sdelay $0x2  }
0x43a: {  	v63 =	vld [tilespmem:$0x1FD70];
	_ =	sdelay $0x4  }
0x43b: {  	[tilespmem:v1+s22+$0x0] =	vst.idx.msk $0xffff, v2  }
0x43c: {  	v1 =	vld [tilespmem:$0x1F00]  }
0x43d: {  	v2 =	vld [tilespmem:$0x1F10]  }
0x43e: {  	[tilespmem:v63+s22+$0x0] =	vst.idx.msk $0xffff, v5;
	v5 =	vld [tilespmem:$0x1FD80];
	_ =	sdelay $0x2  }
0x43f: {  	v63 =	vld [tilespmem:$0x1FD90];
	_ =	sdelay $0x4  }
0x440: {  	[tilespmem:v5+s22+$0x0] =	vst.idx.msk $0xffff, v6  }
0x441: {  	v5 =	vld [tilespmem:$0x1F20]  }
0x442: {  	v6 =	vld [tilespmem:$0x1F30]  }
0x443: {  	[tilespmem:v63+s22+$0x0] =	vst.idx.msk $0xffff, v1;
	v1 =	vld [tilespmem:$0x1FDA0];
	_ =	sdelay $0x2  }
0x444: {  	v63 =	vld [tilespmem:$0x1FDB0];
	_ =	sdelay $0x4  }
0x445: {  	[tilespmem:v1+s22+$0x0] =	vst.idx.msk $0xffff, v2  }
0x446: {  	v1 =	vld [tilespmem:$0x1F40]  }
0x447: {  	v2 =	vld [tilespmem:$0x1F50]  }
0x448: {  	[tilespmem:v63+s22+$0x0] =	vst.idx.msk $0xffff, v5;
	v5 =	vld [tilespmem:$0x1FDC0];
	_ =	sdelay $0x2  }
0x449: {  	v63 =	vld [tilespmem:$0x1FDD0];
	_ =	sdelay $0x4  }
0x44a: {  	[tilespmem:v5+s22+$0x0] =	vst.idx.msk $0xffff, v6  }
0x44b: {  	v5 =	vld [tilespmem:$0x1F60]  }
0x44c: {  	v6 =	vld [tilespmem:$0x1F70]  }
0x44d: {  	[tilespmem:v63+s22+$0x0] =	vst.idx.msk $0xffff, v1;
	v1 =	vld [tilespmem:$0x1FDE0];
	_ =	sdelay $0x2  }
0x44e: {  	v63 =	vld [tilespmem:$0x1FDF0];
	_ =	sdelay $0x4  }
0x44f: {  	[tilespmem:v1+s22+$0x0] =	vst.idx.msk $0xffff, v2  }
0x450: {  	v1 =	vld [tilespmem:$0x1F80]  }
0x451: {  	v2 =	vld [tilespmem:$0x1F90]  }
0x452: {  	[tilespmem:v63+s22+$0x0] =	vst.idx.msk $0xffff, v5;
	v5 =	vld [tilespmem:$0x1FE00];
	_ =	sdelay $0x2  }
0x453: {  	v63 =	vld [tilespmem:$0x1FE10];
	_ =	sdelay $0x4  }
0x454: {  	[tilespmem:v5+s22+$0x0] =	vst.idx.msk $0xffff, v6  }
0x455: {  	v5 =	vld [tilespmem:$0x1FA0]  }
0x456: {  	v6 =	vld [tilespmem:$0x1FB0]  }
0x457: {  	[tilespmem:v63+s22+$0x0] =	vst.idx.msk $0xffff, v1;
	v1 =	vld [tilespmem:$0x1FE20];
	_ =	sdelay $0x2  }
0x458: {  	v63 =	vld [tilespmem:$0x1FE30];
	_ =	sdelay $0x4  }
0x459: {  	[tilespmem:v1+s22+$0x0] =	vst.idx.msk $0xffff, v2  }
0x45a: {  	v1 =	vld [tilespmem:$0x1FC0]  }
0x45b: {  	v2 =	vld [tilespmem:$0x1FD0]  }
0x45c: {  	[tilespmem:v63+s22+$0x0] =	vst.idx.msk $0xffff, v5;
	v5 =	vld [tilespmem:$0x1FE40];
	_ =	sdelay $0x2  }
0x45d: {  	v63 =	vld [tilespmem:$0x1FE50];
	_ =	sdelay $0x4  }
0x45e: {  	[tilespmem:v5+s22+$0x0] =	vst.idx.msk $0xffff, v6  }
0x45f: {  	v5 =	vld [tilespmem:$0x1FE0]  }
0x460: {  	v6 =	vld [tilespmem:$0x1FF0]  }
0x461: {  	[tilespmem:v63+s22+$0x0] =	vst.idx.msk $0xffff, v1;
	v1 =	vld [tilespmem:$0x1FE60];
	_ =	sdelay $0x2  }
0x462: {  	v63 =	vld [tilespmem:$0x1FE70];
	_ =	sdelay $0x4  }
0x463: {  	[tilespmem:v1+s22+$0x0] =	vst.idx.msk $0xffff, v2  }
0x464: {  	v1 =	vld [tilespmem:$0x2000]  }
0x465: {  	v2 =	vld [tilespmem:$0x2010]  }
0x466: {  	[tilespmem:v63+s22+$0x0] =	vst.idx.msk $0xffff, v5;
	v5 =	vld [tilespmem:$0x1FE80];
	_ =	sdelay $0x2  }
0x467: {  	v63 =	vld [tilespmem:$0x1FE90];
	_ =	sdelay $0x4  }
0x468: {  	[tilespmem:v5+s22+$0x0] =	vst.idx.msk $0xffff, v6  }
0x469: {  	v5 =	vld [tilespmem:$0x2020]  }
0x46a: {  	v6 =	vld [tilespmem:$0x2030]  }
0x46b: {  	[tilespmem:v63+s22+$0x0] =	vst.idx.msk $0xffff, v1;
	v1 =	vld [tilespmem:$0x1FEA0];
	_ =	sdelay $0x2  }
0x46c: {  	v63 =	vld [tilespmem:$0x1FEB0];
	_ =	sdelay $0x4  }
0x46d: {  	[tilespmem:v1+s22+$0x0] =	vst.idx.msk $0xffff, v2  }
0x46e: {  	v1 =	vld [tilespmem:$0x2040]  }
0x46f: {  	v2 =	vld [tilespmem:$0x2050]  }
0x470: {  	[tilespmem:v63+s22+$0x0] =	vst.idx.msk $0xffff, v5;
	v5 =	vld [tilespmem:$0x1FEC0];
	_ =	sdelay $0x2  }
0x471: {  	v63 =	vld [tilespmem:$0x1FED0];
	_ =	sdelay $0x4  }
0x472: {  	[tilespmem:v5+s22+$0x0] =	vst.idx.msk $0xffff, v6  }
0x473: {  	v5 =	vld [tilespmem:$0x2060]  }
0x474: {  	v6 =	vld [tilespmem:$0x2070]  }
0x475: {  	[tilespmem:v63+s22+$0x0] =	vst.idx.msk $0xffff, v1;
	v1 =	vld [tilespmem:$0x1FEE0];
	_ =	sdelay $0x2  }
0x476: {  	v63 =	vld [tilespmem:$0x1FEF0];
	_ =	sdelay $0x4  }
0x477: {  	[tilespmem:v1+s22+$0x0] =	vst.idx.msk $0xffff, v2  }
0x478: {  	v1 =	vld [tilespmem:$0x2080]  }
0x479: {  	v2 =	vld [tilespmem:$0x2090]  }
0x47a: {  	[tilespmem:v63+s22+$0x0] =	vst.idx.msk $0xffff, v5;
	v5 =	vld [tilespmem:$0x1FF00];
	_ =	sdelay $0x2  }
0x47b: {  	v63 =	vld [tilespmem:$0x1FF10];
	_ =	sdelay $0x4  }
0x47c: {  	[tilespmem:v5+s22+$0x0] =	vst.idx.msk $0xffff, v6  }
0x47d: {  	v5 =	vld [tilespmem:$0x20A0]  }
0x47e: {  	v6 =	vld [tilespmem:$0x20B0]  }
0x47f: {  	[tilespmem:v63+s22+$0x0] =	vst.idx.msk $0xffff, v1;
	v1 =	vld [tilespmem:$0x1FF20];
	_ =	sdelay $0x2  }
0x480: {  	v63 =	vld [tilespmem:$0x1FF30];
	_ =	sdelay $0x4  }
0x481: {  	[tilespmem:v1+s22+$0x0] =	vst.idx.msk $0xffff, v2  }
0x482: {  	v1 =	vld [tilespmem:$0x20C0]  }
0x483: {  	v2 =	vld [tilespmem:$0x20D0]  }
0x484: {  	[tilespmem:v63+s22+$0x0] =	vst.idx.msk $0xffff, v5;
	v5 =	vld [tilespmem:$0x1FF40];
	_ =	sdelay $0x2  }
0x485: {  	v63 =	vld [tilespmem:$0x1FF50];
	_ =	sdelay $0x4  }
0x486: {  	[tilespmem:v5+s22+$0x0] =	vst.idx.msk $0xffff, v6  }
0x487: {  	v5 =	vld [tilespmem:$0x20E0]  }
0x488: {  	v6 =	vld [tilespmem:$0x20F0]  }
0x489: {  	[tilespmem:v63+s22+$0x0] =	vst.idx.msk $0xffff, v1;
	v1 =	vld [tilespmem:$0x1FF60];
	_ =	sdelay $0x6  }
0x48a: {  	[tilespmem:v8+s22+$0x0] =	vst.idx.msk $0xffff, v2  }
0x48b: {  	[tilespmem:v1+s22+$0x0] =	vst.idx.msk $0xffff, v5;
	v1 =	vld [tilespmem:$0x1FF70];
	_ =	sdelay $0x4  }
0x48c: {  	s29 =	sshll.u32 s28, $0x7;
	s9 =	sshll.u32 s28, $0x9  }
0x48d: {  	s1 =	sand.u32 $0x380, s29;
	s0 =	sand.u32 $0xFFF000, s9  }
0x48e: {  	s0 =	sor.u32 s1, s0  }
0x48f: {  	s26 =	sadd.s32 $0x2, s26;
	s1 =	sadd.s32 s2, s0;
	[tilespmem:v1+s22+$0x0] =	vst.idx.msk $0xffff, v6  }
0x490: {  	[hbm4b:s1+s3] =	stream.linear.scatter [tilespmem:s22], [sflag:$0x6], $0x400, $0x38;
	[tilespmem:$0x4100] =	vst v63  }
0x491: {  	p0 =	sne.s32 s26, $0x146;
	s31 =	sadd.s32 s0, s11;
	s30 =	rddreg [dreg:$0x8]  }
0x492: {  	[hbm4b:s31+s3] =	stream.linear.scatter [tilespmem:s30], [sflag:$0x6], $0x400, $0x38;
	[tilespmem:$0x4100] =	vst v63  }
.Ltmp0:
0x493: {  	_ = 	snop;
	(pc) =	sbr.rel @p0 .LBB2_2-.Ltmp0, $4  }
0x494: {  	s29 =	rddreg [dreg:$0x9];
	s30 =	sadd.s32 s0, s12  }
0x495: {  	v63 =	vld [tilespmem:$0x1FFF0];
	[hbm4b:s30+s3] =	stream.linear.scatter [tilespmem:s29], [sflag:$0x6], $0x400, $0x38  }
0x496: {  	v5 =	vld [tilespmem:$0x1FFC0];
	s31 =	rddreg [dreg:$0xa];
	s0 =	sadd.s32 s0, s13  }
0x497: {  	v8 =	vmov v4;
	v6 =	vld [tilespmem:$0x1FFB0];
	[hbm4b:s0+s3] =	stream.linear.scatter [tilespmem:s31], [sflag:$0x6], $0x400, $0x38  }
0x498: {  	_ =	swait.ge [sflag:s19], $0x1000  }
0x499: {  	[sflag:s19] =	ssyncset.done $0x0  }
0x49a: {  	[sflag:s19] =	ssyncadd.s32 $0xFFFFF000  }
0x49b: {  	_ =	swait.ge [sflag:s18], $0x80  }
0x49c: {  	[sflag:s18] =	ssyncset.done $0x0  }
0x49d: {  	s25 =	sadd.s32 $0x1, s25;
	[sflag:s18] =	ssyncadd.s32 $0xFFFFFF80  }
0x49e: {  	p0 =	sne.s32 s25, s14;
	_ =	swait.ge [sflag:s23], $0x1000  }
.Ltmp1:
0x49f: {  	[sflag:s23] =	ssyncset.done $0x0;
	(pc) =	sbr.rel @p0 .LBB2_1-.Ltmp1, $4  }
0x4a0: {  	[sflag:s23] =	ssyncadd.s32 $0xFFFFF000  }
0x4a1: {  	_ =	swait.ge [sflag:s24], $0x1000  }
0x4a2: {  	[sflag:s24] =	ssyncset.done $0x0  }
0x4a3: {  	[sflag:s24] =	ssyncadd.s32 $0xFFFFF000  }
0x4a4: {  	_ =	sfence.sel $0x180000  }
0x4a5: {  	[bflag:$0x0] =	sbarrier.arrive $0xFFFF  }
0x4a6: {  	_ =	strace $0x90000047  }
0x4a7: {  	s0 =	stileid.u32;
	[bflag:$0x2] =	sbarrier.arrive $0xFFFF  }
0x4a8: {  	p0 =	sne.s32 s0, $0x0;
	s0 =	rddreg [dreg:$0x2]  }
0x4a9: {  	s0 =	sadd.s32 @!p0 $0x100000, s0  }
0x4aa: {  	[sflag:s0] =	ssyncadd.tile.s32 @!p0 $0x1;
	_ =	shalt  }
.Lfunc_end2:
_tile_overlayer_lowered:
.L_overlay_start_2:
0x4ab: {  	(tag) =	ssettag $0x2  }
0x4ac: {  	s0 =	rddreg [dreg:$0x0];
	s2 =	stileid.u32  }
0x4ad: {  	s1 =	rddreg [dreg:$0x1];
	p0 =	sne.s32 s2, $0x0  }
0x4ae: {  	s3 =	rddreg [dreg:$0x2];
	[bflag:$0x3] =	sbarrier.arrive $0xFFFF;
	s2 =	simm.s32 @!p0 $0x1C07  }
0x4af: {  	[timem:s3], [sflag:s2] =	dma.local @!p0 [hbm:s0], s1  }
0x4b0: {  	s0 =	simm.s32 @!p0 $0x7  }
0x4b1: {  	_ =	swait.ge @!p0 [sflag:s0], s1  }
0x4b2: {  	s1 =	ssub.s32 @!p0 $0x0, s1;
	[sflag:s0] =	ssyncset.done @!p0 $0x0  }
0x4b3: {  	[sflag:s0] =	ssyncadd.s32 @!p0 s1  }
0x4b4: {  	[bflag:$0x3] =	sbarrier.arrive $0xFFFF  }
0x4b5: {  	_ =	shalt  }

</sc_bundles>
